<compile_context>
chip_gen: v7x
topology: tpu7x:2x2x1
jax: 0.10.2.dev20260603
libtpu: 0.0.44.dev20260713+nightly
codegen_flags: <defaults>
</compile_context>

<pallas_src>
import functools

import jax
import jax.numpy as jnp
from jax import lax
from jax.experimental import pallas as pl
from jax.experimental.pallas import tpu as pltpu
from jax.experimental.pallas import tpu_sc as plsc

NC = 2
NS = 16
NW = NC * NS
LANES = 16


def _mesh():
    return plsc.VectorSubcoreMesh(
        core_axis_name="c", subcore_axis_name="s",
        num_cores=NC, num_subcores=NS)


@functools.lru_cache(maxsize=None)
def _make_prep(nobj, npred, emb, f_rows):
    fpw = f_rows // NW
    ochunk = 400
    nchunks = nobj // ochunk
    nit = -(-nchunks // NW)
    assert fpw % LANES == 0 and nobj % ochunk == 0 and emb % LANES == 0
    assert nit % 2 == 0
    ec = emb // LANES

    @functools.partial(
        pl.kernel,
        out_type=[jax.ShapeDtypeStruct((f_rows, emb // 2), jnp.int32),
                  jax.ShapeDtypeStruct((nobj, emb // 2), jnp.int32)],
        mesh=_mesh(),
        compiler_params=pltpu.CompilerParams(use_tc_tiling_on_sc=False,
                                             needs_layout_passes=False),
        scratch_types=[
            pltpu.VMEM((fpw,), jnp.int32),
            pltpu.VMEM((fpw, emb), jnp.float32),
            pltpu.VMEM((fpw, emb // 2), jnp.int32),
            pltpu.VMEM((2, emb), jnp.float32),
            pltpu.VMEM((2, 400, emb), jnp.float32),
            pltpu.VMEM((2, 400, emb // 2), jnp.int32),
            pltpu.SemaphoreType.DMA,
            pltpu.SemaphoreType.DMA,
            pltpu.SemaphoreType.DMA,
            pltpu.SemaphoreType.DMA,
            pltpu.SemaphoreType.DMA,
        ],
    )
    def prep(bool_hbm, pred_hbm, obj_hbm, f_hbm, r_hbm,
             idx_v, prow, fbi, bbuf, rbuf, rbi, sem,
             ri0, ri1, ro0, ro1):
        risem = (ri0, ri1)
        rosem = (ro0, ro1)

        def pack_bf16(lo, hi):
            lou = plsc.bitcast(lo, jnp.int32) + 0x8000
            hiu = plsc.bitcast(hi, jnp.int32) + 0x8000
            return (hiu & jnp.int32(-65536)) | lax.shift_right_logical(
                lou, 16)

        wid = lax.axis_index("s") * NC + lax.axis_index("c")
        base = wid * fpw

        for g in range(fpw // LANES):
            r = base + g * LANES + lax.iota(jnp.int32, LANES)
            idx_v[pl.ds(g * LANES, LANES)] = lax.rem(r, npred)
        pltpu.async_copy(pred_hbm.at[idx_v], prow, sem).wait()
        pltpu.sync_copy(bool_hbm, bbuf)
        b0 = [jnp.maximum(bbuf[0, pl.ds(c * LANES, LANES)], 0.0)
              for c in range(ec)]
        b1 = [jnp.maximum(bbuf[1, pl.ds(c * LANES, LANES)], 0.0)
              for c in range(ec)]

        @plsc.parallel_loop(0, fpw, step=1)
        def frow(j):
            v = (base + j) >= npred
            pr = []
            for c in range(ec):
                s = pl.ds(c * LANES, LANES)
                pr.append(jnp.maximum(prow[j, s], 0.0)
                          * jnp.where(v, b1[c], b0[c]))
            for c2 in range(ec // 2):
                s2 = pl.ds(c2 * LANES, LANES)
                fbi[j, s2] = pack_bf16(pr[2 * c2], pr[2 * c2 + 1])
        pltpu.sync_copy(fbi, f_hbm.at[pl.ds(base, fpw)])

        def rin_desc(t, b):
            rbase = (wid + t * NW) * ochunk
            return pltpu.make_async_copy(obj_hbm.at[pl.ds(rbase, ochunk)],
                                         rbuf.at[b], risem[b])

        def rout_desc(t, b):
            rbase = (wid + t * NW) * ochunk
            return pltpu.make_async_copy(rbi.at[b],
                                         r_hbm.at[pl.ds(rbase, ochunk)],
                                         rosem[b])

        for tt in (0, 1):
            @pl.when(wid + tt * NW < nchunks)
            def _():
                rin_desc(tt, tt).start()

        def relu_chunk(i, carry):
            for b in (0, 1):
                t = 2 * i + b
                cid = wid + t * NW

                @pl.when((t >= 2) & (wid + (t - 2) * NW < nchunks))
                def _():
                    rout_desc(t - 2, b).wait()

                @pl.when(cid < nchunks)
                def _():
                    rin_desc(t, b).wait()

                    @plsc.parallel_loop(0, ochunk, step=1)
                    def rrow(j):
                        for c2 in range(ec // 2):
                            sa = pl.ds(2 * c2 * LANES, LANES)
                            sb = pl.ds((2 * c2 + 1) * LANES, LANES)
                            rbi[b, j, pl.ds(c2 * LANES, LANES)] = pack_bf16(
                                jnp.maximum(rbuf[b, j, sa], 0.0),
                                jnp.maximum(rbuf[b, j, sb], 0.0))
                    rout_desc(t, b).start()

                    @pl.when(wid + (t + 2) * NW < nchunks)
                    def _():
                        rin_desc(t + 2, b).start()
            return carry
        lax.fori_loop(0, nit // 2, relu_chunk, 0)
        for tt in (nit - 2, nit - 1):
            @pl.when(wid + tt * NW < nchunks)
            def _():
                rout_desc(tt, tt % 2).wait()

    return prep


@functools.lru_cache(maxsize=None)
def _make_main(n, emb, f_rows, nobj, npred, nl, nb):
    BT = nb // 128
    ET = emb // 8
    stripes = BT // NW
    M = nl * stripes
    assert BT % NW == 0 and M % 2 == 0 and emb % 8 == 0

    @functools.partial(
        pl.kernel,
        out_type=[jax.ShapeDtypeStruct((nl * ET, BT, 8, 128), jnp.float32),
                  jax.ShapeDtypeStruct((nl * ET, BT, 8, 128), jnp.float32)],
        mesh=_mesh(),
        compiler_params=pltpu.CompilerParams(use_tc_tiling_on_sc=False,
                                             needs_layout_passes=False),
        scratch_types=[
            pltpu.VMEM((2, 128), jnp.int32),
            pltpu.VMEM((2, 128), jnp.int32),
            pltpu.VMEM((2, 128), jnp.int32),
            pltpu.VMEM((2, 128), jnp.int32),
            pltpu.VMEM((2, 128), jnp.int32),
            pltpu.VMEM((2, 128, emb // 2), jnp.int32),
            pltpu.VMEM((2, 128, emb // 2), jnp.int32),
            pltpu.VMEM((2, ET, 1, 8, 129), jnp.float32),
            pltpu.VMEM((2, ET, 1, 8, 129), jnp.float32),
            pltpu.SemaphoreType.DMA,
            pltpu.SemaphoreType.DMA,
            pltpu.SemaphoreType.DMA,
            pltpu.SemaphoreType.DMA,
            pltpu.SemaphoreType.DMA,
            pltpu.SemaphoreType.DMA,
        ],
    )
    def mainc(vv_hbm, vt_hbm, oc_hbm, f_hbm, r_hbm, hp_hbm, ho_hbm,
              vvb, vtb, ocb1, fib, ocb, rp, ro, tp, to,
              is0, is1, gs0, gs1, ws0, ws1):
        wid = lax.axis_index("s") * NC + lax.axis_index("c")
        isem = (is0, is1)
        gsem = (gs0, gs1)
        wsem = (ws0, ws1)

        def unit_lbt(k):
            l = lax.shift_right_logical(k, 2)
            bt = wid * stripes + (k & (stripes - 1))
            return l, bt

        def idx_descs(k, b):
            l, bt = unit_lbt(k)
            off = l * nb + bt * 128
            return [
                pltpu.make_async_copy(vv_hbm.at[pl.ds(off, 128)], vvb.at[b],
                                      isem[b]),
                pltpu.make_async_copy(vt_hbm.at[pl.ds(off, 128)], vtb.at[b],
                                      isem[b]),
                pltpu.make_async_copy(oc_hbm.at[pl.ds(off, 128)], ocb1.at[b],
                                      isem[b]),
            ]

        def gat_descs(b):
            return [
                pltpu.make_async_copy(f_hbm.at[fib.at[b]], rp.at[b],
                                      gsem[b]),
                pltpu.make_async_copy(r_hbm.at[ocb.at[b]], ro.at[b],
                                      gsem[b]),
            ]

        def wr_descs(k, b):
            l, bt = unit_lbt(k)
            return [
                pltpu.make_async_copy(
                    tp.at[b, pl.ds(0, ET), pl.ds(0, 1), pl.ds(0, 8),
                          pl.ds(0, 128)],
                    hp_hbm.at[pl.ds(l * ET, ET), pl.ds(bt, 1), pl.ds(0, 8),
                              pl.ds(0, 128)], wsem[b]),
                pltpu.make_async_copy(
                    to.at[b, pl.ds(0, ET), pl.ds(0, 1), pl.ds(0, 8),
                          pl.ds(0, 128)],
                    ho_hbm.at[pl.ds(l * ET, ET), pl.ds(bt, 1), pl.ds(0, 8),
                              pl.ds(0, 128)], wsem[b]),
            ]

        iot = lax.iota(jnp.int32, LANES)
        zero16 = jnp.zeros((LANES,), jnp.int32)
        et_c, es_c = [], []
        for c in range(emb // LANES):
            e_vec = c * LANES + iot
            et_c.append(lax.shift_right_logical(e_vec, 3))
            es_c.append(e_vec & 7)

        def transpose_unit(b):
            @plsc.parallel_loop(0, 128, step=2, unroll=2)
            def row(bl2):
                for u in range(2):
                    bl = bl2 + u
                    blv = jnp.full((LANES,), bl, jnp.int32)
                    for c2 in range(emb // (2 * LANES)):
                        s = pl.ds(c2 * LANES, LANES)
                        cl, ch = 2 * c2, 2 * c2 + 1
                        for ref, stg in ((rp, tp), (ro, to)):
                            w = ref[b, bl, s]
                            lo = plsc.bitcast(lax.shift_left(w, 16),
                                              jnp.float32)
                            hi = plsc.bitcast(w & jnp.int32(-65536),
                                              jnp.float32)
                            plsc.store_scatter(
                                stg.at[b],
                                [et_c[cl], zero16, es_c[cl], blv], lo)
                            plsc.store_scatter(
                                stg.at[b],
                                [et_c[ch], zero16, es_c[ch], blv], hi)

        for cc in (0, 1):
            for d in idx_descs(cc, cc):
                d.start()

        def body(i, carry):
            for b in (0, 1):
                k = 2 * i + b
                for d in idx_descs(k, b):
                    d.wait()
                for g in range(128 // LANES):
                    s = pl.ds(g * LANES, LANES)
                    fib[b, s] = vvb[b, s] * npred + vtb[b, s]
                    ocb[b, s] = ocb1[b, s]

                @pl.when(k + 2 <= M - 1)
                def _():
                    for d in idx_descs(k + 2, b):
                        d.start()

                @pl.when(k >= 2)
                def _():
                    for d in wr_descs(k - 2, b):
                        d.wait()

                for d in gat_descs(b):
                    d.start()

                @pl.when(k >= 1)
                def _():
                    for d in gat_descs(b ^ 1):
                        d.wait()
                    transpose_unit(b ^ 1)
                    for d in wr_descs(k - 1, b ^ 1):
                        d.start()
            return carry
        lax.fori_loop(0, M // 2, body, 0)

        bl = (M - 1) % 2
        for d in gat_descs(bl):
            d.wait()
        transpose_unit(bl)
        for d in wr_descs(M - 1, bl):
            d.start()
        for d in wr_descs(M - 2, bl ^ 1):
            d.wait()
        for d in wr_descs(M - 1, bl):
            d.wait()

    return mainc


def kernel(var_val, var_type, object_class, bool_table, pred_table, obj_table):
    b, l = var_val.shape
    nobj, emb = obj_table.shape
    npred = pred_table.shape[0]
    n = b * l
    f_rows = 2048

    vv = var_val.T.reshape(n).astype(jnp.int32)
    vt = var_type.T.reshape(n).astype(jnp.int32)
    oc = object_class.T.reshape(n).astype(jnp.int32)

    f_tab, r_tab = _make_prep(nobj, npred, emb, f_rows)(
        bool_table, pred_table, obj_table)
    hp3, ho3 = _make_main(n, emb, f_rows, nobj, npred, l, b)(
        vv, vt, oc, f_tab, r_tab)

    def unscramble(x):
        x5 = x.reshape(l, emb // 8, b // 128, 8, 128)
        return x5.transpose(2, 4, 0, 1, 3).reshape(b, l, emb)

    return unscramble(hp3), unscramble(ho3)

# --- scband reference (transcript-rebuilt; emitter-appended) ---
"""Pipeline reference for scband-embedder-10823317586263 (READ-ONLY COPY).

The authoritative reference and input builder live on the scoring server;
editing this copy changes nothing except your own understanding.
"""

import jax, jax.numpy as jnp
import numpy as np

NUM_OBJ = 100000
NUM_PRED = 1000
EMB = 64
B = 16384
L = 50


def setup_inputs(seed: int = 0) -> dict:
    key = jax.random.key(seed)
    k1, k2, k3, k4, k5, k6 = jax.random.split(key, 6)
    var_val = jax.random.randint(k1, (B, L), 0, 2, dtype=jnp.int64 if jax.config.jax_enable_x64 else jnp.int32)
    var_type = jax.random.randint(k2, (B, L), 0, NUM_PRED)
    object_class = jax.random.randint(k3, (B, L), 0, NUM_OBJ)
    # learned embedding tables (nn.Embedding default init ~ N(0,1))
    bool_table = jax.random.normal(k4, (2, EMB), dtype=jnp.float32)
    pred_table = jax.random.normal(k5, (NUM_PRED, EMB), dtype=jnp.float32)
    obj_table = jax.random.normal(k6, (NUM_OBJ, EMB), dtype=jnp.float32)
    return {
        "var_val": var_val,
        "var_type": var_type,
        "object_class": object_class,
        "bool_table": bool_table,
        "pred_table": pred_table,
        "obj_table": obj_table,
    }


def _embed(table, idx):
    # EmbeddingLayer = embedding lookup followed by activation (ReLU)
    return jax.nn.relu(jnp.take(table, idx, axis=0))


def reference(var_val, var_type, object_class, bool_table, pred_table, obj_table):
    booleans = _embed(bool_table, var_val.astype(jnp.int32))
    preds = _embed(pred_table, var_type.astype(jnp.int32))
    h_p = booleans * preds
    h_o = _embed(obj_table, object_class)
    return (h_p, h_o)

if __name__ == "__main__":
    import jax
    _d = setup_inputs()
    print(jax.jit(kernel)(*tuple(_d.values())))

</pallas_src>

<mosaic_0001>
#map = affine_map<(d0, d1) -> (0)>
#map1 = affine_map<(d0, d1) -> (0, 0)>
#map2 = affine_map<(d0, d1) -> (0, 0, 0, 0)>
module attributes {stable_mosaic.version = 14 : i64} {
  func.func @mainc(%arg0: i32, %arg1: i32, %arg2: memref<819200xi32, #tpu.memory_space<hbm>>, %arg3: memref<819200xi32, #tpu.memory_space<hbm>>, %arg4: memref<819200xi32, #tpu.memory_space<hbm>>, %arg5: memref<2048x32xi32, #tpu.memory_space<hbm>>, %arg6: memref<100000x32xi32, #tpu.memory_space<hbm>>, %arg7: memref<400x128x8x128xf32, #tpu.memory_space<hbm>>, %arg8: memref<400x128x8x128xf32, #tpu.memory_space<hbm>>, %arg9: memref<2x128xi32, #tpu.memory_space<vmem>>, %arg10: memref<2x128xi32, #tpu.memory_space<vmem>>, %arg11: memref<2x128xi32, #tpu.memory_space<vmem>>, %arg12: memref<2x128xi32, #tpu.memory_space<vmem>>, %arg13: memref<2x128xi32, #tpu.memory_space<vmem>>, %arg14: memref<2x128x32xi32, #tpu.memory_space<vmem>>, %arg15: memref<2x128x32xi32, #tpu.memory_space<vmem>>, %arg16: memref<2x8x1x8x129xf32, #tpu.memory_space<vmem>>, %arg17: memref<2x8x1x8x129xf32, #tpu.memory_space<vmem>>, %arg18: memref<!tpu.dma_semaphore, #tpu.memory_space<semaphore_mem>>, %arg19: memref<!tpu.dma_semaphore, #tpu.memory_space<semaphore_mem>>, %arg20: memref<!tpu.dma_semaphore, #tpu.memory_space<semaphore_mem>>, %arg21: memref<!tpu.dma_semaphore, #tpu.memory_space<semaphore_mem>>, %arg22: memref<!tpu.dma_semaphore, #tpu.memory_space<semaphore_mem>>, %arg23: memref<!tpu.dma_semaphore, #tpu.memory_space<semaphore_mem>>) attributes {dimension_semantics = [#tpu.dimension_semantics<core_parallel>, #tpu.dimension_semantics<subcore_parallel>], iteration_bounds = array<i64: 2, 16>, scalar_prefetch = 0 : i64, scratch_operands = 15 : i64, tpu.core_type = #tpu.core_type<sc_vector_subcore>, window_params = [{transform_indices = #map}, {transform_indices = #map}, {transform_indices = #map}, {transform_indices = #map1}, {transform_indices = #map1}, {transform_indices = #map2}, {transform_indices = #map2}]} {
    %mul3A = arith.constant 2 : i32
    %mul3A_0 = arith.muli %arg1, %mul3A : i32
    %add3A = arith.addi %mul3A_0, %arg0 : i32
    %iota3A = tpu.iota {dimensions = array<i32: 0>} : vector<16xi32>
    %broadcast_in_dim3A = arith.constant 0 : i32
    %broadcast_in_dim3A_1 = vector.broadcast %broadcast_in_dim3A : i32 to vector<16xi32>
    %add3A_2 = arith.constant 0 : i32
    %add3A_3 = vector.broadcast %add3A_2 : i32 to vector<16xi32>
    %add3A_4 = arith.addi %add3A_3, %iota3A : vector<16xi32>
    %shift_right_logical3A = arith.constant 3 : i32
    %shift_right_logical3A_5 = vector.broadcast %shift_right_logical3A : i32 to vector<16xi32>
    %shift_right_logical3A_6 = arith.shrui %add3A_4, %shift_right_logical3A_5 : vector<16xi32>
    %and3A = arith.constant 7 : i32
    %and3A_7 = vector.broadcast %and3A : i32 to vector<16xi32>
    %and3A_8 = arith.andi %add3A_4, %and3A_7 : vector<16xi32>
    %add3A_9 = arith.constant 16 : i32
    %add3A_10 = vector.broadcast %add3A_9 : i32 to vector<16xi32>
    %add3A_11 = arith.addi %add3A_10, %iota3A : vector<16xi32>
    %shift_right_logical3A_12 = arith.constant 3 : i32
    %shift_right_logical3A_13 = vector.broadcast %shift_right_logical3A_12 : i32 to vector<16xi32>
    %shift_right_logical3A_14 = arith.shrui %add3A_11, %shift_right_logical3A_13 : vector<16xi32>
    %and3A_15 = arith.constant 7 : i32
    %and3A_16 = vector.broadcast %and3A_15 : i32 to vector<16xi32>
    %and3A_17 = arith.andi %add3A_11, %and3A_16 : vector<16xi32>
    %add3A_18 = arith.constant 32 : i32
    %add3A_19 = vector.broadcast %add3A_18 : i32 to vector<16xi32>
    %add3A_20 = arith.addi %add3A_19, %iota3A : vector<16xi32>
    %shift_right_logical3A_21 = arith.constant 3 : i32
    %shift_right_logical3A_22 = vector.broadcast %shift_right_logical3A_21 : i32 to vector<16xi32>
    %shift_right_logical3A_23 = arith.shrui %add3A_20, %shift_right_logical3A_22 : vector<16xi32>
    %and3A_24 = arith.constant 7 : i32
    %and3A_25 = vector.broadcast %and3A_24 : i32 to vector<16xi32>
    %and3A_26 = arith.andi %add3A_20, %and3A_25 : vector<16xi32>
    %add3A_27 = arith.constant 48 : i32
    %add3A_28 = vector.broadcast %add3A_27 : i32 to vector<16xi32>
    %add3A_29 = arith.addi %add3A_28, %iota3A : vector<16xi32>
    %shift_right_logical3A_30 = arith.constant 3 : i32
    %shift_right_logical3A_31 = vector.broadcast %shift_right_logical3A_30 : i32 to vector<16xi32>
    %shift_right_logical3A_32 = arith.shrui %add3A_29, %shift_right_logical3A_31 : vector<16xi32>
    %and3A_33 = arith.constant 7 : i32
    %and3A_34 = vector.broadcast %and3A_33 : i32 to vector<16xi32>
    %and3A_35 = arith.andi %add3A_29, %and3A_34 : vector<16xi32>
    %shift_right_logical3A_36 = arith.constant 0 : i32
    %shift_right_logical3A_37 = arith.constant 2 : i32
    %shift_right_logical3A_38 = arith.shrui %shift_right_logical3A_36, %shift_right_logical3A_37 : i32
    %mul3A_39 = arith.constant 4 : i32
    %mul3A_40 = arith.muli %add3A, %mul3A_39 : i32
    %add3A_41 = arith.constant 0 : i32
    %add3A_42 = arith.addi %mul3A_40, %add3A_41 : i32
    %mul3A_43 = arith.constant 16384 : i32
    %mul3A_44 = arith.muli %shift_right_logical3A_38, %mul3A_43 : i32
    %mul3A_45 = arith.constant 128 : i32
    %mul3A_46 = arith.muli %add3A_42, %mul3A_45 : i32
    %add3A_47 = arith.addi %mul3A_44, %mul3A_46 : i32
    %dma_start3A = arith.constant 0 : i32
    %dma_start3A_48 = arith.constant 0 : i32
    %dma_start3A_49 = tpu.memref_slice %arg9[%dma_start3A, %dma_start3A_48] : memref<2x128xi32, #tpu.memory_space<vmem>> -> memref<1x128xi32, #tpu.memory_space<vmem>>
    %dma_start3A_50 = tpu.memref_squeeze %dma_start3A_49 : memref<1x128xi32, #tpu.memory_space<vmem>> -> memref<128xi32, #tpu.memory_space<vmem>>
    %dma_start3A_51 = tpu.memref_slice %arg2[%add3A_47] : memref<819200xi32, #tpu.memory_space<hbm>> -> memref<128xi32, #tpu.memory_space<hbm>>
    %dma_start3A_52 = arith.constant 0 : i32
    %dma_start3A_53 = tpu.memref_slice %arg9[%dma_start3A, %dma_start3A_52] : memref<2x128xi32, #tpu.memory_space<vmem>> -> memref<1x128xi32, #tpu.memory_space<vmem>>
    %dma_start3A_54 = tpu.memref_squeeze %dma_start3A_53 : memref<1x128xi32, #tpu.memory_space<vmem>> -> memref<128xi32, #tpu.memory_space<vmem>>
    %dma_start3A_55 = tpu.memref_slice %arg2[%add3A_47] : memref<819200xi32, #tpu.memory_space<hbm>> -> memref<128xi32, #tpu.memory_space<hbm>>
    tpu.enqueue_dma source(%dma_start3A_55 : memref<128xi32, #tpu.memory_space<hbm>>) target(%dma_start3A_54 : memref<128xi32, #tpu.memory_space<vmem>>) target_semaphore(%arg18 : memref<!tpu.dma_semaphore, #tpu.memory_space<semaphore_mem>>)
    %dma_start3A_56 = arith.constant 0 : i32
    %dma_start3A_57 = arith.constant 0 : i32
    %dma_start3A_58 = tpu.memref_slice %arg10[%dma_start3A_56, %dma_start3A_57] : memref<2x128xi32, #tpu.memory_space<vmem>> -> memref<1x128xi32, #tpu.memory_space<vmem>>
    %dma_start3A_59 = tpu.memref_squeeze %dma_start3A_58 : memref<1x128xi32, #tpu.memory_space<vmem>> -> memref<128xi32, #tpu.memory_space<vmem>>
    %dma_start3A_60 = tpu.memref_slice %arg3[%add3A_47] : memref<819200xi32, #tpu.memory_space<hbm>> -> memref<128xi32, #tpu.memory_space<hbm>>
    %dma_start3A_61 = arith.constant 0 : i32
    %dma_start3A_62 = tpu.memref_slice %arg10[%dma_start3A_56, %dma_start3A_61] : memref<2x128xi32, #tpu.memory_space<vmem>> -> memref<1x128xi32, #tpu.memory_space<vmem>>
    %dma_start3A_63 = tpu.memref_squeeze %dma_start3A_62 : memref<1x128xi32, #tpu.memory_space<vmem>> -> memref<128xi32, #tpu.memory_space<vmem>>
    %dma_start3A_64 = tpu.memref_slice %arg3[%add3A_47] : memref<819200xi32, #tpu.memory_space<hbm>> -> memref<128xi32, #tpu.memory_space<hbm>>
    tpu.enqueue_dma source(%dma_start3A_64 : memref<128xi32, #tpu.memory_space<hbm>>) target(%dma_start3A_63 : memref<128xi32, #tpu.memory_space<vmem>>) target_semaphore(%arg18 : memref<!tpu.dma_semaphore, #tpu.memory_space<semaphore_mem>>)
    %dma_start3A_65 = arith.constant 0 : i32
    %dma_start3A_66 = arith.constant 0 : i32
    %dma_start3A_67 = tpu.memref_slice %arg11[%dma_start3A_65, %dma_start3A_66] : memref<2x128xi32, #tpu.memory_space<vmem>> -> memref<1x128xi32, #tpu.memory_space<vmem>>
    %dma_start3A_68 = tpu.memref_squeeze %dma_start3A_67 : memref<1x128xi32, #tpu.memory_space<vmem>> -> memref<128xi32, #tpu.memory_space<vmem>>
    %dma_start3A_69 = tpu.memref_slice %arg4[%add3A_47] : memref<819200xi32, #tpu.memory_space<hbm>> -> memref<128xi32, #tpu.memory_space<hbm>>
    %dma_start3A_70 = arith.constant 0 : i32
    %dma_start3A_71 = tpu.memref_slice %arg11[%dma_start3A_65, %dma_start3A_70] : memref<2x128xi32, #tpu.memory_space<vmem>> -> memref<1x128xi32, #tpu.memory_space<vmem>>
    %dma_start3A_72 = tpu.memref_squeeze %dma_start3A_71 : memref<1x128xi32, #tpu.memory_space<vmem>> -> memref<128xi32, #tpu.memory_space<vmem>>
    %dma_start3A_73 = tpu.memref_slice %arg4[%add3A_47] : memref<819200xi32, #tpu.memory_space<hbm>> -> memref<128xi32, #tpu.memory_space<hbm>>
    tpu.enqueue_dma source(%dma_start3A_73 : memref<128xi32, #tpu.memory_space<hbm>>) target(%dma_start3A_72 : memref<128xi32, #tpu.memory_space<vmem>>) target_semaphore(%arg18 : memref<!tpu.dma_semaphore, #tpu.memory_space<semaphore_mem>>)
    %shift_right_logical3A_74 = arith.constant 1 : i32
    %shift_right_logical3A_75 = arith.constant 2 : i32
    %shift_right_logical3A_76 = arith.shrui %shift_right_logical3A_74, %shift_right_logical3A_75 : i32
    %mul3A_77 = arith.constant 4 : i32
    %mul3A_78 = arith.muli %add3A, %mul3A_77 : i32
    %add3A_79 = arith.constant 1 : i32
    %add3A_80 = arith.addi %mul3A_78, %add3A_79 : i32
    %mul3A_81 = arith.constant 16384 : i32
    %mul3A_82 = arith.muli %shift_right_logical3A_76, %mul3A_81 : i32
    %mul3A_83 = arith.constant 128 : i32
    %mul3A_84 = arith.muli %add3A_80, %mul3A_83 : i32
    %add3A_85 = arith.addi %mul3A_82, %mul3A_84 : i32
    %dma_start3A_86 = arith.constant 1 : i32
    %dma_start3A_87 = arith.constant 0 : i32
    %dma_start3A_88 = tpu.memref_slice %arg9[%dma_start3A_86, %dma_start3A_87] : memref<2x128xi32, #tpu.memory_space<vmem>> -> memref<1x128xi32, #tpu.memory_space<vmem>>
    %dma_start3A_89 = tpu.memref_squeeze %dma_start3A_88 : memref<1x128xi32, #tpu.memory_space<vmem>> -> memref<128xi32, #tpu.memory_space<vmem>>
    %dma_start3A_90 = tpu.memref_slice %arg2[%add3A_85] : memref<819200xi32, #tpu.memory_space<hbm>> -> memref<128xi32, #tpu.memory_space<hbm>>
    %dma_start3A_91 = arith.constant 0 : i32
    %dma_start3A_92 = tpu.memref_slice %arg9[%dma_start3A_86, %dma_start3A_91] : memref<2x128xi32, #tpu.memory_space<vmem>> -> memref<1x128xi32, #tpu.memory_space<vmem>>
    %dma_start3A_93 = tpu.memref_squeeze %dma_start3A_92 : memref<1x128xi32, #tpu.memory_space<vmem>> -> memref<128xi32, #tpu.memory_space<vmem>>
    %dma_start3A_94 = tpu.memref_slice %arg2[%add3A_85] : memref<819200xi32, #tpu.memory_space<hbm>> -> memref<128xi32, #tpu.memory_space<hbm>>
    tpu.enqueue_dma source(%dma_start3A_94 : memref<128xi32, #tpu.memory_space<hbm>>) target(%dma_start3A_93 : memref<128xi32, #tpu.memory_space<vmem>>) target_semaphore(%arg19 : memref<!tpu.dma_semaphore, #tpu.memory_space<semaphore_mem>>)
    %dma_start3A_95 = arith.constant 1 : i32
    %dma_start3A_96 = arith.constant 0 : i32
    %dma_start3A_97 = tpu.memref_slice %arg10[%dma_start3A_95, %dma_start3A_96] : memref<2x128xi32, #tpu.memory_space<vmem>> -> memref<1x128xi32, #tpu.memory_space<vmem>>
    %dma_start3A_98 = tpu.memref_squeeze %dma_start3A_97 : memref<1x128xi32, #tpu.memory_space<vmem>> -> memref<128xi32, #tpu.memory_space<vmem>>
    %dma_start3A_99 = tpu.memref_slice %arg3[%add3A_85] : memref<819200xi32, #tpu.memory_space<hbm>> -> memref<128xi32, #tpu.memory_space<hbm>>
    %dma_start3A_100 = arith.constant 0 : i32
    %dma_start3A_101 = tpu.memref_slice %arg10[%dma_start3A_95, %dma_start3A_100] : memref<2x128xi32, #tpu.memory_space<vmem>> -> memref<1x128xi32, #tpu.memory_space<vmem>>
    %dma_start3A_102 = tpu.memref_squeeze %dma_start3A_101 : memref<1x128xi32, #tpu.memory_space<vmem>> -> memref<128xi32, #tpu.memory_space<vmem>>
    %dma_start3A_103 = tpu.memref_slice %arg3[%add3A_85] : memref<819200xi32, #tpu.memory_space<hbm>> -> memref<128xi32, #tpu.memory_space<hbm>>
    tpu.enqueue_dma source(%dma_start3A_103 : memref<128xi32, #tpu.memory_space<hbm>>) target(%dma_start3A_102 : memref<128xi32, #tpu.memory_space<vmem>>) target_semaphore(%arg19 : memref<!tpu.dma_semaphore, #tpu.memory_space<semaphore_mem>>)
    %dma_start3A_104 = arith.constant 1 : i32
    %dma_start3A_105 = arith.constant 0 : i32
    %dma_start3A_106 = tpu.memref_slice %arg11[%dma_start3A_104, %dma_start3A_105] : memref<2x128xi32, #tpu.memory_space<vmem>> -> memref<1x128xi32, #tpu.memory_space<vmem>>
    %dma_start3A_107 = tpu.memref_squeeze %dma_start3A_106 : memref<1x128xi32, #tpu.memory_space<vmem>> -> memref<128xi32, #tpu.memory_space<vmem>>
    %dma_start3A_108 = tpu.memref_slice %arg4[%add3A_85] : memref<819200xi32, #tpu.memory_space<hbm>> -> memref<128xi32, #tpu.memory_space<hbm>>
    %dma_start3A_109 = arith.constant 0 : i32
    %dma_start3A_110 = tpu.memref_slice %arg11[%dma_start3A_104, %dma_start3A_109] : memref<2x128xi32, #tpu.memory_space<vmem>> -> memref<1x128xi32, #tpu.memory_space<vmem>>
    %dma_start3A_111 = tpu.memref_squeeze %dma_start3A_110 : memref<1x128xi32, #tpu.memory_space<vmem>> -> memref<128xi32, #tpu.memory_space<vmem>>
    %dma_start3A_112 = tpu.memref_slice %arg4[%add3A_85] : memref<819200xi32, #tpu.memory_space<hbm>> -> memref<128xi32, #tpu.memory_space<hbm>>
    tpu.enqueue_dma source(%dma_start3A_112 : memref<128xi32, #tpu.memory_space<hbm>>) target(%dma_start3A_111 : memref<128xi32, #tpu.memory_space<vmem>>) target_semaphore(%arg19 : memref<!tpu.dma_semaphore, #tpu.memory_space<semaphore_mem>>)
    %scan3A = arith.constant 0 : i32
    %scan3A_113 = arith.constant 0 : i32
    %scan3A_114 = arith.constant 100 : i32
    %scan3A_115 = arith.addi %scan3A_113, %scan3A_114 : i32
    %scan3A_116 = arith.constant 1 : i32
    scf.for %scan3A_290 = %scan3A_113 to %scan3A_115 step %scan3A_116  : i32 {
      %mul3A_291 = arith.constant 2 : i32
      %mul3A_292 = arith.muli %mul3A_291, %scan3A_290 : i32
      %add3A_293 = arith.constant 0 : i32
      %add3A_294 = arith.addi %mul3A_292, %add3A_293 : i32
      %shift_right_logical3A_295 = arith.constant 2 : i32
      %shift_right_logical3A_296 = arith.shrui %add3A_294, %shift_right_logical3A_295 : i32
      %mul3A_297 = arith.constant 4 : i32
      %mul3A_298 = arith.muli %add3A, %mul3A_297 : i32
      %and3A_299 = arith.constant 3 : i32
      %and3A_300 = arith.andi %add3A_294, %and3A_299 : i32
      %add3A_301 = arith.addi %mul3A_298, %and3A_300 : i32
      %mul3A_302 = arith.constant 16384 : i32
      %mul3A_303 = arith.muli %shift_right_logical3A_296, %mul3A_302 : i32
      %mul3A_304 = arith.constant 128 : i32
      %mul3A_305 = arith.muli %add3A_301, %mul3A_304 : i32
      %add3A_306 = arith.addi %mul3A_303, %mul3A_305 : i32
      %dma_wait3A_307 = arith.constant 0 : i32
      %dma_wait3A_308 = arith.constant 0 : i32
      %dma_wait3A_309 = tpu.memref_slice %arg9[%dma_wait3A_307, %dma_wait3A_308] : memref<2x128xi32, #tpu.memory_space<vmem>> -> memref<1x128xi32, #tpu.memory_space<vmem>>
      %dma_wait3A_310 = tpu.memref_squeeze %dma_wait3A_309 : memref<1x128xi32, #tpu.memory_space<vmem>> -> memref<128xi32, #tpu.memory_space<vmem>>
      %dma_wait3A_311 = tpu.memref_slice %arg2[%add3A_306] : memref<819200xi32, #tpu.memory_space<hbm>> -> memref<128xi32, #tpu.memory_space<hbm>>
      %dma_wait3A_312 = arith.constant 0 : i32
      %dma_wait3A_313 = tpu.memref_slice %arg9[%dma_wait3A_307, %dma_wait3A_312] : memref<2x128xi32, #tpu.memory_space<vmem>> -> memref<1x128xi32, #tpu.memory_space<vmem>>
      %dma_wait3A_314 = tpu.memref_squeeze %dma_wait3A_313 : memref<1x128xi32, #tpu.memory_space<vmem>> -> memref<128xi32, #tpu.memory_space<vmem>>
      %dma_wait3A_315 = tpu.memref_slice %arg2[%add3A_306] : memref<819200xi32, #tpu.memory_space<hbm>> -> memref<128xi32, #tpu.memory_space<hbm>>
      tpu.wait_dma2 semaphore(%arg18 : memref<!tpu.dma_semaphore, #tpu.memory_space<semaphore_mem>>) src(%dma_wait3A_315 : memref<128xi32, #tpu.memory_space<hbm>>) dst(%dma_wait3A_314 : memref<128xi32, #tpu.memory_space<vmem>>)
      %dma_wait3A_316 = arith.constant 0 : i32
      %dma_wait3A_317 = arith.constant 0 : i32
      %dma_wait3A_318 = tpu.memref_slice %arg10[%dma_wait3A_316, %dma_wait3A_317] : memref<2x128xi32, #tpu.memory_space<vmem>> -> memref<1x128xi32, #tpu.memory_space<vmem>>
      %dma_wait3A_319 = tpu.memref_squeeze %dma_wait3A_318 : memref<1x128xi32, #tpu.memory_space<vmem>> -> memref<128xi32, #tpu.memory_space<vmem>>
      %dma_wait3A_320 = tpu.memref_slice %arg3[%add3A_306] : memref<819200xi32, #tpu.memory_space<hbm>> -> memref<128xi32, #tpu.memory_space<hbm>>
      %dma_wait3A_321 = arith.constant 0 : i32
      %dma_wait3A_322 = tpu.memref_slice %arg10[%dma_wait3A_316, %dma_wait3A_321] : memref<2x128xi32, #tpu.memory_space<vmem>> -> memref<1x128xi32, #tpu.memory_space<vmem>>
      %dma_wait3A_323 = tpu.memref_squeeze %dma_wait3A_322 : memref<1x128xi32, #tpu.memory_space<vmem>> -> memref<128xi32, #tpu.memory_space<vmem>>
      %dma_wait3A_324 = tpu.memref_slice %arg3[%add3A_306] : memref<819200xi32, #tpu.memory_space<hbm>> -> memref<128xi32, #tpu.memory_space<hbm>>
      tpu.wait_dma2 semaphore(%arg18 : memref<!tpu.dma_semaphore, #tpu.memory_space<semaphore_mem>>) src(%dma_wait3A_324 : memref<128xi32, #tpu.memory_space<hbm>>) dst(%dma_wait3A_323 : memref<128xi32, #tpu.memory_space<vmem>>)
      %dma_wait3A_325 = arith.constant 0 : i32
      %dma_wait3A_326 = arith.constant 0 : i32
      %dma_wait3A_327 = tpu.memref_slice %arg11[%dma_wait3A_325, %dma_wait3A_326] : memref<2x128xi32, #tpu.memory_space<vmem>> -> memref<1x128xi32, #tpu.memory_space<vmem>>
      %dma_wait3A_328 = tpu.memref_squeeze %dma_wait3A_327 : memref<1x128xi32, #tpu.memory_space<vmem>> -> memref<128xi32, #tpu.memory_space<vmem>>
      %dma_wait3A_329 = tpu.memref_slice %arg4[%add3A_306] : memref<819200xi32, #tpu.memory_space<hbm>> -> memref<128xi32, #tpu.memory_space<hbm>>
      %dma_wait3A_330 = arith.constant 0 : i32
      %dma_wait3A_331 = tpu.memref_slice %arg11[%dma_wait3A_325, %dma_wait3A_330] : memref<2x128xi32, #tpu.memory_space<vmem>> -> memref<1x128xi32, #tpu.memory_space<vmem>>
      %dma_wait3A_332 = tpu.memref_squeeze %dma_wait3A_331 : memref<1x128xi32, #tpu.memory_space<vmem>> -> memref<128xi32, #tpu.memory_space<vmem>>
      %dma_wait3A_333 = tpu.memref_slice %arg4[%add3A_306] : memref<819200xi32, #tpu.memory_space<hbm>> -> memref<128xi32, #tpu.memory_space<hbm>>
      tpu.wait_dma2 semaphore(%arg18 : memref<!tpu.dma_semaphore, #tpu.memory_space<semaphore_mem>>) src(%dma_wait3A_333 : memref<128xi32, #tpu.memory_space<hbm>>) dst(%dma_wait3A_332 : memref<128xi32, #tpu.memory_space<vmem>>)
      %get3A = arith.constant 0 : i32
      %get3A_334 = arith.index_cast %get3A : i32 to index
      %get3A_335 = arith.constant 0 : index
      %get3A_336 = tpu.vector_load %arg9[%get3A_334, %get3A_335] {strides = array<i32>} : memref<2x128xi32, #tpu.memory_space<vmem>>, vector<16xi32>,
      %mul3A_337 = arith.constant 1000 : i32
      %mul3A_338 = vector.broadcast %mul3A_337 : i32 to vector<16xi32>
      %mul3A_339 = arith.muli %get3A_336, %mul3A_338 : vector<16xi32>
      %get3A_340 = arith.constant 0 : i32
      %get3A_341 = arith.index_cast %get3A_340 : i32 to index
      %get3A_342 = arith.constant 0 : index
      %get3A_343 = tpu.vector_load %arg10[%get3A_341, %get3A_342] {strides = array<i32>} : memref<2x128xi32, #tpu.memory_space<vmem>>, vector<16xi32>,
      %add3A_344 = arith.addi %mul3A_339, %get3A_343 : vector<16xi32>
      %swap3A = arith.constant 0 : i32
      %swap3A_345 = arith.index_cast %swap3A : i32 to index
      %swap3A_346 = arith.constant 0 : index
      %swap3A_347 = tpu.vector_load %arg12[%swap3A_345, %swap3A_346] {strides = array<i32>} : memref<2x128xi32, #tpu.memory_space<vmem>>, vector<16xi32>,
      tpu.vector_store %arg12[%swap3A_345, %swap3A_346], %add3A_344 {strides = array<i32>} : memref<2x128xi32, #tpu.memory_space<vmem>>, vector<16xi32>,
      %get3A_348 = arith.constant 0 : i32
      %get3A_349 = arith.index_cast %get3A_348 : i32 to index
      %get3A_350 = arith.constant 0 : index
      %get3A_351 = tpu.vector_load %arg11[%get3A_349, %get3A_350] {strides = array<i32>} : memref<2x128xi32, #tpu.memory_space<vmem>>, vector<16xi32>,
      %swap3A_352 = arith.constant 0 : i32
      %swap3A_353 = arith.index_cast %swap3A_352 : i32 to index
      %swap3A_354 = arith.constant 0 : index
      %swap3A_355 = tpu.vector_load %arg13[%swap3A_353, %swap3A_354] {strides = array<i32>} : memref<2x128xi32, #tpu.memory_space<vmem>>, vector<16xi32>,
      tpu.vector_store %arg13[%swap3A_353, %swap3A_354], %get3A_351 {strides = array<i32>} : memref<2x128xi32, #tpu.memory_space<vmem>>, vector<16xi32>,
      %get3A_356 = arith.constant 0 : i32
      %get3A_357 = arith.index_cast %get3A_356 : i32 to index
      %get3A_358 = arith.constant 16 : index
      %get3A_359 = tpu.vector_load %arg9[%get3A_357, %get3A_358] {strides = array<i32>} : memref<2x128xi32, #tpu.memory_space<vmem>>, vector<16xi32>,
      %mul3A_360 = arith.constant 1000 : i32
      %mul3A_361 = vector.broadcast %mul3A_360 : i32 to vector<16xi32>
      %mul3A_362 = arith.muli %get3A_359, %mul3A_361 : vector<16xi32>
      %get3A_363 = arith.constant 0 : i32
      %get3A_364 = arith.index_cast %get3A_363 : i32 to index
      %get3A_365 = arith.constant 16 : index
      %get3A_366 = tpu.vector_load %arg10[%get3A_364, %get3A_365] {strides = array<i32>} : memref<2x128xi32, #tpu.memory_space<vmem>>, vector<16xi32>,
      %add3A_367 = arith.addi %mul3A_362, %get3A_366 : vector<16xi32>
      %swap3A_368 = arith.constant 0 : i32
      %swap3A_369 = arith.index_cast %swap3A_368 : i32 to index
      %swap3A_370 = arith.constant 16 : index
      %swap3A_371 = tpu.vector_load %arg12[%swap3A_369, %swap3A_370] {strides = array<i32>} : memref<2x128xi32, #tpu.memory_space<vmem>>, vector<16xi32>,
      tpu.vector_store %arg12[%swap3A_369, %swap3A_370], %add3A_367 {strides = array<i32>} : memref<2x128xi32, #tpu.memory_space<vmem>>, vector<16xi32>,
      %get3A_372 = arith.constant 0 : i32
      %get3A_373 = arith.index_cast %get3A_372 : i32 to index
      %get3A_374 = arith.constant 16 : index
      %get3A_375 = tpu.vector_load %arg11[%get3A_373, %get3A_374] {strides = array<i32>} : memref<2x128xi32, #tpu.memory_space<vmem>>, vector<16xi32>,
      %swap3A_376 = arith.constant 0 : i32
      %swap3A_377 = arith.index_cast %swap3A_376 : i32 to index
      %swap3A_378 = arith.constant 16 : index
      %swap3A_379 = tpu.vector_load %arg13[%swap3A_377, %swap3A_378] {strides = array<i32>} : memref<2x128xi32, #tpu.memory_space<vmem>>, vector<16xi32>,
      tpu.vector_store %arg13[%swap3A_377, %swap3A_378], %get3A_375 {strides = array<i32>} : memref<2x128xi32, #tpu.memory_space<vmem>>, vector<16xi32>,
      %get3A_380 = arith.constant 0 : i32
      %get3A_381 = arith.index_cast %get3A_380 : i32 to index
      %get3A_382 = arith.constant 32 : index
      %get3A_383 = tpu.vector_load %arg9[%get3A_381, %get3A_382] {strides = array<i32>} : memref<2x128xi32, #tpu.memory_space<vmem>>, vector<16xi32>,
      %mul3A_384 = arith.constant 1000 : i32
      %mul3A_385 = vector.broadcast %mul3A_384 : i32 to vector<16xi32>
      %mul3A_386 = arith.muli %get3A_383, %mul3A_385 : vector<16xi32>
      %get3A_387 = arith.constant 0 : i32
      %get3A_388 = arith.index_cast %get3A_387 : i32 to index
      %get3A_389 = arith.constant 32 : index
      %get3A_390 = tpu.vector_load %arg10[%get3A_388, %get3A_389] {strides = array<i32>} : memref<2x128xi32, #tpu.memory_space<vmem>>, vector<16xi32>,
      %add3A_391 = arith.addi %mul3A_386, %get3A_390 : vector<16xi32>
      %swap3A_392 = arith.constant 0 : i32
      %swap3A_393 = arith.index_cast %swap3A_392 : i32 to index
      %swap3A_394 = arith.constant 32 : index
      %swap3A_395 = tpu.vector_load %arg12[%swap3A_393, %swap3A_394] {strides = array<i32>} : memref<2x128xi32, #tpu.memory_space<vmem>>, vector<16xi32>,
      tpu.vector_store %arg12[%swap3A_393, %swap3A_394], %add3A_391 {strides = array<i32>} : memref<2x128xi32, #tpu.memory_space<vmem>>, vector<16xi32>,
      %get3A_396 = arith.constant 0 : i32
      %get3A_397 = arith.index_cast %get3A_396 : i32 to index
      %get3A_398 = arith.constant 32 : index
      %get3A_399 = tpu.vector_load %arg11[%get3A_397, %get3A_398] {strides = array<i32>} : memref<2x128xi32, #tpu.memory_space<vmem>>, vector<16xi32>,
      %swap3A_400 = arith.constant 0 : i32
      %swap3A_401 = arith.index_cast %swap3A_400 : i32 to index
      %swap3A_402 = arith.constant 32 : index
      %swap3A_403 = tpu.vector_load %arg13[%swap3A_401, %swap3A_402] {strides = array<i32>} : memref<2x128xi32, #tpu.memory_space<vmem>>, vector<16xi32>,
      tpu.vector_store %arg13[%swap3A_401, %swap3A_402], %get3A_399 {strides = array<i32>} : memref<2x128xi32, #tpu.memory_space<vmem>>, vector<16xi32>,
      %get3A_404 = arith.constant 0 : i32
      %get3A_405 = arith.index_cast %get3A_404 : i32 to index
      %get3A_406 = arith.constant 48 : index
      %get3A_407 = tpu.vector_load %arg9[%get3A_405, %get3A_406] {strides = array<i32>} : memref<2x128xi32, #tpu.memory_space<vmem>>, vector<16xi32>,
      %mul3A_408 = arith.constant 1000 : i32
      %mul3A_409 = vector.broadcast %mul3A_408 : i32 to vector<16xi32>
      %mul3A_410 = arith.muli %get3A_407, %mul3A_409 : vector<16xi32>
      %get3A_411 = arith.constant 0 : i32
      %get3A_412 = arith.index_cast %get3A_411 : i32 to index
      %get3A_413 = arith.constant 48 : index
      %get3A_414 = tpu.vector_load %arg10[%get3A_412, %get3A_413] {strides = array<i32>} : memref<2x128xi32, #tpu.memory_space<vmem>>, vector<16xi32>,
      %add3A_415 = arith.addi %mul3A_410, %get3A_414 : vector<16xi32>
      %swap3A_416 = arith.constant 0 : i32
      %swap3A_417 = arith.index_cast %swap3A_416 : i32 to index
      %swap3A_418 = arith.constant 48 : index
      %swap3A_419 = tpu.vector_load %arg12[%swap3A_417, %swap3A_418] {strides = array<i32>} : memref<2x128xi32, #tpu.memory_space<vmem>>, vector<16xi32>,
      tpu.vector_store %arg12[%swap3A_417, %swap3A_418], %add3A_415 {strides = array<i32>} : memref<2x128xi32, #tpu.memory_space<vmem>>, vector<16xi32>,
      %get3A_420 = arith.constant 0 : i32
      %get3A_421 = arith.index_cast %get3A_420 : i32 to index
      %get3A_422 = arith.constant 48 : index
      %get3A_423 = tpu.vector_load %arg11[%get3A_421, %get3A_422] {strides = array<i32>} : memref<2x128xi32, #tpu.memory_space<vmem>>, vector<16xi32>,
      %swap3A_424 = arith.constant 0 : i32
      %swap3A_425 = arith.index_cast %swap3A_424 : i32 to index
      %swap3A_426 = arith.constant 48 : index
      %swap3A_427 = tpu.vector_load %arg13[%swap3A_425, %swap3A_426] {strides = array<i32>} : memref<2x128xi32, #tpu.memory_space<vmem>>, vector<16xi32>,
      tpu.vector_store %arg13[%swap3A_425, %swap3A_426], %get3A_423 {strides = array<i32>} : memref<2x128xi32, #tpu.memory_space<vmem>>, vector<16xi32>,
      %get3A_428 = arith.constant 0 : i32
      %get3A_429 = arith.index_cast %get3A_428 : i32 to index
      %get3A_430 = arith.constant 64 : index
      %get3A_431 = tpu.vector_load %arg9[%get3A_429, %get3A_430] {strides = array<i32>} : memref<2x128xi32, #tpu.memory_space<vmem>>, vector<16xi32>,
      %mul3A_432 = arith.constant 1000 : i32
      %mul3A_433 = vector.broadcast %mul3A_432 : i32 to vector<16xi32>
      %mul3A_434 = arith.muli %get3A_431, %mul3A_433 : vector<16xi32>
      %get3A_435 = arith.constant 0 : i32
      %get3A_436 = arith.index_cast %get3A_435 : i32 to index
      %get3A_437 = arith.constant 64 : index
      %get3A_438 = tpu.vector_load %arg10[%get3A_436, %get3A_437] {strides = array<i32>} : memref<2x128xi32, #tpu.memory_space<vmem>>, vector<16xi32>,
      %add3A_439 = arith.addi %mul3A_434, %get3A_438 : vector<16xi32>
      %swap3A_440 = arith.constant 0 : i32
      %swap3A_441 = arith.index_cast %swap3A_440 : i32 to index
      %swap3A_442 = arith.constant 64 : index
      %swap3A_443 = tpu.vector_load %arg12[%swap3A_441, %swap3A_442] {strides = array<i32>} : memref<2x128xi32, #tpu.memory_space<vmem>>, vector<16xi32>,
      tpu.vector_store %arg12[%swap3A_441, %swap3A_442], %add3A_439 {strides = array<i32>} : memref<2x128xi32, #tpu.memory_space<vmem>>, vector<16xi32>,
      %get3A_444 = arith.constant 0 : i32
      %get3A_445 = arith.index_cast %get3A_444 : i32 to index
      %get3A_446 = arith.constant 64 : index
      %get3A_447 = tpu.vector_load %arg11[%get3A_445, %get3A_446] {strides = array<i32>} : memref<2x128xi32, #tpu.memory_space<vmem>>, vector<16xi32>,
      %swap3A_448 = arith.constant 0 : i32
      %swap3A_449 = arith.index_cast %swap3A_448 : i32 to index
      %swap3A_450 = arith.constant 64 : index
      %swap3A_451 = tpu.vector_load %arg13[%swap3A_449, %swap3A_450] {strides = array<i32>} : memref<2x128xi32, #tpu.memory_space<vmem>>, vector<16xi32>,
      tpu.vector_store %arg13[%swap3A_449, %swap3A_450], %get3A_447 {strides = array<i32>} : memref<2x128xi32, #tpu.memory_space<vmem>>, vector<16xi32>,
      %get3A_452 = arith.constant 0 : i32
      %get3A_453 = arith.index_cast %get3A_452 : i32 to index
      %get3A_454 = arith.constant 80 : index
      %get3A_455 = tpu.vector_load %arg9[%get3A_453, %get3A_454] {strides = array<i32>} : memref<2x128xi32, #tpu.memory_space<vmem>>, vector<16xi32>,
      %mul3A_456 = arith.constant 1000 : i32
      %mul3A_457 = vector.broadcast %mul3A_456 : i32 to vector<16xi32>
      %mul3A_458 = arith.muli %get3A_455, %mul3A_457 : vector<16xi32>
      %get3A_459 = arith.constant 0 : i32
      %get3A_460 = arith.index_cast %get3A_459 : i32 to index
      %get3A_461 = arith.constant 80 : index
      %get3A_462 = tpu.vector_load %arg10[%get3A_460, %get3A_461] {strides = array<i32>} : memref<2x128xi32, #tpu.memory_space<vmem>>, vector<16xi32>,
      %add3A_463 = arith.addi %mul3A_458, %get3A_462 : vector<16xi32>
      %swap3A_464 = arith.constant 0 : i32
      %swap3A_465 = arith.index_cast %swap3A_464 : i32 to index
      %swap3A_466 = arith.constant 80 : index
      %swap3A_467 = tpu.vector_load %arg12[%swap3A_465, %swap3A_466] {strides = array<i32>} : memref<2x128xi32, #tpu.memory_space<vmem>>, vector<16xi32>,
      tpu.vector_store %arg12[%swap3A_465, %swap3A_466], %add3A_463 {strides = array<i32>} : memref<2x128xi32, #tpu.memory_space<vmem>>, vector<16xi32>,
      %get3A_468 = arith.constant 0 : i32
      %get3A_469 = arith.index_cast %get3A_468 : i32 to index
      %get3A_470 = arith.constant 80 : index
      %get3A_471 = tpu.vector_load %arg11[%get3A_469, %get3A_470] {strides = array<i32>} : memref<2x128xi32, #tpu.memory_space<vmem>>, vector<16xi32>,
      %swap3A_472 = arith.constant 0 : i32
      %swap3A_473 = arith.index_cast %swap3A_472 : i32 to index
      %swap3A_474 = arith.constant 80 : index
      %swap3A_475 = tpu.vector_load %arg13[%swap3A_473, %swap3A_474] {strides = array<i32>} : memref<2x128xi32, #tpu.memory_space<vmem>>, vector<16xi32>,
      tpu.vector_store %arg13[%swap3A_473, %swap3A_474], %get3A_471 {strides = array<i32>} : memref<2x128xi32, #tpu.memory_space<vmem>>, vector<16xi32>,
      %get3A_476 = arith.constant 0 : i32
      %get3A_477 = arith.index_cast %get3A_476 : i32 to index
      %get3A_478 = arith.constant 96 : index
      %get3A_479 = tpu.vector_load %arg9[%get3A_477, %get3A_478] {strides = array<i32>} : memref<2x128xi32, #tpu.memory_space<vmem>>, vector<16xi32>,
      %mul3A_480 = arith.constant 1000 : i32
      %mul3A_481 = vector.broadcast %mul3A_480 : i32 to vector<16xi32>
      %mul3A_482 = arith.muli %get3A_479, %mul3A_481 : vector<16xi32>
      %get3A_483 = arith.constant 0 : i32
      %get3A_484 = arith.index_cast %get3A_483 : i32 to index
      %get3A_485 = arith.constant 96 : index
      %get3A_486 = tpu.vector_load %arg10[%get3A_484, %get3A_485] {strides = array<i32>} : memref<2x128xi32, #tpu.memory_space<vmem>>, vector<16xi32>,
      %add3A_487 = arith.addi %mul3A_482, %get3A_486 : vector<16xi32>
      %swap3A_488 = arith.constant 0 : i32
      %swap3A_489 = arith.index_cast %swap3A_488 : i32 to index
      %swap3A_490 = arith.constant 96 : index
      %swap3A_491 = tpu.vector_load %arg12[%swap3A_489, %swap3A_490] {strides = array<i32>} : memref<2x128xi32, #tpu.memory_space<vmem>>, vector<16xi32>,
      tpu.vector_store %arg12[%swap3A_489, %swap3A_490], %add3A_487 {strides = array<i32>} : memref<2x128xi32, #tpu.memory_space<vmem>>, vector<16xi32>,
      %get3A_492 = arith.constant 0 : i32
      %get3A_493 = arith.index_cast %get3A_492 : i32 to index
      %get3A_494 = arith.constant 96 : index
      %get3A_495 = tpu.vector_load %arg11[%get3A_493, %get3A_494] {strides = array<i32>} : memref<2x128xi32, #tpu.memory_space<vmem>>, vector<16xi32>,
      %swap3A_496 = arith.constant 0 : i32
      %swap3A_497 = arith.index_cast %swap3A_496 : i32 to index
      %swap3A_498 = arith.constant 96 : index
      %swap3A_499 = tpu.vector_load %arg13[%swap3A_497, %swap3A_498] {strides = array<i32>} : memref<2x128xi32, #tpu.memory_space<vmem>>, vector<16xi32>,
      tpu.vector_store %arg13[%swap3A_497, %swap3A_498], %get3A_495 {strides = array<i32>} : memref<2x128xi32, #tpu.memory_space<vmem>>, vector<16xi32>,
      %get3A_500 = arith.constant 0 : i32
      %get3A_501 = arith.index_cast %get3A_500 : i32 to index
      %get3A_502 = arith.constant 112 : index
      %get3A_503 = tpu.vector_load %arg9[%get3A_501, %get3A_502] {strides = array<i32>} : memref<2x128xi32, #tpu.memory_space<vmem>>, vector<16xi32>,
      %mul3A_504 = arith.constant 1000 : i32
      %mul3A_505 = vector.broadcast %mul3A_504 : i32 to vector<16xi32>
      %mul3A_506 = arith.muli %get3A_503, %mul3A_505 : vector<16xi32>
      %get3A_507 = arith.constant 0 : i32
      %get3A_508 = arith.index_cast %get3A_507 : i32 to index
      %get3A_509 = arith.constant 112 : index
      %get3A_510 = tpu.vector_load %arg10[%get3A_508, %get3A_509] {strides = array<i32>} : memref<2x128xi32, #tpu.memory_space<vmem>>, vector<16xi32>,
      %add3A_511 = arith.addi %mul3A_506, %get3A_510 : vector<16xi32>
      %swap3A_512 = arith.constant 0 : i32
      %swap3A_513 = arith.index_cast %swap3A_512 : i32 to index
      %swap3A_514 = arith.constant 112 : index
      %swap3A_515 = tpu.vector_load %arg12[%swap3A_513, %swap3A_514] {strides = array<i32>} : memref<2x128xi32, #tpu.memory_space<vmem>>, vector<16xi32>,
      tpu.vector_store %arg12[%swap3A_513, %swap3A_514], %add3A_511 {strides = array<i32>} : memref<2x128xi32, #tpu.memory_space<vmem>>, vector<16xi32>,
      %get3A_516 = arith.constant 0 : i32
      %get3A_517 = arith.index_cast %get3A_516 : i32 to index
      %get3A_518 = arith.constant 112 : index
      %get3A_519 = tpu.vector_load %arg11[%get3A_517, %get3A_518] {strides = array<i32>} : memref<2x128xi32, #tpu.memory_space<vmem>>, vector<16xi32>,
      %swap3A_520 = arith.constant 0 : i32
      %swap3A_521 = arith.index_cast %swap3A_520 : i32 to index
      %swap3A_522 = arith.constant 112 : index
      %swap3A_523 = tpu.vector_load %arg13[%swap3A_521, %swap3A_522] {strides = array<i32>} : memref<2x128xi32, #tpu.memory_space<vmem>>, vector<16xi32>,
      tpu.vector_store %arg13[%swap3A_521, %swap3A_522], %get3A_519 {strides = array<i32>} : memref<2x128xi32, #tpu.memory_space<vmem>>, vector<16xi32>,
      %add3A_524 = arith.constant 2 : i32
      %add3A_525 = arith.addi %add3A_294, %add3A_524 : i32
      %le3A = arith.constant 199 : i32
      %le3A_526 = arith.cmpi sle, %add3A_525, %le3A : i32
      %convert_element_type3A = arith.extui %le3A_526 : i1 to i32
      %cond3A = arith.constant 0 : i32
      %cond3A_527 = arith.cmpi ne, %convert_element_type3A, %cond3A : i32
      scf.if %cond3A_527 {
        %add3A_837 = arith.constant 2 : i32
        %add3A_838 = arith.addi %add3A_294, %add3A_837 : i32
        %shift_right_logical3A_839 = arith.constant 2 : i32
        %shift_right_logical3A_840 = arith.shrui %add3A_838, %shift_right_logical3A_839 : i32
        %mul3A_841 = arith.constant 4 : i32
        %mul3A_842 = arith.muli %add3A, %mul3A_841 : i32
        %and3A_843 = arith.constant 3 : i32
        %and3A_844 = arith.andi %add3A_838, %and3A_843 : i32
        %add3A_845 = arith.addi %mul3A_842, %and3A_844 : i32
        %mul3A_846 = arith.constant 16384 : i32
        %mul3A_847 = arith.muli %shift_right_logical3A_840, %mul3A_846 : i32
        %mul3A_848 = arith.constant 128 : i32
        %mul3A_849 = arith.muli %add3A_845, %mul3A_848 : i32
        %add3A_850 = arith.addi %mul3A_847, %mul3A_849 : i32
        %dma_start3A_851 = arith.constant 0 : i32
        %dma_start3A_852 = arith.constant 0 : i32
        %dma_start3A_853 = tpu.memref_slice %arg9[%dma_start3A_851, %dma_start3A_852] : memref<2x128xi32, #tpu.memory_space<vmem>> -> memref<1x128xi32, #tpu.memory_space<vmem>>
        %dma_start3A_854 = tpu.memref_squeeze %dma_start3A_853 : memref<1x128xi32, #tpu.memory_space<vmem>> -> memref<128xi32, #tpu.memory_space<vmem>>
        %dma_start3A_855 = tpu.memref_slice %arg2[%add3A_850] : memref<819200xi32, #tpu.memory_space<hbm>> -> memref<128xi32, #tpu.memory_space<hbm>>
        %dma_start3A_856 = arith.constant 0 : i32
        %dma_start3A_857 = tpu.memref_slice %arg9[%dma_start3A_851, %dma_start3A_856] : memref<2x128xi32, #tpu.memory_space<vmem>> -> memref<1x128xi32, #tpu.memory_space<vmem>>
        %dma_start3A_858 = tpu.memref_squeeze %dma_start3A_857 : memref<1x128xi32, #tpu.memory_space<vmem>> -> memref<128xi32, #tpu.memory_space<vmem>>
        %dma_start3A_859 = tpu.memref_slice %arg2[%add3A_850] : memref<819200xi32, #tpu.memory_space<hbm>> -> memref<128xi32, #tpu.memory_space<hbm>>
        tpu.enqueue_dma source(%dma_start3A_859 : memref<128xi32, #tpu.memory_space<hbm>>) target(%dma_start3A_858 : memref<128xi32, #tpu.memory_space<vmem>>) target_semaphore(%arg18 : memref<!tpu.dma_semaphore, #tpu.memory_space<semaphore_mem>>)
        %dma_start3A_860 = arith.constant 0 : i32
        %dma_start3A_861 = arith.constant 0 : i32
        %dma_start3A_862 = tpu.memref_slice %arg10[%dma_start3A_860, %dma_start3A_861] : memref<2x128xi32, #tpu.memory_space<vmem>> -> memref<1x128xi32, #tpu.memory_space<vmem>>
        %dma_start3A_863 = tpu.memref_squeeze %dma_start3A_862 : memref<1x128xi32, #tpu.memory_space<vmem>> -> memref<128xi32, #tpu.memory_space<vmem>>
        %dma_start3A_864 = tpu.memref_slice %arg3[%add3A_850] : memref<819200xi32, #tpu.memory_space<hbm>> -> memref<128xi32, #tpu.memory_space<hbm>>
        %dma_start3A_865 = arith.constant 0 : i32
        %dma_start3A_866 = tpu.memref_slice %arg10[%dma_start3A_860, %dma_start3A_865] : memref<2x128xi32, #tpu.memory_space<vmem>> -> memref<1x128xi32, #tpu.memory_space<vmem>>
        %dma_start3A_867 = tpu.memref_squeeze %dma_start3A_866 : memref<1x128xi32, #tpu.memory_space<vmem>> -> memref<128xi32, #tpu.memory_space<vmem>>
        %dma_start3A_868 = tpu.memref_slice %arg3[%add3A_850] : memref<819200xi32, #tpu.memory_space<hbm>> -> memref<128xi32, #tpu.memory_space<hbm>>
        tpu.enqueue_dma source(%dma_start3A_868 : memref<128xi32, #tpu.memory_space<hbm>>) target(%dma_start3A_867 : memref<128xi32, #tpu.memory_space<vmem>>) target_semaphore(%arg18 : memref<!tpu.dma_semaphore, #tpu.memory_space<semaphore_mem>>)
        %dma_start3A_869 = arith.constant 0 : i32
        %dma_start3A_870 = arith.constant 0 : i32
        %dma_start3A_871 = tpu.memref_slice %arg11[%dma_start3A_869, %dma_start3A_870] : memref<2x128xi32, #tpu.memory_space<vmem>> -> memref<1x128xi32, #tpu.memory_space<vmem>>
        %dma_start3A_872 = tpu.memref_squeeze %dma_start3A_871 : memref<1x128xi32, #tpu.memory_space<vmem>> -> memref<128xi32, #tpu.memory_space<vmem>>
        %dma_start3A_873 = tpu.memref_slice %arg4[%add3A_850] : memref<819200xi32, #tpu.memory_space<hbm>> -> memref<128xi32, #tpu.memory_space<hbm>>
        %dma_start3A_874 = arith.constant 0 : i32
        %dma_start3A_875 = tpu.memref_slice %arg11[%dma_start3A_869, %dma_start3A_874] : memref<2x128xi32, #tpu.memory_space<vmem>> -> memref<1x128xi32, #tpu.memory_space<vmem>>
        %dma_start3A_876 = tpu.memref_squeeze %dma_start3A_875 : memref<1x128xi32, #tpu.memory_space<vmem>> -> memref<128xi32, #tpu.memory_space<vmem>>
        %dma_start3A_877 = tpu.memref_slice %arg4[%add3A_850] : memref<819200xi32, #tpu.memory_space<hbm>> -> memref<128xi32, #tpu.memory_space<hbm>>
        tpu.enqueue_dma source(%dma_start3A_877 : memref<128xi32, #tpu.memory_space<hbm>>) target(%dma_start3A_876 : memref<128xi32, #tpu.memory_space<vmem>>) target_semaphore(%arg18 : memref<!tpu.dma_semaphore, #tpu.memory_space<semaphore_mem>>)
      } else {
      }
      %ge3A = arith.constant 2 : i32
      %ge3A_528 = arith.cmpi sge, %add3A_294, %ge3A : i32
      %convert_element_type3A_529 = arith.extui %ge3A_528 : i1 to i32
      %cond3A_530 = arith.constant 0 : i32
      %cond3A_531 = arith.cmpi ne, %convert_element_type3A_529, %cond3A_530 : i32
      scf.if %cond3A_531 {
        %sub3A = arith.constant 2 : i32
        %sub3A_837 = arith.subi %add3A_294, %sub3A : i32
        %shift_right_logical3A_838 = arith.constant 2 : i32
        %shift_right_logical3A_839 = arith.shrui %sub3A_837, %shift_right_logical3A_838 : i32
        %mul3A_840 = arith.constant 4 : i32
        %mul3A_841 = arith.muli %add3A, %mul3A_840 : i32
        %and3A_842 = arith.constant 3 : i32
        %and3A_843 = arith.andi %sub3A_837, %and3A_842 : i32
        %add3A_844 = arith.addi %mul3A_841, %and3A_843 : i32
        %mul3A_845 = arith.constant 8 : i32
        %mul3A_846 = arith.muli %shift_right_logical3A_839, %mul3A_845 : i32
        %mul3A_847 = arith.constant 8 : i32
        %mul3A_848 = arith.muli %shift_right_logical3A_839, %mul3A_847 : i32
        %dma_wait3A_849 = arith.constant 0 : i32
        %dma_wait3A_850 = arith.constant 0 : i32
        %dma_wait3A_851 = arith.constant 0 : i32
        %dma_wait3A_852 = arith.constant 0 : i32
        %dma_wait3A_853 = arith.constant 0 : i32
        %dma_wait3A_854 = tpu.memref_slice %arg16[%dma_wait3A_849, %dma_wait3A_850, %dma_wait3A_851, %dma_wait3A_852, %dma_wait3A_853] : memref<2x8x1x8x129xf32, #tpu.memory_space<vmem>> -> memref<1x8x1x8x128xf32, #tpu.memory_space<vmem>>
        %dma_wait3A_855 = tpu.memref_squeeze %dma_wait3A_854 : memref<1x8x1x8x128xf32, #tpu.memory_space<vmem>> -> memref<8x1x8x128xf32, #tpu.memory_space<vmem>>
        %dma_wait3A_856 = arith.constant 0 : i32
        %dma_wait3A_857 = arith.constant 0 : i32
        %dma_wait3A_858 = tpu.memref_slice %arg7[%mul3A_846, %add3A_844, %dma_wait3A_856, %dma_wait3A_857] : memref<400x128x8x128xf32, #tpu.memory_space<hbm>> -> memref<8x1x8x128xf32, #tpu.memory_space<hbm>>
        %dma_wait3A_859 = arith.constant 0 : i32
        %dma_wait3A_860 = arith.constant 0 : i32
        %dma_wait3A_861 = tpu.memref_slice %arg7[%mul3A_846, %add3A_844, %dma_wait3A_859, %dma_wait3A_860] : memref<400x128x8x128xf32, #tpu.memory_space<hbm>> -> memref<8x1x8x128xf32, #tpu.memory_space<hbm>>
        %dma_wait3A_862 = arith.constant 0 : i32
        %dma_wait3A_863 = arith.constant 0 : i32
        %dma_wait3A_864 = arith.constant 0 : i32
        %dma_wait3A_865 = arith.constant 0 : i32
        %dma_wait3A_866 = tpu.memref_slice %arg16[%dma_wait3A_849, %dma_wait3A_862, %dma_wait3A_863, %dma_wait3A_864, %dma_wait3A_865] : memref<2x8x1x8x129xf32, #tpu.memory_space<vmem>> -> memref<1x8x1x8x128xf32, #tpu.memory_space<vmem>>
        %dma_wait3A_867 = tpu.memref_squeeze %dma_wait3A_866 : memref<1x8x1x8x128xf32, #tpu.memory_space<vmem>> -> memref<8x1x8x128xf32, #tpu.memory_space<vmem>>
        tpu.wait_dma2 semaphore(%arg22 : memref<!tpu.dma_semaphore, #tpu.memory_space<semaphore_mem>>) src(%dma_wait3A_867 : memref<8x1x8x128xf32, #tpu.memory_space<vmem>>) dst(%dma_wait3A_861 : memref<8x1x8x128xf32, #tpu.memory_space<hbm>>)
        %dma_wait3A_868 = arith.constant 0 : i32
        %dma_wait3A_869 = arith.constant 0 : i32
        %dma_wait3A_870 = arith.constant 0 : i32
        %dma_wait3A_871 = arith.constant 0 : i32
        %dma_wait3A_872 = arith.constant 0 : i32
        %dma_wait3A_873 = tpu.memref_slice %arg17[%dma_wait3A_868, %dma_wait3A_869, %dma_wait3A_870, %dma_wait3A_871, %dma_wait3A_872] : memref<2x8x1x8x129xf32, #tpu.memory_space<vmem>> -> memref<1x8x1x8x128xf32, #tpu.memory_space<vmem>>
        %dma_wait3A_874 = tpu.memref_squeeze %dma_wait3A_873 : memref<1x8x1x8x128xf32, #tpu.memory_space<vmem>> -> memref<8x1x8x128xf32, #tpu.memory_space<vmem>>
        %dma_wait3A_875 = arith.constant 0 : i32
        %dma_wait3A_876 = arith.constant 0 : i32
        %dma_wait3A_877 = tpu.memref_slice %arg8[%mul3A_848, %add3A_844, %dma_wait3A_875, %dma_wait3A_876] : memref<400x128x8x128xf32, #tpu.memory_space<hbm>> -> memref<8x1x8x128xf32, #tpu.memory_space<hbm>>
        %dma_wait3A_878 = arith.constant 0 : i32
        %dma_wait3A_879 = arith.constant 0 : i32
        %dma_wait3A_880 = tpu.memref_slice %arg8[%mul3A_848, %add3A_844, %dma_wait3A_878, %dma_wait3A_879] : memref<400x128x8x128xf32, #tpu.memory_space<hbm>> -> memref<8x1x8x128xf32, #tpu.memory_space<hbm>>
        %dma_wait3A_881 = arith.constant 0 : i32
        %dma_wait3A_882 = arith.constant 0 : i32
        %dma_wait3A_883 = arith.constant 0 : i32
        %dma_wait3A_884 = arith.constant 0 : i32
        %dma_wait3A_885 = tpu.memref_slice %arg17[%dma_wait3A_868, %dma_wait3A_881, %dma_wait3A_882, %dma_wait3A_883, %dma_wait3A_884] : memref<2x8x1x8x129xf32, #tpu.memory_space<vmem>> -> memref<1x8x1x8x128xf32, #tpu.memory_space<vmem>>
        %dma_wait3A_886 = tpu.memref_squeeze %dma_wait3A_885 : memref<1x8x1x8x128xf32, #tpu.memory_space<vmem>> -> memref<8x1x8x128xf32, #tpu.memory_space<vmem>>
        tpu.wait_dma2 semaphore(%arg22 : memref<!tpu.dma_semaphore, #tpu.memory_space<semaphore_mem>>) src(%dma_wait3A_886 : memref<8x1x8x128xf32, #tpu.memory_space<vmem>>) dst(%dma_wait3A_880 : memref<8x1x8x128xf32, #tpu.memory_space<hbm>>)
      } else {
      }
      %dma_start3A_532 = arith.constant 0 : i32
      %dma_start3A_533 = arith.constant 0 : i32
      %dma_start3A_534 = arith.constant 0 : i32
      %dma_start3A_535 = arith.constant 0 : i32
      %dma_start3A_536 = tpu.memref_slice %arg14[%dma_start3A_533, %dma_start3A_534, %dma_start3A_535] : memref<2x128x32xi32, #tpu.memory_space<vmem>> -> memref<1x128x32xi32, #tpu.memory_space<vmem>>
      %dma_start3A_537 = tpu.memref_squeeze %dma_start3A_536 : memref<1x128x32xi32, #tpu.memory_space<vmem>> -> memref<128x32xi32, #tpu.memory_space<vmem>>
      %dma_start3A_538 = arith.constant 0 : i32
      %dma_start3A_539 = tpu.memref_slice %arg12[%dma_start3A_532, %dma_start3A_538] : memref<2x128xi32, #tpu.memory_space<vmem>> -> memref<1x128xi32, #tpu.memory_space<vmem>>
      %dma_start3A_540 = tpu.memref_squeeze %dma_start3A_539 : memref<1x128xi32, #tpu.memory_space<vmem>> -> memref<128xi32, #tpu.memory_space<vmem>>
      %dma_start3A_541 = arith.constant 0 : i32
      %dma_start3A_542 = arith.constant 0 : i32
      %dma_start3A_543 = tpu.memref_slice %arg5[%dma_start3A_541, %dma_start3A_542] : memref<2048x32xi32, #tpu.memory_space<hbm>> -> memref<2048x32xi32, #tpu.memory_space<hbm>>
      tpu.enqueue_indirect_dma source(%dma_start3A_543 : memref<2048x32xi32, #tpu.memory_space<hbm>>) target(%dma_start3A_537 : memref<128x32xi32, #tpu.memory_space<vmem>>) offsets(%dma_start3A_540 : memref<128xi32, #tpu.memory_space<vmem>>) semaphore(%arg20 : memref<!tpu.dma_semaphore, #tpu.memory_space<semaphore_mem>>)
      %dma_start3A_544 = arith.constant 0 : i32
      %dma_start3A_545 = arith.constant 0 : i32
      %dma_start3A_546 = arith.constant 0 : i32
      %dma_start3A_547 = arith.constant 0 : i32
      %dma_start3A_548 = tpu.memref_slice %arg15[%dma_start3A_545, %dma_start3A_546, %dma_start3A_547] : memref<2x128x32xi32, #tpu.memory_space<vmem>> -> memref<1x128x32xi32, #tpu.memory_space<vmem>>
      %dma_start3A_549 = tpu.memref_squeeze %dma_start3A_548 : memref<1x128x32xi32, #tpu.memory_space<vmem>> -> memref<128x32xi32, #tpu.memory_space<vmem>>
      %dma_start3A_550 = arith.constant 0 : i32
      %dma_start3A_551 = tpu.memref_slice %arg13[%dma_start3A_544, %dma_start3A_550] : memref<2x128xi32, #tpu.memory_space<vmem>> -> memref<1x128xi32, #tpu.memory_space<vmem>>
      %dma_start3A_552 = tpu.memref_squeeze %dma_start3A_551 : memref<1x128xi32, #tpu.memory_space<vmem>> -> memref<128xi32, #tpu.memory_space<vmem>>
      %dma_start3A_553 = arith.constant 0 : i32
      %dma_start3A_554 = arith.constant 0 : i32
      %dma_start3A_555 = tpu.memref_slice %arg6[%dma_start3A_553, %dma_start3A_554] : memref<100000x32xi32, #tpu.memory_space<hbm>> -> memref<100000x32xi32, #tpu.memory_space<hbm>>
      tpu.enqueue_indirect_dma source(%dma_start3A_555 : memref<100000x32xi32, #tpu.memory_space<hbm>>) target(%dma_start3A_549 : memref<128x32xi32, #tpu.memory_space<vmem>>) offsets(%dma_start3A_552 : memref<128xi32, #tpu.memory_space<vmem>>) semaphore(%arg20 : memref<!tpu.dma_semaphore, #tpu.memory_space<semaphore_mem>>)
      %ge3A_556 = arith.constant 1 : i32
      %ge3A_557 = arith.cmpi sge, %add3A_294, %ge3A_556 : i32
      %convert_element_type3A_558 = arith.extui %ge3A_557 : i1 to i32
      %cond3A_559 = arith.constant 0 : i32
      %cond3A_560 = arith.cmpi ne, %convert_element_type3A_558, %cond3A_559 : i32
      scf.if %cond3A_560 {
        %dma_wait3A_837 = arith.constant 1 : i32
        %dma_wait3A_838 = arith.constant 1 : i32
        %dma_wait3A_839 = arith.constant 0 : i32
        %dma_wait3A_840 = arith.constant 0 : i32
        %dma_wait3A_841 = tpu.memref_slice %arg14[%dma_wait3A_838, %dma_wait3A_839, %dma_wait3A_840] : memref<2x128x32xi32, #tpu.memory_space<vmem>> -> memref<1x128x32xi32, #tpu.memory_space<vmem>>
        %dma_wait3A_842 = tpu.memref_squeeze %dma_wait3A_841 : memref<1x128x32xi32, #tpu.memory_space<vmem>> -> memref<128x32xi32, #tpu.memory_space<vmem>>
        %dma_wait3A_843 = arith.constant 0 : i32
        %dma_wait3A_844 = tpu.memref_slice %arg12[%dma_wait3A_837, %dma_wait3A_843] : memref<2x128xi32, #tpu.memory_space<vmem>> -> memref<1x128xi32, #tpu.memory_space<vmem>>
        %dma_wait3A_845 = tpu.memref_squeeze %dma_wait3A_844 : memref<1x128xi32, #tpu.memory_space<vmem>> -> memref<128xi32, #tpu.memory_space<vmem>>
        %dma_wait3A_846 = arith.constant 0 : i32
        %dma_wait3A_847 = arith.constant 0 : i32
        %dma_wait3A_848 = tpu.memref_slice %arg5[%dma_wait3A_846, %dma_wait3A_847] : memref<2048x32xi32, #tpu.memory_space<hbm>> -> memref<2048x32xi32, #tpu.memory_space<hbm>>
        tpu.wait_indirect_dma semaphore(%arg21 : memref<!tpu.dma_semaphore, #tpu.memory_space<semaphore_mem>>) src(%dma_wait3A_848 : memref<2048x32xi32, #tpu.memory_space<hbm>>) dst(%dma_wait3A_842 : memref<128x32xi32, #tpu.memory_space<vmem>>)
        %dma_wait3A_849 = arith.constant 1 : i32
        %dma_wait3A_850 = arith.constant 1 : i32
        %dma_wait3A_851 = arith.constant 0 : i32
        %dma_wait3A_852 = arith.constant 0 : i32
        %dma_wait3A_853 = tpu.memref_slice %arg15[%dma_wait3A_850, %dma_wait3A_851, %dma_wait3A_852] : memref<2x128x32xi32, #tpu.memory_space<vmem>> -> memref<1x128x32xi32, #tpu.memory_space<vmem>>
        %dma_wait3A_854 = tpu.memref_squeeze %dma_wait3A_853 : memref<1x128x32xi32, #tpu.memory_space<vmem>> -> memref<128x32xi32, #tpu.memory_space<vmem>>
        %dma_wait3A_855 = arith.constant 0 : i32
        %dma_wait3A_856 = tpu.memref_slice %arg13[%dma_wait3A_849, %dma_wait3A_855] : memref<2x128xi32, #tpu.memory_space<vmem>> -> memref<1x128xi32, #tpu.memory_space<vmem>>
        %dma_wait3A_857 = tpu.memref_squeeze %dma_wait3A_856 : memref<1x128xi32, #tpu.memory_space<vmem>> -> memref<128xi32, #tpu.memory_space<vmem>>
        %dma_wait3A_858 = arith.constant 0 : i32
        %dma_wait3A_859 = arith.constant 0 : i32
        %dma_wait3A_860 = tpu.memref_slice %arg6[%dma_wait3A_858, %dma_wait3A_859] : memref<100000x32xi32, #tpu.memory_space<hbm>> -> memref<100000x32xi32, #tpu.memory_space<hbm>>
        tpu.wait_indirect_dma semaphore(%arg21 : memref<!tpu.dma_semaphore, #tpu.memory_space<semaphore_mem>>) src(%dma_wait3A_860 : memref<100000x32xi32, #tpu.memory_space<hbm>>) dst(%dma_wait3A_854 : memref<128x32xi32, #tpu.memory_space<vmem>>)
        %parallel_loop3A_861 = arith.constant 0 : i32
        %parallel_loop3A_862 = arith.constant 128 : i32
        %parallel_loop3A_863 = arith.constant 2 : i32
        scf.for %parallel_loop3A_914 = %parallel_loop3A_861 to %parallel_loop3A_862 step %parallel_loop3A_863  : i32 {
          %parallel_loop3A_915 = arith.constant 0 : i32
          %parallel_loop3A_916 = arith.addi %parallel_loop3A_914, %parallel_loop3A_915 : i32
          %parallel_loop3A_917 = vector.broadcast %parallel_loop3A_916 : i32 to vector<16xi32>
          %parallel_loop3A_918 = arith.constant 1 : i32
          %parallel_loop3A_919 = arith.index_cast %parallel_loop3A_918 : i32 to index
          %parallel_loop3A_920 = arith.index_cast %parallel_loop3A_916 : i32 to index
          %parallel_loop3A_921 = arith.constant 0 : index
          %parallel_loop3A_922 = tpu.vector_load %arg14[%parallel_loop3A_919, %parallel_loop3A_920, %parallel_loop3A_921] {strides = array<i32>} : memref<2x128x32xi32, #tpu.memory_space<vmem>>, vector<16xi32>,
          %parallel_loop3A_923 = arith.constant 16 : i32
          %parallel_loop3A_924 = vector.broadcast %parallel_loop3A_923 : i32 to vector<16xi32>
          %parallel_loop3A_925 = arith.shli %parallel_loop3A_922, %parallel_loop3A_924 : vector<16xi32>
          %parallel_loop3A_926 = vector.bitcast %parallel_loop3A_925 : vector<16xi32> to vector<16xf32>
          %parallel_loop3A_927 = arith.constant -65536 : i32
          %parallel_loop3A_928 = vector.broadcast %parallel_loop3A_927 : i32 to vector<16xi32>
          %parallel_loop3A_929 = arith.andi %parallel_loop3A_922, %parallel_loop3A_928 : vector<16xi32>
          %parallel_loop3A_930 = vector.bitcast %parallel_loop3A_929 : vector<16xi32> to vector<16xf32>
          %parallel_loop3A_931 = arith.constant 1 : i32
          %parallel_loop3A_932 = arith.constant 0 : i32
          %parallel_loop3A_933 = arith.constant 0 : i32
          %parallel_loop3A_934 = arith.constant 0 : i32
          %parallel_loop3A_935 = arith.constant 0 : i32
          %parallel_loop3A_936 = tpu.memref_slice %arg16[%parallel_loop3A_931, %parallel_loop3A_932, %parallel_loop3A_933, %parallel_loop3A_934, %parallel_loop3A_935] : memref<2x8x1x8x129xf32, #tpu.memory_space<vmem>> -> memref<1x8x1x8x129xf32, #tpu.memory_space<vmem>>
          %parallel_loop3A_937 = tpu.memref_squeeze %parallel_loop3A_936 : memref<1x8x1x8x129xf32, #tpu.memory_space<vmem>> -> memref<8x1x8x129xf32, #tpu.memory_space<vmem>>
          tpu.vector_store_idx %parallel_loop3A_937[%shift_right_logical3A_6, %broadcast_in_dim3A_1, %and3A_8, %parallel_loop3A_917], %parallel_loop3A_926 : memref<8x1x8x129xf32, #tpu.memory_space<vmem>>[vector<16xi32>, vector<16xi32>, vector<16xi32>, vector<16xi32>], vector<16xf32>,
          %parallel_loop3A_938 = arith.constant 1 : i32
          %parallel_loop3A_939 = arith.constant 0 : i32
          %parallel_loop3A_940 = arith.constant 0 : i32
          %parallel_loop3A_941 = arith.constant 0 : i32
          %parallel_loop3A_942 = arith.constant 0 : i32
          %parallel_loop3A_943 = tpu.memref_slice %arg16[%parallel_loop3A_938, %parallel_loop3A_939, %parallel_loop3A_940, %parallel_loop3A_941, %parallel_loop3A_942] : memref<2x8x1x8x129xf32, #tpu.memory_space<vmem>> -> memref<1x8x1x8x129xf32, #tpu.memory_space<vmem>>
          %parallel_loop3A_944 = tpu.memref_squeeze %parallel_loop3A_943 : memref<1x8x1x8x129xf32, #tpu.memory_space<vmem>> -> memref<8x1x8x129xf32, #tpu.memory_space<vmem>>
          tpu.vector_store_idx %parallel_loop3A_944[%shift_right_logical3A_14, %broadcast_in_dim3A_1, %and3A_17, %parallel_loop3A_917], %parallel_loop3A_930 : memref<8x1x8x129xf32, #tpu.memory_space<vmem>>[vector<16xi32>, vector<16xi32>, vector<16xi32>, vector<16xi32>], vector<16xf32>,
          %parallel_loop3A_945 = arith.constant 1 : i32
          %parallel_loop3A_946 = arith.index_cast %parallel_loop3A_945 : i32 to index
          %parallel_loop3A_947 = arith.index_cast %parallel_loop3A_916 : i32 to index
          %parallel_loop3A_948 = arith.constant 0 : index
          %parallel_loop3A_949 = tpu.vector_load %arg15[%parallel_loop3A_946, %parallel_loop3A_947, %parallel_loop3A_948] {strides = array<i32>} : memref<2x128x32xi32, #tpu.memory_space<vmem>>, vector<16xi32>,
          %parallel_loop3A_950 = arith.constant 16 : i32
          %parallel_loop3A_951 = vector.broadcast %parallel_loop3A_950 : i32 to vector<16xi32>
          %parallel_loop3A_952 = arith.shli %parallel_loop3A_949, %parallel_loop3A_951 : vector<16xi32>
          %parallel_loop3A_953 = vector.bitcast %parallel_loop3A_952 : vector<16xi32> to vector<16xf32>
          %parallel_loop3A_954 = arith.constant -65536 : i32
          %parallel_loop3A_955 = vector.broadcast %parallel_loop3A_954 : i32 to vector<16xi32>
          %parallel_loop3A_956 = arith.andi %parallel_loop3A_949, %parallel_loop3A_955 : vector<16xi32>
          %parallel_loop3A_957 = vector.bitcast %parallel_loop3A_956 : vector<16xi32> to vector<16xf32>
          %parallel_loop3A_958 = arith.constant 1 : i32
          %parallel_loop3A_959 = arith.constant 0 : i32
          %parallel_loop3A_960 = arith.constant 0 : i32
          %parallel_loop3A_961 = arith.constant 0 : i32
          %parallel_loop3A_962 = arith.constant 0 : i32
          %parallel_loop3A_963 = tpu.memref_slice %arg17[%parallel_loop3A_958, %parallel_loop3A_959, %parallel_loop3A_960, %parallel_loop3A_961, %parallel_loop3A_962] : memref<2x8x1x8x129xf32, #tpu.memory_space<vmem>> -> memref<1x8x1x8x129xf32, #tpu.memory_space<vmem>>
          %parallel_loop3A_964 = tpu.memref_squeeze %parallel_loop3A_963 : memref<1x8x1x8x129xf32, #tpu.memory_space<vmem>> -> memref<8x1x8x129xf32, #tpu.memory_space<vmem>>
          tpu.vector_store_idx %parallel_loop3A_964[%shift_right_logical3A_6, %broadcast_in_dim3A_1, %and3A_8, %parallel_loop3A_917], %parallel_loop3A_953 : memref<8x1x8x129xf32, #tpu.memory_space<vmem>>[vector<16xi32>, vector<16xi32>, vector<16xi32>, vector<16xi32>], vector<16xf32>,
          %parallel_loop3A_965 = arith.constant 1 : i32
          %parallel_loop3A_966 = arith.constant 0 : i32
          %parallel_loop3A_967 = arith.constant 0 : i32
          %parallel_loop3A_968 = arith.constant 0 : i32
          %parallel_loop3A_969 = arith.constant 0 : i32
          %parallel_loop3A_970 = tpu.memref_slice %arg17[%parallel_loop3A_965, %parallel_loop3A_966, %parallel_loop3A_967, %parallel_loop3A_968, %parallel_loop3A_969] : memref<2x8x1x8x129xf32, #tpu.memory_space<vmem>> -> memref<1x8x1x8x129xf32, #tpu.memory_space<vmem>>
          %parallel_loop3A_971 = tpu.memref_squeeze %parallel_loop3A_970 : memref<1x8x1x8x129xf32, #tpu.memory_space<vmem>> -> memref<8x1x8x129xf32, #tpu.memory_space<vmem>>
          tpu.vector_store_idx %parallel_loop3A_971[%shift_right_logical3A_14, %broadcast_in_dim3A_1, %and3A_17, %parallel_loop3A_917], %parallel_loop3A_957 : memref<8x1x8x129xf32, #tpu.memory_space<vmem>>[vector<16xi32>, vector<16xi32>, vector<16xi32>, vector<16xi32>], vector<16xf32>,
          %parallel_loop3A_972 = arith.constant 1 : i32
          %parallel_loop3A_973 = arith.index_cast %parallel_loop3A_972 : i32 to index
          %parallel_loop3A_974 = arith.index_cast %parallel_loop3A_916 : i32 to index
          %parallel_loop3A_975 = arith.constant 16 : index
          %parallel_loop3A_976 = tpu.vector_load %arg14[%parallel_loop3A_973, %parallel_loop3A_974, %parallel_loop3A_975] {strides = array<i32>} : memref<2x128x32xi32, #tpu.memory_space<vmem>>, vector<16xi32>,
          %parallel_loop3A_977 = arith.constant 16 : i32
          %parallel_loop3A_978 = vector.broadcast %parallel_loop3A_977 : i32 to vector<16xi32>
          %parallel_loop3A_979 = arith.shli %parallel_loop3A_976, %parallel_loop3A_978 : vector<16xi32>
          %parallel_loop3A_980 = vector.bitcast %parallel_loop3A_979 : vector<16xi32> to vector<16xf32>
          %parallel_loop3A_981 = arith.constant -65536 : i32
          %parallel_loop3A_982 = vector.broadcast %parallel_loop3A_981 : i32 to vector<16xi32>
          %parallel_loop3A_983 = arith.andi %parallel_loop3A_976, %parallel_loop3A_982 : vector<16xi32>
          %parallel_loop3A_984 = vector.bitcast %parallel_loop3A_983 : vector<16xi32> to vector<16xf32>
          %parallel_loop3A_985 = arith.constant 1 : i32
          %parallel_loop3A_986 = arith.constant 0 : i32
          %parallel_loop3A_987 = arith.constant 0 : i32
          %parallel_loop3A_988 = arith.constant 0 : i32
          %parallel_loop3A_989 = arith.constant 0 : i32
          %parallel_loop3A_990 = tpu.memref_slice %arg16[%parallel_loop3A_985, %parallel_loop3A_986, %parallel_loop3A_987, %parallel_loop3A_988, %parallel_loop3A_989] : memref<2x8x1x8x129xf32, #tpu.memory_space<vmem>> -> memref<1x8x1x8x129xf32, #tpu.memory_space<vmem>>
          %parallel_loop3A_991 = tpu.memref_squeeze %parallel_loop3A_990 : memref<1x8x1x8x129xf32, #tpu.memory_space<vmem>> -> memref<8x1x8x129xf32, #tpu.memory_space<vmem>>
          tpu.vector_store_idx %parallel_loop3A_991[%shift_right_logical3A_23, %broadcast_in_dim3A_1, %and3A_26, %parallel_loop3A_917], %parallel_loop3A_980 : memref<8x1x8x129xf32, #tpu.memory_space<vmem>>[vector<16xi32>, vector<16xi32>, vector<16xi32>, vector<16xi32>], vector<16xf32>,
          %parallel_loop3A_992 = arith.constant 1 : i32
          %parallel_loop3A_993 = arith.constant 0 : i32
          %parallel_loop3A_994 = arith.constant 0 : i32
          %parallel_loop3A_995 = arith.constant 0 : i32
          %parallel_loop3A_996 = arith.constant 0 : i32
          %parallel_loop3A_997 = tpu.memref_slice %arg16[%parallel_loop3A_992, %parallel_loop3A_993, %parallel_loop3A_994, %parallel_loop3A_995, %parallel_loop3A_996] : memref<2x8x1x8x129xf32, #tpu.memory_space<vmem>> -> memref<1x8x1x8x129xf32, #tpu.memory_space<vmem>>
          %parallel_loop3A_998 = tpu.memref_squeeze %parallel_loop3A_997 : memref<1x8x1x8x129xf32, #tpu.memory_space<vmem>> -> memref<8x1x8x129xf32, #tpu.memory_space<vmem>>
          tpu.vector_store_idx %parallel_loop3A_998[%shift_right_logical3A_32, %broadcast_in_dim3A_1, %and3A_35, %parallel_loop3A_917], %parallel_loop3A_984 : memref<8x1x8x129xf32, #tpu.memory_space<vmem>>[vector<16xi32>, vector<16xi32>, vector<16xi32>, vector<16xi32>], vector<16xf32>,
          %parallel_loop3A_999 = arith.constant 1 : i32
          %parallel_loop3A_1000 = arith.index_cast %parallel_loop3A_999 : i32 to index
          %parallel_loop3A_1001 = arith.index_cast %parallel_loop3A_916 : i32 to index
          %parallel_loop3A_1002 = arith.constant 16 : index
          %parallel_loop3A_1003 = tpu.vector_load %arg15[%parallel_loop3A_1000, %parallel_loop3A_1001, %parallel_loop3A_1002] {strides = array<i32>} : memref<2x128x32xi32, #tpu.memory_space<vmem>>, vector<16xi32>,
          %parallel_loop3A_1004 = arith.constant 16 : i32
          %parallel_loop3A_1005 = vector.broadcast %parallel_loop3A_1004 : i32 to vector<16xi32>
          %parallel_loop3A_1006 = arith.shli %parallel_loop3A_1003, %parallel_loop3A_1005 : vector<16xi32>
          %parallel_loop3A_1007 = vector.bitcast %parallel_loop3A_1006 : vector<16xi32> to vector<16xf32>
          %parallel_loop3A_1008 = arith.constant -65536 : i32
          %parallel_loop3A_1009 = vector.broadcast %parallel_loop3A_1008 : i32 to vector<16xi32>
          %parallel_loop3A_1010 = arith.andi %parallel_loop3A_1003, %parallel_loop3A_1009 : vector<16xi32>
          %parallel_loop3A_1011 = vector.bitcast %parallel_loop3A_1010 : vector<16xi32> to vector<16xf32>
          %parallel_loop3A_1012 = arith.constant 1 : i32
          %parallel_loop3A_1013 = arith.constant 0 : i32
          %parallel_loop3A_1014 = arith.constant 0 : i32
          %parallel_loop3A_1015 = arith.constant 0 : i32
          %parallel_loop3A_1016 = arith.constant 0 : i32
          %parallel_loop3A_1017 = tpu.memref_slice %arg17[%parallel_loop3A_1012, %parallel_loop3A_1013, %parallel_loop3A_1014, %parallel_loop3A_1015, %parallel_loop3A_1016] : memref<2x8x1x8x129xf32, #tpu.memory_space<vmem>> -> memref<1x8x1x8x129xf32, #tpu.memory_space<vmem>>
          %parallel_loop3A_1018 = tpu.memref_squeeze %parallel_loop3A_1017 : memref<1x8x1x8x129xf32, #tpu.memory_space<vmem>> -> memref<8x1x8x129xf32, #tpu.memory_space<vmem>>
          tpu.vector_store_idx %parallel_loop3A_1018[%shift_right_logical3A_23, %broadcast_in_dim3A_1, %and3A_26, %parallel_loop3A_917], %parallel_loop3A_1007 : memref<8x1x8x129xf32, #tpu.memory_space<vmem>>[vector<16xi32>, vector<16xi32>, vector<16xi32>, vector<16xi32>], vector<16xf32>,
          %parallel_loop3A_1019 = arith.constant 1 : i32
          %parallel_loop3A_1020 = arith.constant 0 : i32
          %parallel_loop3A_1021 = arith.constant 0 : i32
          %parallel_loop3A_1022 = arith.constant 0 : i32
          %parallel_loop3A_1023 = arith.constant 0 : i32
          %parallel_loop3A_1024 = tpu.memref_slice %arg17[%parallel_loop3A_1019, %parallel_loop3A_1020, %parallel_loop3A_1021, %parallel_loop3A_1022, %parallel_loop3A_1023] : memref<2x8x1x8x129xf32, #tpu.memory_space<vmem>> -> memref<1x8x1x8x129xf32, #tpu.memory_space<vmem>>
          %parallel_loop3A_1025 = tpu.memref_squeeze %parallel_loop3A_1024 : memref<1x8x1x8x129xf32, #tpu.memory_space<vmem>> -> memref<8x1x8x129xf32, #tpu.memory_space<vmem>>
          tpu.vector_store_idx %parallel_loop3A_1025[%shift_right_logical3A_32, %broadcast_in_dim3A_1, %and3A_35, %parallel_loop3A_917], %parallel_loop3A_1011 : memref<8x1x8x129xf32, #tpu.memory_space<vmem>>[vector<16xi32>, vector<16xi32>, vector<16xi32>, vector<16xi32>], vector<16xf32>,
          %parallel_loop3A_1026 = arith.constant 1 : i32
          %parallel_loop3A_1027 = arith.addi %parallel_loop3A_914, %parallel_loop3A_1026 : i32
          %parallel_loop3A_1028 = vector.broadcast %parallel_loop3A_1027 : i32 to vector<16xi32>
          %parallel_loop3A_1029 = arith.constant 1 : i32
          %parallel_loop3A_1030 = arith.index_cast %parallel_loop3A_1029 : i32 to index
          %parallel_loop3A_1031 = arith.index_cast %parallel_loop3A_1027 : i32 to index
          %parallel_loop3A_1032 = arith.constant 0 : index
          %parallel_loop3A_1033 = tpu.vector_load %arg14[%parallel_loop3A_1030, %parallel_loop3A_1031, %parallel_loop3A_1032] {strides = array<i32>} : memref<2x128x32xi32, #tpu.memory_space<vmem>>, vector<16xi32>,
          %parallel_loop3A_1034 = arith.constant 16 : i32
          %parallel_loop3A_1035 = vector.broadcast %parallel_loop3A_1034 : i32 to vector<16xi32>
          %parallel_loop3A_1036 = arith.shli %parallel_loop3A_1033, %parallel_loop3A_1035 : vector<16xi32>
          %parallel_loop3A_1037 = vector.bitcast %parallel_loop3A_1036 : vector<16xi32> to vector<16xf32>
          %parallel_loop3A_1038 = arith.constant -65536 : i32
          %parallel_loop3A_1039 = vector.broadcast %parallel_loop3A_1038 : i32 to vector<16xi32>
          %parallel_loop3A_1040 = arith.andi %parallel_loop3A_1033, %parallel_loop3A_1039 : vector<16xi32>
          %parallel_loop3A_1041 = vector.bitcast %parallel_loop3A_1040 : vector<16xi32> to vector<16xf32>
          %parallel_loop3A_1042 = arith.constant 1 : i32
          %parallel_loop3A_1043 = arith.constant 0 : i32
          %parallel_loop3A_1044 = arith.constant 0 : i32
          %parallel_loop3A_1045 = arith.constant 0 : i32
          %parallel_loop3A_1046 = arith.constant 0 : i32
          %parallel_loop3A_1047 = tpu.memref_slice %arg16[%parallel_loop3A_1042, %parallel_loop3A_1043, %parallel_loop3A_1044, %parallel_loop3A_1045, %parallel_loop3A_1046] : memref<2x8x1x8x129xf32, #tpu.memory_space<vmem>> -> memref<1x8x1x8x129xf32, #tpu.memory_space<vmem>>
          %parallel_loop3A_1048 = tpu.memref_squeeze %parallel_loop3A_1047 : memref<1x8x1x8x129xf32, #tpu.memory_space<vmem>> -> memref<8x1x8x129xf32, #tpu.memory_space<vmem>>
          tpu.vector_store_idx %parallel_loop3A_1048[%shift_right_logical3A_6, %broadcast_in_dim3A_1, %and3A_8, %parallel_loop3A_1028], %parallel_loop3A_1037 : memref<8x1x8x129xf32, #tpu.memory_space<vmem>>[vector<16xi32>, vector<16xi32>, vector<16xi32>, vector<16xi32>], vector<16xf32>,
          %parallel_loop3A_1049 = arith.constant 1 : i32
          %parallel_loop3A_1050 = arith.constant 0 : i32
          %parallel_loop3A_1051 = arith.constant 0 : i32
          %parallel_loop3A_1052 = arith.constant 0 : i32
          %parallel_loop3A_1053 = arith.constant 0 : i32
          %parallel_loop3A_1054 = tpu.memref_slice %arg16[%parallel_loop3A_1049, %parallel_loop3A_1050, %parallel_loop3A_1051, %parallel_loop3A_1052, %parallel_loop3A_1053] : memref<2x8x1x8x129xf32, #tpu.memory_space<vmem>> -> memref<1x8x1x8x129xf32, #tpu.memory_space<vmem>>
          %parallel_loop3A_1055 = tpu.memref_squeeze %parallel_loop3A_1054 : memref<1x8x1x8x129xf32, #tpu.memory_space<vmem>> -> memref<8x1x8x129xf32, #tpu.memory_space<vmem>>
          tpu.vector_store_idx %parallel_loop3A_1055[%shift_right_logical3A_14, %broadcast_in_dim3A_1, %and3A_17, %parallel_loop3A_1028], %parallel_loop3A_1041 : memref<8x1x8x129xf32, #tpu.memory_space<vmem>>[vector<16xi32>, vector<16xi32>, vector<16xi32>, vector<16xi32>], vector<16xf32>,
          %parallel_loop3A_1056 = arith.constant 1 : i32
          %parallel_loop3A_1057 = arith.index_cast %parallel_loop3A_1056 : i32 to index
          %parallel_loop3A_1058 = arith.index_cast %parallel_loop3A_1027 : i32 to index
          %parallel_loop3A_1059 = arith.constant 0 : index
          %parallel_loop3A_1060 = tpu.vector_load %arg15[%parallel_loop3A_1057, %parallel_loop3A_1058, %parallel_loop3A_1059] {strides = array<i32>} : memref<2x128x32xi32, #tpu.memory_space<vmem>>, vector<16xi32>,
          %parallel_loop3A_1061 = arith.constant 16 : i32
          %parallel_loop3A_1062 = vector.broadcast %parallel_loop3A_1061 : i32 to vector<16xi32>
          %parallel_loop3A_1063 = arith.shli %parallel_loop3A_1060, %parallel_loop3A_1062 : vector<16xi32>
          %parallel_loop3A_1064 = vector.bitcast %parallel_loop3A_1063 : vector<16xi32> to vector<16xf32>
          %parallel_loop3A_1065 = arith.constant -65536 : i32
          %parallel_loop3A_1066 = vector.broadcast %parallel_loop3A_1065 : i32 to vector<16xi32>
          %parallel_loop3A_1067 = arith.andi %parallel_loop3A_1060, %parallel_loop3A_1066 : vector<16xi32>
          %parallel_loop3A_1068 = vector.bitcast %parallel_loop3A_1067 : vector<16xi32> to vector<16xf32>
          %parallel_loop3A_1069 = arith.constant 1 : i32
          %parallel_loop3A_1070 = arith.constant 0 : i32
          %parallel_loop3A_1071 = arith.constant 0 : i32
          %parallel_loop3A_1072 = arith.constant 0 : i32
          %parallel_loop3A_1073 = arith.constant 0 : i32
          %parallel_loop3A_1074 = tpu.memref_slice %arg17[%parallel_loop3A_1069, %parallel_loop3A_1070, %parallel_loop3A_1071, %parallel_loop3A_1072, %parallel_loop3A_1073] : memref<2x8x1x8x129xf32, #tpu.memory_space<vmem>> -> memref<1x8x1x8x129xf32, #tpu.memory_space<vmem>>
          %parallel_loop3A_1075 = tpu.memref_squeeze %parallel_loop3A_1074 : memref<1x8x1x8x129xf32, #tpu.memory_space<vmem>> -> memref<8x1x8x129xf32, #tpu.memory_space<vmem>>
          tpu.vector_store_idx %parallel_loop3A_1075[%shift_right_logical3A_6, %broadcast_in_dim3A_1, %and3A_8, %parallel_loop3A_1028], %parallel_loop3A_1064 : memref<8x1x8x129xf32, #tpu.memory_space<vmem>>[vector<16xi32>, vector<16xi32>, vector<16xi32>, vector<16xi32>], vector<16xf32>,
          %parallel_loop3A_1076 = arith.constant 1 : i32
          %parallel_loop3A_1077 = arith.constant 0 : i32
          %parallel_loop3A_1078 = arith.constant 0 : i32
          %parallel_loop3A_1079 = arith.constant 0 : i32
          %parallel_loop3A_1080 = arith.constant 0 : i32
          %parallel_loop3A_1081 = tpu.memref_slice %arg17[%parallel_loop3A_1076, %parallel_loop3A_1077, %parallel_loop3A_1078, %parallel_loop3A_1079, %parallel_loop3A_1080] : memref<2x8x1x8x129xf32, #tpu.memory_space<vmem>> -> memref<1x8x1x8x129xf32, #tpu.memory_space<vmem>>
          %parallel_loop3A_1082 = tpu.memref_squeeze %parallel_loop3A_1081 : memref<1x8x1x8x129xf32, #tpu.memory_space<vmem>> -> memref<8x1x8x129xf32, #tpu.memory_space<vmem>>
          tpu.vector_store_idx %parallel_loop3A_1082[%shift_right_logical3A_14, %broadcast_in_dim3A_1, %and3A_17, %parallel_loop3A_1028], %parallel_loop3A_1068 : memref<8x1x8x129xf32, #tpu.memory_space<vmem>>[vector<16xi32>, vector<16xi32>, vector<16xi32>, vector<16xi32>], vector<16xf32>,
          %parallel_loop3A_1083 = arith.constant 1 : i32
          %parallel_loop3A_1084 = arith.index_cast %parallel_loop3A_1083 : i32 to index
          %parallel_loop3A_1085 = arith.index_cast %parallel_loop3A_1027 : i32 to index
          %parallel_loop3A_1086 = arith.constant 16 : index
          %parallel_loop3A_1087 = tpu.vector_load %arg14[%parallel_loop3A_1084, %parallel_loop3A_1085, %parallel_loop3A_1086] {strides = array<i32>} : memref<2x128x32xi32, #tpu.memory_space<vmem>>, vector<16xi32>,
          %parallel_loop3A_1088 = arith.constant 16 : i32
          %parallel_loop3A_1089 = vector.broadcast %parallel_loop3A_1088 : i32 to vector<16xi32>
          %parallel_loop3A_1090 = arith.shli %parallel_loop3A_1087, %parallel_loop3A_1089 : vector<16xi32>
          %parallel_loop3A_1091 = vector.bitcast %parallel_loop3A_1090 : vector<16xi32> to vector<16xf32>
          %parallel_loop3A_1092 = arith.constant -65536 : i32
          %parallel_loop3A_1093 = vector.broadcast %parallel_loop3A_1092 : i32 to vector<16xi32>
          %parallel_loop3A_1094 = arith.andi %parallel_loop3A_1087, %parallel_loop3A_1093 : vector<16xi32>
          %parallel_loop3A_1095 = vector.bitcast %parallel_loop3A_1094 : vector<16xi32> to vector<16xf32>
          %parallel_loop3A_1096 = arith.constant 1 : i32
          %parallel_loop3A_1097 = arith.constant 0 : i32
          %parallel_loop3A_1098 = arith.constant 0 : i32
          %parallel_loop3A_1099 = arith.constant 0 : i32
          %parallel_loop3A_1100 = arith.constant 0 : i32
          %parallel_loop3A_1101 = tpu.memref_slice %arg16[%parallel_loop3A_1096, %parallel_loop3A_1097, %parallel_loop3A_1098, %parallel_loop3A_1099, %parallel_loop3A_1100] : memref<2x8x1x8x129xf32, #tpu.memory_space<vmem>> -> memref<1x8x1x8x129xf32, #tpu.memory_space<vmem>>
          %parallel_loop3A_1102 = tpu.memref_squeeze %parallel_loop3A_1101 : memref<1x8x1x8x129xf32, #tpu.memory_space<vmem>> -> memref<8x1x8x129xf32, #tpu.memory_space<vmem>>
          tpu.vector_store_idx %parallel_loop3A_1102[%shift_right_logical3A_23, %broadcast_in_dim3A_1, %and3A_26, %parallel_loop3A_1028], %parallel_loop3A_1091 : memref<8x1x8x129xf32, #tpu.memory_space<vmem>>[vector<16xi32>, vector<16xi32>, vector<16xi32>, vector<16xi32>], vector<16xf32>,
          %parallel_loop3A_1103 = arith.constant 1 : i32
          %parallel_loop3A_1104 = arith.constant 0 : i32
          %parallel_loop3A_1105 = arith.constant 0 : i32
          %parallel_loop3A_1106 = arith.constant 0 : i32
          %parallel_loop3A_1107 = arith.constant 0 : i32
          %parallel_loop3A_1108 = tpu.memref_slice %arg16[%parallel_loop3A_1103, %parallel_loop3A_1104, %parallel_loop3A_1105, %parallel_loop3A_1106, %parallel_loop3A_1107] : memref<2x8x1x8x129xf32, #tpu.memory_space<vmem>> -> memref<1x8x1x8x129xf32, #tpu.memory_space<vmem>>
          %parallel_loop3A_1109 = tpu.memref_squeeze %parallel_loop3A_1108 : memref<1x8x1x8x129xf32, #tpu.memory_space<vmem>> -> memref<8x1x8x129xf32, #tpu.memory_space<vmem>>
          tpu.vector_store_idx %parallel_loop3A_1109[%shift_right_logical3A_32, %broadcast_in_dim3A_1, %and3A_35, %parallel_loop3A_1028], %parallel_loop3A_1095 : memref<8x1x8x129xf32, #tpu.memory_space<vmem>>[vector<16xi32>, vector<16xi32>, vector<16xi32>, vector<16xi32>], vector<16xf32>,
          %parallel_loop3A_1110 = arith.constant 1 : i32
          %parallel_loop3A_1111 = arith.index_cast %parallel_loop3A_1110 : i32 to index
          %parallel_loop3A_1112 = arith.index_cast %parallel_loop3A_1027 : i32 to index
          %parallel_loop3A_1113 = arith.constant 16 : index
          %parallel_loop3A_1114 = tpu.vector_load %arg15[%parallel_loop3A_1111, %parallel_loop3A_1112, %parallel_loop3A_1113] {strides = array<i32>} : memref<2x128x32xi32, #tpu.memory_space<vmem>>, vector<16xi32>,
          %parallel_loop3A_1115 = arith.constant 16 : i32
          %parallel_loop3A_1116 = vector.broadcast %parallel_loop3A_1115 : i32 to vector<16xi32>
          %parallel_loop3A_1117 = arith.shli %parallel_loop3A_1114, %parallel_loop3A_1116 : vector<16xi32>
          %parallel_loop3A_1118 = vector.bitcast %parallel_loop3A_1117 : vector<16xi32> to vector<16xf32>
          %parallel_loop3A_1119 = arith.constant -65536 : i32
          %parallel_loop3A_1120 = vector.broadcast %parallel_loop3A_1119 : i32 to vector<16xi32>
          %parallel_loop3A_1121 = arith.andi %parallel_loop3A_1114, %parallel_loop3A_1120 : vector<16xi32>
          %parallel_loop3A_1122 = vector.bitcast %parallel_loop3A_1121 : vector<16xi32> to vector<16xf32>
          %parallel_loop3A_1123 = arith.constant 1 : i32
          %parallel_loop3A_1124 = arith.constant 0 : i32
          %parallel_loop3A_1125 = arith.constant 0 : i32
          %parallel_loop3A_1126 = arith.constant 0 : i32
          %parallel_loop3A_1127 = arith.constant 0 : i32
          %parallel_loop3A_1128 = tpu.memref_slice %arg17[%parallel_loop3A_1123, %parallel_loop3A_1124, %parallel_loop3A_1125, %parallel_loop3A_1126, %parallel_loop3A_1127] : memref<2x8x1x8x129xf32, #tpu.memory_space<vmem>> -> memref<1x8x1x8x129xf32, #tpu.memory_space<vmem>>
          %parallel_loop3A_1129 = tpu.memref_squeeze %parallel_loop3A_1128 : memref<1x8x1x8x129xf32, #tpu.memory_space<vmem>> -> memref<8x1x8x129xf32, #tpu.memory_space<vmem>>
          tpu.vector_store_idx %parallel_loop3A_1129[%shift_right_logical3A_23, %broadcast_in_dim3A_1, %and3A_26, %parallel_loop3A_1028], %parallel_loop3A_1118 : memref<8x1x8x129xf32, #tpu.memory_space<vmem>>[vector<16xi32>, vector<16xi32>, vector<16xi32>, vector<16xi32>], vector<16xf32>,
          %parallel_loop3A_1130 = arith.constant 1 : i32
          %parallel_loop3A_1131 = arith.constant 0 : i32
          %parallel_loop3A_1132 = arith.constant 0 : i32
          %parallel_loop3A_1133 = arith.constant 0 : i32
          %parallel_loop3A_1134 = arith.constant 0 : i32
          %parallel_loop3A_1135 = tpu.memref_slice %arg17[%parallel_loop3A_1130, %parallel_loop3A_1131, %parallel_loop3A_1132, %parallel_loop3A_1133, %parallel_loop3A_1134] : memref<2x8x1x8x129xf32, #tpu.memory_space<vmem>> -> memref<1x8x1x8x129xf32, #tpu.memory_space<vmem>>
          %parallel_loop3A_1136 = tpu.memref_squeeze %parallel_loop3A_1135 : memref<1x8x1x8x129xf32, #tpu.memory_space<vmem>> -> memref<8x1x8x129xf32, #tpu.memory_space<vmem>>
          tpu.vector_store_idx %parallel_loop3A_1136[%shift_right_logical3A_32, %broadcast_in_dim3A_1, %and3A_35, %parallel_loop3A_1028], %parallel_loop3A_1122 : memref<8x1x8x129xf32, #tpu.memory_space<vmem>>[vector<16xi32>, vector<16xi32>, vector<16xi32>, vector<16xi32>], vector<16xf32>,
        } {sc.loop_unroll_factor = 2 : i64, sc.parallel_access}
        %sub3A = arith.constant 1 : i32
        %sub3A_864 = arith.subi %add3A_294, %sub3A : i32
        %shift_right_logical3A_865 = arith.constant 2 : i32
        %shift_right_logical3A_866 = arith.shrui %sub3A_864, %shift_right_logical3A_865 : i32
        %mul3A_867 = arith.constant 4 : i32
        %mul3A_868 = arith.muli %add3A, %mul3A_867 : i32
        %and3A_869 = arith.constant 3 : i32
        %and3A_870 = arith.andi %sub3A_864, %and3A_869 : i32
        %add3A_871 = arith.addi %mul3A_868, %and3A_870 : i32
        %mul3A_872 = arith.constant 8 : i32
        %mul3A_873 = arith.muli %shift_right_logical3A_866, %mul3A_872 : i32
        %mul3A_874 = arith.constant 8 : i32
        %mul3A_875 = arith.muli %shift_right_logical3A_866, %mul3A_874 : i32
        %dma_start3A_876 = arith.constant 1 : i32
        %dma_start3A_877 = arith.constant 0 : i32
        %dma_start3A_878 = arith.constant 0 : i32
        %dma_start3A_879 = arith.constant 0 : i32
        %dma_start3A_880 = arith.constant 0 : i32
        %dma_start3A_881 = tpu.memref_slice %arg16[%dma_start3A_876, %dma_start3A_877, %dma_start3A_878, %dma_start3A_879, %dma_start3A_880] : memref<2x8x1x8x129xf32, #tpu.memory_space<vmem>> -> memref<1x8x1x8x128xf32, #tpu.memory_space<vmem>>
        %dma_start3A_882 = tpu.memref_squeeze %dma_start3A_881 : memref<1x8x1x8x128xf32, #tpu.memory_space<vmem>> -> memref<8x1x8x128xf32, #tpu.memory_space<vmem>>
        %dma_start3A_883 = arith.constant 0 : i32
        %dma_start3A_884 = arith.constant 0 : i32
        %dma_start3A_885 = tpu.memref_slice %arg7[%mul3A_873, %add3A_871, %dma_start3A_883, %dma_start3A_884] : memref<400x128x8x128xf32, #tpu.memory_space<hbm>> -> memref<8x1x8x128xf32, #tpu.memory_space<hbm>>
        %dma_start3A_886 = arith.constant 0 : i32
        %dma_start3A_887 = arith.constant 0 : i32
        %dma_start3A_888 = tpu.memref_slice %arg7[%mul3A_873, %add3A_871, %dma_start3A_886, %dma_start3A_887] : memref<400x128x8x128xf32, #tpu.memory_space<hbm>> -> memref<8x1x8x128xf32, #tpu.memory_space<hbm>>
        %dma_start3A_889 = arith.constant 0 : i32
        %dma_start3A_890 = arith.constant 0 : i32
        %dma_start3A_891 = arith.constant 0 : i32
        %dma_start3A_892 = arith.constant 0 : i32
        %dma_start3A_893 = tpu.memref_slice %arg16[%dma_start3A_876, %dma_start3A_889, %dma_start3A_890, %dma_start3A_891, %dma_start3A_892] : memref<2x8x1x8x129xf32, #tpu.memory_space<vmem>> -> memref<1x8x1x8x128xf32, #tpu.memory_space<vmem>>
        %dma_start3A_894 = tpu.memref_squeeze %dma_start3A_893 : memref<1x8x1x8x128xf32, #tpu.memory_space<vmem>> -> memref<8x1x8x128xf32, #tpu.memory_space<vmem>>
        tpu.enqueue_dma source(%dma_start3A_894 : memref<8x1x8x128xf32, #tpu.memory_space<vmem>>) target(%dma_start3A_888 : memref<8x1x8x128xf32, #tpu.memory_space<hbm>>) target_semaphore(%arg23 : memref<!tpu.dma_semaphore, #tpu.memory_space<semaphore_mem>>)
        %dma_start3A_895 = arith.constant 1 : i32
        %dma_start3A_896 = arith.constant 0 : i32
        %dma_start3A_897 = arith.constant 0 : i32
        %dma_start3A_898 = arith.constant 0 : i32
        %dma_start3A_899 = arith.constant 0 : i32
        %dma_start3A_900 = tpu.memref_slice %arg17[%dma_start3A_895, %dma_start3A_896, %dma_start3A_897, %dma_start3A_898, %dma_start3A_899] : memref<2x8x1x8x129xf32, #tpu.memory_space<vmem>> -> memref<1x8x1x8x128xf32, #tpu.memory_space<vmem>>
        %dma_start3A_901 = tpu.memref_squeeze %dma_start3A_900 : memref<1x8x1x8x128xf32, #tpu.memory_space<vmem>> -> memref<8x1x8x128xf32, #tpu.memory_space<vmem>>
        %dma_start3A_902 = arith.constant 0 : i32
        %dma_start3A_903 = arith.constant 0 : i32
        %dma_start3A_904 = tpu.memref_slice %arg8[%mul3A_875, %add3A_871, %dma_start3A_902, %dma_start3A_903] : memref<400x128x8x128xf32, #tpu.memory_space<hbm>> -> memref<8x1x8x128xf32, #tpu.memory_space<hbm>>
        %dma_start3A_905 = arith.constant 0 : i32
        %dma_start3A_906 = arith.constant 0 : i32
        %dma_start3A_907 = tpu.memref_slice %arg8[%mul3A_875, %add3A_871, %dma_start3A_905, %dma_start3A_906] : memref<400x128x8x128xf32, #tpu.memory_space<hbm>> -> memref<8x1x8x128xf32, #tpu.memory_space<hbm>>
        %dma_start3A_908 = arith.constant 0 : i32
        %dma_start3A_909 = arith.constant 0 : i32
        %dma_start3A_910 = arith.constant 0 : i32
        %dma_start3A_911 = arith.constant 0 : i32
        %dma_start3A_912 = tpu.memref_slice %arg17[%dma_start3A_895, %dma_start3A_908, %dma_start3A_909, %dma_start3A_910, %dma_start3A_911] : memref<2x8x1x8x129xf32, #tpu.memory_space<vmem>> -> memref<1x8x1x8x128xf32, #tpu.memory_space<vmem>>
        %dma_start3A_913 = tpu.memref_squeeze %dma_start3A_912 : memref<1x8x1x8x128xf32, #tpu.memory_space<vmem>> -> memref<8x1x8x128xf32, #tpu.memory_space<vmem>>
        tpu.enqueue_dma source(%dma_start3A_913 : memref<8x1x8x128xf32, #tpu.memory_space<vmem>>) target(%dma_start3A_907 : memref<8x1x8x128xf32, #tpu.memory_space<hbm>>) target_semaphore(%arg23 : memref<!tpu.dma_semaphore, #tpu.memory_space<semaphore_mem>>)
      } else {
      }
      %mul3A_561 = arith.constant 2 : i32
      %mul3A_562 = arith.muli %mul3A_561, %scan3A_290 : i32
      %add3A_563 = arith.constant 1 : i32
      %add3A_564 = arith.addi %mul3A_562, %add3A_563 : i32
      %shift_right_logical3A_565 = arith.constant 2 : i32
      %shift_right_logical3A_566 = arith.shrui %add3A_564, %shift_right_logical3A_565 : i32
      %mul3A_567 = arith.constant 4 : i32
      %mul3A_568 = arith.muli %add3A, %mul3A_567 : i32
      %and3A_569 = arith.constant 3 : i32
      %and3A_570 = arith.andi %add3A_564, %and3A_569 : i32
      %add3A_571 = arith.addi %mul3A_568, %and3A_570 : i32
      %mul3A_572 = arith.constant 16384 : i32
      %mul3A_573 = arith.muli %shift_right_logical3A_566, %mul3A_572 : i32
      %mul3A_574 = arith.constant 128 : i32
      %mul3A_575 = arith.muli %add3A_571, %mul3A_574 : i32
      %add3A_576 = arith.addi %mul3A_573, %mul3A_575 : i32
      %dma_wait3A_577 = arith.constant 1 : i32
      %dma_wait3A_578 = arith.constant 0 : i32
      %dma_wait3A_579 = tpu.memref_slice %arg9[%dma_wait3A_577, %dma_wait3A_578] : memref<2x128xi32, #tpu.memory_space<vmem>> -> memref<1x128xi32, #tpu.memory_space<vmem>>
      %dma_wait3A_580 = tpu.memref_squeeze %dma_wait3A_579 : memref<1x128xi32, #tpu.memory_space<vmem>> -> memref<128xi32, #tpu.memory_space<vmem>>
      %dma_wait3A_581 = tpu.memref_slice %arg2[%add3A_576] : memref<819200xi32, #tpu.memory_space<hbm>> -> memref<128xi32, #tpu.memory_space<hbm>>
      %dma_wait3A_582 = arith.constant 0 : i32
      %dma_wait3A_583 = tpu.memref_slice %arg9[%dma_wait3A_577, %dma_wait3A_582] : memref<2x128xi32, #tpu.memory_space<vmem>> -> memref<1x128xi32, #tpu.memory_space<vmem>>
      %dma_wait3A_584 = tpu.memref_squeeze %dma_wait3A_583 : memref<1x128xi32, #tpu.memory_space<vmem>> -> memref<128xi32, #tpu.memory_space<vmem>>
      %dma_wait3A_585 = tpu.memref_slice %arg2[%add3A_576] : memref<819200xi32, #tpu.memory_space<hbm>> -> memref<128xi32, #tpu.memory_space<hbm>>
      tpu.wait_dma2 semaphore(%arg19 : memref<!tpu.dma_semaphore, #tpu.memory_space<semaphore_mem>>) src(%dma_wait3A_585 : memref<128xi32, #tpu.memory_space<hbm>>) dst(%dma_wait3A_584 : memref<128xi32, #tpu.memory_space<vmem>>)
      %dma_wait3A_586 = arith.constant 1 : i32
      %dma_wait3A_587 = arith.constant 0 : i32
      %dma_wait3A_588 = tpu.memref_slice %arg10[%dma_wait3A_586, %dma_wait3A_587] : memref<2x128xi32, #tpu.memory_space<vmem>> -> memref<1x128xi32, #tpu.memory_space<vmem>>
      %dma_wait3A_589 = tpu.memref_squeeze %dma_wait3A_588 : memref<1x128xi32, #tpu.memory_space<vmem>> -> memref<128xi32, #tpu.memory_space<vmem>>
      %dma_wait3A_590 = tpu.memref_slice %arg3[%add3A_576] : memref<819200xi32, #tpu.memory_space<hbm>> -> memref<128xi32, #tpu.memory_space<hbm>>
      %dma_wait3A_591 = arith.constant 0 : i32
      %dma_wait3A_592 = tpu.memref_slice %arg10[%dma_wait3A_586, %dma_wait3A_591] : memref<2x128xi32, #tpu.memory_space<vmem>> -> memref<1x128xi32, #tpu.memory_space<vmem>>
      %dma_wait3A_593 = tpu.memref_squeeze %dma_wait3A_592 : memref<1x128xi32, #tpu.memory_space<vmem>> -> memref<128xi32, #tpu.memory_space<vmem>>
      %dma_wait3A_594 = tpu.memref_slice %arg3[%add3A_576] : memref<819200xi32, #tpu.memory_space<hbm>> -> memref<128xi32, #tpu.memory_space<hbm>>
      tpu.wait_dma2 semaphore(%arg19 : memref<!tpu.dma_semaphore, #tpu.memory_space<semaphore_mem>>) src(%dma_wait3A_594 : memref<128xi32, #tpu.memory_space<hbm>>) dst(%dma_wait3A_593 : memref<128xi32, #tpu.memory_space<vmem>>)
      %dma_wait3A_595 = arith.constant 1 : i32
      %dma_wait3A_596 = arith.constant 0 : i32
      %dma_wait3A_597 = tpu.memref_slice %arg11[%dma_wait3A_595, %dma_wait3A_596] : memref<2x128xi32, #tpu.memory_space<vmem>> -> memref<1x128xi32, #tpu.memory_space<vmem>>
      %dma_wait3A_598 = tpu.memref_squeeze %dma_wait3A_597 : memref<1x128xi32, #tpu.memory_space<vmem>> -> memref<128xi32, #tpu.memory_space<vmem>>
      %dma_wait3A_599 = tpu.memref_slice %arg4[%add3A_576] : memref<819200xi32, #tpu.memory_space<hbm>> -> memref<128xi32, #tpu.memory_space<hbm>>
      %dma_wait3A_600 = arith.constant 0 : i32
      %dma_wait3A_601 = tpu.memref_slice %arg11[%dma_wait3A_595, %dma_wait3A_600] : memref<2x128xi32, #tpu.memory_space<vmem>> -> memref<1x128xi32, #tpu.memory_space<vmem>>
      %dma_wait3A_602 = tpu.memref_squeeze %dma_wait3A_601 : memref<1x128xi32, #tpu.memory_space<vmem>> -> memref<128xi32, #tpu.memory_space<vmem>>
      %dma_wait3A_603 = tpu.memref_slice %arg4[%add3A_576] : memref<819200xi32, #tpu.memory_space<hbm>> -> memref<128xi32, #tpu.memory_space<hbm>>
      tpu.wait_dma2 semaphore(%arg19 : memref<!tpu.dma_semaphore, #tpu.memory_space<semaphore_mem>>) src(%dma_wait3A_603 : memref<128xi32, #tpu.memory_space<hbm>>) dst(%dma_wait3A_602 : memref<128xi32, #tpu.memory_space<vmem>>)
      %get3A_604 = arith.constant 1 : i32
      %get3A_605 = arith.index_cast %get3A_604 : i32 to index
      %get3A_606 = arith.constant 0 : index
      %get3A_607 = tpu.vector_load %arg9[%get3A_605, %get3A_606] {strides = array<i32>} : memref<2x128xi32, #tpu.memory_space<vmem>>, vector<16xi32>,
      %mul3A_608 = arith.constant 1000 : i32
      %mul3A_609 = vector.broadcast %mul3A_608 : i32 to vector<16xi32>
      %mul3A_610 = arith.muli %get3A_607, %mul3A_609 : vector<16xi32>
      %get3A_611 = arith.constant 1 : i32
      %get3A_612 = arith.index_cast %get3A_611 : i32 to index
      %get3A_613 = arith.constant 0 : index
      %get3A_614 = tpu.vector_load %arg10[%get3A_612, %get3A_613] {strides = array<i32>} : memref<2x128xi32, #tpu.memory_space<vmem>>, vector<16xi32>,
      %add3A_615 = arith.addi %mul3A_610, %get3A_614 : vector<16xi32>
      %swap3A_616 = arith.constant 1 : i32
      %swap3A_617 = arith.index_cast %swap3A_616 : i32 to index
      %swap3A_618 = arith.constant 0 : index
      %swap3A_619 = tpu.vector_load %arg12[%swap3A_617, %swap3A_618] {strides = array<i32>} : memref<2x128xi32, #tpu.memory_space<vmem>>, vector<16xi32>,
      tpu.vector_store %arg12[%swap3A_617, %swap3A_618], %add3A_615 {strides = array<i32>} : memref<2x128xi32, #tpu.memory_space<vmem>>, vector<16xi32>,
      %get3A_620 = arith.constant 1 : i32
      %get3A_621 = arith.index_cast %get3A_620 : i32 to index
      %get3A_622 = arith.constant 0 : index
      %get3A_623 = tpu.vector_load %arg11[%get3A_621, %get3A_622] {strides = array<i32>} : memref<2x128xi32, #tpu.memory_space<vmem>>, vector<16xi32>,
      %swap3A_624 = arith.constant 1 : i32
      %swap3A_625 = arith.index_cast %swap3A_624 : i32 to index
      %swap3A_626 = arith.constant 0 : index
      %swap3A_627 = tpu.vector_load %arg13[%swap3A_625, %swap3A_626] {strides = array<i32>} : memref<2x128xi32, #tpu.memory_space<vmem>>, vector<16xi32>,
      tpu.vector_store %arg13[%swap3A_625, %swap3A_626], %get3A_623 {strides = array<i32>} : memref<2x128xi32, #tpu.memory_space<vmem>>, vector<16xi32>,
      %get3A_628 = arith.constant 1 : i32
      %get3A_629 = arith.index_cast %get3A_628 : i32 to index
      %get3A_630 = arith.constant 16 : index
      %get3A_631 = tpu.vector_load %arg9[%get3A_629, %get3A_630] {strides = array<i32>} : memref<2x128xi32, #tpu.memory_space<vmem>>, vector<16xi32>,
      %mul3A_632 = arith.constant 1000 : i32
      %mul3A_633 = vector.broadcast %mul3A_632 : i32 to vector<16xi32>
      %mul3A_634 = arith.muli %get3A_631, %mul3A_633 : vector<16xi32>
      %get3A_635 = arith.constant 1 : i32
      %get3A_636 = arith.index_cast %get3A_635 : i32 to index
      %get3A_637 = arith.constant 16 : index
      %get3A_638 = tpu.vector_load %arg10[%get3A_636, %get3A_637] {strides = array<i32>} : memref<2x128xi32, #tpu.memory_space<vmem>>, vector<16xi32>,
      %add3A_639 = arith.addi %mul3A_634, %get3A_638 : vector<16xi32>
      %swap3A_640 = arith.constant 1 : i32
      %swap3A_641 = arith.index_cast %swap3A_640 : i32 to index
      %swap3A_642 = arith.constant 16 : index
      %swap3A_643 = tpu.vector_load %arg12[%swap3A_641, %swap3A_642] {strides = array<i32>} : memref<2x128xi32, #tpu.memory_space<vmem>>, vector<16xi32>,
      tpu.vector_store %arg12[%swap3A_641, %swap3A_642], %add3A_639 {strides = array<i32>} : memref<2x128xi32, #tpu.memory_space<vmem>>, vector<16xi32>,
      %get3A_644 = arith.constant 1 : i32
      %get3A_645 = arith.index_cast %get3A_644 : i32 to index
      %get3A_646 = arith.constant 16 : index
      %get3A_647 = tpu.vector_load %arg11[%get3A_645, %get3A_646] {strides = array<i32>} : memref<2x128xi32, #tpu.memory_space<vmem>>, vector<16xi32>,
      %swap3A_648 = arith.constant 1 : i32
      %swap3A_649 = arith.index_cast %swap3A_648 : i32 to index
      %swap3A_650 = arith.constant 16 : index
      %swap3A_651 = tpu.vector_load %arg13[%swap3A_649, %swap3A_650] {strides = array<i32>} : memref<2x128xi32, #tpu.memory_space<vmem>>, vector<16xi32>,
      tpu.vector_store %arg13[%swap3A_649, %swap3A_650], %get3A_647 {strides = array<i32>} : memref<2x128xi32, #tpu.memory_space<vmem>>, vector<16xi32>,
      %get3A_652 = arith.constant 1 : i32
      %get3A_653 = arith.index_cast %get3A_652 : i32 to index
      %get3A_654 = arith.constant 32 : index
      %get3A_655 = tpu.vector_load %arg9[%get3A_653, %get3A_654] {strides = array<i32>} : memref<2x128xi32, #tpu.memory_space<vmem>>, vector<16xi32>,
      %mul3A_656 = arith.constant 1000 : i32
      %mul3A_657 = vector.broadcast %mul3A_656 : i32 to vector<16xi32>
      %mul3A_658 = arith.muli %get3A_655, %mul3A_657 : vector<16xi32>
      %get3A_659 = arith.constant 1 : i32
      %get3A_660 = arith.index_cast %get3A_659 : i32 to index
      %get3A_661 = arith.constant 32 : index
      %get3A_662 = tpu.vector_load %arg10[%get3A_660, %get3A_661] {strides = array<i32>} : memref<2x128xi32, #tpu.memory_space<vmem>>, vector<16xi32>,
      %add3A_663 = arith.addi %mul3A_658, %get3A_662 : vector<16xi32>
      %swap3A_664 = arith.constant 1 : i32
      %swap3A_665 = arith.index_cast %swap3A_664 : i32 to index
      %swap3A_666 = arith.constant 32 : index
      %swap3A_667 = tpu.vector_load %arg12[%swap3A_665, %swap3A_666] {strides = array<i32>} : memref<2x128xi32, #tpu.memory_space<vmem>>, vector<16xi32>,
      tpu.vector_store %arg12[%swap3A_665, %swap3A_666], %add3A_663 {strides = array<i32>} : memref<2x128xi32, #tpu.memory_space<vmem>>, vector<16xi32>,
      %get3A_668 = arith.constant 1 : i32
      %get3A_669 = arith.index_cast %get3A_668 : i32 to index
      %get3A_670 = arith.constant 32 : index
      %get3A_671 = tpu.vector_load %arg11[%get3A_669, %get3A_670] {strides = array<i32>} : memref<2x128xi32, #tpu.memory_space<vmem>>, vector<16xi32>,
      %swap3A_672 = arith.constant 1 : i32
      %swap3A_673 = arith.index_cast %swap3A_672 : i32 to index
      %swap3A_674 = arith.constant 32 : index
      %swap3A_675 = tpu.vector_load %arg13[%swap3A_673, %swap3A_674] {strides = array<i32>} : memref<2x128xi32, #tpu.memory_space<vmem>>, vector<16xi32>,
      tpu.vector_store %arg13[%swap3A_673, %swap3A_674], %get3A_671 {strides = array<i32>} : memref<2x128xi32, #tpu.memory_space<vmem>>, vector<16xi32>,
      %get3A_676 = arith.constant 1 : i32
      %get3A_677 = arith.index_cast %get3A_676 : i32 to index
      %get3A_678 = arith.constant 48 : index
      %get3A_679 = tpu.vector_load %arg9[%get3A_677, %get3A_678] {strides = array<i32>} : memref<2x128xi32, #tpu.memory_space<vmem>>, vector<16xi32>,
      %mul3A_680 = arith.constant 1000 : i32
      %mul3A_681 = vector.broadcast %mul3A_680 : i32 to vector<16xi32>
      %mul3A_682 = arith.muli %get3A_679, %mul3A_681 : vector<16xi32>
      %get3A_683 = arith.constant 1 : i32
      %get3A_684 = arith.index_cast %get3A_683 : i32 to index
      %get3A_685 = arith.constant 48 : index
      %get3A_686 = tpu.vector_load %arg10[%get3A_684, %get3A_685] {strides = array<i32>} : memref<2x128xi32, #tpu.memory_space<vmem>>, vector<16xi32>,
      %add3A_687 = arith.addi %mul3A_682, %get3A_686 : vector<16xi32>
      %swap3A_688 = arith.constant 1 : i32
      %swap3A_689 = arith.index_cast %swap3A_688 : i32 to index
      %swap3A_690 = arith.constant 48 : index
      %swap3A_691 = tpu.vector_load %arg12[%swap3A_689, %swap3A_690] {strides = array<i32>} : memref<2x128xi32, #tpu.memory_space<vmem>>, vector<16xi32>,
      tpu.vector_store %arg12[%swap3A_689, %swap3A_690], %add3A_687 {strides = array<i32>} : memref<2x128xi32, #tpu.memory_space<vmem>>, vector<16xi32>,
      %get3A_692 = arith.constant 1 : i32
      %get3A_693 = arith.index_cast %get3A_692 : i32 to index
      %get3A_694 = arith.constant 48 : index
      %get3A_695 = tpu.vector_load %arg11[%get3A_693, %get3A_694] {strides = array<i32>} : memref<2x128xi32, #tpu.memory_space<vmem>>, vector<16xi32>,
      %swap3A_696 = arith.constant 1 : i32
      %swap3A_697 = arith.index_cast %swap3A_696 : i32 to index
      %swap3A_698 = arith.constant 48 : index
      %swap3A_699 = tpu.vector_load %arg13[%swap3A_697, %swap3A_698] {strides = array<i32>} : memref<2x128xi32, #tpu.memory_space<vmem>>, vector<16xi32>,
      tpu.vector_store %arg13[%swap3A_697, %swap3A_698], %get3A_695 {strides = array<i32>} : memref<2x128xi32, #tpu.memory_space<vmem>>, vector<16xi32>,
      %get3A_700 = arith.constant 1 : i32
      %get3A_701 = arith.index_cast %get3A_700 : i32 to index
      %get3A_702 = arith.constant 64 : index
      %get3A_703 = tpu.vector_load %arg9[%get3A_701, %get3A_702] {strides = array<i32>} : memref<2x128xi32, #tpu.memory_space<vmem>>, vector<16xi32>,
      %mul3A_704 = arith.constant 1000 : i32
      %mul3A_705 = vector.broadcast %mul3A_704 : i32 to vector<16xi32>
      %mul3A_706 = arith.muli %get3A_703, %mul3A_705 : vector<16xi32>
      %get3A_707 = arith.constant 1 : i32
      %get3A_708 = arith.index_cast %get3A_707 : i32 to index
      %get3A_709 = arith.constant 64 : index
      %get3A_710 = tpu.vector_load %arg10[%get3A_708, %get3A_709] {strides = array<i32>} : memref<2x128xi32, #tpu.memory_space<vmem>>, vector<16xi32>,
      %add3A_711 = arith.addi %mul3A_706, %get3A_710 : vector<16xi32>
      %swap3A_712 = arith.constant 1 : i32
      %swap3A_713 = arith.index_cast %swap3A_712 : i32 to index
      %swap3A_714 = arith.constant 64 : index
      %swap3A_715 = tpu.vector_load %arg12[%swap3A_713, %swap3A_714] {strides = array<i32>} : memref<2x128xi32, #tpu.memory_space<vmem>>, vector<16xi32>,
      tpu.vector_store %arg12[%swap3A_713, %swap3A_714], %add3A_711 {strides = array<i32>} : memref<2x128xi32, #tpu.memory_space<vmem>>, vector<16xi32>,
      %get3A_716 = arith.constant 1 : i32
      %get3A_717 = arith.index_cast %get3A_716 : i32 to index
      %get3A_718 = arith.constant 64 : index
      %get3A_719 = tpu.vector_load %arg11[%get3A_717, %get3A_718] {strides = array<i32>} : memref<2x128xi32, #tpu.memory_space<vmem>>, vector<16xi32>,
      %swap3A_720 = arith.constant 1 : i32
      %swap3A_721 = arith.index_cast %swap3A_720 : i32 to index
      %swap3A_722 = arith.constant 64 : index
      %swap3A_723 = tpu.vector_load %arg13[%swap3A_721, %swap3A_722] {strides = array<i32>} : memref<2x128xi32, #tpu.memory_space<vmem>>, vector<16xi32>,
      tpu.vector_store %arg13[%swap3A_721, %swap3A_722], %get3A_719 {strides = array<i32>} : memref<2x128xi32, #tpu.memory_space<vmem>>, vector<16xi32>,
      %get3A_724 = arith.constant 1 : i32
      %get3A_725 = arith.index_cast %get3A_724 : i32 to index
      %get3A_726 = arith.constant 80 : index
      %get3A_727 = tpu.vector_load %arg9[%get3A_725, %get3A_726] {strides = array<i32>} : memref<2x128xi32, #tpu.memory_space<vmem>>, vector<16xi32>,
      %mul3A_728 = arith.constant 1000 : i32
      %mul3A_729 = vector.broadcast %mul3A_728 : i32 to vector<16xi32>
      %mul3A_730 = arith.muli %get3A_727, %mul3A_729 : vector<16xi32>
      %get3A_731 = arith.constant 1 : i32
      %get3A_732 = arith.index_cast %get3A_731 : i32 to index
      %get3A_733 = arith.constant 80 : index
      %get3A_734 = tpu.vector_load %arg10[%get3A_732, %get3A_733] {strides = array<i32>} : memref<2x128xi32, #tpu.memory_space<vmem>>, vector<16xi32>,
      %add3A_735 = arith.addi %mul3A_730, %get3A_734 : vector<16xi32>
      %swap3A_736 = arith.constant 1 : i32
      %swap3A_737 = arith.index_cast %swap3A_736 : i32 to index
      %swap3A_738 = arith.constant 80 : index
      %swap3A_739 = tpu.vector_load %arg12[%swap3A_737, %swap3A_738] {strides = array<i32>} : memref<2x128xi32, #tpu.memory_space<vmem>>, vector<16xi32>,
      tpu.vector_store %arg12[%swap3A_737, %swap3A_738], %add3A_735 {strides = array<i32>} : memref<2x128xi32, #tpu.memory_space<vmem>>, vector<16xi32>,
      %get3A_740 = arith.constant 1 : i32
      %get3A_741 = arith.index_cast %get3A_740 : i32 to index
      %get3A_742 = arith.constant 80 : index
      %get3A_743 = tpu.vector_load %arg11[%get3A_741, %get3A_742] {strides = array<i32>} : memref<2x128xi32, #tpu.memory_space<vmem>>, vector<16xi32>,
      %swap3A_744 = arith.constant 1 : i32
      %swap3A_745 = arith.index_cast %swap3A_744 : i32 to index
      %swap3A_746 = arith.constant 80 : index
      %swap3A_747 = tpu.vector_load %arg13[%swap3A_745, %swap3A_746] {strides = array<i32>} : memref<2x128xi32, #tpu.memory_space<vmem>>, vector<16xi32>,
      tpu.vector_store %arg13[%swap3A_745, %swap3A_746], %get3A_743 {strides = array<i32>} : memref<2x128xi32, #tpu.memory_space<vmem>>, vector<16xi32>,
      %get3A_748 = arith.constant 1 : i32
      %get3A_749 = arith.index_cast %get3A_748 : i32 to index
      %get3A_750 = arith.constant 96 : index
      %get3A_751 = tpu.vector_load %arg9[%get3A_749, %get3A_750] {strides = array<i32>} : memref<2x128xi32, #tpu.memory_space<vmem>>, vector<16xi32>,
      %mul3A_752 = arith.constant 1000 : i32
      %mul3A_753 = vector.broadcast %mul3A_752 : i32 to vector<16xi32>
      %mul3A_754 = arith.muli %get3A_751, %mul3A_753 : vector<16xi32>
      %get3A_755 = arith.constant 1 : i32
      %get3A_756 = arith.index_cast %get3A_755 : i32 to index
      %get3A_757 = arith.constant 96 : index
      %get3A_758 = tpu.vector_load %arg10[%get3A_756, %get3A_757] {strides = array<i32>} : memref<2x128xi32, #tpu.memory_space<vmem>>, vector<16xi32>,
      %add3A_759 = arith.addi %mul3A_754, %get3A_758 : vector<16xi32>
      %swap3A_760 = arith.constant 1 : i32
      %swap3A_761 = arith.index_cast %swap3A_760 : i32 to index
      %swap3A_762 = arith.constant 96 : index
      %swap3A_763 = tpu.vector_load %arg12[%swap3A_761, %swap3A_762] {strides = array<i32>} : memref<2x128xi32, #tpu.memory_space<vmem>>, vector<16xi32>,
      tpu.vector_store %arg12[%swap3A_761, %swap3A_762], %add3A_759 {strides = array<i32>} : memref<2x128xi32, #tpu.memory_space<vmem>>, vector<16xi32>,
      %get3A_764 = arith.constant 1 : i32
      %get3A_765 = arith.index_cast %get3A_764 : i32 to index
      %get3A_766 = arith.constant 96 : index
      %get3A_767 = tpu.vector_load %arg11[%get3A_765, %get3A_766] {strides = array<i32>} : memref<2x128xi32, #tpu.memory_space<vmem>>, vector<16xi32>,
      %swap3A_768 = arith.constant 1 : i32
      %swap3A_769 = arith.index_cast %swap3A_768 : i32 to index
      %swap3A_770 = arith.constant 96 : index
      %swap3A_771 = tpu.vector_load %arg13[%swap3A_769, %swap3A_770] {strides = array<i32>} : memref<2x128xi32, #tpu.memory_space<vmem>>, vector<16xi32>,
      tpu.vector_store %arg13[%swap3A_769, %swap3A_770], %get3A_767 {strides = array<i32>} : memref<2x128xi32, #tpu.memory_space<vmem>>, vector<16xi32>,
      %get3A_772 = arith.constant 1 : i32
      %get3A_773 = arith.index_cast %get3A_772 : i32 to index
      %get3A_774 = arith.constant 112 : index
      %get3A_775 = tpu.vector_load %arg9[%get3A_773, %get3A_774] {strides = array<i32>} : memref<2x128xi32, #tpu.memory_space<vmem>>, vector<16xi32>,
      %mul3A_776 = arith.constant 1000 : i32
      %mul3A_777 = vector.broadcast %mul3A_776 : i32 to vector<16xi32>
      %mul3A_778 = arith.muli %get3A_775, %mul3A_777 : vector<16xi32>
      %get3A_779 = arith.constant 1 : i32
      %get3A_780 = arith.index_cast %get3A_779 : i32 to index
      %get3A_781 = arith.constant 112 : index
      %get3A_782 = tpu.vector_load %arg10[%get3A_780, %get3A_781] {strides = array<i32>} : memref<2x128xi32, #tpu.memory_space<vmem>>, vector<16xi32>,
      %add3A_783 = arith.addi %mul3A_778, %get3A_782 : vector<16xi32>
      %swap3A_784 = arith.constant 1 : i32
      %swap3A_785 = arith.index_cast %swap3A_784 : i32 to index
      %swap3A_786 = arith.constant 112 : index
      %swap3A_787 = tpu.vector_load %arg12[%swap3A_785, %swap3A_786] {strides = array<i32>} : memref<2x128xi32, #tpu.memory_space<vmem>>, vector<16xi32>,
      tpu.vector_store %arg12[%swap3A_785, %swap3A_786], %add3A_783 {strides = array<i32>} : memref<2x128xi32, #tpu.memory_space<vmem>>, vector<16xi32>,
      %get3A_788 = arith.constant 1 : i32
      %get3A_789 = arith.index_cast %get3A_788 : i32 to index
      %get3A_790 = arith.constant 112 : index
      %get3A_791 = tpu.vector_load %arg11[%get3A_789, %get3A_790] {strides = array<i32>} : memref<2x128xi32, #tpu.memory_space<vmem>>, vector<16xi32>,
      %swap3A_792 = arith.constant 1 : i32
      %swap3A_793 = arith.index_cast %swap3A_792 : i32 to index
      %swap3A_794 = arith.constant 112 : index
      %swap3A_795 = tpu.vector_load %arg13[%swap3A_793, %swap3A_794] {strides = array<i32>} : memref<2x128xi32, #tpu.memory_space<vmem>>, vector<16xi32>,
      tpu.vector_store %arg13[%swap3A_793, %swap3A_794], %get3A_791 {strides = array<i32>} : memref<2x128xi32, #tpu.memory_space<vmem>>, vector<16xi32>,
      %add3A_796 = arith.constant 2 : i32
      %add3A_797 = arith.addi %add3A_564, %add3A_796 : i32
      %le3A_798 = arith.constant 199 : i32
      %le3A_799 = arith.cmpi sle, %add3A_797, %le3A_798 : i32
      %convert_element_type3A_800 = arith.extui %le3A_799 : i1 to i32
      %cond3A_801 = arith.constant 0 : i32
      %cond3A_802 = arith.cmpi ne, %convert_element_type3A_800, %cond3A_801 : i32
      scf.if %cond3A_802 {
        %add3A_837 = arith.constant 2 : i32
        %add3A_838 = arith.addi %add3A_564, %add3A_837 : i32
        %shift_right_logical3A_839 = arith.constant 2 : i32
        %shift_right_logical3A_840 = arith.shrui %add3A_838, %shift_right_logical3A_839 : i32
        %mul3A_841 = arith.constant 4 : i32
        %mul3A_842 = arith.muli %add3A, %mul3A_841 : i32
        %and3A_843 = arith.constant 3 : i32
        %and3A_844 = arith.andi %add3A_838, %and3A_843 : i32
        %add3A_845 = arith.addi %mul3A_842, %and3A_844 : i32
        %mul3A_846 = arith.constant 16384 : i32
        %mul3A_847 = arith.muli %shift_right_logical3A_840, %mul3A_846 : i32
        %mul3A_848 = arith.constant 128 : i32
        %mul3A_849 = arith.muli %add3A_845, %mul3A_848 : i32
        %add3A_850 = arith.addi %mul3A_847, %mul3A_849 : i32
        %dma_start3A_851 = arith.constant 1 : i32
        %dma_start3A_852 = arith.constant 0 : i32
        %dma_start3A_853 = tpu.memref_slice %arg9[%dma_start3A_851, %dma_start3A_852] : memref<2x128xi32, #tpu.memory_space<vmem>> -> memref<1x128xi32, #tpu.memory_space<vmem>>
        %dma_start3A_854 = tpu.memref_squeeze %dma_start3A_853 : memref<1x128xi32, #tpu.memory_space<vmem>> -> memref<128xi32, #tpu.memory_space<vmem>>
        %dma_start3A_855 = tpu.memref_slice %arg2[%add3A_850] : memref<819200xi32, #tpu.memory_space<hbm>> -> memref<128xi32, #tpu.memory_space<hbm>>
        %dma_start3A_856 = arith.constant 0 : i32
        %dma_start3A_857 = tpu.memref_slice %arg9[%dma_start3A_851, %dma_start3A_856] : memref<2x128xi32, #tpu.memory_space<vmem>> -> memref<1x128xi32, #tpu.memory_space<vmem>>
        %dma_start3A_858 = tpu.memref_squeeze %dma_start3A_857 : memref<1x128xi32, #tpu.memory_space<vmem>> -> memref<128xi32, #tpu.memory_space<vmem>>
        %dma_start3A_859 = tpu.memref_slice %arg2[%add3A_850] : memref<819200xi32, #tpu.memory_space<hbm>> -> memref<128xi32, #tpu.memory_space<hbm>>
        tpu.enqueue_dma source(%dma_start3A_859 : memref<128xi32, #tpu.memory_space<hbm>>) target(%dma_start3A_858 : memref<128xi32, #tpu.memory_space<vmem>>) target_semaphore(%arg19 : memref<!tpu.dma_semaphore, #tpu.memory_space<semaphore_mem>>)
        %dma_start3A_860 = arith.constant 1 : i32
        %dma_start3A_861 = arith.constant 0 : i32
        %dma_start3A_862 = tpu.memref_slice %arg10[%dma_start3A_860, %dma_start3A_861] : memref<2x128xi32, #tpu.memory_space<vmem>> -> memref<1x128xi32, #tpu.memory_space<vmem>>
        %dma_start3A_863 = tpu.memref_squeeze %dma_start3A_862 : memref<1x128xi32, #tpu.memory_space<vmem>> -> memref<128xi32, #tpu.memory_space<vmem>>
        %dma_start3A_864 = tpu.memref_slice %arg3[%add3A_850] : memref<819200xi32, #tpu.memory_space<hbm>> -> memref<128xi32, #tpu.memory_space<hbm>>
        %dma_start3A_865 = arith.constant 0 : i32
        %dma_start3A_866 = tpu.memref_slice %arg10[%dma_start3A_860, %dma_start3A_865] : memref<2x128xi32, #tpu.memory_space<vmem>> -> memref<1x128xi32, #tpu.memory_space<vmem>>
        %dma_start3A_867 = tpu.memref_squeeze %dma_start3A_866 : memref<1x128xi32, #tpu.memory_space<vmem>> -> memref<128xi32, #tpu.memory_space<vmem>>
        %dma_start3A_868 = tpu.memref_slice %arg3[%add3A_850] : memref<819200xi32, #tpu.memory_space<hbm>> -> memref<128xi32, #tpu.memory_space<hbm>>
        tpu.enqueue_dma source(%dma_start3A_868 : memref<128xi32, #tpu.memory_space<hbm>>) target(%dma_start3A_867 : memref<128xi32, #tpu.memory_space<vmem>>) target_semaphore(%arg19 : memref<!tpu.dma_semaphore, #tpu.memory_space<semaphore_mem>>)
        %dma_start3A_869 = arith.constant 1 : i32
        %dma_start3A_870 = arith.constant 0 : i32
        %dma_start3A_871 = tpu.memref_slice %arg11[%dma_start3A_869, %dma_start3A_870] : memref<2x128xi32, #tpu.memory_space<vmem>> -> memref<1x128xi32, #tpu.memory_space<vmem>>
        %dma_start3A_872 = tpu.memref_squeeze %dma_start3A_871 : memref<1x128xi32, #tpu.memory_space<vmem>> -> memref<128xi32, #tpu.memory_space<vmem>>
        %dma_start3A_873 = tpu.memref_slice %arg4[%add3A_850] : memref<819200xi32, #tpu.memory_space<hbm>> -> memref<128xi32, #tpu.memory_space<hbm>>
        %dma_start3A_874 = arith.constant 0 : i32
        %dma_start3A_875 = tpu.memref_slice %arg11[%dma_start3A_869, %dma_start3A_874] : memref<2x128xi32, #tpu.memory_space<vmem>> -> memref<1x128xi32, #tpu.memory_space<vmem>>
        %dma_start3A_876 = tpu.memref_squeeze %dma_start3A_875 : memref<1x128xi32, #tpu.memory_space<vmem>> -> memref<128xi32, #tpu.memory_space<vmem>>
        %dma_start3A_877 = tpu.memref_slice %arg4[%add3A_850] : memref<819200xi32, #tpu.memory_space<hbm>> -> memref<128xi32, #tpu.memory_space<hbm>>
        tpu.enqueue_dma source(%dma_start3A_877 : memref<128xi32, #tpu.memory_space<hbm>>) target(%dma_start3A_876 : memref<128xi32, #tpu.memory_space<vmem>>) target_semaphore(%arg19 : memref<!tpu.dma_semaphore, #tpu.memory_space<semaphore_mem>>)
      } else {
      }
      %ge3A_803 = arith.constant 2 : i32
      %ge3A_804 = arith.cmpi sge, %add3A_564, %ge3A_803 : i32
      %convert_element_type3A_805 = arith.extui %ge3A_804 : i1 to i32
      %cond3A_806 = arith.constant 0 : i32
      %cond3A_807 = arith.cmpi ne, %convert_element_type3A_805, %cond3A_806 : i32
      scf.if %cond3A_807 {
        %sub3A = arith.constant 2 : i32
        %sub3A_837 = arith.subi %add3A_564, %sub3A : i32
        %shift_right_logical3A_838 = arith.constant 2 : i32
        %shift_right_logical3A_839 = arith.shrui %sub3A_837, %shift_right_logical3A_838 : i32
        %mul3A_840 = arith.constant 4 : i32
        %mul3A_841 = arith.muli %add3A, %mul3A_840 : i32
        %and3A_842 = arith.constant 3 : i32
        %and3A_843 = arith.andi %sub3A_837, %and3A_842 : i32
        %add3A_844 = arith.addi %mul3A_841, %and3A_843 : i32
        %mul3A_845 = arith.constant 8 : i32
        %mul3A_846 = arith.muli %shift_right_logical3A_839, %mul3A_845 : i32
        %mul3A_847 = arith.constant 8 : i32
        %mul3A_848 = arith.muli %shift_right_logical3A_839, %mul3A_847 : i32
        %dma_wait3A_849 = arith.constant 1 : i32
        %dma_wait3A_850 = arith.constant 0 : i32
        %dma_wait3A_851 = arith.constant 0 : i32
        %dma_wait3A_852 = arith.constant 0 : i32
        %dma_wait3A_853 = arith.constant 0 : i32
        %dma_wait3A_854 = tpu.memref_slice %arg16[%dma_wait3A_849, %dma_wait3A_850, %dma_wait3A_851, %dma_wait3A_852, %dma_wait3A_853] : memref<2x8x1x8x129xf32, #tpu.memory_space<vmem>> -> memref<1x8x1x8x128xf32, #tpu.memory_space<vmem>>
        %dma_wait3A_855 = tpu.memref_squeeze %dma_wait3A_854 : memref<1x8x1x8x128xf32, #tpu.memory_space<vmem>> -> memref<8x1x8x128xf32, #tpu.memory_space<vmem>>
        %dma_wait3A_856 = arith.constant 0 : i32
        %dma_wait3A_857 = arith.constant 0 : i32
        %dma_wait3A_858 = tpu.memref_slice %arg7[%mul3A_846, %add3A_844, %dma_wait3A_856, %dma_wait3A_857] : memref<400x128x8x128xf32, #tpu.memory_space<hbm>> -> memref<8x1x8x128xf32, #tpu.memory_space<hbm>>
        %dma_wait3A_859 = arith.constant 0 : i32
        %dma_wait3A_860 = arith.constant 0 : i32
        %dma_wait3A_861 = tpu.memref_slice %arg7[%mul3A_846, %add3A_844, %dma_wait3A_859, %dma_wait3A_860] : memref<400x128x8x128xf32, #tpu.memory_space<hbm>> -> memref<8x1x8x128xf32, #tpu.memory_space<hbm>>
        %dma_wait3A_862 = arith.constant 0 : i32
        %dma_wait3A_863 = arith.constant 0 : i32
        %dma_wait3A_864 = arith.constant 0 : i32
        %dma_wait3A_865 = arith.constant 0 : i32
        %dma_wait3A_866 = tpu.memref_slice %arg16[%dma_wait3A_849, %dma_wait3A_862, %dma_wait3A_863, %dma_wait3A_864, %dma_wait3A_865] : memref<2x8x1x8x129xf32, #tpu.memory_space<vmem>> -> memref<1x8x1x8x128xf32, #tpu.memory_space<vmem>>
        %dma_wait3A_867 = tpu.memref_squeeze %dma_wait3A_866 : memref<1x8x1x8x128xf32, #tpu.memory_space<vmem>> -> memref<8x1x8x128xf32, #tpu.memory_space<vmem>>
        tpu.wait_dma2 semaphore(%arg23 : memref<!tpu.dma_semaphore, #tpu.memory_space<semaphore_mem>>) src(%dma_wait3A_867 : memref<8x1x8x128xf32, #tpu.memory_space<vmem>>) dst(%dma_wait3A_861 : memref<8x1x8x128xf32, #tpu.memory_space<hbm>>)
        %dma_wait3A_868 = arith.constant 1 : i32
        %dma_wait3A_869 = arith.constant 0 : i32
        %dma_wait3A_870 = arith.constant 0 : i32
        %dma_wait3A_871 = arith.constant 0 : i32
        %dma_wait3A_872 = arith.constant 0 : i32
        %dma_wait3A_873 = tpu.memref_slice %arg17[%dma_wait3A_868, %dma_wait3A_869, %dma_wait3A_870, %dma_wait3A_871, %dma_wait3A_872] : memref<2x8x1x8x129xf32, #tpu.memory_space<vmem>> -> memref<1x8x1x8x128xf32, #tpu.memory_space<vmem>>
        %dma_wait3A_874 = tpu.memref_squeeze %dma_wait3A_873 : memref<1x8x1x8x128xf32, #tpu.memory_space<vmem>> -> memref<8x1x8x128xf32, #tpu.memory_space<vmem>>
        %dma_wait3A_875 = arith.constant 0 : i32
        %dma_wait3A_876 = arith.constant 0 : i32
        %dma_wait3A_877 = tpu.memref_slice %arg8[%mul3A_848, %add3A_844, %dma_wait3A_875, %dma_wait3A_876] : memref<400x128x8x128xf32, #tpu.memory_space<hbm>> -> memref<8x1x8x128xf32, #tpu.memory_space<hbm>>
        %dma_wait3A_878 = arith.constant 0 : i32
        %dma_wait3A_879 = arith.constant 0 : i32
        %dma_wait3A_880 = tpu.memref_slice %arg8[%mul3A_848, %add3A_844, %dma_wait3A_878, %dma_wait3A_879] : memref<400x128x8x128xf32, #tpu.memory_space<hbm>> -> memref<8x1x8x128xf32, #tpu.memory_space<hbm>>
        %dma_wait3A_881 = arith.constant 0 : i32
        %dma_wait3A_882 = arith.constant 0 : i32
        %dma_wait3A_883 = arith.constant 0 : i32
        %dma_wait3A_884 = arith.constant 0 : i32
        %dma_wait3A_885 = tpu.memref_slice %arg17[%dma_wait3A_868, %dma_wait3A_881, %dma_wait3A_882, %dma_wait3A_883, %dma_wait3A_884] : memref<2x8x1x8x129xf32, #tpu.memory_space<vmem>> -> memref<1x8x1x8x128xf32, #tpu.memory_space<vmem>>
        %dma_wait3A_886 = tpu.memref_squeeze %dma_wait3A_885 : memref<1x8x1x8x128xf32, #tpu.memory_space<vmem>> -> memref<8x1x8x128xf32, #tpu.memory_space<vmem>>
        tpu.wait_dma2 semaphore(%arg23 : memref<!tpu.dma_semaphore, #tpu.memory_space<semaphore_mem>>) src(%dma_wait3A_886 : memref<8x1x8x128xf32, #tpu.memory_space<vmem>>) dst(%dma_wait3A_880 : memref<8x1x8x128xf32, #tpu.memory_space<hbm>>)
      } else {
      }
      %dma_start3A_808 = arith.constant 1 : i32
      %dma_start3A_809 = arith.constant 1 : i32
      %dma_start3A_810 = arith.constant 0 : i32
      %dma_start3A_811 = arith.constant 0 : i32
      %dma_start3A_812 = tpu.memref_slice %arg14[%dma_start3A_809, %dma_start3A_810, %dma_start3A_811] : memref<2x128x32xi32, #tpu.memory_space<vmem>> -> memref<1x128x32xi32, #tpu.memory_space<vmem>>
      %dma_start3A_813 = tpu.memref_squeeze %dma_start3A_812 : memref<1x128x32xi32, #tpu.memory_space<vmem>> -> memref<128x32xi32, #tpu.memory_space<vmem>>
      %dma_start3A_814 = arith.constant 0 : i32
      %dma_start3A_815 = tpu.memref_slice %arg12[%dma_start3A_808, %dma_start3A_814] : memref<2x128xi32, #tpu.memory_space<vmem>> -> memref<1x128xi32, #tpu.memory_space<vmem>>
      %dma_start3A_816 = tpu.memref_squeeze %dma_start3A_815 : memref<1x128xi32, #tpu.memory_space<vmem>> -> memref<128xi32, #tpu.memory_space<vmem>>
      %dma_start3A_817 = arith.constant 0 : i32
      %dma_start3A_818 = arith.constant 0 : i32
      %dma_start3A_819 = tpu.memref_slice %arg5[%dma_start3A_817, %dma_start3A_818] : memref<2048x32xi32, #tpu.memory_space<hbm>> -> memref<2048x32xi32, #tpu.memory_space<hbm>>
      tpu.enqueue_indirect_dma source(%dma_start3A_819 : memref<2048x32xi32, #tpu.memory_space<hbm>>) target(%dma_start3A_813 : memref<128x32xi32, #tpu.memory_space<vmem>>) offsets(%dma_start3A_816 : memref<128xi32, #tpu.memory_space<vmem>>) semaphore(%arg21 : memref<!tpu.dma_semaphore, #tpu.memory_space<semaphore_mem>>)
      %dma_start3A_820 = arith.constant 1 : i32
      %dma_start3A_821 = arith.constant 1 : i32
      %dma_start3A_822 = arith.constant 0 : i32
      %dma_start3A_823 = arith.constant 0 : i32
      %dma_start3A_824 = tpu.memref_slice %arg15[%dma_start3A_821, %dma_start3A_822, %dma_start3A_823] : memref<2x128x32xi32, #tpu.memory_space<vmem>> -> memref<1x128x32xi32, #tpu.memory_space<vmem>>
      %dma_start3A_825 = tpu.memref_squeeze %dma_start3A_824 : memref<1x128x32xi32, #tpu.memory_space<vmem>> -> memref<128x32xi32, #tpu.memory_space<vmem>>
      %dma_start3A_826 = arith.constant 0 : i32
      %dma_start3A_827 = tpu.memref_slice %arg13[%dma_start3A_820, %dma_start3A_826] : memref<2x128xi32, #tpu.memory_space<vmem>> -> memref<1x128xi32, #tpu.memory_space<vmem>>
      %dma_start3A_828 = tpu.memref_squeeze %dma_start3A_827 : memref<1x128xi32, #tpu.memory_space<vmem>> -> memref<128xi32, #tpu.memory_space<vmem>>
      %dma_start3A_829 = arith.constant 0 : i32
      %dma_start3A_830 = arith.constant 0 : i32
      %dma_start3A_831 = tpu.memref_slice %arg6[%dma_start3A_829, %dma_start3A_830] : memref<100000x32xi32, #tpu.memory_space<hbm>> -> memref<100000x32xi32, #tpu.memory_space<hbm>>
      tpu.enqueue_indirect_dma source(%dma_start3A_831 : memref<100000x32xi32, #tpu.memory_space<hbm>>) target(%dma_start3A_825 : memref<128x32xi32, #tpu.memory_space<vmem>>) offsets(%dma_start3A_828 : memref<128xi32, #tpu.memory_space<vmem>>) semaphore(%arg21 : memref<!tpu.dma_semaphore, #tpu.memory_space<semaphore_mem>>)
      %ge3A_832 = arith.constant 1 : i32
      %ge3A_833 = arith.cmpi sge, %add3A_564, %ge3A_832 : i32
      %convert_element_type3A_834 = arith.extui %ge3A_833 : i1 to i32
      %cond3A_835 = arith.constant 0 : i32
      %cond3A_836 = arith.cmpi ne, %convert_element_type3A_834, %cond3A_835 : i32
      scf.if %cond3A_836 {
        %dma_wait3A_837 = arith.constant 0 : i32
        %dma_wait3A_838 = arith.constant 0 : i32
        %dma_wait3A_839 = arith.constant 0 : i32
        %dma_wait3A_840 = arith.constant 0 : i32
        %dma_wait3A_841 = tpu.memref_slice %arg14[%dma_wait3A_838, %dma_wait3A_839, %dma_wait3A_840] : memref<2x128x32xi32, #tpu.memory_space<vmem>> -> memref<1x128x32xi32, #tpu.memory_space<vmem>>
        %dma_wait3A_842 = tpu.memref_squeeze %dma_wait3A_841 : memref<1x128x32xi32, #tpu.memory_space<vmem>> -> memref<128x32xi32, #tpu.memory_space<vmem>>
        %dma_wait3A_843 = arith.constant 0 : i32
        %dma_wait3A_844 = tpu.memref_slice %arg12[%dma_wait3A_837, %dma_wait3A_843] : memref<2x128xi32, #tpu.memory_space<vmem>> -> memref<1x128xi32, #tpu.memory_space<vmem>>
        %dma_wait3A_845 = tpu.memref_squeeze %dma_wait3A_844 : memref<1x128xi32, #tpu.memory_space<vmem>> -> memref<128xi32, #tpu.memory_space<vmem>>
        %dma_wait3A_846 = arith.constant 0 : i32
        %dma_wait3A_847 = arith.constant 0 : i32
        %dma_wait3A_848 = tpu.memref_slice %arg5[%dma_wait3A_846, %dma_wait3A_847] : memref<2048x32xi32, #tpu.memory_space<hbm>> -> memref<2048x32xi32, #tpu.memory_space<hbm>>
        tpu.wait_indirect_dma semaphore(%arg20 : memref<!tpu.dma_semaphore, #tpu.memory_space<semaphore_mem>>) src(%dma_wait3A_848 : memref<2048x32xi32, #tpu.memory_space<hbm>>) dst(%dma_wait3A_842 : memref<128x32xi32, #tpu.memory_space<vmem>>)
        %dma_wait3A_849 = arith.constant 0 : i32
        %dma_wait3A_850 = arith.constant 0 : i32
        %dma_wait3A_851 = arith.constant 0 : i32
        %dma_wait3A_852 = arith.constant 0 : i32
        %dma_wait3A_853 = tpu.memref_slice %arg15[%dma_wait3A_850, %dma_wait3A_851, %dma_wait3A_852] : memref<2x128x32xi32, #tpu.memory_space<vmem>> -> memref<1x128x32xi32, #tpu.memory_space<vmem>>
        %dma_wait3A_854 = tpu.memref_squeeze %dma_wait3A_853 : memref<1x128x32xi32, #tpu.memory_space<vmem>> -> memref<128x32xi32, #tpu.memory_space<vmem>>
        %dma_wait3A_855 = arith.constant 0 : i32
        %dma_wait3A_856 = tpu.memref_slice %arg13[%dma_wait3A_849, %dma_wait3A_855] : memref<2x128xi32, #tpu.memory_space<vmem>> -> memref<1x128xi32, #tpu.memory_space<vmem>>
        %dma_wait3A_857 = tpu.memref_squeeze %dma_wait3A_856 : memref<1x128xi32, #tpu.memory_space<vmem>> -> memref<128xi32, #tpu.memory_space<vmem>>
        %dma_wait3A_858 = arith.constant 0 : i32
        %dma_wait3A_859 = arith.constant 0 : i32
        %dma_wait3A_860 = tpu.memref_slice %arg6[%dma_wait3A_858, %dma_wait3A_859] : memref<100000x32xi32, #tpu.memory_space<hbm>> -> memref<100000x32xi32, #tpu.memory_space<hbm>>
        tpu.wait_indirect_dma semaphore(%arg20 : memref<!tpu.dma_semaphore, #tpu.memory_space<semaphore_mem>>) src(%dma_wait3A_860 : memref<100000x32xi32, #tpu.memory_space<hbm>>) dst(%dma_wait3A_854 : memref<128x32xi32, #tpu.memory_space<vmem>>)
        %parallel_loop3A_861 = arith.constant 0 : i32
        %parallel_loop3A_862 = arith.constant 128 : i32
        %parallel_loop3A_863 = arith.constant 2 : i32
        scf.for %parallel_loop3A_914 = %parallel_loop3A_861 to %parallel_loop3A_862 step %parallel_loop3A_863  : i32 {
          %parallel_loop3A_915 = arith.constant 0 : i32
          %parallel_loop3A_916 = arith.addi %parallel_loop3A_914, %parallel_loop3A_915 : i32
          %parallel_loop3A_917 = vector.broadcast %parallel_loop3A_916 : i32 to vector<16xi32>
          %parallel_loop3A_918 = arith.constant 0 : i32
          %parallel_loop3A_919 = arith.index_cast %parallel_loop3A_918 : i32 to index
          %parallel_loop3A_920 = arith.index_cast %parallel_loop3A_916 : i32 to index
          %parallel_loop3A_921 = arith.constant 0 : index
          %parallel_loop3A_922 = tpu.vector_load %arg14[%parallel_loop3A_919, %parallel_loop3A_920, %parallel_loop3A_921] {strides = array<i32>} : memref<2x128x32xi32, #tpu.memory_space<vmem>>, vector<16xi32>,
          %parallel_loop3A_923 = arith.constant 16 : i32
          %parallel_loop3A_924 = vector.broadcast %parallel_loop3A_923 : i32 to vector<16xi32>
          %parallel_loop3A_925 = arith.shli %parallel_loop3A_922, %parallel_loop3A_924 : vector<16xi32>
          %parallel_loop3A_926 = vector.bitcast %parallel_loop3A_925 : vector<16xi32> to vector<16xf32>
          %parallel_loop3A_927 = arith.constant -65536 : i32
          %parallel_loop3A_928 = vector.broadcast %parallel_loop3A_927 : i32 to vector<16xi32>
          %parallel_loop3A_929 = arith.andi %parallel_loop3A_922, %parallel_loop3A_928 : vector<16xi32>
          %parallel_loop3A_930 = vector.bitcast %parallel_loop3A_929 : vector<16xi32> to vector<16xf32>
          %parallel_loop3A_931 = arith.constant 0 : i32
          %parallel_loop3A_932 = arith.constant 0 : i32
          %parallel_loop3A_933 = arith.constant 0 : i32
          %parallel_loop3A_934 = arith.constant 0 : i32
          %parallel_loop3A_935 = arith.constant 0 : i32
          %parallel_loop3A_936 = tpu.memref_slice %arg16[%parallel_loop3A_931, %parallel_loop3A_932, %parallel_loop3A_933, %parallel_loop3A_934, %parallel_loop3A_935] : memref<2x8x1x8x129xf32, #tpu.memory_space<vmem>> -> memref<1x8x1x8x129xf32, #tpu.memory_space<vmem>>
          %parallel_loop3A_937 = tpu.memref_squeeze %parallel_loop3A_936 : memref<1x8x1x8x129xf32, #tpu.memory_space<vmem>> -> memref<8x1x8x129xf32, #tpu.memory_space<vmem>>
          tpu.vector_store_idx %parallel_loop3A_937[%shift_right_logical3A_6, %broadcast_in_dim3A_1, %and3A_8, %parallel_loop3A_917], %parallel_loop3A_926 : memref<8x1x8x129xf32, #tpu.memory_space<vmem>>[vector<16xi32>, vector<16xi32>, vector<16xi32>, vector<16xi32>], vector<16xf32>,
          %parallel_loop3A_938 = arith.constant 0 : i32
          %parallel_loop3A_939 = arith.constant 0 : i32
          %parallel_loop3A_940 = arith.constant 0 : i32
          %parallel_loop3A_941 = arith.constant 0 : i32
          %parallel_loop3A_942 = arith.constant 0 : i32
          %parallel_loop3A_943 = tpu.memref_slice %arg16[%parallel_loop3A_938, %parallel_loop3A_939, %parallel_loop3A_940, %parallel_loop3A_941, %parallel_loop3A_942] : memref<2x8x1x8x129xf32, #tpu.memory_space<vmem>> -> memref<1x8x1x8x129xf32, #tpu.memory_space<vmem>>
          %parallel_loop3A_944 = tpu.memref_squeeze %parallel_loop3A_943 : memref<1x8x1x8x129xf32, #tpu.memory_space<vmem>> -> memref<8x1x8x129xf32, #tpu.memory_space<vmem>>
          tpu.vector_store_idx %parallel_loop3A_944[%shift_right_logical3A_14, %broadcast_in_dim3A_1, %and3A_17, %parallel_loop3A_917], %parallel_loop3A_930 : memref<8x1x8x129xf32, #tpu.memory_space<vmem>>[vector<16xi32>, vector<16xi32>, vector<16xi32>, vector<16xi32>], vector<16xf32>,
          %parallel_loop3A_945 = arith.constant 0 : i32
          %parallel_loop3A_946 = arith.index_cast %parallel_loop3A_945 : i32 to index
          %parallel_loop3A_947 = arith.index_cast %parallel_loop3A_916 : i32 to index
          %parallel_loop3A_948 = arith.constant 0 : index
          %parallel_loop3A_949 = tpu.vector_load %arg15[%parallel_loop3A_946, %parallel_loop3A_947, %parallel_loop3A_948] {strides = array<i32>} : memref<2x128x32xi32, #tpu.memory_space<vmem>>, vector<16xi32>,
          %parallel_loop3A_950 = arith.constant 16 : i32
          %parallel_loop3A_951 = vector.broadcast %parallel_loop3A_950 : i32 to vector<16xi32>
          %parallel_loop3A_952 = arith.shli %parallel_loop3A_949, %parallel_loop3A_951 : vector<16xi32>
          %parallel_loop3A_953 = vector.bitcast %parallel_loop3A_952 : vector<16xi32> to vector<16xf32>
          %parallel_loop3A_954 = arith.constant -65536 : i32
          %parallel_loop3A_955 = vector.broadcast %parallel_loop3A_954 : i32 to vector<16xi32>
          %parallel_loop3A_956 = arith.andi %parallel_loop3A_949, %parallel_loop3A_955 : vector<16xi32>
          %parallel_loop3A_957 = vector.bitcast %parallel_loop3A_956 : vector<16xi32> to vector<16xf32>
          %parallel_loop3A_958 = arith.constant 0 : i32
          %parallel_loop3A_959 = arith.constant 0 : i32
          %parallel_loop3A_960 = arith.constant 0 : i32
          %parallel_loop3A_961 = arith.constant 0 : i32
          %parallel_loop3A_962 = arith.constant 0 : i32
          %parallel_loop3A_963 = tpu.memref_slice %arg17[%parallel_loop3A_958, %parallel_loop3A_959, %parallel_loop3A_960, %parallel_loop3A_961, %parallel_loop3A_962] : memref<2x8x1x8x129xf32, #tpu.memory_space<vmem>> -> memref<1x8x1x8x129xf32, #tpu.memory_space<vmem>>
          %parallel_loop3A_964 = tpu.memref_squeeze %parallel_loop3A_963 : memref<1x8x1x8x129xf32, #tpu.memory_space<vmem>> -> memref<8x1x8x129xf32, #tpu.memory_space<vmem>>
          tpu.vector_store_idx %parallel_loop3A_964[%shift_right_logical3A_6, %broadcast_in_dim3A_1, %and3A_8, %parallel_loop3A_917], %parallel_loop3A_953 : memref<8x1x8x129xf32, #tpu.memory_space<vmem>>[vector<16xi32>, vector<16xi32>, vector<16xi32>, vector<16xi32>], vector<16xf32>,
          %parallel_loop3A_965 = arith.constant 0 : i32
          %parallel_loop3A_966 = arith.constant 0 : i32
          %parallel_loop3A_967 = arith.constant 0 : i32
          %parallel_loop3A_968 = arith.constant 0 : i32
          %parallel_loop3A_969 = arith.constant 0 : i32
          %parallel_loop3A_970 = tpu.memref_slice %arg17[%parallel_loop3A_965, %parallel_loop3A_966, %parallel_loop3A_967, %parallel_loop3A_968, %parallel_loop3A_969] : memref<2x8x1x8x129xf32, #tpu.memory_space<vmem>> -> memref<1x8x1x8x129xf32, #tpu.memory_space<vmem>>
          %parallel_loop3A_971 = tpu.memref_squeeze %parallel_loop3A_970 : memref<1x8x1x8x129xf32, #tpu.memory_space<vmem>> -> memref<8x1x8x129xf32, #tpu.memory_space<vmem>>
          tpu.vector_store_idx %parallel_loop3A_971[%shift_right_logical3A_14, %broadcast_in_dim3A_1, %and3A_17, %parallel_loop3A_917], %parallel_loop3A_957 : memref<8x1x8x129xf32, #tpu.memory_space<vmem>>[vector<16xi32>, vector<16xi32>, vector<16xi32>, vector<16xi32>], vector<16xf32>,
          %parallel_loop3A_972 = arith.constant 0 : i32
          %parallel_loop3A_973 = arith.index_cast %parallel_loop3A_972 : i32 to index
          %parallel_loop3A_974 = arith.index_cast %parallel_loop3A_916 : i32 to index
          %parallel_loop3A_975 = arith.constant 16 : index
          %parallel_loop3A_976 = tpu.vector_load %arg14[%parallel_loop3A_973, %parallel_loop3A_974, %parallel_loop3A_975] {strides = array<i32>} : memref<2x128x32xi32, #tpu.memory_space<vmem>>, vector<16xi32>,
          %parallel_loop3A_977 = arith.constant 16 : i32
          %parallel_loop3A_978 = vector.broadcast %parallel_loop3A_977 : i32 to vector<16xi32>
          %parallel_loop3A_979 = arith.shli %parallel_loop3A_976, %parallel_loop3A_978 : vector<16xi32>
          %parallel_loop3A_980 = vector.bitcast %parallel_loop3A_979 : vector<16xi32> to vector<16xf32>
          %parallel_loop3A_981 = arith.constant -65536 : i32
          %parallel_loop3A_982 = vector.broadcast %parallel_loop3A_981 : i32 to vector<16xi32>
          %parallel_loop3A_983 = arith.andi %parallel_loop3A_976, %parallel_loop3A_982 : vector<16xi32>
          %parallel_loop3A_984 = vector.bitcast %parallel_loop3A_983 : vector<16xi32> to vector<16xf32>
          %parallel_loop3A_985 = arith.constant 0 : i32
          %parallel_loop3A_986 = arith.constant 0 : i32
          %parallel_loop3A_987 = arith.constant 0 : i32
          %parallel_loop3A_988 = arith.constant 0 : i32
          %parallel_loop3A_989 = arith.constant 0 : i32
          %parallel_loop3A_990 = tpu.memref_slice %arg16[%parallel_loop3A_985, %parallel_loop3A_986, %parallel_loop3A_987, %parallel_loop3A_988, %parallel_loop3A_989] : memref<2x8x1x8x129xf32, #tpu.memory_space<vmem>> -> memref<1x8x1x8x129xf32, #tpu.memory_space<vmem>>
          %parallel_loop3A_991 = tpu.memref_squeeze %parallel_loop3A_990 : memref<1x8x1x8x129xf32, #tpu.memory_space<vmem>> -> memref<8x1x8x129xf32, #tpu.memory_space<vmem>>
          tpu.vector_store_idx %parallel_loop3A_991[%shift_right_logical3A_23, %broadcast_in_dim3A_1, %and3A_26, %parallel_loop3A_917], %parallel_loop3A_980 : memref<8x1x8x129xf32, #tpu.memory_space<vmem>>[vector<16xi32>, vector<16xi32>, vector<16xi32>, vector<16xi32>], vector<16xf32>,
          %parallel_loop3A_992 = arith.constant 0 : i32
          %parallel_loop3A_993 = arith.constant 0 : i32
          %parallel_loop3A_994 = arith.constant 0 : i32
          %parallel_loop3A_995 = arith.constant 0 : i32
          %parallel_loop3A_996 = arith.constant 0 : i32
          %parallel_loop3A_997 = tpu.memref_slice %arg16[%parallel_loop3A_992, %parallel_loop3A_993, %parallel_loop3A_994, %parallel_loop3A_995, %parallel_loop3A_996] : memref<2x8x1x8x129xf32, #tpu.memory_space<vmem>> -> memref<1x8x1x8x129xf32, #tpu.memory_space<vmem>>
          %parallel_loop3A_998 = tpu.memref_squeeze %parallel_loop3A_997 : memref<1x8x1x8x129xf32, #tpu.memory_space<vmem>> -> memref<8x1x8x129xf32, #tpu.memory_space<vmem>>
          tpu.vector_store_idx %parallel_loop3A_998[%shift_right_logical3A_32, %broadcast_in_dim3A_1, %and3A_35, %parallel_loop3A_917], %parallel_loop3A_984 : memref<8x1x8x129xf32, #tpu.memory_space<vmem>>[vector<16xi32>, vector<16xi32>, vector<16xi32>, vector<16xi32>], vector<16xf32>,
          %parallel_loop3A_999 = arith.constant 0 : i32
          %parallel_loop3A_1000 = arith.index_cast %parallel_loop3A_999 : i32 to index
          %parallel_loop3A_1001 = arith.index_cast %parallel_loop3A_916 : i32 to index
          %parallel_loop3A_1002 = arith.constant 16 : index
          %parallel_loop3A_1003 = tpu.vector_load %arg15[%parallel_loop3A_1000, %parallel_loop3A_1001, %parallel_loop3A_1002] {strides = array<i32>} : memref<2x128x32xi32, #tpu.memory_space<vmem>>, vector<16xi32>,
          %parallel_loop3A_1004 = arith.constant 16 : i32
          %parallel_loop3A_1005 = vector.broadcast %parallel_loop3A_1004 : i32 to vector<16xi32>
          %parallel_loop3A_1006 = arith.shli %parallel_loop3A_1003, %parallel_loop3A_1005 : vector<16xi32>
          %parallel_loop3A_1007 = vector.bitcast %parallel_loop3A_1006 : vector<16xi32> to vector<16xf32>
          %parallel_loop3A_1008 = arith.constant -65536 : i32
          %parallel_loop3A_1009 = vector.broadcast %parallel_loop3A_1008 : i32 to vector<16xi32>
          %parallel_loop3A_1010 = arith.andi %parallel_loop3A_1003, %parallel_loop3A_1009 : vector<16xi32>
          %parallel_loop3A_1011 = vector.bitcast %parallel_loop3A_1010 : vector<16xi32> to vector<16xf32>
          %parallel_loop3A_1012 = arith.constant 0 : i32
          %parallel_loop3A_1013 = arith.constant 0 : i32
          %parallel_loop3A_1014 = arith.constant 0 : i32
          %parallel_loop3A_1015 = arith.constant 0 : i32
          %parallel_loop3A_1016 = arith.constant 0 : i32
          %parallel_loop3A_1017 = tpu.memref_slice %arg17[%parallel_loop3A_1012, %parallel_loop3A_1013, %parallel_loop3A_1014, %parallel_loop3A_1015, %parallel_loop3A_1016] : memref<2x8x1x8x129xf32, #tpu.memory_space<vmem>> -> memref<1x8x1x8x129xf32, #tpu.memory_space<vmem>>
          %parallel_loop3A_1018 = tpu.memref_squeeze %parallel_loop3A_1017 : memref<1x8x1x8x129xf32, #tpu.memory_space<vmem>> -> memref<8x1x8x129xf32, #tpu.memory_space<vmem>>
          tpu.vector_store_idx %parallel_loop3A_1018[%shift_right_logical3A_23, %broadcast_in_dim3A_1, %and3A_26, %parallel_loop3A_917], %parallel_loop3A_1007 : memref<8x1x8x129xf32, #tpu.memory_space<vmem>>[vector<16xi32>, vector<16xi32>, vector<16xi32>, vector<16xi32>], vector<16xf32>,
          %parallel_loop3A_1019 = arith.constant 0 : i32
          %parallel_loop3A_1020 = arith.constant 0 : i32
          %parallel_loop3A_1021 = arith.constant 0 : i32
          %parallel_loop3A_1022 = arith.constant 0 : i32
          %parallel_loop3A_1023 = arith.constant 0 : i32
          %parallel_loop3A_1024 = tpu.memref_slice %arg17[%parallel_loop3A_1019, %parallel_loop3A_1020, %parallel_loop3A_1021, %parallel_loop3A_1022, %parallel_loop3A_1023] : memref<2x8x1x8x129xf32, #tpu.memory_space<vmem>> -> memref<1x8x1x8x129xf32, #tpu.memory_space<vmem>>
          %parallel_loop3A_1025 = tpu.memref_squeeze %parallel_loop3A_1024 : memref<1x8x1x8x129xf32, #tpu.memory_space<vmem>> -> memref<8x1x8x129xf32, #tpu.memory_space<vmem>>
          tpu.vector_store_idx %parallel_loop3A_1025[%shift_right_logical3A_32, %broadcast_in_dim3A_1, %and3A_35, %parallel_loop3A_917], %parallel_loop3A_1011 : memref<8x1x8x129xf32, #tpu.memory_space<vmem>>[vector<16xi32>, vector<16xi32>, vector<16xi32>, vector<16xi32>], vector<16xf32>,
          %parallel_loop3A_1026 = arith.constant 1 : i32
          %parallel_loop3A_1027 = arith.addi %parallel_loop3A_914, %parallel_loop3A_1026 : i32
          %parallel_loop3A_1028 = vector.broadcast %parallel_loop3A_1027 : i32 to vector<16xi32>
          %parallel_loop3A_1029 = arith.constant 0 : i32
          %parallel_loop3A_1030 = arith.index_cast %parallel_loop3A_1029 : i32 to index
          %parallel_loop3A_1031 = arith.index_cast %parallel_loop3A_1027 : i32 to index
          %parallel_loop3A_1032 = arith.constant 0 : index
          %parallel_loop3A_1033 = tpu.vector_load %arg14[%parallel_loop3A_1030, %parallel_loop3A_1031, %parallel_loop3A_1032] {strides = array<i32>} : memref<2x128x32xi32, #tpu.memory_space<vmem>>, vector<16xi32>,
          %parallel_loop3A_1034 = arith.constant 16 : i32
          %parallel_loop3A_1035 = vector.broadcast %parallel_loop3A_1034 : i32 to vector<16xi32>
          %parallel_loop3A_1036 = arith.shli %parallel_loop3A_1033, %parallel_loop3A_1035 : vector<16xi32>
          %parallel_loop3A_1037 = vector.bitcast %parallel_loop3A_1036 : vector<16xi32> to vector<16xf32>
          %parallel_loop3A_1038 = arith.constant -65536 : i32
          %parallel_loop3A_1039 = vector.broadcast %parallel_loop3A_1038 : i32 to vector<16xi32>
          %parallel_loop3A_1040 = arith.andi %parallel_loop3A_1033, %parallel_loop3A_1039 : vector<16xi32>
          %parallel_loop3A_1041 = vector.bitcast %parallel_loop3A_1040 : vector<16xi32> to vector<16xf32>
          %parallel_loop3A_1042 = arith.constant 0 : i32
          %parallel_loop3A_1043 = arith.constant 0 : i32
          %parallel_loop3A_1044 = arith.constant 0 : i32
          %parallel_loop3A_1045 = arith.constant 0 : i32
          %parallel_loop3A_1046 = arith.constant 0 : i32
          %parallel_loop3A_1047 = tpu.memref_slice %arg16[%parallel_loop3A_1042, %parallel_loop3A_1043, %parallel_loop3A_1044, %parallel_loop3A_1045, %parallel_loop3A_1046] : memref<2x8x1x8x129xf32, #tpu.memory_space<vmem>> -> memref<1x8x1x8x129xf32, #tpu.memory_space<vmem>>
          %parallel_loop3A_1048 = tpu.memref_squeeze %parallel_loop3A_1047 : memref<1x8x1x8x129xf32, #tpu.memory_space<vmem>> -> memref<8x1x8x129xf32, #tpu.memory_space<vmem>>
          tpu.vector_store_idx %parallel_loop3A_1048[%shift_right_logical3A_6, %broadcast_in_dim3A_1, %and3A_8, %parallel_loop3A_1028], %parallel_loop3A_1037 : memref<8x1x8x129xf32, #tpu.memory_space<vmem>>[vector<16xi32>, vector<16xi32>, vector<16xi32>, vector<16xi32>], vector<16xf32>,
          %parallel_loop3A_1049 = arith.constant 0 : i32
          %parallel_loop3A_1050 = arith.constant 0 : i32
          %parallel_loop3A_1051 = arith.constant 0 : i32
          %parallel_loop3A_1052 = arith.constant 0 : i32
          %parallel_loop3A_1053 = arith.constant 0 : i32
          %parallel_loop3A_1054 = tpu.memref_slice %arg16[%parallel_loop3A_1049, %parallel_loop3A_1050, %parallel_loop3A_1051, %parallel_loop3A_1052, %parallel_loop3A_1053] : memref<2x8x1x8x129xf32, #tpu.memory_space<vmem>> -> memref<1x8x1x8x129xf32, #tpu.memory_space<vmem>>
          %parallel_loop3A_1055 = tpu.memref_squeeze %parallel_loop3A_1054 : memref<1x8x1x8x129xf32, #tpu.memory_space<vmem>> -> memref<8x1x8x129xf32, #tpu.memory_space<vmem>>
          tpu.vector_store_idx %parallel_loop3A_1055[%shift_right_logical3A_14, %broadcast_in_dim3A_1, %and3A_17, %parallel_loop3A_1028], %parallel_loop3A_1041 : memref<8x1x8x129xf32, #tpu.memory_space<vmem>>[vector<16xi32>, vector<16xi32>, vector<16xi32>, vector<16xi32>], vector<16xf32>,
          %parallel_loop3A_1056 = arith.constant 0 : i32
          %parallel_loop3A_1057 = arith.index_cast %parallel_loop3A_1056 : i32 to index
          %parallel_loop3A_1058 = arith.index_cast %parallel_loop3A_1027 : i32 to index
          %parallel_loop3A_1059 = arith.constant 0 : index
          %parallel_loop3A_1060 = tpu.vector_load %arg15[%parallel_loop3A_1057, %parallel_loop3A_1058, %parallel_loop3A_1059] {strides = array<i32>} : memref<2x128x32xi32, #tpu.memory_space<vmem>>, vector<16xi32>,
          %parallel_loop3A_1061 = arith.constant 16 : i32
          %parallel_loop3A_1062 = vector.broadcast %parallel_loop3A_1061 : i32 to vector<16xi32>
          %parallel_loop3A_1063 = arith.shli %parallel_loop3A_1060, %parallel_loop3A_1062 : vector<16xi32>
          %parallel_loop3A_1064 = vector.bitcast %parallel_loop3A_1063 : vector<16xi32> to vector<16xf32>
          %parallel_loop3A_1065 = arith.constant -65536 : i32
          %parallel_loop3A_1066 = vector.broadcast %parallel_loop3A_1065 : i32 to vector<16xi32>
          %parallel_loop3A_1067 = arith.andi %parallel_loop3A_1060, %parallel_loop3A_1066 : vector<16xi32>
          %parallel_loop3A_1068 = vector.bitcast %parallel_loop3A_1067 : vector<16xi32> to vector<16xf32>
          %parallel_loop3A_1069 = arith.constant 0 : i32
          %parallel_loop3A_1070 = arith.constant 0 : i32
          %parallel_loop3A_1071 = arith.constant 0 : i32
          %parallel_loop3A_1072 = arith.constant 0 : i32
          %parallel_loop3A_1073 = arith.constant 0 : i32
          %parallel_loop3A_1074 = tpu.memref_slice %arg17[%parallel_loop3A_1069, %parallel_loop3A_1070, %parallel_loop3A_1071, %parallel_loop3A_1072, %parallel_loop3A_1073] : memref<2x8x1x8x129xf32, #tpu.memory_space<vmem>> -> memref<1x8x1x8x129xf32, #tpu.memory_space<vmem>>
          %parallel_loop3A_1075 = tpu.memref_squeeze %parallel_loop3A_1074 : memref<1x8x1x8x129xf32, #tpu.memory_space<vmem>> -> memref<8x1x8x129xf32, #tpu.memory_space<vmem>>
          tpu.vector_store_idx %parallel_loop3A_1075[%shift_right_logical3A_6, %broadcast_in_dim3A_1, %and3A_8, %parallel_loop3A_1028], %parallel_loop3A_1064 : memref<8x1x8x129xf32, #tpu.memory_space<vmem>>[vector<16xi32>, vector<16xi32>, vector<16xi32>, vector<16xi32>], vector<16xf32>,
          %parallel_loop3A_1076 = arith.constant 0 : i32
          %parallel_loop3A_1077 = arith.constant 0 : i32
          %parallel_loop3A_1078 = arith.constant 0 : i32
          %parallel_loop3A_1079 = arith.constant 0 : i32
          %parallel_loop3A_1080 = arith.constant 0 : i32
          %parallel_loop3A_1081 = tpu.memref_slice %arg17[%parallel_loop3A_1076, %parallel_loop3A_1077, %parallel_loop3A_1078, %parallel_loop3A_1079, %parallel_loop3A_1080] : memref<2x8x1x8x129xf32, #tpu.memory_space<vmem>> -> memref<1x8x1x8x129xf32, #tpu.memory_space<vmem>>
          %parallel_loop3A_1082 = tpu.memref_squeeze %parallel_loop3A_1081 : memref<1x8x1x8x129xf32, #tpu.memory_space<vmem>> -> memref<8x1x8x129xf32, #tpu.memory_space<vmem>>
          tpu.vector_store_idx %parallel_loop3A_1082[%shift_right_logical3A_14, %broadcast_in_dim3A_1, %and3A_17, %parallel_loop3A_1028], %parallel_loop3A_1068 : memref<8x1x8x129xf32, #tpu.memory_space<vmem>>[vector<16xi32>, vector<16xi32>, vector<16xi32>, vector<16xi32>], vector<16xf32>,
          %parallel_loop3A_1083 = arith.constant 0 : i32
          %parallel_loop3A_1084 = arith.index_cast %parallel_loop3A_1083 : i32 to index
          %parallel_loop3A_1085 = arith.index_cast %parallel_loop3A_1027 : i32 to index
          %parallel_loop3A_1086 = arith.constant 16 : index
          %parallel_loop3A_1087 = tpu.vector_load %arg14[%parallel_loop3A_1084, %parallel_loop3A_1085, %parallel_loop3A_1086] {strides = array<i32>} : memref<2x128x32xi32, #tpu.memory_space<vmem>>, vector<16xi32>,
          %parallel_loop3A_1088 = arith.constant 16 : i32
          %parallel_loop3A_1089 = vector.broadcast %parallel_loop3A_1088 : i32 to vector<16xi32>
          %parallel_loop3A_1090 = arith.shli %parallel_loop3A_1087, %parallel_loop3A_1089 : vector<16xi32>
          %parallel_loop3A_1091 = vector.bitcast %parallel_loop3A_1090 : vector<16xi32> to vector<16xf32>
          %parallel_loop3A_1092 = arith.constant -65536 : i32
          %parallel_loop3A_1093 = vector.broadcast %parallel_loop3A_1092 : i32 to vector<16xi32>
          %parallel_loop3A_1094 = arith.andi %parallel_loop3A_1087, %parallel_loop3A_1093 : vector<16xi32>
          %parallel_loop3A_1095 = vector.bitcast %parallel_loop3A_1094 : vector<16xi32> to vector<16xf32>
          %parallel_loop3A_1096 = arith.constant 0 : i32
          %parallel_loop3A_1097 = arith.constant 0 : i32
          %parallel_loop3A_1098 = arith.constant 0 : i32
          %parallel_loop3A_1099 = arith.constant 0 : i32
          %parallel_loop3A_1100 = arith.constant 0 : i32
          %parallel_loop3A_1101 = tpu.memref_slice %arg16[%parallel_loop3A_1096, %parallel_loop3A_1097, %parallel_loop3A_1098, %parallel_loop3A_1099, %parallel_loop3A_1100] : memref<2x8x1x8x129xf32, #tpu.memory_space<vmem>> -> memref<1x8x1x8x129xf32, #tpu.memory_space<vmem>>
          %parallel_loop3A_1102 = tpu.memref_squeeze %parallel_loop3A_1101 : memref<1x8x1x8x129xf32, #tpu.memory_space<vmem>> -> memref<8x1x8x129xf32, #tpu.memory_space<vmem>>
          tpu.vector_store_idx %parallel_loop3A_1102[%shift_right_logical3A_23, %broadcast_in_dim3A_1, %and3A_26, %parallel_loop3A_1028], %parallel_loop3A_1091 : memref<8x1x8x129xf32, #tpu.memory_space<vmem>>[vector<16xi32>, vector<16xi32>, vector<16xi32>, vector<16xi32>], vector<16xf32>,
          %parallel_loop3A_1103 = arith.constant 0 : i32
          %parallel_loop3A_1104 = arith.constant 0 : i32
          %parallel_loop3A_1105 = arith.constant 0 : i32
          %parallel_loop3A_1106 = arith.constant 0 : i32
          %parallel_loop3A_1107 = arith.constant 0 : i32
          %parallel_loop3A_1108 = tpu.memref_slice %arg16[%parallel_loop3A_1103, %parallel_loop3A_1104, %parallel_loop3A_1105, %parallel_loop3A_1106, %parallel_loop3A_1107] : memref<2x8x1x8x129xf32, #tpu.memory_space<vmem>> -> memref<1x8x1x8x129xf32, #tpu.memory_space<vmem>>
          %parallel_loop3A_1109 = tpu.memref_squeeze %parallel_loop3A_1108 : memref<1x8x1x8x129xf32, #tpu.memory_space<vmem>> -> memref<8x1x8x129xf32, #tpu.memory_space<vmem>>
          tpu.vector_store_idx %parallel_loop3A_1109[%shift_right_logical3A_32, %broadcast_in_dim3A_1, %and3A_35, %parallel_loop3A_1028], %parallel_loop3A_1095 : memref<8x1x8x129xf32, #tpu.memory_space<vmem>>[vector<16xi32>, vector<16xi32>, vector<16xi32>, vector<16xi32>], vector<16xf32>,
          %parallel_loop3A_1110 = arith.constant 0 : i32
          %parallel_loop3A_1111 = arith.index_cast %parallel_loop3A_1110 : i32 to index
          %parallel_loop3A_1112 = arith.index_cast %parallel_loop3A_1027 : i32 to index
          %parallel_loop3A_1113 = arith.constant 16 : index
          %parallel_loop3A_1114 = tpu.vector_load %arg15[%parallel_loop3A_1111, %parallel_loop3A_1112, %parallel_loop3A_1113] {strides = array<i32>} : memref<2x128x32xi32, #tpu.memory_space<vmem>>, vector<16xi32>,
          %parallel_loop3A_1115 = arith.constant 16 : i32
          %parallel_loop3A_1116 = vector.broadcast %parallel_loop3A_1115 : i32 to vector<16xi32>
          %parallel_loop3A_1117 = arith.shli %parallel_loop3A_1114, %parallel_loop3A_1116 : vector<16xi32>
          %parallel_loop3A_1118 = vector.bitcast %parallel_loop3A_1117 : vector<16xi32> to vector<16xf32>
          %parallel_loop3A_1119 = arith.constant -65536 : i32
          %parallel_loop3A_1120 = vector.broadcast %parallel_loop3A_1119 : i32 to vector<16xi32>
          %parallel_loop3A_1121 = arith.andi %parallel_loop3A_1114, %parallel_loop3A_1120 : vector<16xi32>
          %parallel_loop3A_1122 = vector.bitcast %parallel_loop3A_1121 : vector<16xi32> to vector<16xf32>
          %parallel_loop3A_1123 = arith.constant 0 : i32
          %parallel_loop3A_1124 = arith.constant 0 : i32
          %parallel_loop3A_1125 = arith.constant 0 : i32
          %parallel_loop3A_1126 = arith.constant 0 : i32
          %parallel_loop3A_1127 = arith.constant 0 : i32
          %parallel_loop3A_1128 = tpu.memref_slice %arg17[%parallel_loop3A_1123, %parallel_loop3A_1124, %parallel_loop3A_1125, %parallel_loop3A_1126, %parallel_loop3A_1127] : memref<2x8x1x8x129xf32, #tpu.memory_space<vmem>> -> memref<1x8x1x8x129xf32, #tpu.memory_space<vmem>>
          %parallel_loop3A_1129 = tpu.memref_squeeze %parallel_loop3A_1128 : memref<1x8x1x8x129xf32, #tpu.memory_space<vmem>> -> memref<8x1x8x129xf32, #tpu.memory_space<vmem>>
          tpu.vector_store_idx %parallel_loop3A_1129[%shift_right_logical3A_23, %broadcast_in_dim3A_1, %and3A_26, %parallel_loop3A_1028], %parallel_loop3A_1118 : memref<8x1x8x129xf32, #tpu.memory_space<vmem>>[vector<16xi32>, vector<16xi32>, vector<16xi32>, vector<16xi32>], vector<16xf32>,
          %parallel_loop3A_1130 = arith.constant 0 : i32
          %parallel_loop3A_1131 = arith.constant 0 : i32
          %parallel_loop3A_1132 = arith.constant 0 : i32
          %parallel_loop3A_1133 = arith.constant 0 : i32
          %parallel_loop3A_1134 = arith.constant 0 : i32
          %parallel_loop3A_1135 = tpu.memref_slice %arg17[%parallel_loop3A_1130, %parallel_loop3A_1131, %parallel_loop3A_1132, %parallel_loop3A_1133, %parallel_loop3A_1134] : memref<2x8x1x8x129xf32, #tpu.memory_space<vmem>> -> memref<1x8x1x8x129xf32, #tpu.memory_space<vmem>>
          %parallel_loop3A_1136 = tpu.memref_squeeze %parallel_loop3A_1135 : memref<1x8x1x8x129xf32, #tpu.memory_space<vmem>> -> memref<8x1x8x129xf32, #tpu.memory_space<vmem>>
          tpu.vector_store_idx %parallel_loop3A_1136[%shift_right_logical3A_32, %broadcast_in_dim3A_1, %and3A_35, %parallel_loop3A_1028], %parallel_loop3A_1122 : memref<8x1x8x129xf32, #tpu.memory_space<vmem>>[vector<16xi32>, vector<16xi32>, vector<16xi32>, vector<16xi32>], vector<16xf32>,
        } {sc.loop_unroll_factor = 2 : i64, sc.parallel_access}
        %sub3A = arith.constant 1 : i32
        %sub3A_864 = arith.subi %add3A_564, %sub3A : i32
        %shift_right_logical3A_865 = arith.constant 2 : i32
        %shift_right_logical3A_866 = arith.shrui %sub3A_864, %shift_right_logical3A_865 : i32
        %mul3A_867 = arith.constant 4 : i32
        %mul3A_868 = arith.muli %add3A, %mul3A_867 : i32
        %and3A_869 = arith.constant 3 : i32
        %and3A_870 = arith.andi %sub3A_864, %and3A_869 : i32
        %add3A_871 = arith.addi %mul3A_868, %and3A_870 : i32
        %mul3A_872 = arith.constant 8 : i32
        %mul3A_873 = arith.muli %shift_right_logical3A_866, %mul3A_872 : i32
        %mul3A_874 = arith.constant 8 : i32
        %mul3A_875 = arith.muli %shift_right_logical3A_866, %mul3A_874 : i32
        %dma_start3A_876 = arith.constant 0 : i32
        %dma_start3A_877 = arith.constant 0 : i32
        %dma_start3A_878 = arith.constant 0 : i32
        %dma_start3A_879 = arith.constant 0 : i32
        %dma_start3A_880 = arith.constant 0 : i32
        %dma_start3A_881 = tpu.memref_slice %arg16[%dma_start3A_876, %dma_start3A_877, %dma_start3A_878, %dma_start3A_879, %dma_start3A_880] : memref<2x8x1x8x129xf32, #tpu.memory_space<vmem>> -> memref<1x8x1x8x128xf32, #tpu.memory_space<vmem>>
        %dma_start3A_882 = tpu.memref_squeeze %dma_start3A_881 : memref<1x8x1x8x128xf32, #tpu.memory_space<vmem>> -> memref<8x1x8x128xf32, #tpu.memory_space<vmem>>
        %dma_start3A_883 = arith.constant 0 : i32
        %dma_start3A_884 = arith.constant 0 : i32
        %dma_start3A_885 = tpu.memref_slice %arg7[%mul3A_873, %add3A_871, %dma_start3A_883, %dma_start3A_884] : memref<400x128x8x128xf32, #tpu.memory_space<hbm>> -> memref<8x1x8x128xf32, #tpu.memory_space<hbm>>
        %dma_start3A_886 = arith.constant 0 : i32
        %dma_start3A_887 = arith.constant 0 : i32
        %dma_start3A_888 = tpu.memref_slice %arg7[%mul3A_873, %add3A_871, %dma_start3A_886, %dma_start3A_887] : memref<400x128x8x128xf32, #tpu.memory_space<hbm>> -> memref<8x1x8x128xf32, #tpu.memory_space<hbm>>
        %dma_start3A_889 = arith.constant 0 : i32
        %dma_start3A_890 = arith.constant 0 : i32
        %dma_start3A_891 = arith.constant 0 : i32
        %dma_start3A_892 = arith.constant 0 : i32
        %dma_start3A_893 = tpu.memref_slice %arg16[%dma_start3A_876, %dma_start3A_889, %dma_start3A_890, %dma_start3A_891, %dma_start3A_892] : memref<2x8x1x8x129xf32, #tpu.memory_space<vmem>> -> memref<1x8x1x8x128xf32, #tpu.memory_space<vmem>>
        %dma_start3A_894 = tpu.memref_squeeze %dma_start3A_893 : memref<1x8x1x8x128xf32, #tpu.memory_space<vmem>> -> memref<8x1x8x128xf32, #tpu.memory_space<vmem>>
        tpu.enqueue_dma source(%dma_start3A_894 : memref<8x1x8x128xf32, #tpu.memory_space<vmem>>) target(%dma_start3A_888 : memref<8x1x8x128xf32, #tpu.memory_space<hbm>>) target_semaphore(%arg22 : memref<!tpu.dma_semaphore, #tpu.memory_space<semaphore_mem>>)
        %dma_start3A_895 = arith.constant 0 : i32
        %dma_start3A_896 = arith.constant 0 : i32
        %dma_start3A_897 = arith.constant 0 : i32
        %dma_start3A_898 = arith.constant 0 : i32
        %dma_start3A_899 = arith.constant 0 : i32
        %dma_start3A_900 = tpu.memref_slice %arg17[%dma_start3A_895, %dma_start3A_896, %dma_start3A_897, %dma_start3A_898, %dma_start3A_899] : memref<2x8x1x8x129xf32, #tpu.memory_space<vmem>> -> memref<1x8x1x8x128xf32, #tpu.memory_space<vmem>>
        %dma_start3A_901 = tpu.memref_squeeze %dma_start3A_900 : memref<1x8x1x8x128xf32, #tpu.memory_space<vmem>> -> memref<8x1x8x128xf32, #tpu.memory_space<vmem>>
        %dma_start3A_902 = arith.constant 0 : i32
        %dma_start3A_903 = arith.constant 0 : i32
        %dma_start3A_904 = tpu.memref_slice %arg8[%mul3A_875, %add3A_871, %dma_start3A_902, %dma_start3A_903] : memref<400x128x8x128xf32, #tpu.memory_space<hbm>> -> memref<8x1x8x128xf32, #tpu.memory_space<hbm>>
        %dma_start3A_905 = arith.constant 0 : i32
        %dma_start3A_906 = arith.constant 0 : i32
        %dma_start3A_907 = tpu.memref_slice %arg8[%mul3A_875, %add3A_871, %dma_start3A_905, %dma_start3A_906] : memref<400x128x8x128xf32, #tpu.memory_space<hbm>> -> memref<8x1x8x128xf32, #tpu.memory_space<hbm>>
        %dma_start3A_908 = arith.constant 0 : i32
        %dma_start3A_909 = arith.constant 0 : i32
        %dma_start3A_910 = arith.constant 0 : i32
        %dma_start3A_911 = arith.constant 0 : i32
        %dma_start3A_912 = tpu.memref_slice %arg17[%dma_start3A_895, %dma_start3A_908, %dma_start3A_909, %dma_start3A_910, %dma_start3A_911] : memref<2x8x1x8x129xf32, #tpu.memory_space<vmem>> -> memref<1x8x1x8x128xf32, #tpu.memory_space<vmem>>
        %dma_start3A_913 = tpu.memref_squeeze %dma_start3A_912 : memref<1x8x1x8x128xf32, #tpu.memory_space<vmem>> -> memref<8x1x8x128xf32, #tpu.memory_space<vmem>>
        tpu.enqueue_dma source(%dma_start3A_913 : memref<8x1x8x128xf32, #tpu.memory_space<vmem>>) target(%dma_start3A_907 : memref<8x1x8x128xf32, #tpu.memory_space<hbm>>) target_semaphore(%arg22 : memref<!tpu.dma_semaphore, #tpu.memory_space<semaphore_mem>>)
      } else {
      }
    }
    %scan3A_117 = arith.constant 100 : i32
    %dma_wait3A = arith.constant 1 : i32
    %dma_wait3A_118 = arith.constant 1 : i32
    %dma_wait3A_119 = arith.constant 0 : i32
    %dma_wait3A_120 = arith.constant 0 : i32
    %dma_wait3A_121 = tpu.memref_slice %arg14[%dma_wait3A_118, %dma_wait3A_119, %dma_wait3A_120] : memref<2x128x32xi32, #tpu.memory_space<vmem>> -> memref<1x128x32xi32, #tpu.memory_space<vmem>>
    %dma_wait3A_122 = tpu.memref_squeeze %dma_wait3A_121 : memref<1x128x32xi32, #tpu.memory_space<vmem>> -> memref<128x32xi32, #tpu.memory_space<vmem>>
    %dma_wait3A_123 = arith.constant 0 : i32
    %dma_wait3A_124 = tpu.memref_slice %arg12[%dma_wait3A, %dma_wait3A_123] : memref<2x128xi32, #tpu.memory_space<vmem>> -> memref<1x128xi32, #tpu.memory_space<vmem>>
    %dma_wait3A_125 = tpu.memref_squeeze %dma_wait3A_124 : memref<1x128xi32, #tpu.memory_space<vmem>> -> memref<128xi32, #tpu.memory_space<vmem>>
    %dma_wait3A_126 = arith.constant 0 : i32
    %dma_wait3A_127 = arith.constant 0 : i32
    %dma_wait3A_128 = tpu.memref_slice %arg5[%dma_wait3A_126, %dma_wait3A_127] : memref<2048x32xi32, #tpu.memory_space<hbm>> -> memref<2048x32xi32, #tpu.memory_space<hbm>>
    tpu.wait_indirect_dma semaphore(%arg21 : memref<!tpu.dma_semaphore, #tpu.memory_space<semaphore_mem>>) src(%dma_wait3A_128 : memref<2048x32xi32, #tpu.memory_space<hbm>>) dst(%dma_wait3A_122 : memref<128x32xi32, #tpu.memory_space<vmem>>)
    %dma_wait3A_129 = arith.constant 1 : i32
    %dma_wait3A_130 = arith.constant 1 : i32
    %dma_wait3A_131 = arith.constant 0 : i32
    %dma_wait3A_132 = arith.constant 0 : i32
    %dma_wait3A_133 = tpu.memref_slice %arg15[%dma_wait3A_130, %dma_wait3A_131, %dma_wait3A_132] : memref<2x128x32xi32, #tpu.memory_space<vmem>> -> memref<1x128x32xi32, #tpu.memory_space<vmem>>
    %dma_wait3A_134 = tpu.memref_squeeze %dma_wait3A_133 : memref<1x128x32xi32, #tpu.memory_space<vmem>> -> memref<128x32xi32, #tpu.memory_space<vmem>>
    %dma_wait3A_135 = arith.constant 0 : i32
    %dma_wait3A_136 = tpu.memref_slice %arg13[%dma_wait3A_129, %dma_wait3A_135] : memref<2x128xi32, #tpu.memory_space<vmem>> -> memref<1x128xi32, #tpu.memory_space<vmem>>
    %dma_wait3A_137 = tpu.memref_squeeze %dma_wait3A_136 : memref<1x128xi32, #tpu.memory_space<vmem>> -> memref<128xi32, #tpu.memory_space<vmem>>
    %dma_wait3A_138 = arith.constant 0 : i32
    %dma_wait3A_139 = arith.constant 0 : i32
    %dma_wait3A_140 = tpu.memref_slice %arg6[%dma_wait3A_138, %dma_wait3A_139] : memref<100000x32xi32, #tpu.memory_space<hbm>> -> memref<100000x32xi32, #tpu.memory_space<hbm>>
    tpu.wait_indirect_dma semaphore(%arg21 : memref<!tpu.dma_semaphore, #tpu.memory_space<semaphore_mem>>) src(%dma_wait3A_140 : memref<100000x32xi32, #tpu.memory_space<hbm>>) dst(%dma_wait3A_134 : memref<128x32xi32, #tpu.memory_space<vmem>>)
    %parallel_loop3A = arith.constant 0 : i32
    %parallel_loop3A_141 = arith.constant 128 : i32
    %parallel_loop3A_142 = arith.constant 2 : i32
    scf.for %parallel_loop3A_290 = %parallel_loop3A to %parallel_loop3A_141 step %parallel_loop3A_142  : i32 {
      %parallel_loop3A_291 = arith.constant 0 : i32
      %parallel_loop3A_292 = arith.addi %parallel_loop3A_290, %parallel_loop3A_291 : i32
      %parallel_loop3A_293 = vector.broadcast %parallel_loop3A_292 : i32 to vector<16xi32>
      %parallel_loop3A_294 = arith.constant 1 : i32
      %parallel_loop3A_295 = arith.index_cast %parallel_loop3A_294 : i32 to index
      %parallel_loop3A_296 = arith.index_cast %parallel_loop3A_292 : i32 to index
      %parallel_loop3A_297 = arith.constant 0 : index
      %parallel_loop3A_298 = tpu.vector_load %arg14[%parallel_loop3A_295, %parallel_loop3A_296, %parallel_loop3A_297] {strides = array<i32>} : memref<2x128x32xi32, #tpu.memory_space<vmem>>, vector<16xi32>,
      %parallel_loop3A_299 = arith.constant 16 : i32
      %parallel_loop3A_300 = vector.broadcast %parallel_loop3A_299 : i32 to vector<16xi32>
      %parallel_loop3A_301 = arith.shli %parallel_loop3A_298, %parallel_loop3A_300 : vector<16xi32>
      %parallel_loop3A_302 = vector.bitcast %parallel_loop3A_301 : vector<16xi32> to vector<16xf32>
      %parallel_loop3A_303 = arith.constant -65536 : i32
      %parallel_loop3A_304 = vector.broadcast %parallel_loop3A_303 : i32 to vector<16xi32>
      %parallel_loop3A_305 = arith.andi %parallel_loop3A_298, %parallel_loop3A_304 : vector<16xi32>
      %parallel_loop3A_306 = vector.bitcast %parallel_loop3A_305 : vector<16xi32> to vector<16xf32>
      %parallel_loop3A_307 = arith.constant 1 : i32
      %parallel_loop3A_308 = arith.constant 0 : i32
      %parallel_loop3A_309 = arith.constant 0 : i32
      %parallel_loop3A_310 = arith.constant 0 : i32
      %parallel_loop3A_311 = arith.constant 0 : i32
      %parallel_loop3A_312 = tpu.memref_slice %arg16[%parallel_loop3A_307, %parallel_loop3A_308, %parallel_loop3A_309, %parallel_loop3A_310, %parallel_loop3A_311] : memref<2x8x1x8x129xf32, #tpu.memory_space<vmem>> -> memref<1x8x1x8x129xf32, #tpu.memory_space<vmem>>
      %parallel_loop3A_313 = tpu.memref_squeeze %parallel_loop3A_312 : memref<1x8x1x8x129xf32, #tpu.memory_space<vmem>> -> memref<8x1x8x129xf32, #tpu.memory_space<vmem>>
      tpu.vector_store_idx %parallel_loop3A_313[%shift_right_logical3A_6, %broadcast_in_dim3A_1, %and3A_8, %parallel_loop3A_293], %parallel_loop3A_302 : memref<8x1x8x129xf32, #tpu.memory_space<vmem>>[vector<16xi32>, vector<16xi32>, vector<16xi32>, vector<16xi32>], vector<16xf32>,
      %parallel_loop3A_314 = arith.constant 1 : i32
      %parallel_loop3A_315 = arith.constant 0 : i32
      %parallel_loop3A_316 = arith.constant 0 : i32
      %parallel_loop3A_317 = arith.constant 0 : i32
      %parallel_loop3A_318 = arith.constant 0 : i32
      %parallel_loop3A_319 = tpu.memref_slice %arg16[%parallel_loop3A_314, %parallel_loop3A_315, %parallel_loop3A_316, %parallel_loop3A_317, %parallel_loop3A_318] : memref<2x8x1x8x129xf32, #tpu.memory_space<vmem>> -> memref<1x8x1x8x129xf32, #tpu.memory_space<vmem>>
      %parallel_loop3A_320 = tpu.memref_squeeze %parallel_loop3A_319 : memref<1x8x1x8x129xf32, #tpu.memory_space<vmem>> -> memref<8x1x8x129xf32, #tpu.memory_space<vmem>>
      tpu.vector_store_idx %parallel_loop3A_320[%shift_right_logical3A_14, %broadcast_in_dim3A_1, %and3A_17, %parallel_loop3A_293], %parallel_loop3A_306 : memref<8x1x8x129xf32, #tpu.memory_space<vmem>>[vector<16xi32>, vector<16xi32>, vector<16xi32>, vector<16xi32>], vector<16xf32>,
      %parallel_loop3A_321 = arith.constant 1 : i32
      %parallel_loop3A_322 = arith.index_cast %parallel_loop3A_321 : i32 to index
      %parallel_loop3A_323 = arith.index_cast %parallel_loop3A_292 : i32 to index
      %parallel_loop3A_324 = arith.constant 0 : index
      %parallel_loop3A_325 = tpu.vector_load %arg15[%parallel_loop3A_322, %parallel_loop3A_323, %parallel_loop3A_324] {strides = array<i32>} : memref<2x128x32xi32, #tpu.memory_space<vmem>>, vector<16xi32>,
      %parallel_loop3A_326 = arith.constant 16 : i32
      %parallel_loop3A_327 = vector.broadcast %parallel_loop3A_326 : i32 to vector<16xi32>
      %parallel_loop3A_328 = arith.shli %parallel_loop3A_325, %parallel_loop3A_327 : vector<16xi32>
      %parallel_loop3A_329 = vector.bitcast %parallel_loop3A_328 : vector<16xi32> to vector<16xf32>
      %parallel_loop3A_330 = arith.constant -65536 : i32
      %parallel_loop3A_331 = vector.broadcast %parallel_loop3A_330 : i32 to vector<16xi32>
      %parallel_loop3A_332 = arith.andi %parallel_loop3A_325, %parallel_loop3A_331 : vector<16xi32>
      %parallel_loop3A_333 = vector.bitcast %parallel_loop3A_332 : vector<16xi32> to vector<16xf32>
      %parallel_loop3A_334 = arith.constant 1 : i32
      %parallel_loop3A_335 = arith.constant 0 : i32
      %parallel_loop3A_336 = arith.constant 0 : i32
      %parallel_loop3A_337 = arith.constant 0 : i32
      %parallel_loop3A_338 = arith.constant 0 : i32
      %parallel_loop3A_339 = tpu.memref_slice %arg17[%parallel_loop3A_334, %parallel_loop3A_335, %parallel_loop3A_336, %parallel_loop3A_337, %parallel_loop3A_338] : memref<2x8x1x8x129xf32, #tpu.memory_space<vmem>> -> memref<1x8x1x8x129xf32, #tpu.memory_space<vmem>>
      %parallel_loop3A_340 = tpu.memref_squeeze %parallel_loop3A_339 : memref<1x8x1x8x129xf32, #tpu.memory_space<vmem>> -> memref<8x1x8x129xf32, #tpu.memory_space<vmem>>
      tpu.vector_store_idx %parallel_loop3A_340[%shift_right_logical3A_6, %broadcast_in_dim3A_1, %and3A_8, %parallel_loop3A_293], %parallel_loop3A_329 : memref<8x1x8x129xf32, #tpu.memory_space<vmem>>[vector<16xi32>, vector<16xi32>, vector<16xi32>, vector<16xi32>], vector<16xf32>,
      %parallel_loop3A_341 = arith.constant 1 : i32
      %parallel_loop3A_342 = arith.constant 0 : i32
      %parallel_loop3A_343 = arith.constant 0 : i32
      %parallel_loop3A_344 = arith.constant 0 : i32
      %parallel_loop3A_345 = arith.constant 0 : i32
      %parallel_loop3A_346 = tpu.memref_slice %arg17[%parallel_loop3A_341, %parallel_loop3A_342, %parallel_loop3A_343, %parallel_loop3A_344, %parallel_loop3A_345] : memref<2x8x1x8x129xf32, #tpu.memory_space<vmem>> -> memref<1x8x1x8x129xf32, #tpu.memory_space<vmem>>
      %parallel_loop3A_347 = tpu.memref_squeeze %parallel_loop3A_346 : memref<1x8x1x8x129xf32, #tpu.memory_space<vmem>> -> memref<8x1x8x129xf32, #tpu.memory_space<vmem>>
      tpu.vector_store_idx %parallel_loop3A_347[%shift_right_logical3A_14, %broadcast_in_dim3A_1, %and3A_17, %parallel_loop3A_293], %parallel_loop3A_333 : memref<8x1x8x129xf32, #tpu.memory_space<vmem>>[vector<16xi32>, vector<16xi32>, vector<16xi32>, vector<16xi32>], vector<16xf32>,
      %parallel_loop3A_348 = arith.constant 1 : i32
      %parallel_loop3A_349 = arith.index_cast %parallel_loop3A_348 : i32 to index
      %parallel_loop3A_350 = arith.index_cast %parallel_loop3A_292 : i32 to index
      %parallel_loop3A_351 = arith.constant 16 : index
      %parallel_loop3A_352 = tpu.vector_load %arg14[%parallel_loop3A_349, %parallel_loop3A_350, %parallel_loop3A_351] {strides = array<i32>} : memref<2x128x32xi32, #tpu.memory_space<vmem>>, vector<16xi32>,
      %parallel_loop3A_353 = arith.constant 16 : i32
      %parallel_loop3A_354 = vector.broadcast %parallel_loop3A_353 : i32 to vector<16xi32>
      %parallel_loop3A_355 = arith.shli %parallel_loop3A_352, %parallel_loop3A_354 : vector<16xi32>
      %parallel_loop3A_356 = vector.bitcast %parallel_loop3A_355 : vector<16xi32> to vector<16xf32>
      %parallel_loop3A_357 = arith.constant -65536 : i32
      %parallel_loop3A_358 = vector.broadcast %parallel_loop3A_357 : i32 to vector<16xi32>
      %parallel_loop3A_359 = arith.andi %parallel_loop3A_352, %parallel_loop3A_358 : vector<16xi32>
      %parallel_loop3A_360 = vector.bitcast %parallel_loop3A_359 : vector<16xi32> to vector<16xf32>
      %parallel_loop3A_361 = arith.constant 1 : i32
      %parallel_loop3A_362 = arith.constant 0 : i32
      %parallel_loop3A_363 = arith.constant 0 : i32
      %parallel_loop3A_364 = arith.constant 0 : i32
      %parallel_loop3A_365 = arith.constant 0 : i32
      %parallel_loop3A_366 = tpu.memref_slice %arg16[%parallel_loop3A_361, %parallel_loop3A_362, %parallel_loop3A_363, %parallel_loop3A_364, %parallel_loop3A_365] : memref<2x8x1x8x129xf32, #tpu.memory_space<vmem>> -> memref<1x8x1x8x129xf32, #tpu.memory_space<vmem>>
      %parallel_loop3A_367 = tpu.memref_squeeze %parallel_loop3A_366 : memref<1x8x1x8x129xf32, #tpu.memory_space<vmem>> -> memref<8x1x8x129xf32, #tpu.memory_space<vmem>>
      tpu.vector_store_idx %parallel_loop3A_367[%shift_right_logical3A_23, %broadcast_in_dim3A_1, %and3A_26, %parallel_loop3A_293], %parallel_loop3A_356 : memref<8x1x8x129xf32, #tpu.memory_space<vmem>>[vector<16xi32>, vector<16xi32>, vector<16xi32>, vector<16xi32>], vector<16xf32>,
      %parallel_loop3A_368 = arith.constant 1 : i32
      %parallel_loop3A_369 = arith.constant 0 : i32
      %parallel_loop3A_370 = arith.constant 0 : i32
      %parallel_loop3A_371 = arith.constant 0 : i32
      %parallel_loop3A_372 = arith.constant 0 : i32
      %parallel_loop3A_373 = tpu.memref_slice %arg16[%parallel_loop3A_368, %parallel_loop3A_369, %parallel_loop3A_370, %parallel_loop3A_371, %parallel_loop3A_372] : memref<2x8x1x8x129xf32, #tpu.memory_space<vmem>> -> memref<1x8x1x8x129xf32, #tpu.memory_space<vmem>>
      %parallel_loop3A_374 = tpu.memref_squeeze %parallel_loop3A_373 : memref<1x8x1x8x129xf32, #tpu.memory_space<vmem>> -> memref<8x1x8x129xf32, #tpu.memory_space<vmem>>
      tpu.vector_store_idx %parallel_loop3A_374[%shift_right_logical3A_32, %broadcast_in_dim3A_1, %and3A_35, %parallel_loop3A_293], %parallel_loop3A_360 : memref<8x1x8x129xf32, #tpu.memory_space<vmem>>[vector<16xi32>, vector<16xi32>, vector<16xi32>, vector<16xi32>], vector<16xf32>,
      %parallel_loop3A_375 = arith.constant 1 : i32
      %parallel_loop3A_376 = arith.index_cast %parallel_loop3A_375 : i32 to index
      %parallel_loop3A_377 = arith.index_cast %parallel_loop3A_292 : i32 to index
      %parallel_loop3A_378 = arith.constant 16 : index
      %parallel_loop3A_379 = tpu.vector_load %arg15[%parallel_loop3A_376, %parallel_loop3A_377, %parallel_loop3A_378] {strides = array<i32>} : memref<2x128x32xi32, #tpu.memory_space<vmem>>, vector<16xi32>,
      %parallel_loop3A_380 = arith.constant 16 : i32
      %parallel_loop3A_381 = vector.broadcast %parallel_loop3A_380 : i32 to vector<16xi32>
      %parallel_loop3A_382 = arith.shli %parallel_loop3A_379, %parallel_loop3A_381 : vector<16xi32>
      %parallel_loop3A_383 = vector.bitcast %parallel_loop3A_382 : vector<16xi32> to vector<16xf32>
      %parallel_loop3A_384 = arith.constant -65536 : i32
      %parallel_loop3A_385 = vector.broadcast %parallel_loop3A_384 : i32 to vector<16xi32>
      %parallel_loop3A_386 = arith.andi %parallel_loop3A_379, %parallel_loop3A_385 : vector<16xi32>
      %parallel_loop3A_387 = vector.bitcast %parallel_loop3A_386 : vector<16xi32> to vector<16xf32>
      %parallel_loop3A_388 = arith.constant 1 : i32
      %parallel_loop3A_389 = arith.constant 0 : i32
      %parallel_loop3A_390 = arith.constant 0 : i32
      %parallel_loop3A_391 = arith.constant 0 : i32
      %parallel_loop3A_392 = arith.constant 0 : i32
      %parallel_loop3A_393 = tpu.memref_slice %arg17[%parallel_loop3A_388, %parallel_loop3A_389, %parallel_loop3A_390, %parallel_loop3A_391, %parallel_loop3A_392] : memref<2x8x1x8x129xf32, #tpu.memory_space<vmem>> -> memref<1x8x1x8x129xf32, #tpu.memory_space<vmem>>
      %parallel_loop3A_394 = tpu.memref_squeeze %parallel_loop3A_393 : memref<1x8x1x8x129xf32, #tpu.memory_space<vmem>> -> memref<8x1x8x129xf32, #tpu.memory_space<vmem>>
      tpu.vector_store_idx %parallel_loop3A_394[%shift_right_logical3A_23, %broadcast_in_dim3A_1, %and3A_26, %parallel_loop3A_293], %parallel_loop3A_383 : memref<8x1x8x129xf32, #tpu.memory_space<vmem>>[vector<16xi32>, vector<16xi32>, vector<16xi32>, vector<16xi32>], vector<16xf32>,
      %parallel_loop3A_395 = arith.constant 1 : i32
      %parallel_loop3A_396 = arith.constant 0 : i32
      %parallel_loop3A_397 = arith.constant 0 : i32
      %parallel_loop3A_398 = arith.constant 0 : i32
      %parallel_loop3A_399 = arith.constant 0 : i32
      %parallel_loop3A_400 = tpu.memref_slice %arg17[%parallel_loop3A_395, %parallel_loop3A_396, %parallel_loop3A_397, %parallel_loop3A_398, %parallel_loop3A_399] : memref<2x8x1x8x129xf32, #tpu.memory_space<vmem>> -> memref<1x8x1x8x129xf32, #tpu.memory_space<vmem>>
      %parallel_loop3A_401 = tpu.memref_squeeze %parallel_loop3A_400 : memref<1x8x1x8x129xf32, #tpu.memory_space<vmem>> -> memref<8x1x8x129xf32, #tpu.memory_space<vmem>>
      tpu.vector_store_idx %parallel_loop3A_401[%shift_right_logical3A_32, %broadcast_in_dim3A_1, %and3A_35, %parallel_loop3A_293], %parallel_loop3A_387 : memref<8x1x8x129xf32, #tpu.memory_space<vmem>>[vector<16xi32>, vector<16xi32>, vector<16xi32>, vector<16xi32>], vector<16xf32>,
      %parallel_loop3A_402 = arith.constant 1 : i32
      %parallel_loop3A_403 = arith.addi %parallel_loop3A_290, %parallel_loop3A_402 : i32
      %parallel_loop3A_404 = vector.broadcast %parallel_loop3A_403 : i32 to vector<16xi32>
      %parallel_loop3A_405 = arith.constant 1 : i32
      %parallel_loop3A_406 = arith.index_cast %parallel_loop3A_405 : i32 to index
      %parallel_loop3A_407 = arith.index_cast %parallel_loop3A_403 : i32 to index
      %parallel_loop3A_408 = arith.constant 0 : index
      %parallel_loop3A_409 = tpu.vector_load %arg14[%parallel_loop3A_406, %parallel_loop3A_407, %parallel_loop3A_408] {strides = array<i32>} : memref<2x128x32xi32, #tpu.memory_space<vmem>>, vector<16xi32>,
      %parallel_loop3A_410 = arith.constant 16 : i32
      %parallel_loop3A_411 = vector.broadcast %parallel_loop3A_410 : i32 to vector<16xi32>
      %parallel_loop3A_412 = arith.shli %parallel_loop3A_409, %parallel_loop3A_411 : vector<16xi32>
      %parallel_loop3A_413 = vector.bitcast %parallel_loop3A_412 : vector<16xi32> to vector<16xf32>
      %parallel_loop3A_414 = arith.constant -65536 : i32
      %parallel_loop3A_415 = vector.broadcast %parallel_loop3A_414 : i32 to vector<16xi32>
      %parallel_loop3A_416 = arith.andi %parallel_loop3A_409, %parallel_loop3A_415 : vector<16xi32>
      %parallel_loop3A_417 = vector.bitcast %parallel_loop3A_416 : vector<16xi32> to vector<16xf32>
      %parallel_loop3A_418 = arith.constant 1 : i32
      %parallel_loop3A_419 = arith.constant 0 : i32
      %parallel_loop3A_420 = arith.constant 0 : i32
      %parallel_loop3A_421 = arith.constant 0 : i32
      %parallel_loop3A_422 = arith.constant 0 : i32
      %parallel_loop3A_423 = tpu.memref_slice %arg16[%parallel_loop3A_418, %parallel_loop3A_419, %parallel_loop3A_420, %parallel_loop3A_421, %parallel_loop3A_422] : memref<2x8x1x8x129xf32, #tpu.memory_space<vmem>> -> memref<1x8x1x8x129xf32, #tpu.memory_space<vmem>>
      %parallel_loop3A_424 = tpu.memref_squeeze %parallel_loop3A_423 : memref<1x8x1x8x129xf32, #tpu.memory_space<vmem>> -> memref<8x1x8x129xf32, #tpu.memory_space<vmem>>
      tpu.vector_store_idx %parallel_loop3A_424[%shift_right_logical3A_6, %broadcast_in_dim3A_1, %and3A_8, %parallel_loop3A_404], %parallel_loop3A_413 : memref<8x1x8x129xf32, #tpu.memory_space<vmem>>[vector<16xi32>, vector<16xi32>, vector<16xi32>, vector<16xi32>], vector<16xf32>,
      %parallel_loop3A_425 = arith.constant 1 : i32
      %parallel_loop3A_426 = arith.constant 0 : i32
      %parallel_loop3A_427 = arith.constant 0 : i32
      %parallel_loop3A_428 = arith.constant 0 : i32
      %parallel_loop3A_429 = arith.constant 0 : i32
      %parallel_loop3A_430 = tpu.memref_slice %arg16[%parallel_loop3A_425, %parallel_loop3A_426, %parallel_loop3A_427, %parallel_loop3A_428, %parallel_loop3A_429] : memref<2x8x1x8x129xf32, #tpu.memory_space<vmem>> -> memref<1x8x1x8x129xf32, #tpu.memory_space<vmem>>
      %parallel_loop3A_431 = tpu.memref_squeeze %parallel_loop3A_430 : memref<1x8x1x8x129xf32, #tpu.memory_space<vmem>> -> memref<8x1x8x129xf32, #tpu.memory_space<vmem>>
      tpu.vector_store_idx %parallel_loop3A_431[%shift_right_logical3A_14, %broadcast_in_dim3A_1, %and3A_17, %parallel_loop3A_404], %parallel_loop3A_417 : memref<8x1x8x129xf32, #tpu.memory_space<vmem>>[vector<16xi32>, vector<16xi32>, vector<16xi32>, vector<16xi32>], vector<16xf32>,
      %parallel_loop3A_432 = arith.constant 1 : i32
      %parallel_loop3A_433 = arith.index_cast %parallel_loop3A_432 : i32 to index
      %parallel_loop3A_434 = arith.index_cast %parallel_loop3A_403 : i32 to index
      %parallel_loop3A_435 = arith.constant 0 : index
      %parallel_loop3A_436 = tpu.vector_load %arg15[%parallel_loop3A_433, %parallel_loop3A_434, %parallel_loop3A_435] {strides = array<i32>} : memref<2x128x32xi32, #tpu.memory_space<vmem>>, vector<16xi32>,
      %parallel_loop3A_437 = arith.constant 16 : i32
      %parallel_loop3A_438 = vector.broadcast %parallel_loop3A_437 : i32 to vector<16xi32>
      %parallel_loop3A_439 = arith.shli %parallel_loop3A_436, %parallel_loop3A_438 : vector<16xi32>
      %parallel_loop3A_440 = vector.bitcast %parallel_loop3A_439 : vector<16xi32> to vector<16xf32>
      %parallel_loop3A_441 = arith.constant -65536 : i32
      %parallel_loop3A_442 = vector.broadcast %parallel_loop3A_441 : i32 to vector<16xi32>
      %parallel_loop3A_443 = arith.andi %parallel_loop3A_436, %parallel_loop3A_442 : vector<16xi32>
      %parallel_loop3A_444 = vector.bitcast %parallel_loop3A_443 : vector<16xi32> to vector<16xf32>
      %parallel_loop3A_445 = arith.constant 1 : i32
      %parallel_loop3A_446 = arith.constant 0 : i32
      %parallel_loop3A_447 = arith.constant 0 : i32
      %parallel_loop3A_448 = arith.constant 0 : i32
      %parallel_loop3A_449 = arith.constant 0 : i32
      %parallel_loop3A_450 = tpu.memref_slice %arg17[%parallel_loop3A_445, %parallel_loop3A_446, %parallel_loop3A_447, %parallel_loop3A_448, %parallel_loop3A_449] : memref<2x8x1x8x129xf32, #tpu.memory_space<vmem>> -> memref<1x8x1x8x129xf32, #tpu.memory_space<vmem>>
      %parallel_loop3A_451 = tpu.memref_squeeze %parallel_loop3A_450 : memref<1x8x1x8x129xf32, #tpu.memory_space<vmem>> -> memref<8x1x8x129xf32, #tpu.memory_space<vmem>>
      tpu.vector_store_idx %parallel_loop3A_451[%shift_right_logical3A_6, %broadcast_in_dim3A_1, %and3A_8, %parallel_loop3A_404], %parallel_loop3A_440 : memref<8x1x8x129xf32, #tpu.memory_space<vmem>>[vector<16xi32>, vector<16xi32>, vector<16xi32>, vector<16xi32>], vector<16xf32>,
      %parallel_loop3A_452 = arith.constant 1 : i32
      %parallel_loop3A_453 = arith.constant 0 : i32
      %parallel_loop3A_454 = arith.constant 0 : i32
      %parallel_loop3A_455 = arith.constant 0 : i32
      %parallel_loop3A_456 = arith.constant 0 : i32
      %parallel_loop3A_457 = tpu.memref_slice %arg17[%parallel_loop3A_452, %parallel_loop3A_453, %parallel_loop3A_454, %parallel_loop3A_455, %parallel_loop3A_456] : memref<2x8x1x8x129xf32, #tpu.memory_space<vmem>> -> memref<1x8x1x8x129xf32, #tpu.memory_space<vmem>>
      %parallel_loop3A_458 = tpu.memref_squeeze %parallel_loop3A_457 : memref<1x8x1x8x129xf32, #tpu.memory_space<vmem>> -> memref<8x1x8x129xf32, #tpu.memory_space<vmem>>
      tpu.vector_store_idx %parallel_loop3A_458[%shift_right_logical3A_14, %broadcast_in_dim3A_1, %and3A_17, %parallel_loop3A_404], %parallel_loop3A_444 : memref<8x1x8x129xf32, #tpu.memory_space<vmem>>[vector<16xi32>, vector<16xi32>, vector<16xi32>, vector<16xi32>], vector<16xf32>,
      %parallel_loop3A_459 = arith.constant 1 : i32
      %parallel_loop3A_460 = arith.index_cast %parallel_loop3A_459 : i32 to index
      %parallel_loop3A_461 = arith.index_cast %parallel_loop3A_403 : i32 to index
      %parallel_loop3A_462 = arith.constant 16 : index
      %parallel_loop3A_463 = tpu.vector_load %arg14[%parallel_loop3A_460, %parallel_loop3A_461, %parallel_loop3A_462] {strides = array<i32>} : memref<2x128x32xi32, #tpu.memory_space<vmem>>, vector<16xi32>,
      %parallel_loop3A_464 = arith.constant 16 : i32
      %parallel_loop3A_465 = vector.broadcast %parallel_loop3A_464 : i32 to vector<16xi32>
      %parallel_loop3A_466 = arith.shli %parallel_loop3A_463, %parallel_loop3A_465 : vector<16xi32>
      %parallel_loop3A_467 = vector.bitcast %parallel_loop3A_466 : vector<16xi32> to vector<16xf32>
      %parallel_loop3A_468 = arith.constant -65536 : i32
      %parallel_loop3A_469 = vector.broadcast %parallel_loop3A_468 : i32 to vector<16xi32>
      %parallel_loop3A_470 = arith.andi %parallel_loop3A_463, %parallel_loop3A_469 : vector<16xi32>
      %parallel_loop3A_471 = vector.bitcast %parallel_loop3A_470 : vector<16xi32> to vector<16xf32>
      %parallel_loop3A_472 = arith.constant 1 : i32
      %parallel_loop3A_473 = arith.constant 0 : i32
      %parallel_loop3A_474 = arith.constant 0 : i32
      %parallel_loop3A_475 = arith.constant 0 : i32
      %parallel_loop3A_476 = arith.constant 0 : i32
      %parallel_loop3A_477 = tpu.memref_slice %arg16[%parallel_loop3A_472, %parallel_loop3A_473, %parallel_loop3A_474, %parallel_loop3A_475, %parallel_loop3A_476] : memref<2x8x1x8x129xf32, #tpu.memory_space<vmem>> -> memref<1x8x1x8x129xf32, #tpu.memory_space<vmem>>
      %parallel_loop3A_478 = tpu.memref_squeeze %parallel_loop3A_477 : memref<1x8x1x8x129xf32, #tpu.memory_space<vmem>> -> memref<8x1x8x129xf32, #tpu.memory_space<vmem>>
      tpu.vector_store_idx %parallel_loop3A_478[%shift_right_logical3A_23, %broadcast_in_dim3A_1, %and3A_26, %parallel_loop3A_404], %parallel_loop3A_467 : memref<8x1x8x129xf32, #tpu.memory_space<vmem>>[vector<16xi32>, vector<16xi32>, vector<16xi32>, vector<16xi32>], vector<16xf32>,
      %parallel_loop3A_479 = arith.constant 1 : i32
      %parallel_loop3A_480 = arith.constant 0 : i32
      %parallel_loop3A_481 = arith.constant 0 : i32
      %parallel_loop3A_482 = arith.constant 0 : i32
      %parallel_loop3A_483 = arith.constant 0 : i32
      %parallel_loop3A_484 = tpu.memref_slice %arg16[%parallel_loop3A_479, %parallel_loop3A_480, %parallel_loop3A_481, %parallel_loop3A_482, %parallel_loop3A_483] : memref<2x8x1x8x129xf32, #tpu.memory_space<vmem>> -> memref<1x8x1x8x129xf32, #tpu.memory_space<vmem>>
      %parallel_loop3A_485 = tpu.memref_squeeze %parallel_loop3A_484 : memref<1x8x1x8x129xf32, #tpu.memory_space<vmem>> -> memref<8x1x8x129xf32, #tpu.memory_space<vmem>>
      tpu.vector_store_idx %parallel_loop3A_485[%shift_right_logical3A_32, %broadcast_in_dim3A_1, %and3A_35, %parallel_loop3A_404], %parallel_loop3A_471 : memref<8x1x8x129xf32, #tpu.memory_space<vmem>>[vector<16xi32>, vector<16xi32>, vector<16xi32>, vector<16xi32>], vector<16xf32>,
      %parallel_loop3A_486 = arith.constant 1 : i32
      %parallel_loop3A_487 = arith.index_cast %parallel_loop3A_486 : i32 to index
      %parallel_loop3A_488 = arith.index_cast %parallel_loop3A_403 : i32 to index
      %parallel_loop3A_489 = arith.constant 16 : index
      %parallel_loop3A_490 = tpu.vector_load %arg15[%parallel_loop3A_487, %parallel_loop3A_488, %parallel_loop3A_489] {strides = array<i32>} : memref<2x128x32xi32, #tpu.memory_space<vmem>>, vector<16xi32>,
      %parallel_loop3A_491 = arith.constant 16 : i32
      %parallel_loop3A_492 = vector.broadcast %parallel_loop3A_491 : i32 to vector<16xi32>
      %parallel_loop3A_493 = arith.shli %parallel_loop3A_490, %parallel_loop3A_492 : vector<16xi32>
      %parallel_loop3A_494 = vector.bitcast %parallel_loop3A_493 : vector<16xi32> to vector<16xf32>
      %parallel_loop3A_495 = arith.constant -65536 : i32
      %parallel_loop3A_496 = vector.broadcast %parallel_loop3A_495 : i32 to vector<16xi32>
      %parallel_loop3A_497 = arith.andi %parallel_loop3A_490, %parallel_loop3A_496 : vector<16xi32>
      %parallel_loop3A_498 = vector.bitcast %parallel_loop3A_497 : vector<16xi32> to vector<16xf32>
      %parallel_loop3A_499 = arith.constant 1 : i32
      %parallel_loop3A_500 = arith.constant 0 : i32
      %parallel_loop3A_501 = arith.constant 0 : i32
      %parallel_loop3A_502 = arith.constant 0 : i32
      %parallel_loop3A_503 = arith.constant 0 : i32
      %parallel_loop3A_504 = tpu.memref_slice %arg17[%parallel_loop3A_499, %parallel_loop3A_500, %parallel_loop3A_501, %parallel_loop3A_502, %parallel_loop3A_503] : memref<2x8x1x8x129xf32, #tpu.memory_space<vmem>> -> memref<1x8x1x8x129xf32, #tpu.memory_space<vmem>>
      %parallel_loop3A_505 = tpu.memref_squeeze %parallel_loop3A_504 : memref<1x8x1x8x129xf32, #tpu.memory_space<vmem>> -> memref<8x1x8x129xf32, #tpu.memory_space<vmem>>
      tpu.vector_store_idx %parallel_loop3A_505[%shift_right_logical3A_23, %broadcast_in_dim3A_1, %and3A_26, %parallel_loop3A_404], %parallel_loop3A_494 : memref<8x1x8x129xf32, #tpu.memory_space<vmem>>[vector<16xi32>, vector<16xi32>, vector<16xi32>, vector<16xi32>], vector<16xf32>,
      %parallel_loop3A_506 = arith.constant 1 : i32
      %parallel_loop3A_507 = arith.constant 0 : i32
      %parallel_loop3A_508 = arith.constant 0 : i32
      %parallel_loop3A_509 = arith.constant 0 : i32
      %parallel_loop3A_510 = arith.constant 0 : i32
      %parallel_loop3A_511 = tpu.memref_slice %arg17[%parallel_loop3A_506, %parallel_loop3A_507, %parallel_loop3A_508, %parallel_loop3A_509, %parallel_loop3A_510] : memref<2x8x1x8x129xf32, #tpu.memory_space<vmem>> -> memref<1x8x1x8x129xf32, #tpu.memory_space<vmem>>
      %parallel_loop3A_512 = tpu.memref_squeeze %parallel_loop3A_511 : memref<1x8x1x8x129xf32, #tpu.memory_space<vmem>> -> memref<8x1x8x129xf32, #tpu.memory_space<vmem>>
      tpu.vector_store_idx %parallel_loop3A_512[%shift_right_logical3A_32, %broadcast_in_dim3A_1, %and3A_35, %parallel_loop3A_404], %parallel_loop3A_498 : memref<8x1x8x129xf32, #tpu.memory_space<vmem>>[vector<16xi32>, vector<16xi32>, vector<16xi32>, vector<16xi32>], vector<16xf32>,
    } {sc.loop_unroll_factor = 2 : i64, sc.parallel_access}
    %shift_right_logical3A_143 = arith.constant 199 : i32
    %shift_right_logical3A_144 = arith.constant 2 : i32
    %shift_right_logical3A_145 = arith.shrui %shift_right_logical3A_143, %shift_right_logical3A_144 : i32
    %mul3A_146 = arith.constant 4 : i32
    %mul3A_147 = arith.muli %add3A, %mul3A_146 : i32
    %add3A_148 = arith.constant 3 : i32
    %add3A_149 = arith.addi %mul3A_147, %add3A_148 : i32
    %mul3A_150 = arith.constant 8 : i32
    %mul3A_151 = arith.muli %shift_right_logical3A_145, %mul3A_150 : i32
    %mul3A_152 = arith.constant 8 : i32
    %mul3A_153 = arith.muli %shift_right_logical3A_145, %mul3A_152 : i32
    %dma_start3A_154 = arith.constant 1 : i32
    %dma_start3A_155 = arith.constant 0 : i32
    %dma_start3A_156 = arith.constant 0 : i32
    %dma_start3A_157 = arith.constant 0 : i32
    %dma_start3A_158 = arith.constant 0 : i32
    %dma_start3A_159 = tpu.memref_slice %arg16[%dma_start3A_154, %dma_start3A_155, %dma_start3A_156, %dma_start3A_157, %dma_start3A_158] : memref<2x8x1x8x129xf32, #tpu.memory_space<vmem>> -> memref<1x8x1x8x128xf32, #tpu.memory_space<vmem>>
    %dma_start3A_160 = tpu.memref_squeeze %dma_start3A_159 : memref<1x8x1x8x128xf32, #tpu.memory_space<vmem>> -> memref<8x1x8x128xf32, #tpu.memory_space<vmem>>
    %dma_start3A_161 = arith.constant 0 : i32
    %dma_start3A_162 = arith.constant 0 : i32
    %dma_start3A_163 = tpu.memref_slice %arg7[%mul3A_151, %add3A_149, %dma_start3A_161, %dma_start3A_162] : memref<400x128x8x128xf32, #tpu.memory_space<hbm>> -> memref<8x1x8x128xf32, #tpu.memory_space<hbm>>
    %dma_start3A_164 = arith.constant 0 : i32
    %dma_start3A_165 = arith.constant 0 : i32
    %dma_start3A_166 = tpu.memref_slice %arg7[%mul3A_151, %add3A_149, %dma_start3A_164, %dma_start3A_165] : memref<400x128x8x128xf32, #tpu.memory_space<hbm>> -> memref<8x1x8x128xf32, #tpu.memory_space<hbm>>
    %dma_start3A_167 = arith.constant 0 : i32
    %dma_start3A_168 = arith.constant 0 : i32
    %dma_start3A_169 = arith.constant 0 : i32
    %dma_start3A_170 = arith.constant 0 : i32
    %dma_start3A_171 = tpu.memref_slice %arg16[%dma_start3A_154, %dma_start3A_167, %dma_start3A_168, %dma_start3A_169, %dma_start3A_170] : memref<2x8x1x8x129xf32, #tpu.memory_space<vmem>> -> memref<1x8x1x8x128xf32, #tpu.memory_space<vmem>>
    %dma_start3A_172 = tpu.memref_squeeze %dma_start3A_171 : memref<1x8x1x8x128xf32, #tpu.memory_space<vmem>> -> memref<8x1x8x128xf32, #tpu.memory_space<vmem>>
    tpu.enqueue_dma source(%dma_start3A_172 : memref<8x1x8x128xf32, #tpu.memory_space<vmem>>) target(%dma_start3A_166 : memref<8x1x8x128xf32, #tpu.memory_space<hbm>>) target_semaphore(%arg23 : memref<!tpu.dma_semaphore, #tpu.memory_space<semaphore_mem>>)
    %dma_start3A_173 = arith.constant 1 : i32
    %dma_start3A_174 = arith.constant 0 : i32
    %dma_start3A_175 = arith.constant 0 : i32
    %dma_start3A_176 = arith.constant 0 : i32
    %dma_start3A_177 = arith.constant 0 : i32
    %dma_start3A_178 = tpu.memref_slice %arg17[%dma_start3A_173, %dma_start3A_174, %dma_start3A_175, %dma_start3A_176, %dma_start3A_177] : memref<2x8x1x8x129xf32, #tpu.memory_space<vmem>> -> memref<1x8x1x8x128xf32, #tpu.memory_space<vmem>>
    %dma_start3A_179 = tpu.memref_squeeze %dma_start3A_178 : memref<1x8x1x8x128xf32, #tpu.memory_space<vmem>> -> memref<8x1x8x128xf32, #tpu.memory_space<vmem>>
    %dma_start3A_180 = arith.constant 0 : i32
    %dma_start3A_181 = arith.constant 0 : i32
    %dma_start3A_182 = tpu.memref_slice %arg8[%mul3A_153, %add3A_149, %dma_start3A_180, %dma_start3A_181] : memref<400x128x8x128xf32, #tpu.memory_space<hbm>> -> memref<8x1x8x128xf32, #tpu.memory_space<hbm>>
    %dma_start3A_183 = arith.constant 0 : i32
    %dma_start3A_184 = arith.constant 0 : i32
    %dma_start3A_185 = tpu.memref_slice %arg8[%mul3A_153, %add3A_149, %dma_start3A_183, %dma_start3A_184] : memref<400x128x8x128xf32, #tpu.memory_space<hbm>> -> memref<8x1x8x128xf32, #tpu.memory_space<hbm>>
    %dma_start3A_186 = arith.constant 0 : i32
    %dma_start3A_187 = arith.constant 0 : i32
    %dma_start3A_188 = arith.constant 0 : i32
    %dma_start3A_189 = arith.constant 0 : i32
    %dma_start3A_190 = tpu.memref_slice %arg17[%dma_start3A_173, %dma_start3A_186, %dma_start3A_187, %dma_start3A_188, %dma_start3A_189] : memref<2x8x1x8x129xf32, #tpu.memory_space<vmem>> -> memref<1x8x1x8x128xf32, #tpu.memory_space<vmem>>
    %dma_start3A_191 = tpu.memref_squeeze %dma_start3A_190 : memref<1x8x1x8x128xf32, #tpu.memory_space<vmem>> -> memref<8x1x8x128xf32, #tpu.memory_space<vmem>>
    tpu.enqueue_dma source(%dma_start3A_191 : memref<8x1x8x128xf32, #tpu.memory_space<vmem>>) target(%dma_start3A_185 : memref<8x1x8x128xf32, #tpu.memory_space<hbm>>) target_semaphore(%arg23 : memref<!tpu.dma_semaphore, #tpu.memory_space<semaphore_mem>>)
    %shift_right_logical3A_192 = arith.constant 198 : i32
    %shift_right_logical3A_193 = arith.constant 2 : i32
    %shift_right_logical3A_194 = arith.shrui %shift_right_logical3A_192, %shift_right_logical3A_193 : i32
    %mul3A_195 = arith.constant 4 : i32
    %mul3A_196 = arith.muli %add3A, %mul3A_195 : i32
    %add3A_197 = arith.constant 2 : i32
    %add3A_198 = arith.addi %mul3A_196, %add3A_197 : i32
    %mul3A_199 = arith.constant 8 : i32
    %mul3A_200 = arith.muli %shift_right_logical3A_194, %mul3A_199 : i32
    %mul3A_201 = arith.constant 8 : i32
    %mul3A_202 = arith.muli %shift_right_logical3A_194, %mul3A_201 : i32
    %dma_wait3A_203 = arith.constant 0 : i32
    %dma_wait3A_204 = arith.constant 0 : i32
    %dma_wait3A_205 = arith.constant 0 : i32
    %dma_wait3A_206 = arith.constant 0 : i32
    %dma_wait3A_207 = arith.constant 0 : i32
    %dma_wait3A_208 = tpu.memref_slice %arg16[%dma_wait3A_203, %dma_wait3A_204, %dma_wait3A_205, %dma_wait3A_206, %dma_wait3A_207] : memref<2x8x1x8x129xf32, #tpu.memory_space<vmem>> -> memref<1x8x1x8x128xf32, #tpu.memory_space<vmem>>
    %dma_wait3A_209 = tpu.memref_squeeze %dma_wait3A_208 : memref<1x8x1x8x128xf32, #tpu.memory_space<vmem>> -> memref<8x1x8x128xf32, #tpu.memory_space<vmem>>
    %dma_wait3A_210 = arith.constant 0 : i32
    %dma_wait3A_211 = arith.constant 0 : i32
    %dma_wait3A_212 = tpu.memref_slice %arg7[%mul3A_200, %add3A_198, %dma_wait3A_210, %dma_wait3A_211] : memref<400x128x8x128xf32, #tpu.memory_space<hbm>> -> memref<8x1x8x128xf32, #tpu.memory_space<hbm>>
    %dma_wait3A_213 = arith.constant 0 : i32
    %dma_wait3A_214 = arith.constant 0 : i32
    %dma_wait3A_215 = tpu.memref_slice %arg7[%mul3A_200, %add3A_198, %dma_wait3A_213, %dma_wait3A_214] : memref<400x128x8x128xf32, #tpu.memory_space<hbm>> -> memref<8x1x8x128xf32, #tpu.memory_space<hbm>>
    %dma_wait3A_216 = arith.constant 0 : i32
    %dma_wait3A_217 = arith.constant 0 : i32
    %dma_wait3A_218 = arith.constant 0 : i32
    %dma_wait3A_219 = arith.constant 0 : i32
    %dma_wait3A_220 = tpu.memref_slice %arg16[%dma_wait3A_203, %dma_wait3A_216, %dma_wait3A_217, %dma_wait3A_218, %dma_wait3A_219] : memref<2x8x1x8x129xf32, #tpu.memory_space<vmem>> -> memref<1x8x1x8x128xf32, #tpu.memory_space<vmem>>
    %dma_wait3A_221 = tpu.memref_squeeze %dma_wait3A_220 : memref<1x8x1x8x128xf32, #tpu.memory_space<vmem>> -> memref<8x1x8x128xf32, #tpu.memory_space<vmem>>
    tpu.wait_dma2 semaphore(%arg22 : memref<!tpu.dma_semaphore, #tpu.memory_space<semaphore_mem>>) src(%dma_wait3A_221 : memref<8x1x8x128xf32, #tpu.memory_space<vmem>>) dst(%dma_wait3A_215 : memref<8x1x8x128xf32, #tpu.memory_space<hbm>>)
    %dma_wait3A_222 = arith.constant 0 : i32
    %dma_wait3A_223 = arith.constant 0 : i32
    %dma_wait3A_224 = arith.constant 0 : i32
    %dma_wait3A_225 = arith.constant 0 : i32
    %dma_wait3A_226 = arith.constant 0 : i32
    %dma_wait3A_227 = tpu.memref_slice %arg17[%dma_wait3A_222, %dma_wait3A_223, %dma_wait3A_224, %dma_wait3A_225, %dma_wait3A_226] : memref<2x8x1x8x129xf32, #tpu.memory_space<vmem>> -> memref<1x8x1x8x128xf32, #tpu.memory_space<vmem>>
    %dma_wait3A_228 = tpu.memref_squeeze %dma_wait3A_227 : memref<1x8x1x8x128xf32, #tpu.memory_space<vmem>> -> memref<8x1x8x128xf32, #tpu.memory_space<vmem>>
    %dma_wait3A_229 = arith.constant 0 : i32
    %dma_wait3A_230 = arith.constant 0 : i32
    %dma_wait3A_231 = tpu.memref_slice %arg8[%mul3A_202, %add3A_198, %dma_wait3A_229, %dma_wait3A_230] : memref<400x128x8x128xf32, #tpu.memory_space<hbm>> -> memref<8x1x8x128xf32, #tpu.memory_space<hbm>>
    %dma_wait3A_232 = arith.constant 0 : i32
    %dma_wait3A_233 = arith.constant 0 : i32
    %dma_wait3A_234 = tpu.memref_slice %arg8[%mul3A_202, %add3A_198, %dma_wait3A_232, %dma_wait3A_233] : memref<400x128x8x128xf32, #tpu.memory_space<hbm>> -> memref<8x1x8x128xf32, #tpu.memory_space<hbm>>
    %dma_wait3A_235 = arith.constant 0 : i32
    %dma_wait3A_236 = arith.constant 0 : i32
    %dma_wait3A_237 = arith.constant 0 : i32
    %dma_wait3A_238 = arith.constant 0 : i32
    %dma_wait3A_239 = tpu.memref_slice %arg17[%dma_wait3A_222, %dma_wait3A_235, %dma_wait3A_236, %dma_wait3A_237, %dma_wait3A_238] : memref<2x8x1x8x129xf32, #tpu.memory_space<vmem>> -> memref<1x8x1x8x128xf32, #tpu.memory_space<vmem>>
    %dma_wait3A_240 = tpu.memref_squeeze %dma_wait3A_239 : memref<1x8x1x8x128xf32, #tpu.memory_space<vmem>> -> memref<8x1x8x128xf32, #tpu.memory_space<vmem>>
    tpu.wait_dma2 semaphore(%arg22 : memref<!tpu.dma_semaphore, #tpu.memory_space<semaphore_mem>>) src(%dma_wait3A_240 : memref<8x1x8x128xf32, #tpu.memory_space<vmem>>) dst(%dma_wait3A_234 : memref<8x1x8x128xf32, #tpu.memory_space<hbm>>)
    %shift_right_logical3A_241 = arith.constant 199 : i32
    %shift_right_logical3A_242 = arith.constant 2 : i32
    %shift_right_logical3A_243 = arith.shrui %shift_right_logical3A_241, %shift_right_logical3A_242 : i32
    %mul3A_244 = arith.constant 4 : i32
    %mul3A_245 = arith.muli %add3A, %mul3A_244 : i32
    %add3A_246 = arith.constant 3 : i32
    %add3A_247 = arith.addi %mul3A_245, %add3A_246 : i32
    %mul3A_248 = arith.constant 8 : i32
    %mul3A_249 = arith.muli %shift_right_logical3A_243, %mul3A_248 : i32
    %mul3A_250 = arith.constant 8 : i32
    %mul3A_251 = arith.muli %shift_right_logical3A_243, %mul3A_250 : i32
    %dma_wait3A_252 = arith.constant 1 : i32
    %dma_wait3A_253 = arith.constant 0 : i32
    %dma_wait3A_254 = arith.constant 0 : i32
    %dma_wait3A_255 = arith.constant 0 : i32
    %dma_wait3A_256 = arith.constant 0 : i32
    %dma_wait3A_257 = tpu.memref_slice %arg16[%dma_wait3A_252, %dma_wait3A_253, %dma_wait3A_254, %dma_wait3A_255, %dma_wait3A_256] : memref<2x8x1x8x129xf32, #tpu.memory_space<vmem>> -> memref<1x8x1x8x128xf32, #tpu.memory_space<vmem>>
    %dma_wait3A_258 = tpu.memref_squeeze %dma_wait3A_257 : memref<1x8x1x8x128xf32, #tpu.memory_space<vmem>> -> memref<8x1x8x128xf32, #tpu.memory_space<vmem>>
    %dma_wait3A_259 = arith.constant 0 : i32
    %dma_wait3A_260 = arith.constant 0 : i32
    %dma_wait3A_261 = tpu.memref_slice %arg7[%mul3A_249, %add3A_247, %dma_wait3A_259, %dma_wait3A_260] : memref<400x128x8x128xf32, #tpu.memory_space<hbm>> -> memref<8x1x8x128xf32, #tpu.memory_space<hbm>>
    %dma_wait3A_262 = arith.constant 0 : i32
    %dma_wait3A_263 = arith.constant 0 : i32
    %dma_wait3A_264 = tpu.memref_slice %arg7[%mul3A_249, %add3A_247, %dma_wait3A_262, %dma_wait3A_263] : memref<400x128x8x128xf32, #tpu.memory_space<hbm>> -> memref<8x1x8x128xf32, #tpu.memory_space<hbm>>
    %dma_wait3A_265 = arith.constant 0 : i32
    %dma_wait3A_266 = arith.constant 0 : i32
    %dma_wait3A_267 = arith.constant 0 : i32
    %dma_wait3A_268 = arith.constant 0 : i32
    %dma_wait3A_269 = tpu.memref_slice %arg16[%dma_wait3A_252, %dma_wait3A_265, %dma_wait3A_266, %dma_wait3A_267, %dma_wait3A_268] : memref<2x8x1x8x129xf32, #tpu.memory_space<vmem>> -> memref<1x8x1x8x128xf32, #tpu.memory_space<vmem>>
    %dma_wait3A_270 = tpu.memref_squeeze %dma_wait3A_269 : memref<1x8x1x8x128xf32, #tpu.memory_space<vmem>> -> memref<8x1x8x128xf32, #tpu.memory_space<vmem>>
    tpu.wait_dma2 semaphore(%arg23 : memref<!tpu.dma_semaphore, #tpu.memory_space<semaphore_mem>>) src(%dma_wait3A_270 : memref<8x1x8x128xf32, #tpu.memory_space<vmem>>) dst(%dma_wait3A_264 : memref<8x1x8x128xf32, #tpu.memory_space<hbm>>)
    %dma_wait3A_271 = arith.constant 1 : i32
    %dma_wait3A_272 = arith.constant 0 : i32
    %dma_wait3A_273 = arith.constant 0 : i32
    %dma_wait3A_274 = arith.constant 0 : i32
    %dma_wait3A_275 = arith.constant 0 : i32
    %dma_wait3A_276 = tpu.memref_slice %arg17[%dma_wait3A_271, %dma_wait3A_272, %dma_wait3A_273, %dma_wait3A_274, %dma_wait3A_275] : memref<2x8x1x8x129xf32, #tpu.memory_space<vmem>> -> memref<1x8x1x8x128xf32, #tpu.memory_space<vmem>>
    %dma_wait3A_277 = tpu.memref_squeeze %dma_wait3A_276 : memref<1x8x1x8x128xf32, #tpu.memory_space<vmem>> -> memref<8x1x8x128xf32, #tpu.memory_space<vmem>>
    %dma_wait3A_278 = arith.constant 0 : i32
    %dma_wait3A_279 = arith.constant 0 : i32
    %dma_wait3A_280 = tpu.memref_slice %arg8[%mul3A_251, %add3A_247, %dma_wait3A_278, %dma_wait3A_279] : memref<400x128x8x128xf32, #tpu.memory_space<hbm>> -> memref<8x1x8x128xf32, #tpu.memory_space<hbm>>
    %dma_wait3A_281 = arith.constant 0 : i32
    %dma_wait3A_282 = arith.constant 0 : i32
    %dma_wait3A_283 = tpu.memref_slice %arg8[%mul3A_251, %add3A_247, %dma_wait3A_281, %dma_wait3A_282] : memref<400x128x8x128xf32, #tpu.memory_space<hbm>> -> memref<8x1x8x128xf32, #tpu.memory_space<hbm>>
    %dma_wait3A_284 = arith.constant 0 : i32
    %dma_wait3A_285 = arith.constant 0 : i32
    %dma_wait3A_286 = arith.constant 0 : i32
    %dma_wait3A_287 = arith.constant 0 : i32
    %dma_wait3A_288 = tpu.memref_slice %arg17[%dma_wait3A_271, %dma_wait3A_284, %dma_wait3A_285, %dma_wait3A_286, %dma_wait3A_287] : memref<2x8x1x8x129xf32, #tpu.memory_space<vmem>> -> memref<1x8x1x8x128xf32, #tpu.memory_space<vmem>>
    %dma_wait3A_289 = tpu.memref_squeeze %dma_wait3A_288 : memref<1x8x1x8x128xf32, #tpu.memory_space<vmem>> -> memref<8x1x8x128xf32, #tpu.memory_space<vmem>>
    tpu.wait_dma2 semaphore(%arg23 : memref<!tpu.dma_semaphore, #tpu.memory_space<semaphore_mem>>) src(%dma_wait3A_289 : memref<8x1x8x128xf32, #tpu.memory_space<vmem>>) dst(%dma_wait3A_283 : memref<8x1x8x128xf32, #tpu.memory_space<hbm>>)
    return
  }
}

#map = affine_map<(d0, d1) -> (0, 0)>
module attributes {stable_mosaic.version = 14 : i64} {
  func.func @prep(%arg0: i32, %arg1: i32, %arg2: memref<2x64xf32, #tpu.memory_space<hbm>>, %arg3: memref<1000x64xf32, #tpu.memory_space<hbm>>, %arg4: memref<100000x64xf32, #tpu.memory_space<hbm>>, %arg5: memref<2048x32xi32, #tpu.memory_space<hbm>>, %arg6: memref<100000x32xi32, #tpu.memory_space<hbm>>, %arg7: memref<64xi32, #tpu.memory_space<vmem>>, %arg8: memref<64x64xf32, #tpu.memory_space<vmem>>, %arg9: memref<64x32xi32, #tpu.memory_space<vmem>>, %arg10: memref<2x64xf32, #tpu.memory_space<vmem>>, %arg11: memref<2x400x64xf32, #tpu.memory_space<vmem>>, %arg12: memref<2x400x32xi32, #tpu.memory_space<vmem>>, %arg13: memref<!tpu.dma_semaphore, #tpu.memory_space<semaphore_mem>>, %arg14: memref<!tpu.dma_semaphore, #tpu.memory_space<semaphore_mem>>, %arg15: memref<!tpu.dma_semaphore, #tpu.memory_space<semaphore_mem>>, %arg16: memref<!tpu.dma_semaphore, #tpu.memory_space<semaphore_mem>>, %arg17: memref<!tpu.dma_semaphore, #tpu.memory_space<semaphore_mem>>) attributes {dimension_semantics = [#tpu.dimension_semantics<core_parallel>, #tpu.dimension_semantics<subcore_parallel>], iteration_bounds = array<i64: 2, 16>, scalar_prefetch = 0 : i64, scratch_operands = 11 : i64, tpu.core_type = #tpu.core_type<sc_vector_subcore>, window_params = [{transform_indices = #map}, {transform_indices = #map}, {transform_indices = #map}, {transform_indices = #map}, {transform_indices = #map}]} {
    %mul3A = arith.constant 2 : i32
    %mul3A_0 = arith.muli %arg1, %mul3A : i32
    %add3A = arith.addi %mul3A_0, %arg0 : i32
    %mul3A_1 = arith.constant 64 : i32
    %mul3A_2 = arith.muli %add3A, %mul3A_1 : i32
    %add3A_3 = arith.constant 0 : i32
    %add3A_4 = arith.addi %mul3A_2, %add3A_3 : i32
    %iota3A = tpu.iota {dimensions = array<i32: 0>} : vector<16xi32>
    %add3A_5 = vector.broadcast %add3A_4 : i32 to vector<16xi32>
    %add3A_6 = arith.addi %add3A_5, %iota3A : vector<16xi32>
    %rem3A = arith.constant 1000 : i32
    %rem3A_7 = vector.broadcast %rem3A : i32 to vector<16xi32>
    %rem3A_8 = arith.remsi %add3A_6, %rem3A_7 : vector<16xi32>
    %swap3A = arith.constant 0 : index
    %swap3A_9 = tpu.vector_load %arg7[%swap3A] {strides = array<i32>} : memref<64xi32, #tpu.memory_space<vmem>>, vector<16xi32>,
    tpu.vector_store %arg7[%swap3A], %rem3A_8 {strides = array<i32>} : memref<64xi32, #tpu.memory_space<vmem>>, vector<16xi32>,
    %add3A_10 = arith.constant 16 : i32
    %add3A_11 = arith.addi %mul3A_2, %add3A_10 : i32
    %iota3A_12 = tpu.iota {dimensions = array<i32: 0>} : vector<16xi32>
    %add3A_13 = vector.broadcast %add3A_11 : i32 to vector<16xi32>
    %add3A_14 = arith.addi %add3A_13, %iota3A_12 : vector<16xi32>
    %rem3A_15 = arith.constant 1000 : i32
    %rem3A_16 = vector.broadcast %rem3A_15 : i32 to vector<16xi32>
    %rem3A_17 = arith.remsi %add3A_14, %rem3A_16 : vector<16xi32>
    %swap3A_18 = arith.constant 16 : index
    %swap3A_19 = tpu.vector_load %arg7[%swap3A_18] {strides = array<i32>} : memref<64xi32, #tpu.memory_space<vmem>>, vector<16xi32>,
    tpu.vector_store %arg7[%swap3A_18], %rem3A_17 {strides = array<i32>} : memref<64xi32, #tpu.memory_space<vmem>>, vector<16xi32>,
    %add3A_20 = arith.constant 32 : i32
    %add3A_21 = arith.addi %mul3A_2, %add3A_20 : i32
    %iota3A_22 = tpu.iota {dimensions = array<i32: 0>} : vector<16xi32>
    %add3A_23 = vector.broadcast %add3A_21 : i32 to vector<16xi32>
    %add3A_24 = arith.addi %add3A_23, %iota3A_22 : vector<16xi32>
    %rem3A_25 = arith.constant 1000 : i32
    %rem3A_26 = vector.broadcast %rem3A_25 : i32 to vector<16xi32>
    %rem3A_27 = arith.remsi %add3A_24, %rem3A_26 : vector<16xi32>
    %swap3A_28 = arith.constant 32 : index
    %swap3A_29 = tpu.vector_load %arg7[%swap3A_28] {strides = array<i32>} : memref<64xi32, #tpu.memory_space<vmem>>, vector<16xi32>,
    tpu.vector_store %arg7[%swap3A_28], %rem3A_27 {strides = array<i32>} : memref<64xi32, #tpu.memory_space<vmem>>, vector<16xi32>,
    %add3A_30 = arith.constant 48 : i32
    %add3A_31 = arith.addi %mul3A_2, %add3A_30 : i32
    %iota3A_32 = tpu.iota {dimensions = array<i32: 0>} : vector<16xi32>
    %add3A_33 = vector.broadcast %add3A_31 : i32 to vector<16xi32>
    %add3A_34 = arith.addi %add3A_33, %iota3A_32 : vector<16xi32>
    %rem3A_35 = arith.constant 1000 : i32
    %rem3A_36 = vector.broadcast %rem3A_35 : i32 to vector<16xi32>
    %rem3A_37 = arith.remsi %add3A_34, %rem3A_36 : vector<16xi32>
    %swap3A_38 = arith.constant 48 : index
    %swap3A_39 = tpu.vector_load %arg7[%swap3A_38] {strides = array<i32>} : memref<64xi32, #tpu.memory_space<vmem>>, vector<16xi32>,
    tpu.vector_store %arg7[%swap3A_38], %rem3A_37 {strides = array<i32>} : memref<64xi32, #tpu.memory_space<vmem>>, vector<16xi32>,
    %dma_start3A = arith.constant 0 : i32
    %dma_start3A_40 = arith.constant 0 : i32
    %dma_start3A_41 = tpu.memref_slice %arg3[%dma_start3A, %dma_start3A_40] : memref<1000x64xf32, #tpu.memory_space<hbm>> -> memref<1000x64xf32, #tpu.memory_space<hbm>>
    tpu.enqueue_indirect_dma source(%dma_start3A_41 : memref<1000x64xf32, #tpu.memory_space<hbm>>) target(%arg8 : memref<64x64xf32, #tpu.memory_space<vmem>>) offsets(%arg7 : memref<64xi32, #tpu.memory_space<vmem>>) semaphore(%arg13 : memref<!tpu.dma_semaphore, #tpu.memory_space<semaphore_mem>>)
    %dma_wait3A = arith.constant 0 : i32
    %dma_wait3A_42 = arith.constant 0 : i32
    %dma_wait3A_43 = tpu.memref_slice %arg3[%dma_wait3A, %dma_wait3A_42] : memref<1000x64xf32, #tpu.memory_space<hbm>> -> memref<1000x64xf32, #tpu.memory_space<hbm>>
    tpu.wait_indirect_dma semaphore(%arg13 : memref<!tpu.dma_semaphore, #tpu.memory_space<semaphore_mem>>) src(%dma_wait3A_43 : memref<1000x64xf32, #tpu.memory_space<hbm>>) dst(%arg8 : memref<64x64xf32, #tpu.memory_space<vmem>>)
    "tpu.region"() ({
      %run_scoped3A = tpu.sem_alloc : memref<!tpu.dma_semaphore, #tpu.memory_space<semaphore_mem>>
      tpu.enqueue_dma source(%arg2 : memref<2x64xf32, #tpu.memory_space<hbm>>) target(%arg10 : memref<2x64xf32, #tpu.memory_space<vmem>>) target_semaphore(%run_scoped3A : memref<!tpu.dma_semaphore, #tpu.memory_space<semaphore_mem>>)
      tpu.wait_dma2 semaphore(%run_scoped3A : memref<!tpu.dma_semaphore, #tpu.memory_space<semaphore_mem>>) src(%arg2 : memref<2x64xf32, #tpu.memory_space<hbm>>) dst(%arg10 : memref<2x64xf32, #tpu.memory_space<vmem>>)
      tpu.yield
    }) : () -> ()
    %get3A = arith.constant 0 : i32
    %get3A_44 = arith.index_cast %get3A : i32 to index
    %get3A_45 = arith.constant 0 : index
    %get3A_46 = tpu.vector_load %arg10[%get3A_44, %get3A_45] {strides = array<i32>} : memref<2x64xf32, #tpu.memory_space<vmem>>, vector<16xf32>,
    %max3A = arith.constant 0.000000e+00 : f32
    %max3A_47 = vector.broadcast %max3A : f32 to vector<16xf32>
    %max3A_48 = arith.maximumf %get3A_46, %max3A_47 : vector<16xf32>
    %get3A_49 = arith.constant 0 : i32
    %get3A_50 = arith.index_cast %get3A_49 : i32 to index
    %get3A_51 = arith.constant 16 : index
    %get3A_52 = tpu.vector_load %arg10[%get3A_50, %get3A_51] {strides = array<i32>} : memref<2x64xf32, #tpu.memory_space<vmem>>, vector<16xf32>,
    %max3A_53 = arith.constant 0.000000e+00 : f32
    %max3A_54 = vector.broadcast %max3A_53 : f32 to vector<16xf32>
    %max3A_55 = arith.maximumf %get3A_52, %max3A_54 : vector<16xf32>
    %get3A_56 = arith.constant 0 : i32
    %get3A_57 = arith.index_cast %get3A_56 : i32 to index
    %get3A_58 = arith.constant 32 : index
    %get3A_59 = tpu.vector_load %arg10[%get3A_57, %get3A_58] {strides = array<i32>} : memref<2x64xf32, #tpu.memory_space<vmem>>, vector<16xf32>,
    %max3A_60 = arith.constant 0.000000e+00 : f32
    %max3A_61 = vector.broadcast %max3A_60 : f32 to vector<16xf32>
    %max3A_62 = arith.maximumf %get3A_59, %max3A_61 : vector<16xf32>
    %get3A_63 = arith.constant 0 : i32
    %get3A_64 = arith.index_cast %get3A_63 : i32 to index
    %get3A_65 = arith.constant 48 : index
    %get3A_66 = tpu.vector_load %arg10[%get3A_64, %get3A_65] {strides = array<i32>} : memref<2x64xf32, #tpu.memory_space<vmem>>, vector<16xf32>,
    %max3A_67 = arith.constant 0.000000e+00 : f32
    %max3A_68 = vector.broadcast %max3A_67 : f32 to vector<16xf32>
    %max3A_69 = arith.maximumf %get3A_66, %max3A_68 : vector<16xf32>
    %get3A_70 = arith.constant 1 : i32
    %get3A_71 = arith.index_cast %get3A_70 : i32 to index
    %get3A_72 = arith.constant 0 : index
    %get3A_73 = tpu.vector_load %arg10[%get3A_71, %get3A_72] {strides = array<i32>} : memref<2x64xf32, #tpu.memory_space<vmem>>, vector<16xf32>,
    %max3A_74 = arith.constant 0.000000e+00 : f32
    %max3A_75 = vector.broadcast %max3A_74 : f32 to vector<16xf32>
    %max3A_76 = arith.maximumf %get3A_73, %max3A_75 : vector<16xf32>
    %get3A_77 = arith.constant 1 : i32
    %get3A_78 = arith.index_cast %get3A_77 : i32 to index
    %get3A_79 = arith.constant 16 : index
    %get3A_80 = tpu.vector_load %arg10[%get3A_78, %get3A_79] {strides = array<i32>} : memref<2x64xf32, #tpu.memory_space<vmem>>, vector<16xf32>,
    %max3A_81 = arith.constant 0.000000e+00 : f32
    %max3A_82 = vector.broadcast %max3A_81 : f32 to vector<16xf32>
    %max3A_83 = arith.maximumf %get3A_80, %max3A_82 : vector<16xf32>
    %get3A_84 = arith.constant 1 : i32
    %get3A_85 = arith.index_cast %get3A_84 : i32 to index
    %get3A_86 = arith.constant 32 : index
    %get3A_87 = tpu.vector_load %arg10[%get3A_85, %get3A_86] {strides = array<i32>} : memref<2x64xf32, #tpu.memory_space<vmem>>, vector<16xf32>,
    %max3A_88 = arith.constant 0.000000e+00 : f32
    %max3A_89 = vector.broadcast %max3A_88 : f32 to vector<16xf32>
    %max3A_90 = arith.maximumf %get3A_87, %max3A_89 : vector<16xf32>
    %get3A_91 = arith.constant 1 : i32
    %get3A_92 = arith.index_cast %get3A_91 : i32 to index
    %get3A_93 = arith.constant 48 : index
    %get3A_94 = tpu.vector_load %arg10[%get3A_92, %get3A_93] {strides = array<i32>} : memref<2x64xf32, #tpu.memory_space<vmem>>, vector<16xf32>,
    %max3A_95 = arith.constant 0.000000e+00 : f32
    %max3A_96 = vector.broadcast %max3A_95 : f32 to vector<16xf32>
    %max3A_97 = arith.maximumf %get3A_94, %max3A_96 : vector<16xf32>
    %parallel_loop3A = arith.constant 0 : i32
    %parallel_loop3A_98 = arith.constant 64 : i32
    %parallel_loop3A_99 = arith.constant 1 : i32
    scf.for %parallel_loop3A_130 = %parallel_loop3A to %parallel_loop3A_98 step %parallel_loop3A_99  : i32 {
      %parallel_loop3A_131 = arith.addi %mul3A_2, %parallel_loop3A_130 : i32
      %parallel_loop3A_132 = arith.constant 1000 : i32
      %parallel_loop3A_133 = arith.cmpi sge, %parallel_loop3A_131, %parallel_loop3A_132 : i32
      %parallel_loop3A_134 = arith.index_cast %parallel_loop3A_130 : i32 to index
      %parallel_loop3A_135 = arith.constant 0 : index
      %parallel_loop3A_136 = tpu.vector_load %arg8[%parallel_loop3A_134, %parallel_loop3A_135] {strides = array<i32>} : memref<64x64xf32, #tpu.memory_space<vmem>>, vector<16xf32>,
      %parallel_loop3A_137 = arith.constant 0.000000e+00 : f32
      %parallel_loop3A_138 = vector.broadcast %parallel_loop3A_137 : f32 to vector<16xf32>
      %parallel_loop3A_139 = arith.maximumf %parallel_loop3A_136, %parallel_loop3A_138 : vector<16xf32>
      %parallel_loop3A_140 = arith.select %parallel_loop3A_133, %max3A_76, %max3A_48 : vector<16xf32>
      %parallel_loop3A_141 = arith.mulf %parallel_loop3A_139, %parallel_loop3A_140 : vector<16xf32>
      %parallel_loop3A_142 = arith.index_cast %parallel_loop3A_130 : i32 to index
      %parallel_loop3A_143 = arith.constant 16 : index
      %parallel_loop3A_144 = tpu.vector_load %arg8[%parallel_loop3A_142, %parallel_loop3A_143] {strides = array<i32>} : memref<64x64xf32, #tpu.memory_space<vmem>>, vector<16xf32>,
      %parallel_loop3A_145 = arith.constant 0.000000e+00 : f32
      %parallel_loop3A_146 = vector.broadcast %parallel_loop3A_145 : f32 to vector<16xf32>
      %parallel_loop3A_147 = arith.maximumf %parallel_loop3A_144, %parallel_loop3A_146 : vector<16xf32>
      %parallel_loop3A_148 = arith.select %parallel_loop3A_133, %max3A_83, %max3A_55 : vector<16xf32>
      %parallel_loop3A_149 = arith.mulf %parallel_loop3A_147, %parallel_loop3A_148 : vector<16xf32>
      %parallel_loop3A_150 = arith.index_cast %parallel_loop3A_130 : i32 to index
      %parallel_loop3A_151 = arith.constant 32 : index
      %parallel_loop3A_152 = tpu.vector_load %arg8[%parallel_loop3A_150, %parallel_loop3A_151] {strides = array<i32>} : memref<64x64xf32, #tpu.memory_space<vmem>>, vector<16xf32>,
      %parallel_loop3A_153 = arith.constant 0.000000e+00 : f32
      %parallel_loop3A_154 = vector.broadcast %parallel_loop3A_153 : f32 to vector<16xf32>
      %parallel_loop3A_155 = arith.maximumf %parallel_loop3A_152, %parallel_loop3A_154 : vector<16xf32>
      %parallel_loop3A_156 = arith.select %parallel_loop3A_133, %max3A_90, %max3A_62 : vector<16xf32>
      %parallel_loop3A_157 = arith.mulf %parallel_loop3A_155, %parallel_loop3A_156 : vector<16xf32>
      %parallel_loop3A_158 = arith.index_cast %parallel_loop3A_130 : i32 to index
      %parallel_loop3A_159 = arith.constant 48 : index
      %parallel_loop3A_160 = tpu.vector_load %arg8[%parallel_loop3A_158, %parallel_loop3A_159] {strides = array<i32>} : memref<64x64xf32, #tpu.memory_space<vmem>>, vector<16xf32>,
      %parallel_loop3A_161 = arith.constant 0.000000e+00 : f32
      %parallel_loop3A_162 = vector.broadcast %parallel_loop3A_161 : f32 to vector<16xf32>
      %parallel_loop3A_163 = arith.maximumf %parallel_loop3A_160, %parallel_loop3A_162 : vector<16xf32>
      %parallel_loop3A_164 = arith.select %parallel_loop3A_133, %max3A_97, %max3A_69 : vector<16xf32>
      %parallel_loop3A_165 = arith.mulf %parallel_loop3A_163, %parallel_loop3A_164 : vector<16xf32>
      %parallel_loop3A_166 = vector.bitcast %parallel_loop3A_141 : vector<16xf32> to vector<16xi32>
      %parallel_loop3A_167 = arith.constant 32768 : i32
      %parallel_loop3A_168 = vector.broadcast %parallel_loop3A_167 : i32 to vector<16xi32>
      %parallel_loop3A_169 = arith.addi %parallel_loop3A_166, %parallel_loop3A_168 : vector<16xi32>
      %parallel_loop3A_170 = vector.bitcast %parallel_loop3A_149 : vector<16xf32> to vector<16xi32>
      %parallel_loop3A_171 = arith.constant 32768 : i32
      %parallel_loop3A_172 = vector.broadcast %parallel_loop3A_171 : i32 to vector<16xi32>
      %parallel_loop3A_173 = arith.addi %parallel_loop3A_170, %parallel_loop3A_172 : vector<16xi32>
      %parallel_loop3A_174 = arith.constant -65536 : i32
      %parallel_loop3A_175 = vector.broadcast %parallel_loop3A_174 : i32 to vector<16xi32>
      %parallel_loop3A_176 = arith.andi %parallel_loop3A_173, %parallel_loop3A_175 : vector<16xi32>
      %parallel_loop3A_177 = arith.constant 16 : i32
      %parallel_loop3A_178 = vector.broadcast %parallel_loop3A_177 : i32 to vector<16xi32>
      %parallel_loop3A_179 = arith.shrui %parallel_loop3A_169, %parallel_loop3A_178 : vector<16xi32>
      %parallel_loop3A_180 = arith.ori %parallel_loop3A_176, %parallel_loop3A_179 : vector<16xi32>
      %parallel_loop3A_181 = arith.index_cast %parallel_loop3A_130 : i32 to index
      %parallel_loop3A_182 = arith.constant 0 : index
      %parallel_loop3A_183 = tpu.vector_load %arg9[%parallel_loop3A_181, %parallel_loop3A_182] {strides = array<i32>} : memref<64x32xi32, #tpu.memory_space<vmem>>, vector<16xi32>,
      tpu.vector_store %arg9[%parallel_loop3A_181, %parallel_loop3A_182], %parallel_loop3A_180 {strides = array<i32>} : memref<64x32xi32, #tpu.memory_space<vmem>>, vector<16xi32>,
      %parallel_loop3A_184 = vector.bitcast %parallel_loop3A_157 : vector<16xf32> to vector<16xi32>
      %parallel_loop3A_185 = arith.constant 32768 : i32
      %parallel_loop3A_186 = vector.broadcast %parallel_loop3A_185 : i32 to vector<16xi32>
      %parallel_loop3A_187 = arith.addi %parallel_loop3A_184, %parallel_loop3A_186 : vector<16xi32>
      %parallel_loop3A_188 = vector.bitcast %parallel_loop3A_165 : vector<16xf32> to vector<16xi32>
      %parallel_loop3A_189 = arith.constant 32768 : i32
      %parallel_loop3A_190 = vector.broadcast %parallel_loop3A_189 : i32 to vector<16xi32>
      %parallel_loop3A_191 = arith.addi %parallel_loop3A_188, %parallel_loop3A_190 : vector<16xi32>
      %parallel_loop3A_192 = arith.constant -65536 : i32
      %parallel_loop3A_193 = vector.broadcast %parallel_loop3A_192 : i32 to vector<16xi32>
      %parallel_loop3A_194 = arith.andi %parallel_loop3A_191, %parallel_loop3A_193 : vector<16xi32>
      %parallel_loop3A_195 = arith.constant 16 : i32
      %parallel_loop3A_196 = vector.broadcast %parallel_loop3A_195 : i32 to vector<16xi32>
      %parallel_loop3A_197 = arith.shrui %parallel_loop3A_187, %parallel_loop3A_196 : vector<16xi32>
      %parallel_loop3A_198 = arith.ori %parallel_loop3A_194, %parallel_loop3A_197 : vector<16xi32>
      %parallel_loop3A_199 = arith.index_cast %parallel_loop3A_130 : i32 to index
      %parallel_loop3A_200 = arith.constant 16 : index
      %parallel_loop3A_201 = tpu.vector_load %arg9[%parallel_loop3A_199, %parallel_loop3A_200] {strides = array<i32>} : memref<64x32xi32, #tpu.memory_space<vmem>>, vector<16xi32>,
      tpu.vector_store %arg9[%parallel_loop3A_199, %parallel_loop3A_200], %parallel_loop3A_198 {strides = array<i32>} : memref<64x32xi32, #tpu.memory_space<vmem>>, vector<16xi32>,
    } {sc.loop_unroll_factor = 1 : i64, sc.parallel_access}
    "tpu.region"() ({
      %run_scoped3A = tpu.sem_alloc : memref<!tpu.dma_semaphore, #tpu.memory_space<semaphore_mem>>
      %dma_start3A_130 = arith.constant 0 : i32
      %dma_start3A_131 = tpu.memref_slice %arg5[%mul3A_2, %dma_start3A_130] : memref<2048x32xi32, #tpu.memory_space<hbm>> -> memref<64x32xi32, #tpu.memory_space<hbm>>
      %dma_start3A_132 = arith.constant 0 : i32
      %dma_start3A_133 = tpu.memref_slice %arg5[%mul3A_2, %dma_start3A_132] : memref<2048x32xi32, #tpu.memory_space<hbm>> -> memref<64x32xi32, #tpu.memory_space<hbm>>
      tpu.enqueue_dma source(%arg9 : memref<64x32xi32, #tpu.memory_space<vmem>>) target(%dma_start3A_133 : memref<64x32xi32, #tpu.memory_space<hbm>>) target_semaphore(%run_scoped3A : memref<!tpu.dma_semaphore, #tpu.memory_space<semaphore_mem>>)
      %dma_wait3A_134 = arith.constant 0 : i32
      %dma_wait3A_135 = tpu.memref_slice %arg5[%mul3A_2, %dma_wait3A_134] : memref<2048x32xi32, #tpu.memory_space<hbm>> -> memref<64x32xi32, #tpu.memory_space<hbm>>
      %dma_wait3A_136 = arith.constant 0 : i32
      %dma_wait3A_137 = tpu.memref_slice %arg5[%mul3A_2, %dma_wait3A_136] : memref<2048x32xi32, #tpu.memory_space<hbm>> -> memref<64x32xi32, #tpu.memory_space<hbm>>
      tpu.wait_dma2 semaphore(%run_scoped3A : memref<!tpu.dma_semaphore, #tpu.memory_space<semaphore_mem>>) src(%arg9 : memref<64x32xi32, #tpu.memory_space<vmem>>) dst(%dma_wait3A_137 : memref<64x32xi32, #tpu.memory_space<hbm>>)
      tpu.yield
    }) : () -> ()
    %add3A_100 = arith.constant 0 : i32
    %add3A_101 = arith.addi %add3A, %add3A_100 : i32
    %lt3A = arith.constant 250 : i32
    %lt3A_102 = arith.cmpi slt, %add3A_101, %lt3A : i32
    %convert_element_type3A = arith.extui %lt3A_102 : i1 to i32
    %cond3A = arith.constant 0 : i32
    %cond3A_103 = arith.cmpi ne, %convert_element_type3A, %cond3A : i32
    scf.if %cond3A_103 {
      %add3A_130 = arith.constant 0 : i32
      %add3A_131 = arith.addi %add3A, %add3A_130 : i32
      %mul3A_132 = arith.constant 400 : i32
      %mul3A_133 = arith.muli %add3A_131, %mul3A_132 : i32
      %dma_start3A_134 = arith.constant 0 : i32
      %dma_start3A_135 = arith.constant 0 : i32
      %dma_start3A_136 = arith.constant 0 : i32
      %dma_start3A_137 = tpu.memref_slice %arg11[%dma_start3A_134, %dma_start3A_135, %dma_start3A_136] : memref<2x400x64xf32, #tpu.memory_space<vmem>> -> memref<1x400x64xf32, #tpu.memory_space<vmem>>
      %dma_start3A_138 = tpu.memref_squeeze %dma_start3A_137 : memref<1x400x64xf32, #tpu.memory_space<vmem>> -> memref<400x64xf32, #tpu.memory_space<vmem>>
      %dma_start3A_139 = arith.constant 0 : i32
      %dma_start3A_140 = tpu.memref_slice %arg4[%mul3A_133, %dma_start3A_139] : memref<100000x64xf32, #tpu.memory_space<hbm>> -> memref<400x64xf32, #tpu.memory_space<hbm>>
      %dma_start3A_141 = arith.constant 0 : i32
      %dma_start3A_142 = arith.constant 0 : i32
      %dma_start3A_143 = tpu.memref_slice %arg11[%dma_start3A_134, %dma_start3A_141, %dma_start3A_142] : memref<2x400x64xf32, #tpu.memory_space<vmem>> -> memref<1x400x64xf32, #tpu.memory_space<vmem>>
      %dma_start3A_144 = tpu.memref_squeeze %dma_start3A_143 : memref<1x400x64xf32, #tpu.memory_space<vmem>> -> memref<400x64xf32, #tpu.memory_space<vmem>>
      %dma_start3A_145 = arith.constant 0 : i32
      %dma_start3A_146 = tpu.memref_slice %arg4[%mul3A_133, %dma_start3A_145] : memref<100000x64xf32, #tpu.memory_space<hbm>> -> memref<400x64xf32, #tpu.memory_space<hbm>>
      tpu.enqueue_dma source(%dma_start3A_146 : memref<400x64xf32, #tpu.memory_space<hbm>>) target(%dma_start3A_144 : memref<400x64xf32, #tpu.memory_space<vmem>>) target_semaphore(%arg14 : memref<!tpu.dma_semaphore, #tpu.memory_space<semaphore_mem>>)
    } else {
    }
    %add3A_104 = arith.constant 32 : i32
    %add3A_105 = arith.addi %add3A, %add3A_104 : i32
    %lt3A_106 = arith.constant 250 : i32
    %lt3A_107 = arith.cmpi slt, %add3A_105, %lt3A_106 : i32
    %convert_element_type3A_108 = arith.extui %lt3A_107 : i1 to i32
    %cond3A_109 = arith.constant 0 : i32
    %cond3A_110 = arith.cmpi ne, %convert_element_type3A_108, %cond3A_109 : i32
    scf.if %cond3A_110 {
      %add3A_130 = arith.constant 32 : i32
      %add3A_131 = arith.addi %add3A, %add3A_130 : i32
      %mul3A_132 = arith.constant 400 : i32
      %mul3A_133 = arith.muli %add3A_131, %mul3A_132 : i32
      %dma_start3A_134 = arith.constant 1 : i32
      %dma_start3A_135 = arith.constant 0 : i32
      %dma_start3A_136 = arith.constant 0 : i32
      %dma_start3A_137 = tpu.memref_slice %arg11[%dma_start3A_134, %dma_start3A_135, %dma_start3A_136] : memref<2x400x64xf32, #tpu.memory_space<vmem>> -> memref<1x400x64xf32, #tpu.memory_space<vmem>>
      %dma_start3A_138 = tpu.memref_squeeze %dma_start3A_137 : memref<1x400x64xf32, #tpu.memory_space<vmem>> -> memref<400x64xf32, #tpu.memory_space<vmem>>
      %dma_start3A_139 = arith.constant 0 : i32
      %dma_start3A_140 = tpu.memref_slice %arg4[%mul3A_133, %dma_start3A_139] : memref<100000x64xf32, #tpu.memory_space<hbm>> -> memref<400x64xf32, #tpu.memory_space<hbm>>
      %dma_start3A_141 = arith.constant 0 : i32
      %dma_start3A_142 = arith.constant 0 : i32
      %dma_start3A_143 = tpu.memref_slice %arg11[%dma_start3A_134, %dma_start3A_141, %dma_start3A_142] : memref<2x400x64xf32, #tpu.memory_space<vmem>> -> memref<1x400x64xf32, #tpu.memory_space<vmem>>
      %dma_start3A_144 = tpu.memref_squeeze %dma_start3A_143 : memref<1x400x64xf32, #tpu.memory_space<vmem>> -> memref<400x64xf32, #tpu.memory_space<vmem>>
      %dma_start3A_145 = arith.constant 0 : i32
      %dma_start3A_146 = tpu.memref_slice %arg4[%mul3A_133, %dma_start3A_145] : memref<100000x64xf32, #tpu.memory_space<hbm>> -> memref<400x64xf32, #tpu.memory_space<hbm>>
      tpu.enqueue_dma source(%dma_start3A_146 : memref<400x64xf32, #tpu.memory_space<hbm>>) target(%dma_start3A_144 : memref<400x64xf32, #tpu.memory_space<vmem>>) target_semaphore(%arg15 : memref<!tpu.dma_semaphore, #tpu.memory_space<semaphore_mem>>)
    } else {
    }
    %scan3A = arith.constant 0 : i32
    %scan3A_111 = arith.constant 0 : i32
    %scan3A_112 = arith.constant 4 : i32
    %scan3A_113 = arith.addi %scan3A_111, %scan3A_112 : i32
    %scan3A_114 = arith.constant 1 : i32
    scf.for %scan3A_130 = %scan3A_111 to %scan3A_113 step %scan3A_114  : i32 {
      %mul3A_131 = arith.constant 2 : i32
      %mul3A_132 = arith.muli %mul3A_131, %scan3A_130 : i32
      %add3A_133 = arith.constant 0 : i32
      %add3A_134 = arith.addi %mul3A_132, %add3A_133 : i32
      %mul3A_135 = arith.constant 32 : i32
      %mul3A_136 = arith.muli %add3A_134, %mul3A_135 : i32
      %add3A_137 = arith.addi %add3A, %mul3A_136 : i32
      %ge3A = arith.constant 2 : i32
      %ge3A_138 = arith.cmpi sge, %add3A_134, %ge3A : i32
      %sub3A = arith.constant 2 : i32
      %sub3A_139 = arith.subi %add3A_134, %sub3A : i32
      %mul3A_140 = arith.constant 32 : i32
      %mul3A_141 = arith.muli %sub3A_139, %mul3A_140 : i32
      %add3A_142 = arith.addi %add3A, %mul3A_141 : i32
      %lt3A_143 = arith.constant 250 : i32
      %lt3A_144 = arith.cmpi slt, %add3A_142, %lt3A_143 : i32
      %and3A = arith.andi %ge3A_138, %lt3A_144 : i1
      %convert_element_type3A_145 = arith.extui %and3A : i1 to i32
      %cond3A_146 = arith.constant 0 : i32
      %cond3A_147 = arith.cmpi ne, %convert_element_type3A_145, %cond3A_146 : i32
      scf.if %cond3A_147 {
        %sub3A_178 = arith.constant 2 : i32
        %sub3A_179 = arith.subi %add3A_134, %sub3A_178 : i32
        %mul3A_180 = arith.constant 32 : i32
        %mul3A_181 = arith.muli %sub3A_179, %mul3A_180 : i32
        %add3A_182 = arith.addi %add3A, %mul3A_181 : i32
        %mul3A_183 = arith.constant 400 : i32
        %mul3A_184 = arith.muli %add3A_182, %mul3A_183 : i32
        %dma_wait3A_185 = arith.constant 0 : i32
        %dma_wait3A_186 = arith.constant 0 : i32
        %dma_wait3A_187 = arith.constant 0 : i32
        %dma_wait3A_188 = tpu.memref_slice %arg12[%dma_wait3A_185, %dma_wait3A_186, %dma_wait3A_187] : memref<2x400x32xi32, #tpu.memory_space<vmem>> -> memref<1x400x32xi32, #tpu.memory_space<vmem>>
        %dma_wait3A_189 = tpu.memref_squeeze %dma_wait3A_188 : memref<1x400x32xi32, #tpu.memory_space<vmem>> -> memref<400x32xi32, #tpu.memory_space<vmem>>
        %dma_wait3A_190 = arith.constant 0 : i32
        %dma_wait3A_191 = tpu.memref_slice %arg6[%mul3A_184, %dma_wait3A_190] : memref<100000x32xi32, #tpu.memory_space<hbm>> -> memref<400x32xi32, #tpu.memory_space<hbm>>
        %dma_wait3A_192 = arith.constant 0 : i32
        %dma_wait3A_193 = tpu.memref_slice %arg6[%mul3A_184, %dma_wait3A_192] : memref<100000x32xi32, #tpu.memory_space<hbm>> -> memref<400x32xi32, #tpu.memory_space<hbm>>
        %dma_wait3A_194 = arith.constant 0 : i32
        %dma_wait3A_195 = arith.constant 0 : i32
        %dma_wait3A_196 = tpu.memref_slice %arg12[%dma_wait3A_185, %dma_wait3A_194, %dma_wait3A_195] : memref<2x400x32xi32, #tpu.memory_space<vmem>> -> memref<1x400x32xi32, #tpu.memory_space<vmem>>
        %dma_wait3A_197 = tpu.memref_squeeze %dma_wait3A_196 : memref<1x400x32xi32, #tpu.memory_space<vmem>> -> memref<400x32xi32, #tpu.memory_space<vmem>>
        tpu.wait_dma2 semaphore(%arg16 : memref<!tpu.dma_semaphore, #tpu.memory_space<semaphore_mem>>) src(%dma_wait3A_197 : memref<400x32xi32, #tpu.memory_space<vmem>>) dst(%dma_wait3A_193 : memref<400x32xi32, #tpu.memory_space<hbm>>)
      } else {
      }
      %lt3A_148 = arith.constant 250 : i32
      %lt3A_149 = arith.cmpi slt, %add3A_137, %lt3A_148 : i32
      %convert_element_type3A_150 = arith.extui %lt3A_149 : i1 to i32
      %cond3A_151 = arith.constant 0 : i32
      %cond3A_152 = arith.cmpi ne, %convert_element_type3A_150, %cond3A_151 : i32
      scf.if %cond3A_152 {
        %mul3A_178 = arith.constant 32 : i32
        %mul3A_179 = arith.muli %add3A_134, %mul3A_178 : i32
        %add3A_180 = arith.addi %add3A, %mul3A_179 : i32
        %mul3A_181 = arith.constant 400 : i32
        %mul3A_182 = arith.muli %add3A_180, %mul3A_181 : i32
        %dma_wait3A_183 = arith.constant 0 : i32
        %dma_wait3A_184 = arith.constant 0 : i32
        %dma_wait3A_185 = arith.constant 0 : i32
        %dma_wait3A_186 = tpu.memref_slice %arg11[%dma_wait3A_183, %dma_wait3A_184, %dma_wait3A_185] : memref<2x400x64xf32, #tpu.memory_space<vmem>> -> memref<1x400x64xf32, #tpu.memory_space<vmem>>
        %dma_wait3A_187 = tpu.memref_squeeze %dma_wait3A_186 : memref<1x400x64xf32, #tpu.memory_space<vmem>> -> memref<400x64xf32, #tpu.memory_space<vmem>>
        %dma_wait3A_188 = arith.constant 0 : i32
        %dma_wait3A_189 = tpu.memref_slice %arg4[%mul3A_182, %dma_wait3A_188] : memref<100000x64xf32, #tpu.memory_space<hbm>> -> memref<400x64xf32, #tpu.memory_space<hbm>>
        %dma_wait3A_190 = arith.constant 0 : i32
        %dma_wait3A_191 = arith.constant 0 : i32
        %dma_wait3A_192 = tpu.memref_slice %arg11[%dma_wait3A_183, %dma_wait3A_190, %dma_wait3A_191] : memref<2x400x64xf32, #tpu.memory_space<vmem>> -> memref<1x400x64xf32, #tpu.memory_space<vmem>>
        %dma_wait3A_193 = tpu.memref_squeeze %dma_wait3A_192 : memref<1x400x64xf32, #tpu.memory_space<vmem>> -> memref<400x64xf32, #tpu.memory_space<vmem>>
        %dma_wait3A_194 = arith.constant 0 : i32
        %dma_wait3A_195 = tpu.memref_slice %arg4[%mul3A_182, %dma_wait3A_194] : memref<100000x64xf32, #tpu.memory_space<hbm>> -> memref<400x64xf32, #tpu.memory_space<hbm>>
        tpu.wait_dma2 semaphore(%arg14 : memref<!tpu.dma_semaphore, #tpu.memory_space<semaphore_mem>>) src(%dma_wait3A_195 : memref<400x64xf32, #tpu.memory_space<hbm>>) dst(%dma_wait3A_193 : memref<400x64xf32, #tpu.memory_space<vmem>>)
        %parallel_loop3A_196 = arith.constant 0 : i32
        %parallel_loop3A_197 = arith.constant 400 : i32
        %parallel_loop3A_198 = arith.constant 1 : i32
        scf.for %parallel_loop3A_227 = %parallel_loop3A_196 to %parallel_loop3A_197 step %parallel_loop3A_198  : i32 {
          %parallel_loop3A_228 = arith.constant 0 : i32
          %parallel_loop3A_229 = arith.index_cast %parallel_loop3A_228 : i32 to index
          %parallel_loop3A_230 = arith.index_cast %parallel_loop3A_227 : i32 to index
          %parallel_loop3A_231 = arith.constant 0 : index
          %parallel_loop3A_232 = tpu.vector_load %arg11[%parallel_loop3A_229, %parallel_loop3A_230, %parallel_loop3A_231] {strides = array<i32>} : memref<2x400x64xf32, #tpu.memory_space<vmem>>, vector<16xf32>,
          %parallel_loop3A_233 = arith.constant 0.000000e+00 : f32
          %parallel_loop3A_234 = vector.broadcast %parallel_loop3A_233 : f32 to vector<16xf32>
          %parallel_loop3A_235 = arith.maximumf %parallel_loop3A_232, %parallel_loop3A_234 : vector<16xf32>
          %parallel_loop3A_236 = arith.constant 0 : i32
          %parallel_loop3A_237 = arith.index_cast %parallel_loop3A_236 : i32 to index
          %parallel_loop3A_238 = arith.index_cast %parallel_loop3A_227 : i32 to index
          %parallel_loop3A_239 = arith.constant 16 : index
          %parallel_loop3A_240 = tpu.vector_load %arg11[%parallel_loop3A_237, %parallel_loop3A_238, %parallel_loop3A_239] {strides = array<i32>} : memref<2x400x64xf32, #tpu.memory_space<vmem>>, vector<16xf32>,
          %parallel_loop3A_241 = arith.constant 0.000000e+00 : f32
          %parallel_loop3A_242 = vector.broadcast %parallel_loop3A_241 : f32 to vector<16xf32>
          %parallel_loop3A_243 = arith.maximumf %parallel_loop3A_240, %parallel_loop3A_242 : vector<16xf32>
          %parallel_loop3A_244 = vector.bitcast %parallel_loop3A_235 : vector<16xf32> to vector<16xi32>
          %parallel_loop3A_245 = arith.constant 32768 : i32
          %parallel_loop3A_246 = vector.broadcast %parallel_loop3A_245 : i32 to vector<16xi32>
          %parallel_loop3A_247 = arith.addi %parallel_loop3A_244, %parallel_loop3A_246 : vector<16xi32>
          %parallel_loop3A_248 = vector.bitcast %parallel_loop3A_243 : vector<16xf32> to vector<16xi32>
          %parallel_loop3A_249 = arith.constant 32768 : i32
          %parallel_loop3A_250 = vector.broadcast %parallel_loop3A_249 : i32 to vector<16xi32>
          %parallel_loop3A_251 = arith.addi %parallel_loop3A_248, %parallel_loop3A_250 : vector<16xi32>
          %parallel_loop3A_252 = arith.constant -65536 : i32
          %parallel_loop3A_253 = vector.broadcast %parallel_loop3A_252 : i32 to vector<16xi32>
          %parallel_loop3A_254 = arith.andi %parallel_loop3A_251, %parallel_loop3A_253 : vector<16xi32>
          %parallel_loop3A_255 = arith.constant 16 : i32
          %parallel_loop3A_256 = vector.broadcast %parallel_loop3A_255 : i32 to vector<16xi32>
          %parallel_loop3A_257 = arith.shrui %parallel_loop3A_247, %parallel_loop3A_256 : vector<16xi32>
          %parallel_loop3A_258 = arith.ori %parallel_loop3A_254, %parallel_loop3A_257 : vector<16xi32>
          %parallel_loop3A_259 = arith.constant 0 : i32
          %parallel_loop3A_260 = arith.index_cast %parallel_loop3A_259 : i32 to index
          %parallel_loop3A_261 = arith.index_cast %parallel_loop3A_227 : i32 to index
          %parallel_loop3A_262 = arith.constant 0 : index
          %parallel_loop3A_263 = tpu.vector_load %arg12[%parallel_loop3A_260, %parallel_loop3A_261, %parallel_loop3A_262] {strides = array<i32>} : memref<2x400x32xi32, #tpu.memory_space<vmem>>, vector<16xi32>,
          tpu.vector_store %arg12[%parallel_loop3A_260, %parallel_loop3A_261, %parallel_loop3A_262], %parallel_loop3A_258 {strides = array<i32>} : memref<2x400x32xi32, #tpu.memory_space<vmem>>, vector<16xi32>,
          %parallel_loop3A_264 = arith.constant 0 : i32
          %parallel_loop3A_265 = arith.index_cast %parallel_loop3A_264 : i32 to index
          %parallel_loop3A_266 = arith.index_cast %parallel_loop3A_227 : i32 to index
          %parallel_loop3A_267 = arith.constant 32 : index
          %parallel_loop3A_268 = tpu.vector_load %arg11[%parallel_loop3A_265, %parallel_loop3A_266, %parallel_loop3A_267] {strides = array<i32>} : memref<2x400x64xf32, #tpu.memory_space<vmem>>, vector<16xf32>,
          %parallel_loop3A_269 = arith.constant 0.000000e+00 : f32
          %parallel_loop3A_270 = vector.broadcast %parallel_loop3A_269 : f32 to vector<16xf32>
          %parallel_loop3A_271 = arith.maximumf %parallel_loop3A_268, %parallel_loop3A_270 : vector<16xf32>
          %parallel_loop3A_272 = arith.constant 0 : i32
          %parallel_loop3A_273 = arith.index_cast %parallel_loop3A_272 : i32 to index
          %parallel_loop3A_274 = arith.index_cast %parallel_loop3A_227 : i32 to index
          %parallel_loop3A_275 = arith.constant 48 : index
          %parallel_loop3A_276 = tpu.vector_load %arg11[%parallel_loop3A_273, %parallel_loop3A_274, %parallel_loop3A_275] {strides = array<i32>} : memref<2x400x64xf32, #tpu.memory_space<vmem>>, vector<16xf32>,
          %parallel_loop3A_277 = arith.constant 0.000000e+00 : f32
          %parallel_loop3A_278 = vector.broadcast %parallel_loop3A_277 : f32 to vector<16xf32>
          %parallel_loop3A_279 = arith.maximumf %parallel_loop3A_276, %parallel_loop3A_278 : vector<16xf32>
          %parallel_loop3A_280 = vector.bitcast %parallel_loop3A_271 : vector<16xf32> to vector<16xi32>
          %parallel_loop3A_281 = arith.constant 32768 : i32
          %parallel_loop3A_282 = vector.broadcast %parallel_loop3A_281 : i32 to vector<16xi32>
          %parallel_loop3A_283 = arith.addi %parallel_loop3A_280, %parallel_loop3A_282 : vector<16xi32>
          %parallel_loop3A_284 = vector.bitcast %parallel_loop3A_279 : vector<16xf32> to vector<16xi32>
          %parallel_loop3A_285 = arith.constant 32768 : i32
          %parallel_loop3A_286 = vector.broadcast %parallel_loop3A_285 : i32 to vector<16xi32>
          %parallel_loop3A_287 = arith.addi %parallel_loop3A_284, %parallel_loop3A_286 : vector<16xi32>
          %parallel_loop3A_288 = arith.constant -65536 : i32
          %parallel_loop3A_289 = vector.broadcast %parallel_loop3A_288 : i32 to vector<16xi32>
          %parallel_loop3A_290 = arith.andi %parallel_loop3A_287, %parallel_loop3A_289 : vector<16xi32>
          %parallel_loop3A_291 = arith.constant 16 : i32
          %parallel_loop3A_292 = vector.broadcast %parallel_loop3A_291 : i32 to vector<16xi32>
          %parallel_loop3A_293 = arith.shrui %parallel_loop3A_283, %parallel_loop3A_292 : vector<16xi32>
          %parallel_loop3A_294 = arith.ori %parallel_loop3A_290, %parallel_loop3A_293 : vector<16xi32>
          %parallel_loop3A_295 = arith.constant 0 : i32
          %parallel_loop3A_296 = arith.index_cast %parallel_loop3A_295 : i32 to index
          %parallel_loop3A_297 = arith.index_cast %parallel_loop3A_227 : i32 to index
          %parallel_loop3A_298 = arith.constant 16 : index
          %parallel_loop3A_299 = tpu.vector_load %arg12[%parallel_loop3A_296, %parallel_loop3A_297, %parallel_loop3A_298] {strides = array<i32>} : memref<2x400x32xi32, #tpu.memory_space<vmem>>, vector<16xi32>,
          tpu.vector_store %arg12[%parallel_loop3A_296, %parallel_loop3A_297, %parallel_loop3A_298], %parallel_loop3A_294 {strides = array<i32>} : memref<2x400x32xi32, #tpu.memory_space<vmem>>, vector<16xi32>,
        } {sc.loop_unroll_factor = 1 : i64, sc.parallel_access}
        %mul3A_199 = arith.constant 32 : i32
        %mul3A_200 = arith.muli %add3A_134, %mul3A_199 : i32
        %add3A_201 = arith.addi %add3A, %mul3A_200 : i32
        %mul3A_202 = arith.constant 400 : i32
        %mul3A_203 = arith.muli %add3A_201, %mul3A_202 : i32
        %dma_start3A_204 = arith.constant 0 : i32
        %dma_start3A_205 = arith.constant 0 : i32
        %dma_start3A_206 = arith.constant 0 : i32
        %dma_start3A_207 = tpu.memref_slice %arg12[%dma_start3A_204, %dma_start3A_205, %dma_start3A_206] : memref<2x400x32xi32, #tpu.memory_space<vmem>> -> memref<1x400x32xi32, #tpu.memory_space<vmem>>
        %dma_start3A_208 = tpu.memref_squeeze %dma_start3A_207 : memref<1x400x32xi32, #tpu.memory_space<vmem>> -> memref<400x32xi32, #tpu.memory_space<vmem>>
        %dma_start3A_209 = arith.constant 0 : i32
        %dma_start3A_210 = tpu.memref_slice %arg6[%mul3A_203, %dma_start3A_209] : memref<100000x32xi32, #tpu.memory_space<hbm>> -> memref<400x32xi32, #tpu.memory_space<hbm>>
        %dma_start3A_211 = arith.constant 0 : i32
        %dma_start3A_212 = tpu.memref_slice %arg6[%mul3A_203, %dma_start3A_211] : memref<100000x32xi32, #tpu.memory_space<hbm>> -> memref<400x32xi32, #tpu.memory_space<hbm>>
        %dma_start3A_213 = arith.constant 0 : i32
        %dma_start3A_214 = arith.constant 0 : i32
        %dma_start3A_215 = tpu.memref_slice %arg12[%dma_start3A_204, %dma_start3A_213, %dma_start3A_214] : memref<2x400x32xi32, #tpu.memory_space<vmem>> -> memref<1x400x32xi32, #tpu.memory_space<vmem>>
        %dma_start3A_216 = tpu.memref_squeeze %dma_start3A_215 : memref<1x400x32xi32, #tpu.memory_space<vmem>> -> memref<400x32xi32, #tpu.memory_space<vmem>>
        tpu.enqueue_dma source(%dma_start3A_216 : memref<400x32xi32, #tpu.memory_space<vmem>>) target(%dma_start3A_212 : memref<400x32xi32, #tpu.memory_space<hbm>>) target_semaphore(%arg16 : memref<!tpu.dma_semaphore, #tpu.memory_space<semaphore_mem>>)
        %add3A_217 = arith.constant 2 : i32
        %add3A_218 = arith.addi %add3A_134, %add3A_217 : i32
        %mul3A_219 = arith.constant 32 : i32
        %mul3A_220 = arith.muli %add3A_218, %mul3A_219 : i32
        %add3A_221 = arith.addi %add3A, %mul3A_220 : i32
        %lt3A_222 = arith.constant 250 : i32
        %lt3A_223 = arith.cmpi slt, %add3A_221, %lt3A_222 : i32
        %convert_element_type3A_224 = arith.extui %lt3A_223 : i1 to i32
        %cond3A_225 = arith.constant 0 : i32
        %cond3A_226 = arith.cmpi ne, %convert_element_type3A_224, %cond3A_225 : i32
        scf.if %cond3A_226 {
          %add3A_227 = arith.constant 2 : i32
          %add3A_228 = arith.addi %add3A_134, %add3A_227 : i32
          %mul3A_229 = arith.constant 32 : i32
          %mul3A_230 = arith.muli %add3A_228, %mul3A_229 : i32
          %add3A_231 = arith.addi %add3A, %mul3A_230 : i32
          %mul3A_232 = arith.constant 400 : i32
          %mul3A_233 = arith.muli %add3A_231, %mul3A_232 : i32
          %dma_start3A_234 = arith.constant 0 : i32
          %dma_start3A_235 = arith.constant 0 : i32
          %dma_start3A_236 = arith.constant 0 : i32
          %dma_start3A_237 = tpu.memref_slice %arg11[%dma_start3A_234, %dma_start3A_235, %dma_start3A_236] : memref<2x400x64xf32, #tpu.memory_space<vmem>> -> memref<1x400x64xf32, #tpu.memory_space<vmem>>
          %dma_start3A_238 = tpu.memref_squeeze %dma_start3A_237 : memref<1x400x64xf32, #tpu.memory_space<vmem>> -> memref<400x64xf32, #tpu.memory_space<vmem>>
          %dma_start3A_239 = arith.constant 0 : i32
          %dma_start3A_240 = tpu.memref_slice %arg4[%mul3A_233, %dma_start3A_239] : memref<100000x64xf32, #tpu.memory_space<hbm>> -> memref<400x64xf32, #tpu.memory_space<hbm>>
          %dma_start3A_241 = arith.constant 0 : i32
          %dma_start3A_242 = arith.constant 0 : i32
          %dma_start3A_243 = tpu.memref_slice %arg11[%dma_start3A_234, %dma_start3A_241, %dma_start3A_242] : memref<2x400x64xf32, #tpu.memory_space<vmem>> -> memref<1x400x64xf32, #tpu.memory_space<vmem>>
          %dma_start3A_244 = tpu.memref_squeeze %dma_start3A_243 : memref<1x400x64xf32, #tpu.memory_space<vmem>> -> memref<400x64xf32, #tpu.memory_space<vmem>>
          %dma_start3A_245 = arith.constant 0 : i32
          %dma_start3A_246 = tpu.memref_slice %arg4[%mul3A_233, %dma_start3A_245] : memref<100000x64xf32, #tpu.memory_space<hbm>> -> memref<400x64xf32, #tpu.memory_space<hbm>>
          tpu.enqueue_dma source(%dma_start3A_246 : memref<400x64xf32, #tpu.memory_space<hbm>>) target(%dma_start3A_244 : memref<400x64xf32, #tpu.memory_space<vmem>>) target_semaphore(%arg14 : memref<!tpu.dma_semaphore, #tpu.memory_space<semaphore_mem>>)
        } else {
        }
      } else {
      }
      %mul3A_153 = arith.constant 2 : i32
      %mul3A_154 = arith.muli %mul3A_153, %scan3A_130 : i32
      %add3A_155 = arith.constant 1 : i32
      %add3A_156 = arith.addi %mul3A_154, %add3A_155 : i32
      %mul3A_157 = arith.constant 32 : i32
      %mul3A_158 = arith.muli %add3A_156, %mul3A_157 : i32
      %add3A_159 = arith.addi %add3A, %mul3A_158 : i32
      %ge3A_160 = arith.constant 2 : i32
      %ge3A_161 = arith.cmpi sge, %add3A_156, %ge3A_160 : i32
      %sub3A_162 = arith.constant 2 : i32
      %sub3A_163 = arith.subi %add3A_156, %sub3A_162 : i32
      %mul3A_164 = arith.constant 32 : i32
      %mul3A_165 = arith.muli %sub3A_163, %mul3A_164 : i32
      %add3A_166 = arith.addi %add3A, %mul3A_165 : i32
      %lt3A_167 = arith.constant 250 : i32
      %lt3A_168 = arith.cmpi slt, %add3A_166, %lt3A_167 : i32
      %and3A_169 = arith.andi %ge3A_161, %lt3A_168 : i1
      %convert_element_type3A_170 = arith.extui %and3A_169 : i1 to i32
      %cond3A_171 = arith.constant 0 : i32
      %cond3A_172 = arith.cmpi ne, %convert_element_type3A_170, %cond3A_171 : i32
      scf.if %cond3A_172 {
        %sub3A_178 = arith.constant 2 : i32
        %sub3A_179 = arith.subi %add3A_156, %sub3A_178 : i32
        %mul3A_180 = arith.constant 32 : i32
        %mul3A_181 = arith.muli %sub3A_179, %mul3A_180 : i32
        %add3A_182 = arith.addi %add3A, %mul3A_181 : i32
        %mul3A_183 = arith.constant 400 : i32
        %mul3A_184 = arith.muli %add3A_182, %mul3A_183 : i32
        %dma_wait3A_185 = arith.constant 1 : i32
        %dma_wait3A_186 = arith.constant 0 : i32
        %dma_wait3A_187 = arith.constant 0 : i32
        %dma_wait3A_188 = tpu.memref_slice %arg12[%dma_wait3A_185, %dma_wait3A_186, %dma_wait3A_187] : memref<2x400x32xi32, #tpu.memory_space<vmem>> -> memref<1x400x32xi32, #tpu.memory_space<vmem>>
        %dma_wait3A_189 = tpu.memref_squeeze %dma_wait3A_188 : memref<1x400x32xi32, #tpu.memory_space<vmem>> -> memref<400x32xi32, #tpu.memory_space<vmem>>
        %dma_wait3A_190 = arith.constant 0 : i32
        %dma_wait3A_191 = tpu.memref_slice %arg6[%mul3A_184, %dma_wait3A_190] : memref<100000x32xi32, #tpu.memory_space<hbm>> -> memref<400x32xi32, #tpu.memory_space<hbm>>
        %dma_wait3A_192 = arith.constant 0 : i32
        %dma_wait3A_193 = tpu.memref_slice %arg6[%mul3A_184, %dma_wait3A_192] : memref<100000x32xi32, #tpu.memory_space<hbm>> -> memref<400x32xi32, #tpu.memory_space<hbm>>
        %dma_wait3A_194 = arith.constant 0 : i32
        %dma_wait3A_195 = arith.constant 0 : i32
        %dma_wait3A_196 = tpu.memref_slice %arg12[%dma_wait3A_185, %dma_wait3A_194, %dma_wait3A_195] : memref<2x400x32xi32, #tpu.memory_space<vmem>> -> memref<1x400x32xi32, #tpu.memory_space<vmem>>
        %dma_wait3A_197 = tpu.memref_squeeze %dma_wait3A_196 : memref<1x400x32xi32, #tpu.memory_space<vmem>> -> memref<400x32xi32, #tpu.memory_space<vmem>>
        tpu.wait_dma2 semaphore(%arg17 : memref<!tpu.dma_semaphore, #tpu.memory_space<semaphore_mem>>) src(%dma_wait3A_197 : memref<400x32xi32, #tpu.memory_space<vmem>>) dst(%dma_wait3A_193 : memref<400x32xi32, #tpu.memory_space<hbm>>)
      } else {
      }
      %lt3A_173 = arith.constant 250 : i32
      %lt3A_174 = arith.cmpi slt, %add3A_159, %lt3A_173 : i32
      %convert_element_type3A_175 = arith.extui %lt3A_174 : i1 to i32
      %cond3A_176 = arith.constant 0 : i32
      %cond3A_177 = arith.cmpi ne, %convert_element_type3A_175, %cond3A_176 : i32
      scf.if %cond3A_177 {
        %mul3A_178 = arith.constant 32 : i32
        %mul3A_179 = arith.muli %add3A_156, %mul3A_178 : i32
        %add3A_180 = arith.addi %add3A, %mul3A_179 : i32
        %mul3A_181 = arith.constant 400 : i32
        %mul3A_182 = arith.muli %add3A_180, %mul3A_181 : i32
        %dma_wait3A_183 = arith.constant 1 : i32
        %dma_wait3A_184 = arith.constant 0 : i32
        %dma_wait3A_185 = arith.constant 0 : i32
        %dma_wait3A_186 = tpu.memref_slice %arg11[%dma_wait3A_183, %dma_wait3A_184, %dma_wait3A_185] : memref<2x400x64xf32, #tpu.memory_space<vmem>> -> memref<1x400x64xf32, #tpu.memory_space<vmem>>
        %dma_wait3A_187 = tpu.memref_squeeze %dma_wait3A_186 : memref<1x400x64xf32, #tpu.memory_space<vmem>> -> memref<400x64xf32, #tpu.memory_space<vmem>>
        %dma_wait3A_188 = arith.constant 0 : i32
        %dma_wait3A_189 = tpu.memref_slice %arg4[%mul3A_182, %dma_wait3A_188] : memref<100000x64xf32, #tpu.memory_space<hbm>> -> memref<400x64xf32, #tpu.memory_space<hbm>>
        %dma_wait3A_190 = arith.constant 0 : i32
        %dma_wait3A_191 = arith.constant 0 : i32
        %dma_wait3A_192 = tpu.memref_slice %arg11[%dma_wait3A_183, %dma_wait3A_190, %dma_wait3A_191] : memref<2x400x64xf32, #tpu.memory_space<vmem>> -> memref<1x400x64xf32, #tpu.memory_space<vmem>>
        %dma_wait3A_193 = tpu.memref_squeeze %dma_wait3A_192 : memref<1x400x64xf32, #tpu.memory_space<vmem>> -> memref<400x64xf32, #tpu.memory_space<vmem>>
        %dma_wait3A_194 = arith.constant 0 : i32
        %dma_wait3A_195 = tpu.memref_slice %arg4[%mul3A_182, %dma_wait3A_194] : memref<100000x64xf32, #tpu.memory_space<hbm>> -> memref<400x64xf32, #tpu.memory_space<hbm>>
        tpu.wait_dma2 semaphore(%arg15 : memref<!tpu.dma_semaphore, #tpu.memory_space<semaphore_mem>>) src(%dma_wait3A_195 : memref<400x64xf32, #tpu.memory_space<hbm>>) dst(%dma_wait3A_193 : memref<400x64xf32, #tpu.memory_space<vmem>>)
        %parallel_loop3A_196 = arith.constant 0 : i32
        %parallel_loop3A_197 = arith.constant 400 : i32
        %parallel_loop3A_198 = arith.constant 1 : i32
        scf.for %parallel_loop3A_227 = %parallel_loop3A_196 to %parallel_loop3A_197 step %parallel_loop3A_198  : i32 {
          %parallel_loop3A_228 = arith.constant 1 : i32
          %parallel_loop3A_229 = arith.index_cast %parallel_loop3A_228 : i32 to index
          %parallel_loop3A_230 = arith.index_cast %parallel_loop3A_227 : i32 to index
          %parallel_loop3A_231 = arith.constant 0 : index
          %parallel_loop3A_232 = tpu.vector_load %arg11[%parallel_loop3A_229, %parallel_loop3A_230, %parallel_loop3A_231] {strides = array<i32>} : memref<2x400x64xf32, #tpu.memory_space<vmem>>, vector<16xf32>,
          %parallel_loop3A_233 = arith.constant 0.000000e+00 : f32
          %parallel_loop3A_234 = vector.broadcast %parallel_loop3A_233 : f32 to vector<16xf32>
          %parallel_loop3A_235 = arith.maximumf %parallel_loop3A_232, %parallel_loop3A_234 : vector<16xf32>
          %parallel_loop3A_236 = arith.constant 1 : i32
          %parallel_loop3A_237 = arith.index_cast %parallel_loop3A_236 : i32 to index
          %parallel_loop3A_238 = arith.index_cast %parallel_loop3A_227 : i32 to index
          %parallel_loop3A_239 = arith.constant 16 : index
          %parallel_loop3A_240 = tpu.vector_load %arg11[%parallel_loop3A_237, %parallel_loop3A_238, %parallel_loop3A_239] {strides = array<i32>} : memref<2x400x64xf32, #tpu.memory_space<vmem>>, vector<16xf32>,
          %parallel_loop3A_241 = arith.constant 0.000000e+00 : f32
          %parallel_loop3A_242 = vector.broadcast %parallel_loop3A_241 : f32 to vector<16xf32>
          %parallel_loop3A_243 = arith.maximumf %parallel_loop3A_240, %parallel_loop3A_242 : vector<16xf32>
          %parallel_loop3A_244 = vector.bitcast %parallel_loop3A_235 : vector<16xf32> to vector<16xi32>
          %parallel_loop3A_245 = arith.constant 32768 : i32
          %parallel_loop3A_246 = vector.broadcast %parallel_loop3A_245 : i32 to vector<16xi32>
          %parallel_loop3A_247 = arith.addi %parallel_loop3A_244, %parallel_loop3A_246 : vector<16xi32>
          %parallel_loop3A_248 = vector.bitcast %parallel_loop3A_243 : vector<16xf32> to vector<16xi32>
          %parallel_loop3A_249 = arith.constant 32768 : i32
          %parallel_loop3A_250 = vector.broadcast %parallel_loop3A_249 : i32 to vector<16xi32>
          %parallel_loop3A_251 = arith.addi %parallel_loop3A_248, %parallel_loop3A_250 : vector<16xi32>
          %parallel_loop3A_252 = arith.constant -65536 : i32
          %parallel_loop3A_253 = vector.broadcast %parallel_loop3A_252 : i32 to vector<16xi32>
          %parallel_loop3A_254 = arith.andi %parallel_loop3A_251, %parallel_loop3A_253 : vector<16xi32>
          %parallel_loop3A_255 = arith.constant 16 : i32
          %parallel_loop3A_256 = vector.broadcast %parallel_loop3A_255 : i32 to vector<16xi32>
          %parallel_loop3A_257 = arith.shrui %parallel_loop3A_247, %parallel_loop3A_256 : vector<16xi32>
          %parallel_loop3A_258 = arith.ori %parallel_loop3A_254, %parallel_loop3A_257 : vector<16xi32>
          %parallel_loop3A_259 = arith.constant 1 : i32
          %parallel_loop3A_260 = arith.index_cast %parallel_loop3A_259 : i32 to index
          %parallel_loop3A_261 = arith.index_cast %parallel_loop3A_227 : i32 to index
          %parallel_loop3A_262 = arith.constant 0 : index
          %parallel_loop3A_263 = tpu.vector_load %arg12[%parallel_loop3A_260, %parallel_loop3A_261, %parallel_loop3A_262] {strides = array<i32>} : memref<2x400x32xi32, #tpu.memory_space<vmem>>, vector<16xi32>,
          tpu.vector_store %arg12[%parallel_loop3A_260, %parallel_loop3A_261, %parallel_loop3A_262], %parallel_loop3A_258 {strides = array<i32>} : memref<2x400x32xi32, #tpu.memory_space<vmem>>, vector<16xi32>,
          %parallel_loop3A_264 = arith.constant 1 : i32
          %parallel_loop3A_265 = arith.index_cast %parallel_loop3A_264 : i32 to index
          %parallel_loop3A_266 = arith.index_cast %parallel_loop3A_227 : i32 to index
          %parallel_loop3A_267 = arith.constant 32 : index
          %parallel_loop3A_268 = tpu.vector_load %arg11[%parallel_loop3A_265, %parallel_loop3A_266, %parallel_loop3A_267] {strides = array<i32>} : memref<2x400x64xf32, #tpu.memory_space<vmem>>, vector<16xf32>,
          %parallel_loop3A_269 = arith.constant 0.000000e+00 : f32
          %parallel_loop3A_270 = vector.broadcast %parallel_loop3A_269 : f32 to vector<16xf32>
          %parallel_loop3A_271 = arith.maximumf %parallel_loop3A_268, %parallel_loop3A_270 : vector<16xf32>
          %parallel_loop3A_272 = arith.constant 1 : i32
          %parallel_loop3A_273 = arith.index_cast %parallel_loop3A_272 : i32 to index
          %parallel_loop3A_274 = arith.index_cast %parallel_loop3A_227 : i32 to index
          %parallel_loop3A_275 = arith.constant 48 : index
          %parallel_loop3A_276 = tpu.vector_load %arg11[%parallel_loop3A_273, %parallel_loop3A_274, %parallel_loop3A_275] {strides = array<i32>} : memref<2x400x64xf32, #tpu.memory_space<vmem>>, vector<16xf32>,
          %parallel_loop3A_277 = arith.constant 0.000000e+00 : f32
          %parallel_loop3A_278 = vector.broadcast %parallel_loop3A_277 : f32 to vector<16xf32>
          %parallel_loop3A_279 = arith.maximumf %parallel_loop3A_276, %parallel_loop3A_278 : vector<16xf32>
          %parallel_loop3A_280 = vector.bitcast %parallel_loop3A_271 : vector<16xf32> to vector<16xi32>
          %parallel_loop3A_281 = arith.constant 32768 : i32
          %parallel_loop3A_282 = vector.broadcast %parallel_loop3A_281 : i32 to vector<16xi32>
          %parallel_loop3A_283 = arith.addi %parallel_loop3A_280, %parallel_loop3A_282 : vector<16xi32>
          %parallel_loop3A_284 = vector.bitcast %parallel_loop3A_279 : vector<16xf32> to vector<16xi32>
          %parallel_loop3A_285 = arith.constant 32768 : i32
          %parallel_loop3A_286 = vector.broadcast %parallel_loop3A_285 : i32 to vector<16xi32>
          %parallel_loop3A_287 = arith.addi %parallel_loop3A_284, %parallel_loop3A_286 : vector<16xi32>
          %parallel_loop3A_288 = arith.constant -65536 : i32
          %parallel_loop3A_289 = vector.broadcast %parallel_loop3A_288 : i32 to vector<16xi32>
          %parallel_loop3A_290 = arith.andi %parallel_loop3A_287, %parallel_loop3A_289 : vector<16xi32>
          %parallel_loop3A_291 = arith.constant 16 : i32
          %parallel_loop3A_292 = vector.broadcast %parallel_loop3A_291 : i32 to vector<16xi32>
          %parallel_loop3A_293 = arith.shrui %parallel_loop3A_283, %parallel_loop3A_292 : vector<16xi32>
          %parallel_loop3A_294 = arith.ori %parallel_loop3A_290, %parallel_loop3A_293 : vector<16xi32>
          %parallel_loop3A_295 = arith.constant 1 : i32
          %parallel_loop3A_296 = arith.index_cast %parallel_loop3A_295 : i32 to index
          %parallel_loop3A_297 = arith.index_cast %parallel_loop3A_227 : i32 to index
          %parallel_loop3A_298 = arith.constant 16 : index
          %parallel_loop3A_299 = tpu.vector_load %arg12[%parallel_loop3A_296, %parallel_loop3A_297, %parallel_loop3A_298] {strides = array<i32>} : memref<2x400x32xi32, #tpu.memory_space<vmem>>, vector<16xi32>,
          tpu.vector_store %arg12[%parallel_loop3A_296, %parallel_loop3A_297, %parallel_loop3A_298], %parallel_loop3A_294 {strides = array<i32>} : memref<2x400x32xi32, #tpu.memory_space<vmem>>, vector<16xi32>,
        } {sc.loop_unroll_factor = 1 : i64, sc.parallel_access}
        %mul3A_199 = arith.constant 32 : i32
        %mul3A_200 = arith.muli %add3A_156, %mul3A_199 : i32
        %add3A_201 = arith.addi %add3A, %mul3A_200 : i32
        %mul3A_202 = arith.constant 400 : i32
        %mul3A_203 = arith.muli %add3A_201, %mul3A_202 : i32
        %dma_start3A_204 = arith.constant 1 : i32
        %dma_start3A_205 = arith.constant 0 : i32
        %dma_start3A_206 = arith.constant 0 : i32
        %dma_start3A_207 = tpu.memref_slice %arg12[%dma_start3A_204, %dma_start3A_205, %dma_start3A_206] : memref<2x400x32xi32, #tpu.memory_space<vmem>> -> memref<1x400x32xi32, #tpu.memory_space<vmem>>
        %dma_start3A_208 = tpu.memref_squeeze %dma_start3A_207 : memref<1x400x32xi32, #tpu.memory_space<vmem>> -> memref<400x32xi32, #tpu.memory_space<vmem>>
        %dma_start3A_209 = arith.constant 0 : i32
        %dma_start3A_210 = tpu.memref_slice %arg6[%mul3A_203, %dma_start3A_209] : memref<100000x32xi32, #tpu.memory_space<hbm>> -> memref<400x32xi32, #tpu.memory_space<hbm>>
        %dma_start3A_211 = arith.constant 0 : i32
        %dma_start3A_212 = tpu.memref_slice %arg6[%mul3A_203, %dma_start3A_211] : memref<100000x32xi32, #tpu.memory_space<hbm>> -> memref<400x32xi32, #tpu.memory_space<hbm>>
        %dma_start3A_213 = arith.constant 0 : i32
        %dma_start3A_214 = arith.constant 0 : i32
        %dma_start3A_215 = tpu.memref_slice %arg12[%dma_start3A_204, %dma_start3A_213, %dma_start3A_214] : memref<2x400x32xi32, #tpu.memory_space<vmem>> -> memref<1x400x32xi32, #tpu.memory_space<vmem>>
        %dma_start3A_216 = tpu.memref_squeeze %dma_start3A_215 : memref<1x400x32xi32, #tpu.memory_space<vmem>> -> memref<400x32xi32, #tpu.memory_space<vmem>>
        tpu.enqueue_dma source(%dma_start3A_216 : memref<400x32xi32, #tpu.memory_space<vmem>>) target(%dma_start3A_212 : memref<400x32xi32, #tpu.memory_space<hbm>>) target_semaphore(%arg17 : memref<!tpu.dma_semaphore, #tpu.memory_space<semaphore_mem>>)
        %add3A_217 = arith.constant 2 : i32
        %add3A_218 = arith.addi %add3A_156, %add3A_217 : i32
        %mul3A_219 = arith.constant 32 : i32
        %mul3A_220 = arith.muli %add3A_218, %mul3A_219 : i32
        %add3A_221 = arith.addi %add3A, %mul3A_220 : i32
        %lt3A_222 = arith.constant 250 : i32
        %lt3A_223 = arith.cmpi slt, %add3A_221, %lt3A_222 : i32
        %convert_element_type3A_224 = arith.extui %lt3A_223 : i1 to i32
        %cond3A_225 = arith.constant 0 : i32
        %cond3A_226 = arith.cmpi ne, %convert_element_type3A_224, %cond3A_225 : i32
        scf.if %cond3A_226 {
          %add3A_227 = arith.constant 2 : i32
          %add3A_228 = arith.addi %add3A_156, %add3A_227 : i32
          %mul3A_229 = arith.constant 32 : i32
          %mul3A_230 = arith.muli %add3A_228, %mul3A_229 : i32
          %add3A_231 = arith.addi %add3A, %mul3A_230 : i32
          %mul3A_232 = arith.constant 400 : i32
          %mul3A_233 = arith.muli %add3A_231, %mul3A_232 : i32
          %dma_start3A_234 = arith.constant 1 : i32
          %dma_start3A_235 = arith.constant 0 : i32
          %dma_start3A_236 = arith.constant 0 : i32
          %dma_start3A_237 = tpu.memref_slice %arg11[%dma_start3A_234, %dma_start3A_235, %dma_start3A_236] : memref<2x400x64xf32, #tpu.memory_space<vmem>> -> memref<1x400x64xf32, #tpu.memory_space<vmem>>
          %dma_start3A_238 = tpu.memref_squeeze %dma_start3A_237 : memref<1x400x64xf32, #tpu.memory_space<vmem>> -> memref<400x64xf32, #tpu.memory_space<vmem>>
          %dma_start3A_239 = arith.constant 0 : i32
          %dma_start3A_240 = tpu.memref_slice %arg4[%mul3A_233, %dma_start3A_239] : memref<100000x64xf32, #tpu.memory_space<hbm>> -> memref<400x64xf32, #tpu.memory_space<hbm>>
          %dma_start3A_241 = arith.constant 0 : i32
          %dma_start3A_242 = arith.constant 0 : i32
          %dma_start3A_243 = tpu.memref_slice %arg11[%dma_start3A_234, %dma_start3A_241, %dma_start3A_242] : memref<2x400x64xf32, #tpu.memory_space<vmem>> -> memref<1x400x64xf32, #tpu.memory_space<vmem>>
          %dma_start3A_244 = tpu.memref_squeeze %dma_start3A_243 : memref<1x400x64xf32, #tpu.memory_space<vmem>> -> memref<400x64xf32, #tpu.memory_space<vmem>>
          %dma_start3A_245 = arith.constant 0 : i32
          %dma_start3A_246 = tpu.memref_slice %arg4[%mul3A_233, %dma_start3A_245] : memref<100000x64xf32, #tpu.memory_space<hbm>> -> memref<400x64xf32, #tpu.memory_space<hbm>>
          tpu.enqueue_dma source(%dma_start3A_246 : memref<400x64xf32, #tpu.memory_space<hbm>>) target(%dma_start3A_244 : memref<400x64xf32, #tpu.memory_space<vmem>>) target_semaphore(%arg15 : memref<!tpu.dma_semaphore, #tpu.memory_space<semaphore_mem>>)
        } else {
        }
      } else {
      }
    }
    %scan3A_115 = arith.constant 4 : i32
    %add3A_116 = arith.constant 192 : i32
    %add3A_117 = arith.addi %add3A, %add3A_116 : i32
    %lt3A_118 = arith.constant 250 : i32
    %lt3A_119 = arith.cmpi slt, %add3A_117, %lt3A_118 : i32
    %convert_element_type3A_120 = arith.extui %lt3A_119 : i1 to i32
    %cond3A_121 = arith.constant 0 : i32
    %cond3A_122 = arith.cmpi ne, %convert_element_type3A_120, %cond3A_121 : i32
    scf.if %cond3A_122 {
      %add3A_130 = arith.constant 192 : i32
      %add3A_131 = arith.addi %add3A, %add3A_130 : i32
      %mul3A_132 = arith.constant 400 : i32
      %mul3A_133 = arith.muli %add3A_131, %mul3A_132 : i32
      %dma_wait3A_134 = arith.constant 0 : i32
      %dma_wait3A_135 = arith.constant 0 : i32
      %dma_wait3A_136 = arith.constant 0 : i32
      %dma_wait3A_137 = tpu.memref_slice %arg12[%dma_wait3A_134, %dma_wait3A_135, %dma_wait3A_136] : memref<2x400x32xi32, #tpu.memory_space<vmem>> -> memref<1x400x32xi32, #tpu.memory_space<vmem>>
      %dma_wait3A_138 = tpu.memref_squeeze %dma_wait3A_137 : memref<1x400x32xi32, #tpu.memory_space<vmem>> -> memref<400x32xi32, #tpu.memory_space<vmem>>
      %dma_wait3A_139 = arith.constant 0 : i32
      %dma_wait3A_140 = tpu.memref_slice %arg6[%mul3A_133, %dma_wait3A_139] : memref<100000x32xi32, #tpu.memory_space<hbm>> -> memref<400x32xi32, #tpu.memory_space<hbm>>
      %dma_wait3A_141 = arith.constant 0 : i32
      %dma_wait3A_142 = tpu.memref_slice %arg6[%mul3A_133, %dma_wait3A_141] : memref<100000x32xi32, #tpu.memory_space<hbm>> -> memref<400x32xi32, #tpu.memory_space<hbm>>
      %dma_wait3A_143 = arith.constant 0 : i32
      %dma_wait3A_144 = arith.constant 0 : i32
      %dma_wait3A_145 = tpu.memref_slice %arg12[%dma_wait3A_134, %dma_wait3A_143, %dma_wait3A_144] : memref<2x400x32xi32, #tpu.memory_space<vmem>> -> memref<1x400x32xi32, #tpu.memory_space<vmem>>
      %dma_wait3A_146 = tpu.memref_squeeze %dma_wait3A_145 : memref<1x400x32xi32, #tpu.memory_space<vmem>> -> memref<400x32xi32, #tpu.memory_space<vmem>>
      tpu.wait_dma2 semaphore(%arg16 : memref<!tpu.dma_semaphore, #tpu.memory_space<semaphore_mem>>) src(%dma_wait3A_146 : memref<400x32xi32, #tpu.memory_space<vmem>>) dst(%dma_wait3A_142 : memref<400x32xi32, #tpu.memory_space<hbm>>)
    } else {
    }
    %add3A_123 = arith.constant 224 : i32
    %add3A_124 = arith.addi %add3A, %add3A_123 : i32
    %lt3A_125 = arith.constant 250 : i32
    %lt3A_126 = arith.cmpi slt, %add3A_124, %lt3A_125 : i32
    %convert_element_type3A_127 = arith.extui %lt3A_126 : i1 to i32
    %cond3A_128 = arith.constant 0 : i32
    %cond3A_129 = arith.cmpi ne, %convert_element_type3A_127, %cond3A_128 : i32
    scf.if %cond3A_129 {
      %add3A_130 = arith.constant 224 : i32
      %add3A_131 = arith.addi %add3A, %add3A_130 : i32
      %mul3A_132 = arith.constant 400 : i32
      %mul3A_133 = arith.muli %add3A_131, %mul3A_132 : i32
      %dma_wait3A_134 = arith.constant 1 : i32
      %dma_wait3A_135 = arith.constant 0 : i32
      %dma_wait3A_136 = arith.constant 0 : i32
      %dma_wait3A_137 = tpu.memref_slice %arg12[%dma_wait3A_134, %dma_wait3A_135, %dma_wait3A_136] : memref<2x400x32xi32, #tpu.memory_space<vmem>> -> memref<1x400x32xi32, #tpu.memory_space<vmem>>
      %dma_wait3A_138 = tpu.memref_squeeze %dma_wait3A_137 : memref<1x400x32xi32, #tpu.memory_space<vmem>> -> memref<400x32xi32, #tpu.memory_space<vmem>>
      %dma_wait3A_139 = arith.constant 0 : i32
      %dma_wait3A_140 = tpu.memref_slice %arg6[%mul3A_133, %dma_wait3A_139] : memref<100000x32xi32, #tpu.memory_space<hbm>> -> memref<400x32xi32, #tpu.memory_space<hbm>>
      %dma_wait3A_141 = arith.constant 0 : i32
      %dma_wait3A_142 = tpu.memref_slice %arg6[%mul3A_133, %dma_wait3A_141] : memref<100000x32xi32, #tpu.memory_space<hbm>> -> memref<400x32xi32, #tpu.memory_space<hbm>>
      %dma_wait3A_143 = arith.constant 0 : i32
      %dma_wait3A_144 = arith.constant 0 : i32
      %dma_wait3A_145 = tpu.memref_slice %arg12[%dma_wait3A_134, %dma_wait3A_143, %dma_wait3A_144] : memref<2x400x32xi32, #tpu.memory_space<vmem>> -> memref<1x400x32xi32, #tpu.memory_space<vmem>>
      %dma_wait3A_146 = tpu.memref_squeeze %dma_wait3A_145 : memref<1x400x32xi32, #tpu.memory_space<vmem>> -> memref<400x32xi32, #tpu.memory_space<vmem>>
      tpu.wait_dma2 semaphore(%arg17 : memref<!tpu.dma_semaphore, #tpu.memory_space<semaphore_mem>>) src(%dma_wait3A_146 : memref<400x32xi32, #tpu.memory_space<vmem>>) dst(%dma_wait3A_142 : memref<400x32xi32, #tpu.memory_space<hbm>>)
    } else {
    }
    return
  }
}

</mosaic_0001>

<sc_bundles>
// kernel: kernel.4.cloned.1.call-start
scs
__scs_entry_jumppad:
0x0: {  	(pc) =	sbr.rel $0x88, $3  }
0x1: {  	(tag) =	ssettag $0x0;
	lr =	simm.s32 $0x1  }
0x2: {  	[smem:$0x3F9B] =	sst lr;
	_ =	strace $0xD0000000  }
0x3: {  	_ = 	snop  }
0x4: {  	_ = 	snop  }
0x5: {  	_ = 	snop  }
0x6: {  	_ = 	snop  }
0x7: {  	_ = 	snop  }
__scs_overlays_trampoline_lowered:
0x8: {  	[smem:$0x3FAA] =	sst s0  }
0x9: {  	[smem:$0x3FAB] =	sst s1  }
0xa: {  	[smem:$0x3FAC] =	sst s2  }
0xb: {  	[smem:$0x3FAD] =	sst s3  }
0xc: {  	[smem:$0x3FAE] =	sst s4  }
0xd: {  	[smem:$0x3FAF] =	sst s5  }
0xe: {  	[smem:$0x3FB0] =	sst s6  }
0xf: {  	[smem:$0x3FB1] =	sst s7  }
0x10: {  	[smem:$0x3FB2] =	sst s8  }
0x11: {  	[smem:$0x3FB3] =	sst s9;
	s0 =	simm.s32 @!p0 $0x0  }
0x12: {  	s1 =	sld [smem:$0x3F99];
	s0 =	simm.s32 @p0 $0x1  }
0x13: {  	[smem:$0x3FB4] =	sst s0;
	s0 =	simm.s32 @!p1 $0x0  }
0x14: {  	s2 =	sld [smem:$0x3F98];
	s0 =	simm.s32 @p1 $0x1  }
0x15: {  	[smem:$0x3FB5] =	sst s0;
	s0 =	simm.s32 @!p2 $0x0  }
0x16: {  	s3 =	sld [smem:$0x3FDB];
	s0 =	simm.s32 @p2 $0x1  }
0x17: {  	s4 =	simm.s32 $0x1BF5;
	[smem:$0x3FB7] =	sst s0  }
0x18: {  	s0 =	sld [smem:$0x3F9A];
	_ =	swait.ge [sflag:s4], $0x0  }
0x19: {  	s7 =	sld [smem:$0x3F9B]  }
0x1a: {  	s8 =	sadd.s32 $0xFFFFE003, lr  }
0x1b: {  	s9 =	sadd.s32 $0xFFFFFEF7, lr;
	s5 =	simm.s32 $0xFFFFFFFF;
	p2 =	slt.u32 s8, $0xFFFFF086  }
0x1c: {  	p1 =	slt.u32 s9, $0xF7A;
	s5 =	simm.s32 @!p2 $0x0  }
0x1d: {  	s5 =	simm.s32 @p1 $0x1;
	p0 =	seq.s32 s7, s2  }
0x1e: {  	s7 =	smul.u32 @!p0 $0xF7A, s2;
	p2 =	seq.s32 @!p0 s5, $0x0  }
0x1f: {  	s9 =	smul.u32 $0xF7A, s1;
	s8 =	simm.s32 @!p0 $0x1BF5;
	p2 =	por !p2, p0  }
0x20: {  	[sflag:s8] =	ssyncset.s32 @!p0 $0xFFFFF086;
	s6 =	sadd.s32 @!p0 s3, s7;
	s7 =	simm.s32 @!p0 $0x108  }
0x21: {  	s3 =	sadd.s32 s3, s9;
	s6 =	sadd.s32 @!p0 $0x88, s6;
	s7 =	simm.s32 @p2 $0x1082  }
0x22: {  	[simem:s7], [sflag:s8] =	dma.local @!p0 [hbm:s6], $0xF7A  }
0x23: {  	s9 =	sor.u32 $0xD0000000, s2;
	s6 =	simm.s32 $0x108;
	_ =	swait.ge @!p0 [sflag:s8], $0x0  }
0x24: {  	s3 =	sadd.s32 $0x88, s3;
	s6 =	simm.s32 @!p1 $0x1082;
	[sflag:s4] =	ssyncset.s32 $0xFFFFF086  }
0x25: {  	[simem:s6], [sflag:s4] =	dma.local [hbm:s3], $0xF7A  }
0x26: {  	[smem:$0x3F9B] =	sst s1;
	(tag) =	ssettag s2;
	_ =	strace s9  }
0x27: {  	s1 =	sld [smem:$0x3FAB]  }
0x28: {  	s2 =	sld [smem:$0x3FAC]  }
0x29: {  	s4 =	sld [smem:$0x3FAE]  }
0x2a: {  	p0 =	seq.s32 s5, $0x0;
	s5 =	sld [smem:$0x3FAF]  }
0x2b: {  	s6 =	sld [smem:$0x3FB0]  }
0x2c: {  	s7 =	sld [smem:$0x3FB1]  }
0x2d: {  	s3 =	simm.s32 $0x108;
	s8 =	sld [smem:$0x3FB2]  }
0x2e: {  	s3 =	simm.s32 @!p0 $0x1082;
	s9 =	sld [smem:$0x3FB3]  }
0x2f: {  	lr =	sadd.s32 s0, s3;
	s0 =	sld [smem:$0x3FAA]  }
0x30: {  	s3 =	sld [smem:$0x3FAD]  }
0x31: {  	[smem:$0x3FB6] =	sst s10  }
0x32: {  	s10 =	sld [smem:$0x3FB4];
	_ =	sdelay $0x3  }
0x33: {  	p0 =	seq.s32 s10, $0x1;
	s10 =	sld [smem:$0x3FB6];
	_ =	sdelay $0x3  }
0x34: {  	[smem:$0x3FB6] =	sst s10  }
0x35: {  	s10 =	sld [smem:$0x3FB5];
	_ =	sdelay $0x3  }
0x36: {  	p1 =	seq.s32 s10, $0x1;
	s10 =	sld [smem:$0x3FB6];
	_ =	sdelay $0x3  }
0x37: {  	[smem:$0x3FB6] =	sst s10  }
0x38: {  	s10 =	sld [smem:$0x3FB7]  }
0x39: {  	_ = 	snop;
	(pc) =	sbr.ind lr, $3  }
0x3a: {  	_ = 	snop  }
0x3b: {  	_ = 	snop  }
0x3c: {  	p2 =	seq.s32 s10, $0x1;
	s10 =	sld [smem:$0x3FB6]  }
0x3d: {  	_ =	shalt  }
0x3e: {  	_ =	shalt  }
0x3f: {  	_ =	shalt  }
0x40: {  	_ =	shalt  }
0x41: {  	_ =	shalt  }
0x42: {  	_ =	shalt  }
0x43: {  	_ =	shalt  }
0x44: {  	_ =	shalt  }
0x45: {  	_ =	shalt  }
0x46: {  	_ =	shalt  }
0x47: {  	_ =	shalt  }
0x48: {  	_ =	shalt  }
0x49: {  	_ =	shalt  }
0x4a: {  	_ =	shalt  }
0x4b: {  	_ =	shalt  }
0x4c: {  	_ =	shalt  }
0x4d: {  	_ =	shalt  }
0x4e: {  	_ =	shalt  }
0x4f: {  	_ =	shalt  }
0x50: {  	_ =	shalt  }
0x51: {  	_ =	shalt  }
0x52: {  	_ =	shalt  }
0x53: {  	_ =	shalt  }
0x54: {  	_ =	shalt  }
0x55: {  	_ =	shalt  }
0x56: {  	_ =	shalt  }
0x57: {  	_ =	shalt  }
0x58: {  	_ =	shalt  }
0x59: {  	_ =	shalt  }
0x5a: {  	_ =	shalt  }
0x5b: {  	_ =	shalt  }
0x5c: {  	_ =	shalt  }
0x5d: {  	_ =	shalt  }
0x5e: {  	_ =	shalt  }
0x5f: {  	_ =	shalt  }
0x60: {  	_ =	shalt  }
0x61: {  	_ =	shalt  }
0x62: {  	_ =	shalt  }
0x63: {  	_ =	shalt  }
0x64: {  	_ =	shalt  }
0x65: {  	_ =	shalt  }
0x66: {  	_ =	shalt  }
0x67: {  	_ =	shalt  }
0x68: {  	_ =	shalt  }
0x69: {  	_ =	shalt  }
0x6a: {  	_ =	shalt  }
0x6b: {  	_ =	shalt  }
0x6c: {  	_ =	shalt  }
0x6d: {  	_ =	shalt  }
0x6e: {  	_ =	shalt  }
0x6f: {  	_ =	shalt  }
0x70: {  	_ =	shalt  }
0x71: {  	_ =	shalt  }
0x72: {  	_ =	shalt  }
0x73: {  	_ =	shalt  }
0x74: {  	_ =	shalt  }
0x75: {  	_ =	shalt  }
0x76: {  	_ =	shalt  }
0x77: {  	_ =	shalt  }
0x78: {  	_ =	shalt  }
0x79: {  	_ =	shalt  }
0x7a: {  	_ =	shalt  }
0x7b: {  	_ =	shalt  }
0x7c: {  	_ =	shalt  }
0x7d: {  	_ =	shalt  }
0x7e: {  	_ =	shalt  }
0x7f: {  	_ =	shalt  }
0x80: {  	_ =	shalt  }
0x81: {  	_ =	shalt  }
0x82: {  	_ =	shalt  }
0x83: {  	_ =	shalt  }
0x84: {  	_ =	shalt  }
0x85: {  	_ =	shalt  }
0x86: {  	_ =	shalt  }
0x87: {  	_ =	shalt  }
.Lfunc_end0:
.L_simem_size_0:
called_computation_lowered:
.L_overlay_start_0:
0x88: {  	s2 =	sld [smem:$0x3FD9]  }
0x89: {  	s3 =	sld [smem:$0x3FFE];
	_ =	sdelay $0x1  }
0x8a: {  	s1 =	srdreg.scid  }
0x8b: {  	s0 =	sand.u32 $0x1, s1  }
0x8c: {  	s14 =	sshll.u32 s0, $0xA;
	s2 =	sadd.s32 s3, s2  }
0x8d: {  	s2 =	sadd.s32 s2, s14  }
0x8e: {  	[smem:$0x3FC2] =	sst s2  }
0x8f: {  	_ = 	snop  }
0x90: {  	s2 =	sld [smem:$0x3FD0];
	_ =	sdelay $0x2  }
0x91: {  	s15 =	simm.s32 $0xA;
	s4 =	simm.s32 $0x10  }
0x92: {  	[smem:s4], [sflag:s15] =	dma.local [hbm:s2], $0x1  }
0x93: {  	_ =	swait.eq [sflag:s15], $0x1  }
0x94: {  	[sflag:s15] =	ssyncset.done $0x0  }
0x95: {  	[sflag:s15] =	ssyncadd.s32 $0xFFFFFFFF  }
0x96: {  	s16 =	sld [smem:$0x10];
	(tm) =	ssettm $0x1  }
0x97: {  	s17 =	sld [smem:$0x3FFB];
	_ =	sdelay $0x3  }
0x98: {  	_ =	strace s17  }
0x99: {  	s3 =	sld [smem:$0x3FFC];
	_ =	sdelay $0x3  }
0x9a: {  	_ =	strace s3  }
0x9b: {  	s3 =	sld [smem:$0x3FFD];
	_ =	sdelay $0x3  }
0x9c: {  	_ =	strace s3  }
0x9d: {  	_ =	strace $0x8FFFFFFF  }
0x9e: {  	s18 =	sld [smem:$0x3FDB];
	_ =	sdelay $0x1  }
0x9f: {  	s19 =	simm.s32 $_scs_section_size  }
0xa0: {  	s5 =	simm.s32 $_size__tile_overlayer_lowered;
	s6 =	simm.s32 $_tile_overlayer_lowered  }
0xa1: {  	s22 =	simm.s32 $0x1BFF;
	s21 =	sshll.u32 s6, $0x1;
	s3 =	sadd.s32 s19, s18  }
0xa2: {  	s7 =	simm.s32 $0x0;
	s20 =	sshll.u32 s5, $0x1;
	s5 =	sadd.s32 s21, s3  }
0xa3: {  	[timem:s7], [sflag:s22] =	dma.local [hbm:s5], s20  }
0xa4: {  	_ =	swait.ge [sflag:s22], s20  }
0xa5: {  	s4 =	ssub.s32 $0x0, s20;
	[sflag:s22] =	ssyncset.done $0x0  }
0xa6: {  	[sflag:s22] =	ssyncadd.s32 s4;
	_ =	sdelay $0x1  }
0xa7: {  	s23 =	simm.s32 $0x1B8B  }
0xa8: {  	_ =	swait.ge [sflag:s23], $0x1  }
0xa9: {  	[sflag:s23] =	ssyncset.done $0x0  }
0xaa: {  	s25 =	simm.s32 $0x1B8E;
	s24 =	sld [smem:$0x3FFE];
	[sflag:s23] =	ssyncadd.s32 $0xFFFFFFFF  }
0xab: {  	s26 =	simm.s32 $execute0_lowered;
	[smem:$0x3FD2] =	sst s25  }
0xac: {  	s5 =	sshll.u32 s26, $0x1;
	_ =	strace $0x80000046;
	[dreg:$0x1] =	wrdreg $0xFFFFFFFF  }
0xad: {  	s28 =	simm.s32 $_size_execute0_lowered;
	s3 =	sadd.s32 s3, s5;
	[dreg:$0x0] =	wrdreg $0x0  }
0xae: {  	s5 =	sshll.u32 s28, $0x1;
	[dreg:$0x2] =	wrdreg s3  }
0xaf: {  	[dreg:$0x3] =	wrdreg s5  }
0xb0: {  	[dreg:$0x4] =	wrdreg $0xC0  }
0xb1: {  	_ =	task [dreg:s7], $0x5FFFF  }
0xb2: {  	[dreg:$0x1] =	wrdreg $0xFFFFFFFF  }
0xb3: {  	[dreg:$0x0] =	wrdreg $0x60  }
0xb4: {  	[dreg:$0x2] =	wrdreg s24  }
0xb5: {  	[dreg:$0x3] =	wrdreg s16  }
0xb6: {  	[dreg:$0x4] =	wrdreg $0x9  }
0xb7: {  	_ =	task.clear_ibuf [dreg:s7], $0x5FFFF;
	_ =	strace $0x90000046  }
0xb8: {  	s29 =	simm.s32 $0x9;
	_ =	strace $0x80000048  }
0xb9: {  	_ =	swait.ge [sflag:s29], $0x1  }
0xba: {  	[sflag:s29] =	ssyncadd.s32 $0xFFFFFFFF  }
0xbb: {  	_ =	strace $0x90000048  }
0xbc: {  	_ =	sfence  }
0xbd: {  	s30 =	sld [smem:$0x0];
	_ =	sdelay $0x2  }
0xbe: {  	s31 =	sshll.u32 s1, $0xD;
	s1 =	sshrl.u32 s1, $0x2  }
0xbf: {  	s3 =	sand.u32 $0x4000, s31;
	s1 =	sadd.s32 s1, s30  }
0xc0: {  	s0 =	sor.u32 s3, s0;
	s1 =	sshll.u32 s1, $0x11  }
0xc1: {  	s0 =	sor.u32 s1, s0  }
0xc2: {  	s0 =	sadd.s32 $0x8F2B, s0  }
0xc3: {  	[sflag:s0] =	ssyncadd.remote.s32 $0x1  }
0xc4: {  	_ =	sfence.sel $0xFFFF  }
0xc5: {  	[dreg:$0x0] =	wrdreg $0xFFFFFFFF;
	(pc) =	sbr.abs _section_cstart, $3  }
0xc6: {  	[dreg:$0x1] =	wrdreg $0xFFFFFFFF  }
0xc7: {  	_ =	task.clear_ibuf [dreg:s7], $0x2FFFF;
	_ =	strace $0x9FFFFFFF  }
0xc8: {  	(tm) =	ssettm $0x7FFFFFFF  }
0xc9: {  	_ =	shalt  }
tec
execute0_lowered:
.L_overlay_start_1:
0x0: {  	(tag) =	ssettag $0x1  }
0x1: {  	s0 =	rddreg [dreg:$0x0]  }
0x2: {  	s2 =	rddreg [dreg:$0x1];
	s3 =	simm.s32 $0x0;
	s1 =	srdreg.scid  }
0x3: {  	s15 =	stileid.u32;
	s16 =	simm.s32 $0x1;
	s18 =	simm.s32 $0x6  }
0x4: {  	s22 =	simm.s32 $0x2;
	s1 =	sand.u32 $0x1, s1;
	s4 =	sshll.u32 s15, $0x1  }
0x5: {  	s23 =	simm.s32 $0xE0C0;
	s28 =	simm.s32 $0x0;
	s4 =	sor.u32 s1, s4  }
0x6: {  	v0 =	vlaneseq.u32;
	[smem:$0x7FF] =	sst s3;
	s5 =	sadd.s32 $0x1600, s0;
	s9 =	sshll.u32 s4, $0x6  }
0x7: {  	s6 =	sadd.s32 $0x1800, s0;
	s7 =	sadd.s32 $0x5800, s0;
	v1 =	vor.u32 s9, v0;
	s26 =	sor.u32 $0x10, s9  }
0x8: {  	s31 =	sshll.u32 s15, $0x7;
	p0 =	sgt.u32 s15, $0xC;
	s29 =	sor.u32 $0x20, s9;
	v2 =	vmulhi.u32 $0x10624DD3, v1;
	v3 =	vor.u32 s26, v0  }
0x9: {  	_ =	strace $0x80000047;
	[dreg:$0x3] =	wrdreg s5;
	s12 =	sor.u32 $0x30, s9;
	v5 =	vor.u32 s29, v0;
	v4 =	vmulhi.u32 $0x10624DD3, v3  }
0xa: {  	s25 =	ssub.s32 $0x2, s1;
	s1 =	sshll.u32 s1, $0x6;
	s10 =	smul.u32 $0x6400, s4;
	v7 =	vor.u32 s12, v0;
	v6 =	vmulhi.u32 $0x10624DD3, v5  }
0xb: {  	s24 =	sshll.u32 s4, $0x8;
	s8 =	sshrl.u32 s25, $0x1;
	s11 =	smul.u32 $0xC80, s4;
	v0 =	vshrl.u32 v2, $0x6;
	v2 =	vmulhi.u32 $0x10624DD3, v7  }
.Ltmp0:
0xc: {  	s14 =	sor.u32 s1, s31;
	s5 =	sadd.s32 s24, s0;
	v0 =	vmul.u32 $0x3E8, v0;
	(pc) =	sbr.rel .LBB2_1-.Ltmp0, $4  }
0xd: {  	s0 =	ssub.s32 s25, s8;
	s24 =	simm.s32 $0x3;
	s25 =	simm.s32 $0x112C0;
	v4 =	vshrl.u32 v4, $0x6;
	v6 =	vshrl.u32 v6, $0x6;
	v2 =	vshrl.u32 v2, $0x6  }
0xe: {  	s10 =	sshrl.u32 s10, $0x3;
	s8 =	sadd.s32 $0x3800, s5;
	s9 =	sadd.s32 s2, s11;
	v4 =	vmul.u32 $0x3E8, v4;
	v6 =	vmul.u32 $0x3E8, v6;
	v8 =	vmul.u32 $0x3E8, v2  }
0xf: {  	s11 =	sor.u32 $0x40, s4;
	s12 =	sor.u32 $0x60, s4;
	s30 =	sadd.s32 s2, s10;
	v0 =	vsub.s32 v1, v0  }
0x10: {  	s13 =	smax.u32 s0, $0x1;
	s26 =	simm.s32 $0x4;
	s10 =	sadd.s32 $0x19000, s30;
	v1 =	vsub.s32 v3, v4;
	v2 =	vsub.s32 v5, v6;
	v3 =	vsub.s32 v7, v8  }
.LBB2_11:
0x11: {  	s28 =	sadd.s32 $0x1, s28  }
0x12: {  	_ =	swait.ge [sflag:s26], $0x3200;
	p1 =	sne.s32 s28, s13  }
.Ltmp1:
0x13: {  	[sflag:s26] =	ssyncset.done $0x0;
	(pc) =	sbr.rel @!p1 .LBB2_12-.Ltmp1, $4  }
0x14: {  	s0 =	simm.s32 @!p0 $0x5;
	[sflag:s26] =	ssyncadd.s32 $0xFFFFCE00  }
0x15: {  	_ =	swait.ge @!p0 [sflag:s0], $0x3200  }
0x16: {  	[sflag:s0] =	ssyncset.done @!p0 $0x0  }
0x17: {  	[sflag:s0] =	ssyncadd.s32 @!p0 $0xFFFFCE00  }
.LBB2_1:
0x18: {  	[tilespmem:$0x0] =	vst v0  }
0x19: {  	[tilespmem:$0x10] =	vst v1  }
0x1a: {  	[tilespmem:$0x20] =	vst v2  }
0x1b: {  	[tilespmem:$0x30] =	vst v3;
	s0 =	simm.s32 $0x40  }
0x1c: {  	[tilespmem:s0], [sflag:$0x1] =	stream.indirect.gather [hbm4b:s6+s0], $0x40, s3, s0, $0xb8;
	[tilespmem:$0x144C0] =	vst v63  }
0x1d: {  	_ =	swait.ge [sflag:s16], $0x1000  }
0x1e: {  	[sflag:s16] =	ssyncset.done $0x0  }
0x1f: {  	s1 =	simm.s32 $0x1840;
	s15 =	rddreg [dreg:$0x3];
	[sflag:s16] =	ssyncadd.s32 $0xFFFFF000  }
0x20: {  	[tilespmem:s1], [sflag:$0x6] =	stream.linear.gather [hbm4b:s15+s3], $0x80, $0x38;
	[tilespmem:$0x144C0] =	vst v63  }
0x21: {  	_ =	swait.ge [sflag:s18], $0x80  }
0x22: {  	[sflag:s18] =	ssyncset.done $0x0  }
0x23: {  	[sflag:s18] =	ssyncadd.s32 $0xFFFFFF80  }
0x24: {  	v4 =	vld [tilespmem:$0x1840]  }
0x25: {  	v10 =	vld [tilespmem:$0x1850]  }
0x26: {  	v5 =	vld [tilespmem:$0x1860]  }
0x27: {  	v7 =	vld [tilespmem:$0x1870]  }
0x28: {  	v8 =	vld [tilespmem:$0x18A0]  }
0x29: {  	s17 =	simm.s32 $0x60;
	v9 =	vld [tilespmem:$0x18B0]  }
0x2a: {  	v11 =	vld [tilespmem:s17+$0x0]  }
0x2b: {  	v12 =	vld [tilespmem:s17+$0x10]  }
0x2c: {  	s20 =	simm.s32 $0xA0;
	v13 =	vld [tilespmem:$0x1880]  }
0x2d: {  	v16 =	vld [tilespmem:s20+$0x0]  }
0x2e: {  	v18 =	vld [tilespmem:s20+$0x10];
	_ =	sdelay $0x1  }
0x2f: {  	v14 =	vld [tilespmem:$0x1890];
	v6 =	vmax.f32 v4, $0.0e+00;
	v4 =	vmax.f32 v5, $0.0e+00;
	v5 =	vmax.f32 v8, $0.0e+00  }
0x30: {  	s19 =	sadd.s32 $0x0, s14;
	v7 =	vmax.f32 v7, $0.0e+00;
	v8 =	vmax.f32 v9, $0.0e+00;
	v11 =	vmax.f32 v11, $0.0e+00  }
0x31: {  	s5 =	sadd.s32 $0x1, s14;
	p1 =	sgt.u32 s19, $0x3E7;
	v12 =	vmax.f32 v12, $0.0e+00;
	v9 =	vmax.f32 v13, $0.0e+00;
	v10 =	vmax.f32 v10, $0.0e+00  }
0x32: {  	p5 =	sgt.u32 s5, $0x3E7;
	v16 =	vmax.f32 v16, $0.0e+00;
	v18 =	vmax.f32 v18, $0.0e+00;
	v15 =	vpsel p1, v5, v4  }
0x33: {  	v19 =	vld [tilespmem:s17+$0xFFFFFFF0];
	v17 =	vpsel p1, v8, v7;
	v20 =	vpsel p5, v5, v4;
	v21 =	vpsel p5, v8, v7  }
0x34: {  	s0 =	simm.s32 $0xE0;
	v13 =	vmul.f32 v11, v15;
	v12 =	vmul.f32 v12, v17;
	v11 =	vmax.f32 v14, $0.0e+00;
	v15 =	vld [tilespmem:s17+$0xFFFFFFE0]  }
0x35: {  	v14 =	vpsel p1, v9, v6;
	v16 =	vmul.f32 v16, v20;
	v18 =	vmul.f32 v18, v21;
	v20 =	vld [tilespmem:s0+$0x0]  }
0x36: {  	v21 =	vld [tilespmem:s0+$0x10];
	v17 =	vpsel p1, v11, v10;
	v13 =	vadd.s32 $0x8000, v13;
	v12 =	vadd.s32 $0x8000, v12  }
0x37: {  	v16 =	vadd.s32 $0x8000, v16;
	v18 =	vadd.s32 $0x8000, v18;
	v12 =	vand.u32 $0xFFFF0000, v12  }
0x38: {  	v13 =	vshrl.u32 v13, $0x10;
	v18 =	vand.u32 $0xFFFF0000, v18;
	v16 =	vshrl.u32 v16, $0x10  }
0x39: {  	v22 =	vor.u32 v13, v12;
	v13 =	vpsel p5, v9, v6;
	v15 =	vmax.f32 v15, $0.0e+00  }
0x3a: {  	s21 =	sadd.s32 $0x2, s14;
	v24 =	vld [tilespmem:s20+$0xFFFFFFF0];
	v12 =	vpsel p5, v11, v10;
	v23 =	vor.u32 v16, v18;
	v14 =	vmul.f32 v15, v14  }
0x3b: {  	p6 =	sgt.u32 s21, $0x3E7;
	v18 =	vmax.f32 v20, $0.0e+00;
	v20 =	vmax.f32 v21, $0.0e+00;
	v15 =	vmax.f32 v19, $0.0e+00;
	v19 =	vld [tilespmem:s20+$0xFFFFFFE0]  }
0x3c: {  	v16 =	vmul.f32 v15, v17;
	v15 =	vpsel p6, v5, v4;
	v17 =	vadd.s32 $0x8000, v14  }
0x3d: {  	v14 =	vpsel p6, v9, v6;
	v21 =	vmul.f32 v18, v15;
	v15 =	vpsel p6, v8, v7  }
0x3e: {  	s29 =	simm.s32 $0x1050;
	s1 =	simm.s32 $0x120;
	v25 =	vmul.f32 v20, v15;
	v15 =	vpsel p6, v11, v10;
	v18 =	vadd.s32 $0x8000, v16  }
0x3f: {  	s31 =	simm.s32 $0x1070;
	[tilespmem:s29+$0x0] =	vst v22;
	v16 =	vld [tilespmem:s1+$0x0];
	v18 =	vand.u32 $0xFFFF0000, v18;
	v22 =	vadd.s32 $0x8000, v21;
	v21 =	vmax.f32 v24, $0.0e+00  }
0x40: {  	s30 =	simm.s32 $0x1070;
	s15 =	simm.s32 $0x3;
	s17 =	simm.s32 $0x4;
	[tilespmem:s31+$0x0] =	vst v23;
	v20 =	vmax.f32 v19, $0.0e+00;
	v19 =	vshrl.u32 v17, $0x10;
	v17 =	vld [tilespmem:s1+$0x10];
	v23 =	vadd.s32 $0x8000, v25  }
.LBB2_2:
0x41: {  	p1 =	sne.s32 s17, $0x3F;
	v23 =	vand.u32 $0xFFFF0000, v23;
	v22 =	vshrl.u32 v22, $0x10;
	v20 =	vmul.f32 v20, v13;
	v13 =	vmovc v14  }
0x42: {  	s5 =	sadd.s32 s15, s14;
	v21 =	vmul.f32 v21, v12;
	s31 =	sadd.s32 $0x20, s31;
	v18 =	vor.u32 v19, v18;
	v12 =	vmovc v15;
	s15 =	smov.u32 s17;
	v24 =	vld [tilespmem:s0+$0xFFFFFFE0];
	v14 =	vor.u32 v22, v23  }
0x43: {  	p2 =	sgt.u32 s5, $0x3E7;
	v25 =	vld [tilespmem:s0+$0xFFFFFFF0];
	[tilespmem:s31+$0x0] =	vst v14;
	v19 =	vadd.s32 $0x8000, v20;
	s0 =	smov.u32 s1  }
.Ltmp2:
0x44: {  	v14 =	vpsel p2, v9, v6;
	v15 =	vpsel p2, v11, v10;
	v20 =	vpsel p2, v5, v4;
	[tilespmem:s29+$0xFFFFFFF0] =	vst v18;
	s29 =	smov.u32 s30;
	s30 =	smov.u32 s31;
	(pc) =	sbr.rel @p1 .LBB2_2-.Ltmp2, $4  }
0x45: {  	v16 =	vmax.f32 v16, $0.0e+00;
	v18 =	vpsel p2, v8, v7;
	v17 =	vmax.f32 v17, $0.0e+00  }
0x46: {  	s1 =	sadd.s32 $0x40, s1;
	v22 =	vmul.f32 v16, v20;
	v23 =	vmul.f32 v17, v18;
	v17 =	vadd.s32 $0x8000, v21  }
0x47: {  	v19 =	vshrl.u32 v19, $0x10;
	v16 =	vld [tilespmem:s1+$0x0];
	v20 =	vmax.f32 v24, $0.0e+00;
	v18 =	vand.u32 $0xFFFF0000, v17  }
0x48: {  	s17 =	sadd.s32 $0x1, s17;
	v22 =	vadd.s32 $0x8000, v22;
	v17 =	vld [tilespmem:s1+$0x10];
	v23 =	vadd.s32 $0x8000, v23;
	v21 =	vmax.f32 v25, $0.0e+00  }
0x49: {  	v49 =	vld [tilespmem:s0+$0xFFFFFFE0]  }
0x4a: {  	v23 =	vand.u32 $0xFFFF0000, v23;
	v13 =	vmul.f32 v20, v13;
	s5 =	sadd.s32 s15, s14;
	v50 =	vld [tilespmem:s0+$0xFFFFFFF0]  }
0x4b: {  	v22 =	vshrl.u32 v22, $0x10;
	v12 =	vmul.f32 v21, v12;
	v18 =	vor.u32 v19, v18;
	v53 =	vld [tilespmem:s1+$0xFFFFFFE0];
	p1 =	sgt.u32 s5, $0x3E7  }
0x4c: {  	v54 =	vld [tilespmem:s1+$0xFFFFFFF0];
	v22 =	vor.u32 v22, v23;
	v13 =	vadd.s32 $0x8000, v13;
	v6 =	vpsel p1, v9, v6  }
0x4d: {  	v51 =	vpsel p1, v11, v10;
	v7 =	vpsel p1, v8, v7;
	v4 =	vpsel p1, v5, v4  }
0x4e: {  	v5 =	vmax.f32 v16, $0.0e+00;
	v56 =	vshrl.u32 v13, $0x10;
	v52 =	vmax.f32 v17, $0.0e+00  }
0x4f: {  	v4 =	vmul.f32 v5, v4;
	v5 =	vadd.s32 $0x8000, v12;
	v7 =	vmul.f32 v52, v7  }
0x50: {  	v55 =	vmax.f32 v49, $0.0e+00;
	v5 =	vand.u32 $0xFFFF0000, v5;
	v57 =	vmax.f32 v50, $0.0e+00  }
0x51: {  	v58 =	vmax.f32 v53, $0.0e+00;
	v59 =	vmax.f32 v54, $0.0e+00;
	v11 =	vmul.f32 v55, v14  }
0x52: {  	v4 =	vadd.s32 $0x8000, v4;
	v13 =	vmul.f32 v57, v15;
	v6 =	vmul.f32 v58, v6  }
0x53: {  	v61 =	vmul.f32 v59, v51;
	v5 =	vor.u32 v56, v5;
	v7 =	vadd.s32 $0x8000, v7  }
0x54: {  	s19 =	sadd.s32 $0x20, s31;
	[tilespmem:s29+$0xFFFFFFF0] =	vst v18;
	v4 =	vshrl.u32 v4, $0x10;
	v7 =	vand.u32 $0xFFFF0000, v7;
	v60 =	vadd.s32 $0x8000, v13  }
0x55: {  	s20 =	sadd.s32 $0x20, s19;
	[tilespmem:s19+$0x0] =	vst v22;
	v62 =	vadd.s32 $0x8000, v11;
	v6 =	vadd.s32 $0x8000, v6;
	v4 =	vor.u32 v4, v7  }
0x56: {  	v63 =	vand.u32 $0xFFFF0000, v60;
	v7 =	vadd.s32 $0x8000, v61;
	[tilespmem:s20+$0x0] =	vst v4;
	v4 =	vshrl.u32 v62, $0x10  }
0x57: {  	[tilespmem:s30+$0xFFFFFFF0] =	vst v5;
	v6 =	vshrl.u32 v6, $0x10;
	v5 =	vand.u32 $0xFFFF0000, v7;
	v4 =	vor.u32 v4, v63  }
0x58: {  	[tilespmem:s19+$0xFFFFFFF0] =	vst v4;
	v4 =	vor.u32 v6, v5  }
0x59: {  	s21 =	simm.s32 $0x1040;
	s29 =	simm.s32 $0x0;
	[tilespmem:s20+$0xFFFFFFF0] =	vst v4  }
0x5a: {  	[hbm4b:s8+s29] =	stream.linear.scatter [tilespmem:s21], [sflag:$0x6], $0x800, $0x38;
	[tilespmem:$0x144C0] =	vst v63  }
0x5b: {  	_ =	swait.ge [sflag:s18], $0x800  }
.Ltmp3:
0x5c: {  	[sflag:s18] =	ssyncset.done $0x0;
	(pc) =	sbr.rel .LBB2_4-.Ltmp3, $4  }
0x5d: {  	s30 =	simm.s32 $0x18C0;
	[sflag:s18] =	ssyncadd.s32 $0xFFFFF800  }
0x5e: {  	[tilespmem:s30], [sflag:$0x2] =	stream.linear.gather [hbm4b:s9+s29], $0x6400, $0x38;
	[tilespmem:$0x144C0] =	vst v63  }
0x5f: {  	s31 =	simm.s32 $0x7CC0  }
0x60: {  	[tilespmem:s31], [sflag:$0x3] =	stream.linear.gather [hbm4b:s10+s29], $0x6400, $0x38;
	[tilespmem:$0x144C0] =	vst v63  }
.LBB2_10:
0x61: {  	s29 =	sadd.s32 $0x1, s29  }
0x62: {  	p1 =	sne.s32 s29, $0x4  }
.Ltmp4:
0x63: {  	_ = 	snop;
	(pc) =	sbr.rel @!p1 .LBB2_11-.Ltmp4, $1  }
0x64: {  	_ =	sdelay $0x3  }
.LBB2_4:
0x65: {  	p1 =	seq.s32 s29, $0x0  }
0x66: {  	s0 =	simm.s32 @!p1 $0x4  }
0x67: {  	_ =	swait.ge @!p1 [sflag:s0], $0x3200  }
0x68: {  	[sflag:s0] =	ssyncset.done @!p1 $0x0  }
0x69: {  	[sflag:s0] =	ssyncadd.s32 @!p1 $0xFFFFCE00  }
0x6a: {  	_ =	swait.ge [sflag:s22], $0x6400  }
0x6b: {  	[sflag:s22] =	ssyncset.done $0x0  }
0x6c: {  	s21 =	simm.s32 $0x18E0;
	[sflag:s22] =	ssyncadd.s32 $0xFFFF9C00  }
0x6d: {  	v4 =	vld [tilespmem:s21+$0xFFFFFFE0]  }
0x6e: {  	v5 =	vld [tilespmem:s21+$0xFFFFFFF0];
	_ =	sdelay $0x3  }
0x6f: {  	s5 =	simm.s32 $0x1920  }
0x70: {  	v6 =	vld [tilespmem:s5+$0xFFFFFFE0];
	v4 =	vmax.f32 v4, $0.0e+00;
	v5 =	vmax.f32 v5, $0.0e+00  }
0x71: {  	v7 =	vld [tilespmem:s5+$0xFFFFFFF0];
	v4 =	vadd.s32 $0x8000, v4;
	v5 =	vadd.s32 $0x8000, v5  }
0x72: {  	s15 =	simm.s32 $0x1960;
	v5 =	vand.u32 $0xFFFF0000, v5;
	v4 =	vshrl.u32 v4, $0x10  }
0x73: {  	s31 =	simm.s32 $0x0;
	v8 =	vld [tilespmem:s15+$0xFFFFFFE0];
	v4 =	vor.u32 v4, v5  }
0x74: {  	v5 =	vld [tilespmem:s15+$0xFFFFFFF0];
	[tilespmem:s31+$0xE0C0] =	vst v4  }
0x75: {  	v4 =	vld [tilespmem:s21+$0x0]  }
0x76: {  	v6 =	vmax.f32 v6, $0.0e+00;
	v7 =	vmax.f32 v7, $0.0e+00;
	v9 =	vld [tilespmem:s21+$0x10]  }
0x77: {  	v6 =	vadd.s32 $0x8000, v6;
	v7 =	vadd.s32 $0x8000, v7  }
0x78: {  	v7 =	vand.u32 $0xFFFF0000, v7;
	v6 =	vshrl.u32 v6, $0x10  }
0x79: {  	s17 =	simm.s32 $0x19A0;
	s1 =	simm.s32 $0x20;
	v10 =	vmax.f32 v8, $0.0e+00;
	v7 =	vor.u32 v6, v7  }
0x7a: {  	v8 =	vld [tilespmem:s17+$0xFFFFFFE0];
	[tilespmem:s1+$0xE0C0] =	vst v7;
	v7 =	vadd.s32 $0x8000, v10  }
0x7b: {  	v6 =	vld [tilespmem:s17+$0xFFFFFFF0];
	v5 =	vmax.f32 v5, $0.0e+00;
	v4 =	vmax.f32 v4, $0.0e+00;
	v9 =	vmax.f32 v9, $0.0e+00  }
0x7c: {  	v11 =	vadd.s32 $0x8000, v5;
	v5 =	vld [tilespmem:s5+$0x10];
	v10 =	vadd.s32 $0x8000, v4;
	v9 =	vadd.s32 $0x8000, v9  }
0x7d: {  	s30 =	sshll.u32 s29, $0x6;
	s19 =	simm.s32 $0x100;
	s20 =	simm.s32 $0x180;
	v4 =	vld [tilespmem:s5+$0x0];
	v12 =	vand.u32 $0xFFFF0000, v9;
	v13 =	vshrl.u32 v10, $0x10  }
0x7e: {  	s0 =	sor.u32 s4, s30;
	s21 =	simm.s32 $0x19E0;
	s5 =	simm.s32 $0x200;
	v9 =	vand.u32 $0xFFFF0000, v11;
	v10 =	vshrl.u32 v7, $0x10;
	v7 =	vor.u32 v13, v12  }
.LBB2_5:
0x7f: {  	v11 =	vld [tilespmem:s21+$0xFFFFFFE0];
	[tilespmem:s31+$0xE0D0] =	vst v7;
	s31 =	smov.u32 s1  }
0x80: {  	v9 =	vor.u32 v10, v9;
	v7 =	vmov v6;
	s1 =	sshra.s32 s19, $0x2;
	s19 =	smov.u32 s20;
	p2 =	sne.s32 s5, $0xC780  }
.Ltmp5:
0x81: {  	v8 =	vmax.f32 v8, $0.0e+00;
	s20 =	smov.u32 s5;
	v6 =	vld [tilespmem:s21+$0xFFFFFFF0];
	[tilespmem:s1+$0xE0C0] =	vst v9;
	(pc) =	sbr.rel @p2 .LBB2_5-.Ltmp5, $4  }
0x82: {  	v7 =	vmax.f32 v7, $0.0e+00;
	v9 =	vmax.f32 v4, $0.0e+00;
	v4 =	vld [tilespmem:s15+$0x0];
	v10 =	vmax.f32 v5, $0.0e+00  }
0x83: {  	v14 =	vadd.s32 $0x8000, v8;
	v9 =	vadd.s32 $0x8000, v9;
	v5 =	vld [tilespmem:s15+$0x10];
	v10 =	vadd.s32 $0x8000, v10;
	s15 =	smov.u32 s17;
	s17 =	smov.u32 s21  }
0x84: {  	v7 =	vadd.s32 $0x8000, v7;
	v13 =	vshrl.u32 v9, $0x10;
	v12 =	vand.u32 $0xFFFF0000, v10  }
0x85: {  	s5 =	sadd.s32 $0x80, s5;
	s21 =	sadd.s32 $0x40, s21;
	v9 =	vand.u32 $0xFFFF0000, v7;
	v10 =	vshrl.u32 v14, $0x10;
	v7 =	vor.u32 v13, v12;
	v8 =	vmovc v11  }
0x86: {  	v8 =	vmax.f32 v8, $0.0e+00;
	v6 =	vmax.f32 v6, $0.0e+00  }
0x87: {  	v9 =	vor.u32 v10, v9;
	s5 =	sshra.s32 s19, $0x2;
	v8 =	vadd.s32 $0x8000, v8;
	v6 =	vadd.s32 $0x8000, v6  }
0x88: {  	[tilespmem:s5+$0xE0C0] =	vst v9;
	v6 =	vand.u32 $0xFFFF0000, v6;
	v8 =	vshrl.u32 v8, $0x10  }
0x89: {  	s20 =	sshra.s32 s20, $0x2;
	v9 =	vld [tilespmem:s15+$0x0];
	v6 =	vor.u32 v8, v6  }
0x8a: {  	v60 =	vld [tilespmem:s15+$0x10];
	[tilespmem:s20+$0xE0C0] =	vst v6  }
0x8b: {  	v6 =	vld [tilespmem:s17+$0x0]  }
0x8c: {  	v4 =	vmax.f32 v4, $0.0e+00;
	v61 =	vld [tilespmem:s17+$0x10]  }
0x8d: {  	v5 =	vmax.f32 v5, $0.0e+00;
	v4 =	vadd.s32 $0x8000, v4  }
0x8e: {  	v5 =	vadd.s32 $0x8000, v5;
	v4 =	vshrl.u32 v4, $0x10  }
0x8f: {  	v5 =	vand.u32 $0xFFFF0000, v5;
	v9 =	vmax.f32 v9, $0.0e+00;
	v8 =	vmax.f32 v60, $0.0e+00  }
0x90: {  	v4 =	vor.u32 v4, v5;
	v5 =	vadd.s32 $0x8000, v9;
	v8 =	vadd.s32 $0x8000, v8  }
0x91: {  	v8 =	vand.u32 $0xFFFF0000, v8;
	v6 =	vmax.f32 v6, $0.0e+00;
	v62 =	vmax.f32 v61, $0.0e+00  }
0x92: {  	[tilespmem:s31+$0xE0D0] =	vst v7;
	v5 =	vshrl.u32 v5, $0x10;
	v6 =	vadd.s32 $0x8000, v6;
	v63 =	vadd.s32 $0x8000, v62  }
0x93: {  	s21 =	smul.u32 $0x640, s0;
	s15 =	sadd.s32 s11, s30;
	[tilespmem:s1+$0xE0D0] =	vst v4;
	v4 =	vor.u32 v5, v8;
	v5 =	vand.u32 $0xFFFF0000, v63;
	v6 =	vshrl.u32 v6, $0x10  }
0x94: {  	p2 =	sgt.u32 s15, $0xF9;
	[tilespmem:s5+$0xE0D0] =	vst v4;
	v4 =	vor.u32 v6, v5  }
0x95: {  	s31 =	sor.u32 $0x20, s0;
	s1 =	sadd.s32 s7, s21;
	s5 =	smul.u32 @!p2 $0xC80, s15;
	[tilespmem:s20+$0xE0D0] =	vst v4  }
0x96: {  	[hbm4b:s1+s3] =	stream.linear.scatter [tilespmem:s23], [sflag:$0x4], $0x3200, $0x38;
	[tilespmem:$0x144C0] =	vst v63  }
0x97: {  	s15 =	simm.s32 @!p2 $0x18C0;
	s1 =	sadd.s32 @!p2 s2, s5;
	s5 =	simm.s32 @!p2 $0x0  }
0x98: {  	[tilespmem:s15], [sflag:$0x2] =	stream.linear.gather @!p2 [hbm4b:s1+s5], $0x6400, $0x38;
	[tilespmem:$0x144C0] =	vst v63  }
0x99: {  	p2 =	sgt.u32 s31, $0xF9  }
.Ltmp6:
0x9a: {  	_ = 	snop;
	(pc) =	sbr.rel @p2 .LBB2_10-.Ltmp6, $4  }
0x9b: {  	s1 =	simm.s32 @!p1 $0x5  }
0x9c: {  	_ =	swait.ge @!p1 [sflag:s1], $0x3200  }
0x9d: {  	[sflag:s1] =	ssyncset.done @!p1 $0x0  }
0x9e: {  	[sflag:s1] =	ssyncadd.s32 @!p1 $0xFFFFCE00  }
0x9f: {  	_ =	swait.ge [sflag:s24], $0x6400  }
0xa0: {  	[sflag:s24] =	ssyncset.done $0x0  }
0xa1: {  	s1 =	simm.s32 $0xFFFF9C00;
	[sflag:s24] =	ssyncadd.s32 $0xFFFF9C00  }
0xa2: {  	v4 =	vld [tilespmem:s1+$0xE0C0]  }
0xa3: {  	v5 =	vld [tilespmem:s1+$0xE0D0];
	_ =	sdelay $0x3  }
0xa4: {  	s5 =	simm.s32 $0xFFFF9C40  }
0xa5: {  	v6 =	vld [tilespmem:s5+$0xE0C0];
	v4 =	vmax.f32 v4, $0.0e+00;
	v5 =	vmax.f32 v5, $0.0e+00  }
0xa6: {  	v7 =	vld [tilespmem:s5+$0xE0D0];
	v4 =	vadd.s32 $0x8000, v4;
	v5 =	vadd.s32 $0x8000, v5  }
0xa7: {  	s15 =	simm.s32 $0xFFFF9C80;
	v5 =	vand.u32 $0xFFFF0000, v5;
	v4 =	vshrl.u32 v4, $0x10  }
0xa8: {  	s0 =	simm.s32 $0x112D0;
	v8 =	vld [tilespmem:s15+$0xE0C0];
	v4 =	vor.u32 v4, v5  }
0xa9: {  	v5 =	vld [tilespmem:s15+$0xE0D0];
	[tilespmem:s0+$0xFFFFFFF0] =	vst v4  }
0xaa: {  	v4 =	vld [tilespmem:s1+$0xE0E0]  }
0xab: {  	v6 =	vmax.f32 v6, $0.0e+00;
	v7 =	vmax.f32 v7, $0.0e+00;
	v9 =	vld [tilespmem:s1+$0xE0F0]  }
0xac: {  	v6 =	vadd.s32 $0x8000, v6;
	v7 =	vadd.s32 $0x8000, v7  }
0xad: {  	s17 =	simm.s32 $0xFFFF9CC0;
	v7 =	vand.u32 $0xFFFF0000, v7;
	v10 =	vshrl.u32 v6, $0x10  }
0xae: {  	v6 =	vld [tilespmem:s17+$0xE0C0];
	v10 =	vor.u32 v10, v7;
	s1 =	simm.s32 $0x112F0  }
0xaf: {  	v8 =	vmax.f32 v8, $0.0e+00;
	v7 =	vld [tilespmem:s17+$0xE0D0];
	[tilespmem:s1+$0xFFFFFFF0] =	vst v10  }
0xb0: {  	v11 =	vmax.f32 v5, $0.0e+00;
	v5 =	vmax.f32 v4, $0.0e+00;
	v9 =	vmax.f32 v9, $0.0e+00;
	v4 =	vld [tilespmem:s5+$0xE0E0]  }
0xb1: {  	v10 =	vadd.s32 $0x8000, v8;
	v12 =	vadd.s32 $0x8000, v5;
	v8 =	vadd.s32 $0x8000, v9;
	v5 =	vld [tilespmem:s5+$0xE0F0]  }
0xb2: {  	v11 =	vadd.s32 $0x8000, v11;
	s5 =	simm.s32 $0xFFFE7400;
	v8 =	vand.u32 $0xFFFF0000, v8;
	v9 =	vshrl.u32 v12, $0x10  }
.LBB2_8:
0xb3: {  	s19 =	sshra.s32 s5, $0x2;
	v11 =	vand.u32 $0xFFFF0000, v11;
	v10 =	vshrl.u32 v10, $0x10;
	v12 =	vor.u32 v9, v8;
	v9 =	vmovc v6;
	p1 =	sne.s32 s5, $0xFFFFFF00  }
.Ltmp7:
0xb4: {  	v6 =	vld [tilespmem:s19+$0xE0C0];
	v10 =	vor.u32 v10, v11;
	[tilespmem:s0+$0x0] =	vst v12;
	v8 =	vmov v7;
	s0 =	smov.u32 s1;
	s1 =	sadd.s32 $0x20, s1;
	(pc) =	sbr.rel @p1 .LBB2_8-.Ltmp7, $4  }
0xb5: {  	v9 =	vmax.f32 v9, $0.0e+00;
	v7 =	vld [tilespmem:s19+$0xE0D0];
	[tilespmem:s1+$0xFFFFFFF0] =	vst v10  }
0xb6: {  	v8 =	vmax.f32 v8, $0.0e+00;
	v11 =	vmax.f32 v4, $0.0e+00;
	v4 =	vld [tilespmem:s15+$0xE0E0];
	v12 =	vmax.f32 v5, $0.0e+00  }
0xb7: {  	v10 =	vadd.s32 $0x8000, v9;
	v9 =	vadd.s32 $0x8000, v11;
	v5 =	vld [tilespmem:s15+$0xE0F0];
	v12 =	vadd.s32 $0x8000, v12;
	s15 =	smov.u32 s17;
	s17 =	smov.u32 s19  }
0xb8: {  	s5 =	sadd.s32 $0x100, s5;
	v11 =	vadd.s32 $0x8000, v8;
	v9 =	vshrl.u32 v9, $0x10;
	v8 =	vand.u32 $0xFFFF0000, v12  }
0xb9: {  	v11 =	vand.u32 $0xFFFF0000, v11  }
0xba: {  	v10 =	vshrl.u32 v10, $0x10;
	v6 =	vmax.f32 v6, $0.0e+00;
	v7 =	vmax.f32 v7, $0.0e+00  }
0xbb: {  	s5 =	sadd.s32 $0x20, s1;
	v10 =	vor.u32 v10, v11;
	v6 =	vadd.s32 $0x8000, v6;
	v7 =	vadd.s32 $0x8000, v7  }
0xbc: {  	[tilespmem:s5+$0xFFFFFFF0] =	vst v10;
	v6 =	vshrl.u32 v6, $0x10;
	v7 =	vand.u32 $0xFFFF0000, v7  }
0xbd: {  	s19 =	sadd.s32 $0x20, s5;
	v10 =	vld [tilespmem:s15+$0xE0E0];
	v6 =	vor.u32 v6, v7  }
0xbe: {  	v59 =	vld [tilespmem:s15+$0xE0F0];
	[tilespmem:s19+$0xFFFFFFF0] =	vst v6  }
0xbf: {  	v6 =	vld [tilespmem:s17+$0xE0E0]  }
0xc0: {  	v4 =	vmax.f32 v4, $0.0e+00;
	v60 =	vld [tilespmem:s17+$0xE0F0]  }
0xc1: {  	v5 =	vmax.f32 v5, $0.0e+00;
	v4 =	vadd.s32 $0x8000, v4  }
0xc2: {  	v8 =	vor.u32 v9, v8;
	v5 =	vadd.s32 $0x8000, v5;
	v4 =	vshrl.u32 v4, $0x10  }
0xc3: {  	v5 =	vand.u32 $0xFFFF0000, v5;
	v61 =	vmax.f32 v10, $0.0e+00;
	v7 =	vmax.f32 v59, $0.0e+00  }
0xc4: {  	v4 =	vor.u32 v4, v5;
	v5 =	vadd.s32 $0x8000, v61;
	v7 =	vadd.s32 $0x8000, v7  }
0xc5: {  	v7 =	vand.u32 $0xFFFF0000, v7;
	v6 =	vmax.f32 v6, $0.0e+00;
	v62 =	vmax.f32 v60, $0.0e+00  }
0xc6: {  	[tilespmem:s0+$0x0] =	vst v8;
	v5 =	vshrl.u32 v5, $0x10;
	v6 =	vadd.s32 $0x8000, v6;
	v63 =	vadd.s32 $0x8000, v62  }
0xc7: {  	s31 =	smul.u32 $0x640, s31;
	[tilespmem:s1+$0x0] =	vst v4;
	s1 =	sadd.s32 s12, s30;
	v4 =	vor.u32 v5, v7;
	v5 =	vand.u32 $0xFFFF0000, v63;
	v6 =	vshrl.u32 v6, $0x10  }
.Ltmp8:
0xc8: {  	p1 =	sgt.u32 s1, $0xF9;
	[tilespmem:s5+$0x0] =	vst v4;
	v4 =	vor.u32 v6, v5;
	(pc) =	sbr.rel .LBB2_10-.Ltmp8, $4  }
0xc9: {  	s0 =	sadd.s32 s7, s31;
	s1 =	smul.u32 @!p1 $0xC80, s1;
	[tilespmem:s19+$0x0] =	vst v4  }
0xca: {  	[hbm4b:s0+s3] =	stream.linear.scatter [tilespmem:s25], [sflag:$0x5], $0x3200, $0x38;
	[tilespmem:$0x144C0] =	vst v63  }
0xcb: {  	s5 =	simm.s32 @!p1 $0x7CC0;
	s0 =	sadd.s32 @!p1 s2, s1;
	s1 =	simm.s32 @!p1 $0x0  }
0xcc: {  	[tilespmem:s5], [sflag:$0x3] =	stream.linear.gather @!p1 [hbm4b:s0+s1], $0x6400, $0x38;
	[tilespmem:$0x144C0] =	vst v63  }
.LBB2_12:
0xcd: {  	_ =	sfence.sel $0x180000  }
0xce: {  	[bflag:$0x0] =	sbarrier.arrive $0xFFFF  }
0xcf: {  	_ =	strace $0x90000047  }
0xd0: {  	s0 =	stileid.u32;
	[bflag:$0x2] =	sbarrier.arrive $0xFFFF  }
0xd1: {  	p0 =	sne.s32 s0, $0x0;
	s0 =	rddreg [dreg:$0x2]  }
0xd2: {  	s0 =	sadd.s32 @!p0 $0x100000, s0  }
0xd3: {  	[sflag:s0] =	ssyncadd.tile.s32 @!p0 $0x1;
	_ =	shalt  }
.Lfunc_end2:
_tile_overlayer_lowered:
.L_overlay_start_2:
0xd4: {  	(tag) =	ssettag $0x2  }
0xd5: {  	s0 =	rddreg [dreg:$0x0];
	s2 =	stileid.u32  }
0xd6: {  	s1 =	rddreg [dreg:$0x1];
	p0 =	sne.s32 s2, $0x0  }
0xd7: {  	s3 =	rddreg [dreg:$0x2];
	[bflag:$0x3] =	sbarrier.arrive $0xFFFF;
	s2 =	simm.s32 @!p0 $0x1C06  }
0xd8: {  	[timem:s3], [sflag:s2] =	dma.local @!p0 [hbm:s0], s1  }
0xd9: {  	s0 =	simm.s32 @!p0 $0x6  }
0xda: {  	_ =	swait.ge @!p0 [sflag:s0], s1  }
0xdb: {  	s1 =	ssub.s32 @!p0 $0x0, s1;
	[sflag:s0] =	ssyncset.done @!p0 $0x0  }
0xdc: {  	[sflag:s0] =	ssyncadd.s32 @!p0 s1  }
0xdd: {  	[bflag:$0x3] =	sbarrier.arrive $0xFFFF  }
0xde: {  	_ =	shalt  }

// kernel: kernel.7.cloned.1.call-start
scs
__scs_entry_jumppad:
0x0: {  	(pc) =	sbr.rel $0x88, $3  }
0x1: {  	(tag) =	ssettag $0x0;
	lr =	simm.s32 $0x1  }
0x2: {  	[smem:$0x3F9B] =	sst lr;
	_ =	strace $0xD0000000  }
0x3: {  	_ = 	snop  }
0x4: {  	_ = 	snop  }
0x5: {  	_ = 	snop  }
0x6: {  	_ = 	snop  }
0x7: {  	_ = 	snop  }
__scs_overlays_trampoline_lowered:
0x8: {  	[smem:$0x3FAA] =	sst s0  }
0x9: {  	[smem:$0x3FAB] =	sst s1  }
0xa: {  	[smem:$0x3FAC] =	sst s2  }
0xb: {  	[smem:$0x3FAD] =	sst s3  }
0xc: {  	[smem:$0x3FAE] =	sst s4  }
0xd: {  	[smem:$0x3FAF] =	sst s5  }
0xe: {  	[smem:$0x3FB0] =	sst s6  }
0xf: {  	[smem:$0x3FB1] =	sst s7  }
0x10: {  	[smem:$0x3FB2] =	sst s8  }
0x11: {  	[smem:$0x3FB3] =	sst s9;
	s0 =	simm.s32 @!p0 $0x0  }
0x12: {  	s1 =	sld [smem:$0x3F99];
	s0 =	simm.s32 @p0 $0x1  }
0x13: {  	[smem:$0x3FB4] =	sst s0;
	s0 =	simm.s32 @!p1 $0x0  }
0x14: {  	s2 =	sld [smem:$0x3F98];
	s0 =	simm.s32 @p1 $0x1  }
0x15: {  	[smem:$0x3FB5] =	sst s0;
	s0 =	simm.s32 @!p2 $0x0  }
0x16: {  	s3 =	sld [smem:$0x3FDB];
	s0 =	simm.s32 @p2 $0x1  }
0x17: {  	s4 =	simm.s32 $0x1BF5;
	[smem:$0x3FB7] =	sst s0  }
0x18: {  	s0 =	sld [smem:$0x3F9A];
	_ =	swait.ge [sflag:s4], $0x0  }
0x19: {  	s7 =	sld [smem:$0x3F9B]  }
0x1a: {  	s8 =	sadd.s32 $0xFFFFE003, lr  }
0x1b: {  	s9 =	sadd.s32 $0xFFFFFEF7, lr;
	s5 =	simm.s32 $0xFFFFFFFF;
	p2 =	slt.u32 s8, $0xFFFFF086  }
0x1c: {  	p1 =	slt.u32 s9, $0xF7A;
	s5 =	simm.s32 @!p2 $0x0  }
0x1d: {  	s5 =	simm.s32 @p1 $0x1;
	p0 =	seq.s32 s7, s2  }
0x1e: {  	s7 =	smul.u32 @!p0 $0xF7A, s2;
	p2 =	seq.s32 @!p0 s5, $0x0  }
0x1f: {  	s9 =	smul.u32 $0xF7A, s1;
	s8 =	simm.s32 @!p0 $0x1BF5;
	p2 =	por !p2, p0  }
0x20: {  	[sflag:s8] =	ssyncset.s32 @!p0 $0xFFFFF086;
	s6 =	sadd.s32 @!p0 s3, s7;
	s7 =	simm.s32 @!p0 $0x108  }
0x21: {  	s3 =	sadd.s32 s3, s9;
	s6 =	sadd.s32 @!p0 $0x88, s6;
	s7 =	simm.s32 @p2 $0x1082  }
0x22: {  	[simem:s7], [sflag:s8] =	dma.local @!p0 [hbm:s6], $0xF7A  }
0x23: {  	s9 =	sor.u32 $0xD0000000, s2;
	s6 =	simm.s32 $0x108;
	_ =	swait.ge @!p0 [sflag:s8], $0x0  }
0x24: {  	s3 =	sadd.s32 $0x88, s3;
	s6 =	simm.s32 @!p1 $0x1082;
	[sflag:s4] =	ssyncset.s32 $0xFFFFF086  }
0x25: {  	[simem:s6], [sflag:s4] =	dma.local [hbm:s3], $0xF7A  }
0x26: {  	[smem:$0x3F9B] =	sst s1;
	(tag) =	ssettag s2;
	_ =	strace s9  }
0x27: {  	s1 =	sld [smem:$0x3FAB]  }
0x28: {  	s2 =	sld [smem:$0x3FAC]  }
0x29: {  	s4 =	sld [smem:$0x3FAE]  }
0x2a: {  	p0 =	seq.s32 s5, $0x0;
	s5 =	sld [smem:$0x3FAF]  }
0x2b: {  	s6 =	sld [smem:$0x3FB0]  }
0x2c: {  	s7 =	sld [smem:$0x3FB1]  }
0x2d: {  	s3 =	simm.s32 $0x108;
	s8 =	sld [smem:$0x3FB2]  }
0x2e: {  	s3 =	simm.s32 @!p0 $0x1082;
	s9 =	sld [smem:$0x3FB3]  }
0x2f: {  	lr =	sadd.s32 s0, s3;
	s0 =	sld [smem:$0x3FAA]  }
0x30: {  	s3 =	sld [smem:$0x3FAD]  }
0x31: {  	[smem:$0x3FB6] =	sst s10  }
0x32: {  	s10 =	sld [smem:$0x3FB4];
	_ =	sdelay $0x3  }
0x33: {  	p0 =	seq.s32 s10, $0x1;
	s10 =	sld [smem:$0x3FB6];
	_ =	sdelay $0x3  }
0x34: {  	[smem:$0x3FB6] =	sst s10  }
0x35: {  	s10 =	sld [smem:$0x3FB5];
	_ =	sdelay $0x3  }
0x36: {  	p1 =	seq.s32 s10, $0x1;
	s10 =	sld [smem:$0x3FB6];
	_ =	sdelay $0x3  }
0x37: {  	[smem:$0x3FB6] =	sst s10  }
0x38: {  	s10 =	sld [smem:$0x3FB7]  }
0x39: {  	_ = 	snop;
	(pc) =	sbr.ind lr, $3  }
0x3a: {  	_ = 	snop  }
0x3b: {  	_ = 	snop  }
0x3c: {  	p2 =	seq.s32 s10, $0x1;
	s10 =	sld [smem:$0x3FB6]  }
0x3d: {  	_ =	shalt  }
0x3e: {  	_ =	shalt  }
0x3f: {  	_ =	shalt  }
0x40: {  	_ =	shalt  }
0x41: {  	_ =	shalt  }
0x42: {  	_ =	shalt  }
0x43: {  	_ =	shalt  }
0x44: {  	_ =	shalt  }
0x45: {  	_ =	shalt  }
0x46: {  	_ =	shalt  }
0x47: {  	_ =	shalt  }
0x48: {  	_ =	shalt  }
0x49: {  	_ =	shalt  }
0x4a: {  	_ =	shalt  }
0x4b: {  	_ =	shalt  }
0x4c: {  	_ =	shalt  }
0x4d: {  	_ =	shalt  }
0x4e: {  	_ =	shalt  }
0x4f: {  	_ =	shalt  }
0x50: {  	_ =	shalt  }
0x51: {  	_ =	shalt  }
0x52: {  	_ =	shalt  }
0x53: {  	_ =	shalt  }
0x54: {  	_ =	shalt  }
0x55: {  	_ =	shalt  }
0x56: {  	_ =	shalt  }
0x57: {  	_ =	shalt  }
0x58: {  	_ =	shalt  }
0x59: {  	_ =	shalt  }
0x5a: {  	_ =	shalt  }
0x5b: {  	_ =	shalt  }
0x5c: {  	_ =	shalt  }
0x5d: {  	_ =	shalt  }
0x5e: {  	_ =	shalt  }
0x5f: {  	_ =	shalt  }
0x60: {  	_ =	shalt  }
0x61: {  	_ =	shalt  }
0x62: {  	_ =	shalt  }
0x63: {  	_ =	shalt  }
0x64: {  	_ =	shalt  }
0x65: {  	_ =	shalt  }
0x66: {  	_ =	shalt  }
0x67: {  	_ =	shalt  }
0x68: {  	_ =	shalt  }
0x69: {  	_ =	shalt  }
0x6a: {  	_ =	shalt  }
0x6b: {  	_ =	shalt  }
0x6c: {  	_ =	shalt  }
0x6d: {  	_ =	shalt  }
0x6e: {  	_ =	shalt  }
0x6f: {  	_ =	shalt  }
0x70: {  	_ =	shalt  }
0x71: {  	_ =	shalt  }
0x72: {  	_ =	shalt  }
0x73: {  	_ =	shalt  }
0x74: {  	_ =	shalt  }
0x75: {  	_ =	shalt  }
0x76: {  	_ =	shalt  }
0x77: {  	_ =	shalt  }
0x78: {  	_ =	shalt  }
0x79: {  	_ =	shalt  }
0x7a: {  	_ =	shalt  }
0x7b: {  	_ =	shalt  }
0x7c: {  	_ =	shalt  }
0x7d: {  	_ =	shalt  }
0x7e: {  	_ =	shalt  }
0x7f: {  	_ =	shalt  }
0x80: {  	_ =	shalt  }
0x81: {  	_ =	shalt  }
0x82: {  	_ =	shalt  }
0x83: {  	_ =	shalt  }
0x84: {  	_ =	shalt  }
0x85: {  	_ =	shalt  }
0x86: {  	_ =	shalt  }
0x87: {  	_ =	shalt  }
.Lfunc_end0:
.L_simem_size_0:
called_computation.1_lowered:
.L_overlay_start_0:
0x88: {  	s2 =	sld [smem:$0x3FD9]  }
0x89: {  	s3 =	sld [smem:$0x3FFE];
	_ =	sdelay $0x1  }
0x8a: {  	s1 =	srdreg.scid  }
0x8b: {  	s0 =	sand.u32 $0x1, s1  }
0x8c: {  	s14 =	sshll.u32 s0, $0xA;
	s2 =	sadd.s32 s3, s2  }
0x8d: {  	s2 =	sadd.s32 s2, s14  }
0x8e: {  	[smem:$0x3FC2] =	sst s2  }
0x8f: {  	_ = 	snop  }
0x90: {  	s2 =	sld [smem:$0x3FD0];
	_ =	sdelay $0x2  }
0x91: {  	s15 =	simm.s32 $0xA;
	s4 =	simm.s32 $0x10  }
0x92: {  	[smem:s4], [sflag:s15] =	dma.local [hbm:s2], $0x1  }
0x93: {  	_ =	swait.eq [sflag:s15], $0x1  }
0x94: {  	[sflag:s15] =	ssyncset.done $0x0  }
0x95: {  	s16 =	sld [smem:$0x10];
	[sflag:s15] =	ssyncadd.s32 $0xFFFFFFFF  }
0x96: {  	s17 =	sld [smem:$0x11];
	(tm) =	ssettm $0x1  }
0x97: {  	s18 =	sld [smem:$0x3FFB];
	_ =	sdelay $0x3  }
0x98: {  	_ =	strace s18  }
0x99: {  	s4 =	sld [smem:$0x3FFC];
	_ =	sdelay $0x3  }
0x9a: {  	_ =	strace s4  }
0x9b: {  	s4 =	sld [smem:$0x3FFD];
	_ =	sdelay $0x3  }
0x9c: {  	_ =	strace s4  }
0x9d: {  	_ =	strace $0x8FFFFFFF  }
0x9e: {  	s19 =	sld [smem:$0x3FDB];
	_ =	sdelay $0x1  }
0x9f: {  	s5 =	simm.s32 $_scs_section_size  }
0xa0: {  	s6 =	simm.s32 $_size__tile_overlayer_lowered;
	s7 =	simm.s32 $_tile_overlayer_lowered  }
0xa1: {  	s22 =	simm.s32 $0x1BFF;
	s21 =	sshll.u32 s7, $0x1;
	s4 =	sadd.s32 s5, s19  }
0xa2: {  	s8 =	simm.s32 $0x0;
	s20 =	sshll.u32 s6, $0x1;
	s6 =	sadd.s32 s21, s4  }
0xa3: {  	[timem:s8], [sflag:s22] =	dma.local [hbm:s6], s20  }
0xa4: {  	_ =	swait.ge [sflag:s22], s20  }
0xa5: {  	s5 =	ssub.s32 $0x0, s20;
	[sflag:s22] =	ssyncset.done $0x0  }
0xa6: {  	[sflag:s22] =	ssyncadd.s32 s5;
	_ =	sdelay $0x1  }
0xa7: {  	s23 =	simm.s32 $0x1B8B  }
0xa8: {  	_ =	swait.ge [sflag:s23], $0x1  }
0xa9: {  	[sflag:s23] =	ssyncset.done $0x0  }
0xaa: {  	s25 =	simm.s32 $0x1B8E;
	s24 =	sld [smem:$0x3FFE];
	[sflag:s23] =	ssyncadd.s32 $0xFFFFFFFF  }
0xab: {  	s26 =	simm.s32 $execute0_lowered;
	[smem:$0x3FD2] =	sst s25  }
0xac: {  	s6 =	sshll.u32 s26, $0x1;
	_ =	strace $0x80000049;
	[dreg:$0x1] =	wrdreg $0xFFFFFFFF  }
0xad: {  	s28 =	simm.s32 $_size_execute0_lowered;
	s4 =	sadd.s32 s4, s6;
	[dreg:$0x0] =	wrdreg $0x0  }
0xae: {  	s6 =	sshll.u32 s28, $0x1;
	[dreg:$0x2] =	wrdreg s4  }
0xaf: {  	[dreg:$0x3] =	wrdreg s6  }
0xb0: {  	[dreg:$0x4] =	wrdreg $0xC0  }
0xb1: {  	_ =	task [dreg:s8], $0x5FFFF  }
0xb2: {  	[dreg:$0x1] =	wrdreg $0xFFFFFFFF  }
0xb3: {  	[dreg:$0x0] =	wrdreg $0x60  }
0xb4: {  	[dreg:$0x2] =	wrdreg s24  }
0xb5: {  	[dreg:$0x3] =	wrdreg s16  }
0xb6: {  	[dreg:$0x4] =	wrdreg s17  }
0xb7: {  	[dreg:$0x5] =	wrdreg $0x9  }
0xb8: {  	_ =	task.clear_ibuf [dreg:s8], $0x6FFFF;
	_ =	strace $0x90000049  }
0xb9: {  	s29 =	simm.s32 $0x9;
	_ =	strace $0x8000004B  }
0xba: {  	_ =	swait.ge [sflag:s29], $0x1  }
0xbb: {  	[sflag:s29] =	ssyncadd.s32 $0xFFFFFFFF  }
0xbc: {  	_ =	strace $0x9000004B  }
0xbd: {  	_ =	sfence  }
0xbe: {  	s30 =	sld [smem:$0x0];
	_ =	sdelay $0x2  }
0xbf: {  	s31 =	sshll.u32 s1, $0xD;
	s1 =	sshrl.u32 s1, $0x2  }
0xc0: {  	s3 =	sand.u32 $0x4000, s31;
	s1 =	sadd.s32 s1, s30  }
0xc1: {  	s0 =	sor.u32 s3, s0;
	s1 =	sshll.u32 s1, $0x11  }
0xc2: {  	s0 =	sor.u32 s1, s0  }
0xc3: {  	s0 =	sadd.s32 $0x8F2B, s0  }
0xc4: {  	[sflag:s0] =	ssyncadd.remote.s32 $0x1  }
0xc5: {  	_ =	sfence.sel $0xFFFF  }
0xc6: {  	[dreg:$0x0] =	wrdreg $0xFFFFFFFF;
	(pc) =	sbr.abs _section_cstart, $3  }
0xc7: {  	[dreg:$0x1] =	wrdreg $0xFFFFFFFF  }
0xc8: {  	_ =	task.clear_ibuf [dreg:s8], $0x2FFFF;
	_ =	strace $0x9FFFFFFF  }
0xc9: {  	(tm) =	ssettm $0x7FFFFFFF  }
tec
execute0_lowered:
.L_overlay_start_1:
0x0: {  	(tag) =	ssettag $0x1  }
0x1: {  	s0 =	rddreg [dreg:$0x0]  }
0x2: {  	s1 =	rddreg [dreg:$0x1]  }
0x3: {  	s2 =	rddreg [dreg:$0x2];
	s3 =	simm.s32 $0x0  }
0x4: {  	s4 =	srdreg.scid;
	s7 =	stileid.u32;
	s31 =	simm.s32 $0x2  }
0x5: {  	s21 =	simm.s32 $0x3500;
	s14 =	simm.s32 $0xAB00;
	s15 =	simm.s32 $0x5  }
0x6: {  	s16 =	simm.s32 $0x6;
	[smem:$0x7FF] =	sst s3;
	s5 =	sadd.s32 $0x67400, s0  }
0x7: {  	s6 =	sadd.s32 $0x80400, s0;
	s4 =	sand.u32 $0x1, s4;
	s8 =	sshll.u32 s7, $0x1  }
0x8: {  	s7 =	sadd.s32 $0x99400, s0;
	s9 =	sadd.s32 $0x5800, s0;
	_ =	strace $0x8000004A  }
0x9: {  	s10 =	ssub.s32 $0x2, s4;
	s4 =	sor.u32 s4, s8;
	s8 =	sadd.s32 $0x3800, s0  }
0xa: {  	s11 =	sshrl.u32 s10, $0x1;
	s12 =	sshll.u32 s4, $0x6;
	s13 =	sshll.u32 s4, $0x2  }
0xb: {  	s4 =	sshll.u32 s4, $0x9;
	s22 =	ssub.s32 s10, s11;
	s23 =	sadd.s32 s5, s12  }
0xc: {  	s24 =	sadd.s32 s6, s12;
	s25 =	sadd.s32 s7, s12;
	[dreg:$0x4] =	wrdreg s23  }
0xd: {  	s26 =	sor.u32 $0x10, s12;
	s4 =	sor.u32 $0x620180, s4;
	[dreg:$0x5] =	wrdreg s24  }
0xe: {  	s11 =	simm.s32 $0x4;
	[dreg:$0x6] =	wrdreg s25;
	s28 =	sadd.s32 s5, s26  }
0xf: {  	s12 =	simm.s32 $0x6700;
	s29 =	sadd.s32 s6, s26;
	[dreg:$0x7] =	wrdreg s28  }
0x10: {  	s10 =	sadd.s32 s7, s26;
	s30 =	sadd.s32 s1, s4;
	[dreg:$0x8] =	wrdreg s29  }
0x11: {  	v0 =	vlaneseq.u32;
	s4 =	sadd.s32 s2, s4;
	s0 =	smax.u32 s22, $0x1;
	[dreg:$0x9] =	wrdreg s10  }
0x12: {  	v0 =	vmul.u32 $0x88, v0;
	s22 =	simm.s32 $0x80;
	s25 =	simm.s32 $0x1;
	[dreg:$0xa] =	wrdreg s30  }
0x13: {  	s23 =	simm.s32 $0x3;
	s24 =	simm.s32 $0x4500;
	[dreg:$0xb] =	wrdreg s4  }
0x14: {  	v1 =	vadd.s32 $0x880, v0;
	v2 =	vadd.s32 $0x1100, v0;
	v3 =	vadd.s32 $0x1980, v0;
	[dreg:$0xc] =	wrdreg s0;
	s10 =	simm.s32 $0x8900;
	s4 =	simm.s32 $0x0  }
.LBB2_1:
0x15: {  	[dreg:$0xd] =	wrdreg s4  }
0x16: {  	s0 =	rddreg [dreg:$0x4]  }
0x17: {  	[tilespmem:s3], [sflag:$0x1] =	stream.linear.gather [hbm4b:s0+s3], $0x80, $0x38;
	[tilespmem:$0xCD00] =	vst v63  }
0x18: {  	s4 =	rddreg [dreg:$0x5];
	s17 =	simm.s32 $0x100  }
0x19: {  	[tilespmem:s17], [sflag:$0x1] =	stream.linear.gather [hbm4b:s4+s3], $0x80, $0x38;
	[tilespmem:$0xCD00] =	vst v63  }
0x1a: {  	s18 =	rddreg [dreg:$0x6];
	s19 =	simm.s32 $0x200  }
0x1b: {  	[tilespmem:s19], [sflag:$0x1] =	stream.linear.gather [hbm4b:s18+s3], $0x80, $0x38;
	[tilespmem:$0xCD00] =	vst v63  }
0x1c: {  	s20 =	rddreg [dreg:$0x7]  }
0x1d: {  	[tilespmem:s22], [sflag:$0x2] =	stream.linear.gather [hbm4b:s20+s3], $0x80, $0x38;
	[tilespmem:$0xCD00] =	vst v63  }
0x1e: {  	s26 =	rddreg [dreg:$0x8];
	s28 =	simm.s32 $0x180  }
0x1f: {  	[tilespmem:s28], [sflag:$0x2] =	stream.linear.gather [hbm4b:s26+s3], $0x80, $0x38;
	[tilespmem:$0xCD00] =	vst v63  }
0x20: {  	s29 =	rddreg [dreg:$0x9];
	s30 =	simm.s32 $0x280;
	s19 =	simm.s32 $0x0  }
0x21: {  	[tilespmem:s30], [sflag:$0x2] =	stream.linear.gather [hbm4b:s29+s3], $0x80, $0x38;
	[tilespmem:$0xCD00] =	vst v63  }
.LBB2_2:
0x22: {  	_ =	swait.ge [sflag:s25], $0x80  }
0x23: {  	[sflag:s25] =	ssyncset.done $0x0  }
0x24: {  	[sflag:s25] =	ssyncadd.s32 $0xFFFFFF80  }
0x25: {  	_ =	swait.ge [sflag:s25], $0x80  }
0x26: {  	[sflag:s25] =	ssyncset.done $0x0  }
0x27: {  	[sflag:s25] =	ssyncadd.s32 $0xFFFFFF80  }
0x28: {  	_ =	swait.ge [sflag:s25], $0x80  }
0x29: {  	[sflag:s25] =	ssyncset.done $0x0  }
0x2a: {  	[sflag:s25] =	ssyncadd.s32 $0xFFFFFF80  }
0x2b: {  	v4 =	vld [tilespmem:$0x0]  }
0x2c: {  	v5 =	vld [tilespmem:$0x100]  }
0x2d: {  	v6 =	vld [tilespmem:$0x200]  }
0x2e: {  	v7 =	vld [tilespmem:$0x10]  }
0x2f: {  	v8 =	vld [tilespmem:$0x110]  }
0x30: {  	v9 =	vld [tilespmem:$0x210]  }
0x31: {  	v10 =	vld [tilespmem:$0x20]  }
0x32: {  	v11 =	vld [tilespmem:$0x120]  }
0x33: {  	v12 =	vld [tilespmem:$0x220]  }
0x34: {  	v13 =	vld [tilespmem:$0x30]  }
0x35: {  	v14 =	vld [tilespmem:$0x130]  }
0x36: {  	v15 =	vld [tilespmem:$0x230]  }
0x37: {  	v16 =	vld [tilespmem:$0x40]  }
0x38: {  	v52 =	vld [tilespmem:$0x140];
	v4 =	vmul.u32 $0x3E8, v4  }
0x39: {  	v54 =	vld [tilespmem:$0x50];
	[tilespmem:$0x400] =	vst v6  }
0x3a: {  	v56 =	vld [tilespmem:$0x250];
	[tilespmem:$0x410] =	vst v9;
	v4 =	vadd.s32 v5, v4;
	v5 =	vmul.u32 $0x3E8, v7  }
0x3b: {  	v61 =	vld [tilespmem:$0x260];
	[tilespmem:$0x420] =	vst v12  }
0x3c: {  	[tilespmem:$0x300] =	vst v4;
	v4 =	vld [tilespmem:$0x240];
	v5 =	vadd.s32 v8, v5  }
0x3d: {  	[tilespmem:$0x310] =	vst v5;
	v5 =	vld [tilespmem:$0x150]  }
0x3e: {  	v57 =	vld [tilespmem:$0x60];
	v53 =	vmul.u32 $0x3E8, v10;
	[tilespmem:$0x430] =	vst v15  }
0x3f: {  	v60 =	vld [tilespmem:$0x70];
	[tilespmem:$0x450] =	vst v56  }
0x40: {  	v59 =	vld [tilespmem:$0x160];
	[tilespmem:$0x460] =	vst v61;
	v6 =	vadd.s32 v11, v53;
	v8 =	vmul.u32 $0x3E8, v54  }
0x41: {  	v62 =	vld [tilespmem:$0x170];
	v55 =	vmul.u32 $0x3E8, v13;
	[tilespmem:$0x320] =	vst v6  }
0x42: {  	s17 =	sshll.u32 s19, $0x1;
	p0 =	seq.s32 s19, $0x63;
	v58 =	vmul.u32 $0x3E8, v16;
	[tilespmem:$0x440] =	vst v4;
	v4 =	vadd.s32 v5, v8  }
0x43: {  	s0 =	sadd.s32 @!p0 $0x2, s17;
	v9 =	vadd.s32 v14, v55;
	v5 =	vmul.u32 $0x3E8, v57;
	[tilespmem:$0x350] =	vst v4;
	v4 =	vld [tilespmem:$0x270]  }
0x44: {  	s18 =	sand.u32 @!p0 $0x2, s0;
	v63 =	vmul.u32 $0x3E8, v60;
	v7 =	vadd.s32 v52, v58;
	[tilespmem:$0x330] =	vst v9  }
0x45: {  	s0 =	sshll.u32 @!p0 s0, $0x9;
	s18 =	sor.u32 @!p0 s13, s18;
	[tilespmem:$0x340] =	vst v7;
	v5 =	vadd.s32 v59, v5  }
0x46: {  	s0 =	sand.u32 @!p0 $0x3F800, s0;
	s18 =	sshll.u32 @!p0 s18, $0x4;
	[tilespmem:$0x360] =	vst v5;
	v5 =	vadd.s32 v62, v63  }
0x47: {  	p1 =	sne.s32 @!p0 s19, $0x0;
	s0 =	sor.u32 @!p0 s0, s18;
	[tilespmem:$0x370] =	vst v5  }
0x48: {  	s26 =	simm.s32 @!p0 $0x0;
	p1 =	por p0, p1;
	s18 =	sadd.s32 @!p0 s5, s0;
	[tilespmem:$0x470] =	vst v4  }
0x49: {  	[tilespmem:s26], [sflag:$0x1] =	stream.linear.gather @!p0 [hbm4b:s18+s26], $0x80, $0x38;
	[tilespmem:$0xCD00] =	vst v63  }
.Ltmp0:
0x4a: {  	_ = 	snop;
	(pc) =	sbr.rel @!p1 .LBB2_3-.Ltmp0, $4  }
0x4b: {  	s28 =	simm.s32 @!p0 $0x100;
	s18 =	sadd.s32 @!p0 s6, s0  }
0x4c: {  	[tilespmem:s28], [sflag:$0x1] =	stream.linear.gather @!p0 [hbm4b:s18+s26], $0x80, $0x38;
	[tilespmem:$0xCD00] =	vst v63  }
0x4d: {  	s0 =	sadd.s32 @!p0 s7, s0;
	s18 =	simm.s32 @!p0 $0x200  }
0x4e: {  	[tilespmem:s18], [sflag:$0x1] =	stream.linear.gather @!p0 [hbm4b:s0+s26], $0x80, $0x38;
	[tilespmem:$0xCD00] =	vst v63  }
0x4f: {  	_ =	swait.ge [sflag:s15], $0x2000  }
0x50: {  	[sflag:s15] =	ssyncset.done $0x0  }
0x51: {  	[sflag:s15] =	ssyncadd.s32 $0xFFFFE000  }
0x52: {  	_ =	swait.ge [sflag:s15], $0x2000  }
0x53: {  	[sflag:s15] =	ssyncset.done $0x0  }
0x54: {  	s0 =	simm.s32 $0x300;
	s4 =	simm.s32 $0x500;
	[sflag:s15] =	ssyncadd.s32 $0xFFFFE000  }
0x55: {  	[tilespmem:s4], [sflag:$0x3] =	stream.indirect.gather [hbm4b:s8+s22], $0x20, s0, s22, $0xb8;
	[tilespmem:$0xCD00] =	vst v63  }
0x56: {  	s20 =	simm.s32 $0x400;
	s26 =	simm.s32 $0x2500  }
0x57: {  	[tilespmem:s26], [sflag:$0x3] =	stream.indirect.gather [hbm4b:s9+s22], $0x20, s20, s22, $0xb8;
	[tilespmem:$0xCD00] =	vst v63  }
0x58: {  	_ =	swait.ge [sflag:s11], $0x1000  }
0x59: {  	[sflag:s11] =	ssyncset.done $0x0  }
0x5a: {  	[sflag:s11] =	ssyncadd.s32 $0xFFFFF000  }
0x5b: {  	_ =	swait.ge [sflag:s11], $0x1000  }
0x5c: {  	s4 =	simm.s32 $0x2;
	[sflag:s11] =	ssyncset.done $0x0  }
0x5d: {  	v4 =	vmov s4;
	s26 =	simm.s32 $0x1570;
	[sflag:s11] =	ssyncadd.s32 $0xFFFFF000  }
0x5e: {  	s18 =	simm.s32 $0x0;
	v4 =	vand.u32 $0x7E, v4;
	v5 =	vld [tilespmem:s26+$0xFFFFFFD0]  }
0x5f: {  	v8 =	vmov s18;
	v6 =	vadd.s32 v0, v4  }
0x60: {  	v8 =	vand.u32 $0x7C, v8;
	v7 =	vadd.s32 v1, v4;
	v9 =	vld [tilespmem:s26+$0xFFFFFF90]  }
0x61: {  	v10 =	vadd.s32 v0, v8  }
0x62: {  	v12 =	vadd.s32 v1, v8  }
0x63: {  	v11 =	vshll.u32 v5, $0x10  }
0x64: {  	v5 =	vand.u32 $0xFFFF0000, v5;
	[tilespmem:v6+s12+$0x0] =	vst.idx.msk $0xffff, v11  }
0x65: {  	s18 =	simm.s32 $0x3570;
	v11 =	vshll.u32 v9, $0x10;
	[tilespmem:v7+s12+$0x0] =	vst.idx.msk $0xffff, v5  }
0x66: {  	v9 =	vand.u32 $0xFFFF0000, v9;
	[tilespmem:v10+s12+$0x0] =	vst.idx.msk $0xffff, v11;
	v5 =	vld [tilespmem:s18+$0xFFFFFFD0]  }
0x67: {  	[tilespmem:v12+s12+$0x0] =	vst.idx.msk $0xffff, v9  }
0x68: {  	v9 =	vld [tilespmem:s18+$0xFFFFFF90];
	_ =	sdelay $0x2  }
0x69: {  	v11 =	vshll.u32 v5, $0x10  }
0x6a: {  	v5 =	vand.u32 $0xFFFF0000, v5;
	[tilespmem:v6+s14+$0x0] =	vst.idx.msk $0xffff, v11  }
0x6b: {  	v6 =	vshll.u32 v9, $0x10;
	[tilespmem:v7+s14+$0x0] =	vst.idx.msk $0xffff, v5  }
0x6c: {  	v9 =	vand.u32 $0xFFFF0000, v9;
	[tilespmem:v10+s14+$0x0] =	vst.idx.msk $0xffff, v6;
	v5 =	vld [tilespmem:s26+$0xFFFFFFE0]  }
0x6d: {  	v7 =	vadd.s32 v2, v4;
	[tilespmem:v12+s14+$0x0] =	vst.idx.msk $0xffff, v9  }
0x6e: {  	v4 =	vadd.s32 v3, v4;
	v6 =	vld [tilespmem:s26+$0xFFFFFFA0]  }
0x6f: {  	v9 =	vadd.s32 v2, v8  }
0x70: {  	v14 =	vadd.s32 v3, v8  }
0x71: {  	v10 =	vshll.u32 v5, $0x10  }
0x72: {  	v5 =	vand.u32 $0xFFFF0000, v5;
	[tilespmem:v7+s12+$0x0] =	vst.idx.msk $0xffff, v10  }
0x73: {  	v8 =	vshll.u32 v6, $0x10;
	[tilespmem:v4+s12+$0x0] =	vst.idx.msk $0xffff, v5  }
0x74: {  	v6 =	vand.u32 $0xFFFF0000, v6;
	[tilespmem:v9+s12+$0x0] =	vst.idx.msk $0xffff, v8;
	v5 =	vld [tilespmem:s18+$0xFFFFFFE0]  }
0x75: {  	[tilespmem:v14+s12+$0x0] =	vst.idx.msk $0xffff, v6  }
0x76: {  	v10 =	vld [tilespmem:s18+$0xFFFFFFA0];
	_ =	sdelay $0x1  }
0x77: {  	s20 =	simm.s32 $0x6  }
0x78: {  	s28 =	simm.s32 $0x15F0;
	v8 =	vmov s20;
	v6 =	vshll.u32 v5, $0x10  }
0x79: {  	s4 =	simm.s32 $0x3;
	v17 =	vld [tilespmem:s28+$0xFFFFFFD0];
	v8 =	vand.u32 $0x7E, v8;
	v5 =	vand.u32 $0xFFFF0000, v5;
	[tilespmem:v7+s14+$0x0] =	vst.idx.msk $0xffff, v6  }
0x7a: {  	v18 =	vld [tilespmem:s28+$0xFFFFFF90];
	v12 =	vadd.s32 v0, v8;
	v7 =	vshll.u32 v10, $0x10;
	[tilespmem:v4+s14+$0x0] =	vst.idx.msk $0xffff, v5;
	v4 =	vmov s4  }
0x7b: {  	s30 =	simm.s32 $0x4;
	v13 =	vadd.s32 v1, v8;
	v10 =	vand.u32 $0xFFFF0000, v10;
	[tilespmem:v9+s14+$0x0] =	vst.idx.msk $0xffff, v7;
	v21 =	vld [tilespmem:s26+$0xFFFFFFF0];
	v5 =	vand.u32 $0x7F, v4  }
0x7c: {  	v4 =	vmov s30;
	[tilespmem:v14+s14+$0x0] =	vst.idx.msk $0xffff, v10;
	v6 =	vadd.s32 v0, v5  }
0x7d: {  	s20 =	simm.s32 $0x1;
	v11 =	vand.u32 $0x7C, v4;
	v7 =	vadd.s32 v1, v5;
	v14 =	vld [tilespmem:s26+$0xFFFFFFB0]  }
0x7e: {  	v15 =	vmov s20;
	v9 =	vshll.u32 v17, $0x10;
	v16 =	vadd.s32 v0, v11  }
0x7f: {  	v10 =	vand.u32 $0xFFFF0000, v17;
	[tilespmem:v12+s12+$0x0] =	vst.idx.msk $0xffff, v9;
	v4 =	vand.u32 $0x7D, v15;
	v15 =	vadd.s32 v1, v11  }
0x80: {  	s29 =	simm.s32 $0x35F0;
	v19 =	vshll.u32 v18, $0x10;
	[tilespmem:v13+s12+$0x0] =	vst.idx.msk $0xffff, v10;
	v9 =	vadd.s32 v0, v4;
	v22 =	vshll.u32 v21, $0x10  }
0x81: {  	s0 =	simm.s32 $0x8;
	v18 =	vand.u32 $0xFFFF0000, v18;
	v20 =	vld [tilespmem:s29+$0xFFFFFFD0];
	v10 =	vadd.s32 v1, v4;
	v17 =	vand.u32 $0xFFFF0000, v21;
	[tilespmem:v6+s12+$0x0] =	vst.idx.msk $0xffff, v22  }
.LBB2_5:
0x82: {  	p1 =	slt.u32 s0, $0x7C;
	v21 =	vshll.u32 v14, $0x10;
	v14 =	vand.u32 $0xFFFF0000, v14;
	[tilespmem:v7+s12+$0x0] =	vst.idx.msk $0xffff, v17  }
0x83: {  	[tilespmem:v16+s12+$0x0] =	vst.idx.msk $0xffff, v19;
	v17 =	vld [tilespmem:s18+$0xFFFFFFF0]  }
0x84: {  	[tilespmem:v15+s12+$0x0] =	vst.idx.msk $0xffff, v18  }
0x85: {  	v18 =	vld [tilespmem:s29+$0xFFFFFF90];
	[tilespmem:v9+s12+$0x0] =	vst.idx.msk $0xffff, v21  }
0x86: {  	v19 =	vshll.u32 v20, $0x10;
	[tilespmem:v10+s12+$0x0] =	vst.idx.msk $0xffff, v14  }
0x87: {  	v14 =	vand.u32 $0xFFFF0000, v20;
	[tilespmem:v12+s14+$0x0] =	vst.idx.msk $0xffff, v19;
	v12 =	vld [tilespmem:s18+$0xFFFFFFB0]  }
0x88: {  	[tilespmem:v13+s14+$0x0] =	vst.idx.msk $0xffff, v14;
	v13 =	vshll.u32 v17, $0x10  }
0x89: {  	v17 =	vand.u32 $0xFFFF0000, v17;
	v14 =	vld [tilespmem:s28+$0xFFFFFFE0];
	[tilespmem:v6+s14+$0x0] =	vst.idx.msk $0xffff, v13  }
0x8a: {  	v6 =	vshll.u32 v18, $0x10;
	v13 =	vand.u32 $0xFFFF0000, v18;
	v18 =	vadd.s32 v2, v8;
	[tilespmem:v7+s14+$0x0] =	vst.idx.msk $0xffff, v17  }
0x8b: {  	[tilespmem:v16+s14+$0x0] =	vst.idx.msk $0xffff, v6;
	v6 =	vadd.s32 v3, v8;
	v7 =	vld [tilespmem:s26+$0x0]  }
0x8c: {  	[tilespmem:v15+s14+$0x0] =	vst.idx.msk $0xffff, v13;
	v8 =	vshll.u32 v12, $0x10;
	v12 =	vand.u32 $0xFFFF0000, v12;
	v13 =	vadd.s32 v2, v5  }
0x8d: {  	v5 =	vadd.s32 v3, v5;
	v15 =	vld [tilespmem:s28+$0xFFFFFFA0];
	[tilespmem:v9+s14+$0x0] =	vst.idx.msk $0xffff, v8  }
0x8e: {  	v9 =	vadd.s32 v2, v11;
	v8 =	vshll.u32 v14, $0x10;
	[tilespmem:v10+s14+$0x0] =	vst.idx.msk $0xffff, v12  }
0x8f: {  	v10 =	vadd.s32 v3, v11;
	v11 =	vand.u32 $0xFFFF0000, v14;
	[tilespmem:v18+s12+$0x0] =	vst.idx.msk $0xffff, v8;
	v8 =	vld [tilespmem:s26+$0xFFFFFFC0];
	s26 =	smov.u32 s28  }
0x90: {  	v16 =	vadd.s32 v2, v4;
	[tilespmem:v6+s12+$0x0] =	vst.idx.msk $0xffff, v11;
	v11 =	vshll.u32 v7, $0x10  }
0x91: {  	v17 =	vadd.s32 v3, v4;
	v4 =	vand.u32 $0xFFFF0000, v7;
	v12 =	vld [tilespmem:s29+$0xFFFFFFE0];
	[tilespmem:v13+s12+$0x0] =	vst.idx.msk $0xffff, v11  }
0x92: {  	v7 =	vshll.u32 v15, $0x10;
	v11 =	vand.u32 $0xFFFF0000, v15;
	[tilespmem:v5+s12+$0x0] =	vst.idx.msk $0xffff, v4  }
0x93: {  	[tilespmem:v9+s12+$0x0] =	vst.idx.msk $0xffff, v7;
	v4 =	vld [tilespmem:s18+$0x0]  }
0x94: {  	[tilespmem:v10+s12+$0x0] =	vst.idx.msk $0xffff, v11;
	v7 =	vshll.u32 v8, $0x10;
	v8 =	vand.u32 $0xFFFF0000, v8  }
0x95: {  	v11 =	vld [tilespmem:s29+$0xFFFFFFA0];
	[tilespmem:v16+s12+$0x0] =	vst.idx.msk $0xffff, v7  }
0x96: {  	v7 =	vshll.u32 v12, $0x10;
	[tilespmem:v17+s12+$0x0] =	vst.idx.msk $0xffff, v8  }
0x97: {  	s4 =	sadd.s32 $0x2, s0;
	v8 =	vand.u32 $0xFFFF0000, v12;
	[tilespmem:v18+s14+$0x0] =	vst.idx.msk $0xffff, v7;
	v7 =	vld [tilespmem:s18+$0xFFFFFFC0];
	s18 =	smov.u32 s29  }
0x98: {  	v14 =	vmov s0;
	s28 =	sadd.s32 $0x80, s28;
	v12 =	vmov s4;
	s4 =	sadd.s32 $0x1, s30;
	[tilespmem:v6+s14+$0x0] =	vst.idx.msk $0xffff, v8;
	v6 =	vshll.u32 v4, $0x10  }
0x99: {  	v15 =	vmov s4;
	s4 =	sadd.s32 $0x3, s30;
	s30 =	smov.u32 s0;
	v8 =	vand.u32 $0x7E, v12;
	v4 =	vand.u32 $0xFFFF0000, v4;
	v20 =	vld [tilespmem:s28+$0xFFFFFFD0];
	[tilespmem:v13+s14+$0x0] =	vst.idx.msk $0xffff, v6  }
0x9a: {  	v19 =	vmov s4;
	v12 =	vadd.s32 v0, v8;
	v18 =	vld [tilespmem:s28+$0xFFFFFF90];
	v6 =	vshll.u32 v11, $0x10;
	[tilespmem:v5+s14+$0x0] =	vst.idx.msk $0xffff, v4  }
0x9b: {  	v13 =	vadd.s32 v1, v8;
	v4 =	vand.u32 $0xFFFF0000, v11;
	v5 =	vand.u32 $0x7F, v19;
	[tilespmem:v9+s14+$0x0] =	vst.idx.msk $0xffff, v6;
	v21 =	vld [tilespmem:s26+$0xFFFFFFF0]  }
0x9c: {  	v6 =	vadd.s32 v0, v5;
	[tilespmem:v10+s14+$0x0] =	vst.idx.msk $0xffff, v4;
	v9 =	vshll.u32 v7, $0x10;
	v10 =	vand.u32 $0xFFFF0000, v7  }
.Ltmp1:
0x9d: {  	v11 =	vand.u32 $0x7C, v14;
	v4 =	vand.u32 $0x7D, v15;
	v7 =	vadd.s32 v1, v5;
	v14 =	vld [tilespmem:s26+$0xFFFFFFB0];
	[tilespmem:v16+s14+$0x0] =	vst.idx.msk $0xffff, v9;
	(pc) =	sbr.rel @p1 .LBB2_5-.Ltmp1, $4  }
0x9e: {  	v15 =	vadd.s32 v1, v11;
	v16 =	vadd.s32 v0, v11;
	v9 =	vshll.u32 v20, $0x10;
	[tilespmem:v17+s14+$0x0] =	vst.idx.msk $0xffff, v10  }
0x9f: {  	v10 =	vand.u32 $0xFFFF0000, v20;
	v19 =	vshll.u32 v18, $0x10;
	v18 =	vand.u32 $0xFFFF0000, v18;
	[tilespmem:v12+s12+$0x0] =	vst.idx.msk $0xffff, v9  }
0xa0: {  	s29 =	sadd.s32 $0x80, s29;
	v9 =	vadd.s32 v0, v4;
	[tilespmem:v13+s12+$0x0] =	vst.idx.msk $0xffff, v10;
	v22 =	vshll.u32 v21, $0x10  }
0xa1: {  	s0 =	sadd.s32 $0x4, s0;
	v10 =	vadd.s32 v1, v4;
	v17 =	vand.u32 $0xFFFF0000, v21;
	v20 =	vld [tilespmem:s29+$0xFFFFFFD0];
	[tilespmem:v6+s12+$0x0] =	vst.idx.msk $0xffff, v22  }
0xa2: {  	_ =	sdelay $0x3  }
0xa3: {  	[tilespmem:v16+s12+$0x0] =	vst.idx.msk $0xffff, v19  }
0xa4: {  	[tilespmem:v15+s12+$0x0] =	vst.idx.msk $0xffff, v18  }
0xa5: {  	v18 =	vld [tilespmem:s29+$0xFFFFFF90];
	_ =	sdelay $0x2  }
0xa6: {  	v56 =	vshll.u32 v20, $0x10  }
0xa7: {  	v57 =	vand.u32 $0xFFFF0000, v20;
	[tilespmem:v12+s14+$0x0] =	vst.idx.msk $0xffff, v56  }
0xa8: {  	[tilespmem:v13+s14+$0x0] =	vst.idx.msk $0xffff, v57;
	v58 =	vshll.u32 v18, $0x10  }
0xa9: {  	v13 =	vld [tilespmem:s28+$0xFFFFFFE0];
	v18 =	vand.u32 $0xFFFF0000, v18;
	[tilespmem:v16+s14+$0x0] =	vst.idx.msk $0xffff, v58  }
0xaa: {  	v59 =	vadd.s32 v2, v8;
	[tilespmem:v15+s14+$0x0] =	vst.idx.msk $0xffff, v18  }
0xab: {  	v60 =	vadd.s32 v3, v8;
	v15 =	vld [tilespmem:s28+$0xFFFFFFA0]  }
0xac: {  	v61 =	vadd.s32 v2, v11  }
0xad: {  	v62 =	vadd.s32 v3, v11  }
0xae: {  	v63 =	vshll.u32 v13, $0x10  }
0xaf: {  	v13 =	vand.u32 $0xFFFF0000, v13;
	[tilespmem:v59+s12+$0x0] =	vst.idx.msk $0xffff, v63  }
0xb0: {  	[tilespmem:v60+s12+$0x0] =	vst.idx.msk $0xffff, v13;
	v21 =	vshll.u32 v15, $0x10  }
0xb1: {  	v18 =	vld [tilespmem:s29+$0xFFFFFFE0];
	v15 =	vand.u32 $0xFFFF0000, v15;
	[tilespmem:v61+s12+$0x0] =	vst.idx.msk $0xffff, v21  }
0xb2: {  	[tilespmem:v62+s12+$0x0] =	vst.idx.msk $0xffff, v15  }
0xb3: {  	v13 =	vld [tilespmem:s29+$0xFFFFFFA0];
	_ =	sdelay $0x2  }
0xb4: {  	v22 =	vshll.u32 v18, $0x10  }
0xb5: {  	s0 =	sadd.s32 $0x3, s30;
	v18 =	vand.u32 $0xFFFF0000, v18;
	[tilespmem:v59+s14+$0x0] =	vst.idx.msk $0xffff, v22  }
0xb6: {  	v24 =	vmov s0;
	[tilespmem:v60+s14+$0x0] =	vst.idx.msk $0xffff, v18;
	v23 =	vshll.u32 v13, $0x10  }
0xb7: {  	s4 =	sadd.s32 $0x1, s30;
	v12 =	vand.u32 $0x7F, v24;
	v13 =	vand.u32 $0xFFFF0000, v13;
	v25 =	vld [tilespmem:s28+$0xFFFFFFF0];
	[tilespmem:v61+s14+$0x0] =	vst.idx.msk $0xffff, v23  }
0xb8: {  	v26 =	vmov s4;
	v27 =	vadd.s32 v0, v12;
	[tilespmem:v62+s14+$0x0] =	vst.idx.msk $0xffff, v13  }
0xb9: {  	v28 =	vadd.s32 v1, v12;
	v15 =	vand.u32 $0x7D, v26;
	v13 =	vld [tilespmem:s28+$0xFFFFFFB0]  }
0xba: {  	v29 =	vshll.u32 v14, $0x10;
	[tilespmem:v7+s12+$0x0] =	vst.idx.msk $0xffff, v17;
	v30 =	vadd.s32 v0, v15  }
0xbb: {  	v31 =	vand.u32 $0xFFFF0000, v14;
	v32 =	vld [tilespmem:s18+$0xFFFFFFF0];
	[tilespmem:v9+s12+$0x0] =	vst.idx.msk $0xffff, v29;
	v33 =	vadd.s32 v1, v15  }
0xbc: {  	[tilespmem:v10+s12+$0x0] =	vst.idx.msk $0xffff, v31;
	v34 =	vshll.u32 v25, $0x10  }
0xbd: {  	v35 =	vld [tilespmem:s18+$0xFFFFFFB0];
	v8 =	vand.u32 $0xFFFF0000, v25;
	[tilespmem:v27+s12+$0x0] =	vst.idx.msk $0xffff, v34  }
0xbe: {  	[tilespmem:v28+s12+$0x0] =	vst.idx.msk $0xffff, v8;
	v36 =	vshll.u32 v13, $0x10  }
0xbf: {  	v37 =	vand.u32 $0xFFFF0000, v13;
	v38 =	vld [tilespmem:s29+$0xFFFFFFF0];
	[tilespmem:v30+s12+$0x0] =	vst.idx.msk $0xffff, v36  }
0xc0: {  	v39 =	vshll.u32 v32, $0x10;
	[tilespmem:v33+s12+$0x0] =	vst.idx.msk $0xffff, v37  }
0xc1: {  	v40 =	vand.u32 $0xFFFF0000, v32;
	[tilespmem:v6+s14+$0x0] =	vst.idx.msk $0xffff, v39;
	v41 =	vld [tilespmem:s29+$0xFFFFFFB0]  }
0xc2: {  	[tilespmem:v7+s14+$0x0] =	vst.idx.msk $0xffff, v40;
	v42 =	vshll.u32 v35, $0x10  }
0xc3: {  	v43 =	vand.u32 $0xFFFF0000, v35;
	[tilespmem:v9+s14+$0x0] =	vst.idx.msk $0xffff, v42;
	v8 =	vld [tilespmem:s26+$0x0]  }
0xc4: {  	v44 =	vadd.s32 v2, v5;
	[tilespmem:v10+s14+$0x0] =	vst.idx.msk $0xffff, v43;
	v45 =	vshll.u32 v38, $0x10  }
0xc5: {  	v5 =	vadd.s32 v3, v5;
	v10 =	vld [tilespmem:s26+$0xFFFFFFC0];
	v13 =	vand.u32 $0xFFFF0000, v38;
	[tilespmem:v27+s14+$0x0] =	vst.idx.msk $0xffff, v45  }
0xc6: {  	v46 =	vadd.s32 v2, v4;
	[tilespmem:v28+s14+$0x0] =	vst.idx.msk $0xffff, v13;
	v47 =	vshll.u32 v41, $0x10  }
0xc7: {  	v4 =	vadd.s32 v3, v4;
	v13 =	vld [tilespmem:s28+$0x0];
	v6 =	vand.u32 $0xFFFF0000, v41;
	[tilespmem:v30+s14+$0x0] =	vst.idx.msk $0xffff, v47  }
0xc8: {  	v49 =	vadd.s32 v2, v12;
	v48 =	vshll.u32 v8, $0x10;
	[tilespmem:v33+s14+$0x0] =	vst.idx.msk $0xffff, v6  }
0xc9: {  	v51 =	vadd.s32 v3, v12;
	v50 =	vand.u32 $0xFFFF0000, v8;
	[tilespmem:v44+s12+$0x0] =	vst.idx.msk $0xffff, v48;
	v52 =	vld [tilespmem:s28+$0xFFFFFFC0]  }
0xca: {  	v53 =	vshll.u32 v10, $0x10;
	v54 =	vadd.s32 v2, v15;
	[tilespmem:v5+s12+$0x0] =	vst.idx.msk $0xffff, v50  }
0xcb: {  	v10 =	vand.u32 $0xFFFF0000, v10;
	[tilespmem:v46+s12+$0x0] =	vst.idx.msk $0xffff, v53;
	v56 =	vadd.s32 v3, v15;
	v55 =	vld [tilespmem:s18+$0x0]  }
0xcc: {  	[tilespmem:v4+s12+$0x0] =	vst.idx.msk $0xffff, v10;
	v57 =	vshll.u32 v13, $0x10  }
0xcd: {  	v58 =	vld [tilespmem:s18+$0xFFFFFFC0];
	v13 =	vand.u32 $0xFFFF0000, v13;
	[tilespmem:v49+s12+$0x0] =	vst.idx.msk $0xffff, v57  }
0xce: {  	[tilespmem:v51+s12+$0x0] =	vst.idx.msk $0xffff, v13;
	v59 =	vshll.u32 v52, $0x10  }
0xcf: {  	v13 =	vld [tilespmem:s29+$0x0];
	v11 =	vand.u32 $0xFFFF0000, v52;
	[tilespmem:v54+s12+$0x0] =	vst.idx.msk $0xffff, v59  }
0xd0: {  	v60 =	vshll.u32 v55, $0x10;
	[tilespmem:v56+s12+$0x0] =	vst.idx.msk $0xffff, v11  }
0xd1: {  	v61 =	vand.u32 $0xFFFF0000, v55;
	[tilespmem:v44+s14+$0x0] =	vst.idx.msk $0xffff, v60;
	v62 =	vld [tilespmem:s29+$0xFFFFFFC0]  }
0xd2: {  	s18 =	sadd.s32 $0xFFFFFFFF, s17;
	[tilespmem:v5+s14+$0x0] =	vst.idx.msk $0xffff, v61;
	v5 =	vshll.u32 v58, $0x10  }
0xd3: {  	v63 =	vand.u32 $0xFFFF0000, v58;
	s4 =	sand.u32 $0x3, s18;
	[tilespmem:v46+s14+$0x0] =	vst.idx.msk $0xffff, v5  }
0xd4: {  	s0 =	sshll.u32 s18, $0x12;
	s4 =	sor.u32 s13, s4;
	[tilespmem:v4+s14+$0x0] =	vst.idx.msk $0xffff, v63;
	v4 =	vshll.u32 v13, $0x10  }
0xd5: {  	s0 =	sand.u32 $0xFFF00000, s0;
	s4 =	sshll.u32 s4, $0xA;
	v5 =	vand.u32 $0xFFFF0000, v13;
	[tilespmem:v49+s14+$0x0] =	vst.idx.msk $0xffff, v4  }
0xd6: {  	s0 =	sor.u32 s0, s4;
	[tilespmem:v51+s14+$0x0] =	vst.idx.msk $0xffff, v5;
	v4 =	vshll.u32 v62, $0x10  }
0xd7: {  	s0 =	sshrl.u32 s0, $0x3;
	v5 =	vand.u32 $0xFFFF0000, v62;
	[tilespmem:v54+s14+$0x0] =	vst.idx.msk $0xffff, v4  }
0xd8: {  	s20 =	simm.s32 $0x6700;
	s4 =	sadd.s32 s1, s0;
	[tilespmem:v56+s14+$0x0] =	vst.idx.msk $0xffff, v5  }
0xd9: {  	[hbm4b:s4+s3] =	stream.linear.scatter [tilespmem:s20], [sflag:$0x6], $0x80, $0x38;
	[tilespmem:$0xCD00] =	vst v63  }
0xda: {  	s26 =	simm.s32 $0x6788;
	s20 =	sadd.s32 $0x10, s4  }
0xdb: {  	[hbm4b:s20+s3] =	stream.linear.scatter [tilespmem:s26], [sflag:$0x6], $0x80, $0x38;
	[tilespmem:$0xCD00] =	vst v63  }
0xdc: {  	s26 =	simm.s32 $0x6810;
	s20 =	sadd.s32 $0x20, s4  }
0xdd: {  	[hbm4b:s20+s3] =	stream.linear.scatter [tilespmem:s26], [sflag:$0x6], $0x80, $0x38;
	[tilespmem:$0xCD00] =	vst v63  }
0xde: {  	s26 =	simm.s32 $0x6898;
	s20 =	sadd.s32 $0x30, s4  }
0xdf: {  	[hbm4b:s20+s3] =	stream.linear.scatter [tilespmem:s26], [sflag:$0x6], $0x80, $0x38;
	[tilespmem:$0xCD00] =	vst v63  }
0xe0: {  	s26 =	simm.s32 $0x6920;
	s20 =	sadd.s32 $0x40, s4  }
0xe1: {  	[hbm4b:s20+s3] =	stream.linear.scatter [tilespmem:s26], [sflag:$0x6], $0x80, $0x38;
	[tilespmem:$0xCD00] =	vst v63  }
0xe2: {  	s18 =	simm.s32 $0x440;
	s26 =	simm.s32 $0x69A8;
	s20 =	sadd.s32 $0x50, s4  }
0xe3: {  	[hbm4b:s20+s3] =	stream.linear.scatter [tilespmem:s26], [sflag:$0x6], $0x80, $0x38;
	[tilespmem:$0xCD00] =	vst v63  }
0xe4: {  	s28 =	simm.s32 $0x2200;
	s26 =	simm.s32 $0x6A30;
	s20 =	sadd.s32 $0x60, s4  }
0xe5: {  	[hbm4b:s20+s3] =	stream.linear.scatter [tilespmem:s26], [sflag:$0x6], $0x80, $0x38;
	[tilespmem:$0xCD00] =	vst v63  }
0xe6: {  	s30 =	sadd.s32 $0x70, s4;
	s29 =	simm.s32 $0x6AB8;
	s26 =	sadd.s32 $0x4000, s4  }
.LBB2_7:
0xe7: {  	[hbm4b:s30+s3] =	stream.linear.scatter [tilespmem:s29], [sflag:$0x6], $0x80, $0x38;
	[tilespmem:$0xCD00] =	vst v63  }
0xe8: {  	s4 =	smov.u32 s18;
	s18 =	smov.u32 s28  }
0xe9: {  	s20 =	sadd.s32 $0x1100, s28;
	s18 =	sshra.s32 s18, $0x2;
	s29 =	sadd.s32 $0x6700, s4  }
0xea: {  	[hbm4b:s26+s3] =	stream.linear.scatter [tilespmem:s29], [sflag:$0x6], $0x80, $0x38;
	[tilespmem:$0xCD00] =	vst v63  }
0xeb: {  	p1 =	sne.s32 s28, $0x7700;
	s28 =	sadd.s32 $0x6788, s4;
	s29 =	sadd.s32 $0x10, s26  }
0xec: {  	[hbm4b:s29+s3] =	stream.linear.scatter [tilespmem:s28], [sflag:$0x6], $0x80, $0x38;
	[tilespmem:$0xCD00] =	vst v63  }
0xed: {  	s28 =	sadd.s32 $0x6810, s4;
	s29 =	sadd.s32 $0x20, s26  }
0xee: {  	[hbm4b:s29+s3] =	stream.linear.scatter [tilespmem:s28], [sflag:$0x6], $0x80, $0x38;
	[tilespmem:$0xCD00] =	vst v63  }
0xef: {  	s28 =	sadd.s32 $0x6898, s4;
	s29 =	sadd.s32 $0x30, s26  }
0xf0: {  	[hbm4b:s29+s3] =	stream.linear.scatter [tilespmem:s28], [sflag:$0x6], $0x80, $0x38;
	[tilespmem:$0xCD00] =	vst v63  }
0xf1: {  	s28 =	sadd.s32 $0x6920, s4;
	s29 =	sadd.s32 $0x40, s26  }
0xf2: {  	[hbm4b:s29+s3] =	stream.linear.scatter [tilespmem:s28], [sflag:$0x6], $0x80, $0x38;
	[tilespmem:$0xCD00] =	vst v63  }
.Ltmp2:
0xf3: {  	s28 =	sadd.s32 $0x69A8, s4;
	s29 =	sadd.s32 $0x50, s26;
	(pc) =	sbr.rel @p1 .LBB2_7-.Ltmp2, $4  }
0xf4: {  	[hbm4b:s29+s3] =	stream.linear.scatter [tilespmem:s28], [sflag:$0x6], $0x80, $0x38;
	[tilespmem:$0xCD00] =	vst v63  }
0xf5: {  	s30 =	sadd.s32 $0x70, s26;
	s28 =	sadd.s32 $0x6A30, s4;
	s29 =	sadd.s32 $0x60, s26  }
0xf6: {  	[hbm4b:s29+s3] =	stream.linear.scatter [tilespmem:s28], [sflag:$0x6], $0x80, $0x38;
	[tilespmem:$0xCD00] =	vst v63  }
0xf7: {  	s26 =	sadd.s32 $0x4000, s26;
	s29 =	sadd.s32 $0x6AB8, s4;
	s28 =	smov.u32 s20  }
0xf8: {  	[hbm4b:s30+s3] =	stream.linear.scatter [tilespmem:s29], [sflag:$0x6], $0x80, $0x38;
	[tilespmem:$0xCD00] =	vst v63  }
0xf9: {  	s4 =	sadd.s32 $0x6700, s18  }
0xfa: {  	[hbm4b:s26+s3] =	stream.linear.scatter [tilespmem:s4], [sflag:$0x6], $0x80, $0x38;
	[tilespmem:$0xCD00] =	vst v63  }
0xfb: {  	s30 =	sadd.s32 $0x6788, s18;
	s20 =	sadd.s32 $0x10, s26  }
0xfc: {  	[hbm4b:s20+s3] =	stream.linear.scatter [tilespmem:s30], [sflag:$0x6], $0x80, $0x38;
	[tilespmem:$0xCD00] =	vst v63  }
0xfd: {  	s20 =	sadd.s32 $0x6810, s18;
	s30 =	sadd.s32 $0x20, s26  }
0xfe: {  	[hbm4b:s30+s3] =	stream.linear.scatter [tilespmem:s20], [sflag:$0x6], $0x80, $0x38;
	[tilespmem:$0xCD00] =	vst v63  }
0xff: {  	s20 =	sadd.s32 $0x6898, s18;
	s30 =	sadd.s32 $0x30, s26  }
0x100: {  	[hbm4b:s30+s3] =	stream.linear.scatter [tilespmem:s20], [sflag:$0x6], $0x80, $0x38;
	[tilespmem:$0xCD00] =	vst v63  }
0x101: {  	s20 =	sadd.s32 $0x6920, s18;
	s30 =	sadd.s32 $0x40, s26  }
0x102: {  	[hbm4b:s30+s3] =	stream.linear.scatter [tilespmem:s20], [sflag:$0x6], $0x80, $0x38;
	[tilespmem:$0xCD00] =	vst v63  }
0x103: {  	s20 =	sadd.s32 $0x69A8, s18;
	s30 =	sadd.s32 $0x50, s26  }
0x104: {  	[hbm4b:s30+s3] =	stream.linear.scatter [tilespmem:s20], [sflag:$0x6], $0x80, $0x38;
	[tilespmem:$0xCD00] =	vst v63  }
0x105: {  	s20 =	sadd.s32 $0x6A30, s18;
	s30 =	sadd.s32 $0x60, s26  }
0x106: {  	[hbm4b:s30+s3] =	stream.linear.scatter [tilespmem:s20], [sflag:$0x6], $0x80, $0x38;
	[tilespmem:$0xCD00] =	vst v63  }
0x107: {  	s26 =	sadd.s32 $0x70, s26;
	s20 =	sadd.s32 $0x6AB8, s18  }
0x108: {  	[hbm4b:s26+s3] =	stream.linear.scatter [tilespmem:s20], [sflag:$0x6], $0x80, $0x38;
	[tilespmem:$0xCD00] =	vst v63  }
0x109: {  	s4 =	sadd.s32 s2, s0;
	s30 =	simm.s32 $0xAB00  }
0x10a: {  	[hbm4b:s4+s3] =	stream.linear.scatter [tilespmem:s30], [sflag:$0x6], $0x80, $0x38;
	[tilespmem:$0xCD00] =	vst v63  }
0x10b: {  	s18 =	simm.s32 $0xAB88;
	s20 =	sadd.s32 $0x10, s4  }
0x10c: {  	[hbm4b:s20+s3] =	stream.linear.scatter [tilespmem:s18], [sflag:$0x6], $0x80, $0x38;
	[tilespmem:$0xCD00] =	vst v63  }
0x10d: {  	s26 =	simm.s32 $0xAC10;
	s30 =	sadd.s32 $0x20, s4  }
0x10e: {  	[hbm4b:s30+s3] =	stream.linear.scatter [tilespmem:s26], [sflag:$0x6], $0x80, $0x38;
	[tilespmem:$0xCD00] =	vst v63  }
0x10f: {  	s18 =	simm.s32 $0xAC98;
	s20 =	sadd.s32 $0x30, s4  }
0x110: {  	[hbm4b:s20+s3] =	stream.linear.scatter [tilespmem:s18], [sflag:$0x6], $0x80, $0x38;
	[tilespmem:$0xCD00] =	vst v63  }
0x111: {  	s26 =	simm.s32 $0xAD20;
	s30 =	sadd.s32 $0x40, s4  }
0x112: {  	[hbm4b:s30+s3] =	stream.linear.scatter [tilespmem:s26], [sflag:$0x6], $0x80, $0x38;
	[tilespmem:$0xCD00] =	vst v63  }
0x113: {  	s28 =	simm.s32 $0xAEB8;
	s18 =	simm.s32 $0xADA8;
	s20 =	sadd.s32 $0x50, s4  }
0x114: {  	[hbm4b:s20+s3] =	stream.linear.scatter [tilespmem:s18], [sflag:$0x6], $0x80, $0x38;
	[tilespmem:$0xCD00] =	vst v63  }
0x115: {  	s0 =	simm.s32 $0x440;
	s26 =	simm.s32 $0xAE30;
	s30 =	sadd.s32 $0x60, s4  }
0x116: {  	[hbm4b:s30+s3] =	stream.linear.scatter [tilespmem:s26], [sflag:$0x6], $0x80, $0x38;
	[tilespmem:$0xCD00] =	vst v63  }
0x117: {  	s29 =	sadd.s32 $0x70, s4;
	s18 =	sadd.s32 $0x4000, s4;
	s26 =	simm.s32 $0x2200  }
.LBB2_9:
0x118: {  	[hbm4b:s29+s3] =	stream.linear.scatter [tilespmem:s28], [sflag:$0x6], $0x80, $0x38;
	[tilespmem:$0xCD00] =	vst v63  }
0x119: {  	s4 =	smov.u32 s0;
	s0 =	smov.u32 s26  }
0x11a: {  	s20 =	sadd.s32 $0x1100, s26;
	s0 =	sshra.s32 s0, $0x2;
	s28 =	sadd.s32 $0xAB00, s4  }
0x11b: {  	[hbm4b:s18+s3] =	stream.linear.scatter [tilespmem:s28], [sflag:$0x6], $0x80, $0x38;
	[tilespmem:$0xCD00] =	vst v63  }
0x11c: {  	p1 =	sne.s32 s26, $0x7700;
	s26 =	sadd.s32 $0xAB88, s4;
	s28 =	sadd.s32 $0x10, s18  }
0x11d: {  	[hbm4b:s28+s3] =	stream.linear.scatter [tilespmem:s26], [sflag:$0x6], $0x80, $0x38;
	[tilespmem:$0xCD00] =	vst v63  }
0x11e: {  	s26 =	sadd.s32 $0xAC10, s4;
	s28 =	sadd.s32 $0x20, s18  }
0x11f: {  	[hbm4b:s28+s3] =	stream.linear.scatter [tilespmem:s26], [sflag:$0x6], $0x80, $0x38;
	[tilespmem:$0xCD00] =	vst v63  }
0x120: {  	s26 =	sadd.s32 $0xAC98, s4;
	s28 =	sadd.s32 $0x30, s18  }
0x121: {  	[hbm4b:s28+s3] =	stream.linear.scatter [tilespmem:s26], [sflag:$0x6], $0x80, $0x38;
	[tilespmem:$0xCD00] =	vst v63  }
0x122: {  	s26 =	sadd.s32 $0xAD20, s4;
	s28 =	sadd.s32 $0x40, s18  }
0x123: {  	[hbm4b:s28+s3] =	stream.linear.scatter [tilespmem:s26], [sflag:$0x6], $0x80, $0x38;
	[tilespmem:$0xCD00] =	vst v63  }
.Ltmp3:
0x124: {  	s26 =	sadd.s32 $0xADA8, s4;
	s28 =	sadd.s32 $0x50, s18;
	(pc) =	sbr.rel @p1 .LBB2_9-.Ltmp3, $4  }
0x125: {  	[hbm4b:s28+s3] =	stream.linear.scatter [tilespmem:s26], [sflag:$0x6], $0x80, $0x38;
	[tilespmem:$0xCD00] =	vst v63  }
0x126: {  	s29 =	sadd.s32 $0x70, s18;
	s26 =	sadd.s32 $0xAE30, s4;
	s28 =	sadd.s32 $0x60, s18  }
0x127: {  	[hbm4b:s28+s3] =	stream.linear.scatter [tilespmem:s26], [sflag:$0x6], $0x80, $0x38;
	[tilespmem:$0xCD00] =	vst v63  }
0x128: {  	s18 =	sadd.s32 $0x4000, s18;
	s28 =	sadd.s32 $0xAEB8, s4;
	s26 =	smov.u32 s20  }
0x129: {  	[hbm4b:s29+s3] =	stream.linear.scatter [tilespmem:s28], [sflag:$0x6], $0x80, $0x38;
	[tilespmem:$0xCD00] =	vst v63  }
0x12a: {  	s4 =	sadd.s32 $0xAB00, s0  }
0x12b: {  	[hbm4b:s18+s3] =	stream.linear.scatter [tilespmem:s4], [sflag:$0x6], $0x80, $0x38;
	[tilespmem:$0xCD00] =	vst v63  }
0x12c: {  	s30 =	sadd.s32 $0xAB88, s0;
	s20 =	sadd.s32 $0x10, s18  }
0x12d: {  	[hbm4b:s20+s3] =	stream.linear.scatter [tilespmem:s30], [sflag:$0x6], $0x80, $0x38;
	[tilespmem:$0xCD00] =	vst v63  }
0x12e: {  	s26 =	sadd.s32 $0xAC10, s0;
	s28 =	sadd.s32 $0x20, s18  }
0x12f: {  	[hbm4b:s28+s3] =	stream.linear.scatter [tilespmem:s26], [sflag:$0x6], $0x80, $0x38;
	[tilespmem:$0xCD00] =	vst v63  }
0x130: {  	s29 =	sadd.s32 $0xAC98, s0;
	s30 =	sadd.s32 $0x30, s18  }
0x131: {  	[hbm4b:s30+s3] =	stream.linear.scatter [tilespmem:s29], [sflag:$0x6], $0x80, $0x38;
	[tilespmem:$0xCD00] =	vst v63  }
0x132: {  	s26 =	sadd.s32 $0xAD20, s0;
	s28 =	sadd.s32 $0x40, s18  }
0x133: {  	[hbm4b:s28+s3] =	stream.linear.scatter [tilespmem:s26], [sflag:$0x6], $0x80, $0x38;
	[tilespmem:$0xCD00] =	vst v63  }
0x134: {  	s29 =	sadd.s32 $0xADA8, s0;
	s30 =	sadd.s32 $0x50, s18  }
0x135: {  	[hbm4b:s30+s3] =	stream.linear.scatter [tilespmem:s29], [sflag:$0x6], $0x80, $0x38;
	[tilespmem:$0xCD00] =	vst v63  }
.Ltmp4:
0x136: {  	_ = 	snop;
	(pc) =	sbr.rel .LBB2_11-.Ltmp4, $4  }
0x137: {  	s26 =	sadd.s32 $0xAE30, s0;
	s28 =	sadd.s32 $0x60, s18  }
0x138: {  	[hbm4b:s28+s3] =	stream.linear.scatter [tilespmem:s26], [sflag:$0x6], $0x80, $0x38;
	[tilespmem:$0xCD00] =	vst v63  }
0x139: {  	p1 =	por $0x0, $0x0;
	s29 =	sadd.s32 $0xAEB8, s0;
	s30 =	sadd.s32 $0x70, s18  }
0x13a: {  	[hbm4b:s30+s3] =	stream.linear.scatter [tilespmem:s29], [sflag:$0x6], $0x80, $0x38;
	[tilespmem:$0xCD00] =	vst v63  }
.LBB2_3:
0x13b: {  	s0 =	simm.s32 $0x300;
	s4 =	simm.s32 $0x500  }
0x13c: {  	[tilespmem:s4], [sflag:$0x3] =	stream.indirect.gather [hbm4b:s8+s22], $0x20, s0, s22, $0xb8;
	[tilespmem:$0xCD00] =	vst v63  }
0x13d: {  	s29 =	simm.s32 $0x400;
	s30 =	simm.s32 $0x2500;
	p1 =	por $0x1, $0x1  }
0x13e: {  	[tilespmem:s30], [sflag:$0x3] =	stream.indirect.gather [hbm4b:s9+s22], $0x20, s29, s22, $0xb8;
	[tilespmem:$0xCD00] =	vst v63  }
.LBB2_11:
0x13f: {  	_ =	swait.ge [sflag:s31], $0x80  }
0x140: {  	[sflag:s31] =	ssyncset.done $0x0  }
0x141: {  	[sflag:s31] =	ssyncadd.s32 $0xFFFFFF80  }
0x142: {  	_ =	swait.ge [sflag:s31], $0x80  }
0x143: {  	[sflag:s31] =	ssyncset.done $0x0  }
0x144: {  	[sflag:s31] =	ssyncadd.s32 $0xFFFFFF80  }
0x145: {  	_ =	swait.ge [sflag:s31], $0x80  }
0x146: {  	[sflag:s31] =	ssyncset.done $0x0  }
0x147: {  	[sflag:s31] =	ssyncadd.s32 $0xFFFFFF80  }
0x148: {  	v4 =	vld [tilespmem:$0x80]  }
0x149: {  	v5 =	vld [tilespmem:$0x180]  }
0x14a: {  	v6 =	vld [tilespmem:$0x280]  }
0x14b: {  	v7 =	vld [tilespmem:$0x90]  }
0x14c: {  	v8 =	vld [tilespmem:$0x190]  }
0x14d: {  	v9 =	vld [tilespmem:$0x290]  }
0x14e: {  	v10 =	vld [tilespmem:$0xA0]  }
0x14f: {  	v11 =	vld [tilespmem:$0x1A0]  }
0x150: {  	v12 =	vld [tilespmem:$0x2A0]  }
0x151: {  	v13 =	vld [tilespmem:$0xB0]  }
0x152: {  	v14 =	vld [tilespmem:$0x1B0]  }
0x153: {  	v15 =	vld [tilespmem:$0x2B0]  }
0x154: {  	v16 =	vld [tilespmem:$0xC0];
	v4 =	vmul.u32 $0x3E8, v4  }
0x155: {  	[tilespmem:$0x480] =	vst v6;
	v6 =	vmul.u32 $0x3E8, v10;
	v10 =	vld [tilespmem:$0x2D0]  }
0x156: {  	[tilespmem:$0x4A0] =	vst v12;
	v12 =	vld [tilespmem:$0x1E0];
	v4 =	vadd.s32 v5, v4;
	v5 =	vmul.u32 $0x3E8, v7  }
0x157: {  	v7 =	vld [tilespmem:$0x1C0]  }
0x158: {  	[tilespmem:$0x490] =	vst v9;
	v5 =	vadd.s32 v8, v5;
	v8 =	vld [tilespmem:$0xD0]  }
0x159: {  	v9 =	vmul.u32 $0x3E8, v13;
	[tilespmem:$0x380] =	vst v4;
	v4 =	vld [tilespmem:$0x2C0]  }
0x15a: {  	v6 =	vadd.s32 v11, v6;
	[tilespmem:$0x390] =	vst v5;
	v5 =	vld [tilespmem:$0x1D0]  }
0x15b: {  	v9 =	vadd.s32 v14, v9;
	v11 =	vmul.u32 $0x3E8, v16;
	[tilespmem:$0x3A0] =	vst v6;
	v6 =	vld [tilespmem:$0xE0]  }
0x15c: {  	[tilespmem:$0x3B0] =	vst v9;
	v9 =	vld [tilespmem:$0xF0]  }
0x15d: {  	[tilespmem:$0x4B0] =	vst v15;
	v7 =	vadd.s32 v7, v11;
	v11 =	vld [tilespmem:$0x2E0];
	v8 =	vmul.u32 $0x3E8, v8  }
0x15e: {  	[tilespmem:$0x3C0] =	vst v7;
	v7 =	vld [tilespmem:$0x1F0]  }
0x15f: {  	[tilespmem:$0x4C0] =	vst v4;
	v4 =	vadd.s32 v5, v8  }
0x160: {  	s0 =	sadd.s32 @!p0 $0x3, s17;
	v5 =	vmul.u32 $0x3E8, v6;
	[tilespmem:$0x3D0] =	vst v4;
	v4 =	vld [tilespmem:$0x2F0]  }
0x161: {  	s4 =	sand.u32 @!p0 $0x3, s0;
	[tilespmem:$0x4D0] =	vst v10;
	v6 =	vmul.u32 $0x3E8, v9  }
0x162: {  	s0 =	sshll.u32 @!p0 s0, $0x9;
	s4 =	sor.u32 @!p0 s13, s4;
	[tilespmem:$0x4E0] =	vst v11;
	v5 =	vadd.s32 v12, v5  }
0x163: {  	s0 =	sand.u32 @!p0 $0x3F800, s0;
	s4 =	sshll.u32 @!p0 s4, $0x4;
	[tilespmem:$0x3E0] =	vst v5;
	v5 =	vadd.s32 v7, v6  }
0x164: {  	s0 =	sor.u32 @!p0 s0, s4;
	[tilespmem:$0x3F0] =	vst v5  }
0x165: {  	s18 =	simm.s32 @!p0 $0x0;
	s20 =	simm.s32 @!p0 $0x80;
	s4 =	sadd.s32 @!p0 s5, s0;
	[tilespmem:$0x4F0] =	vst v4  }
0x166: {  	[tilespmem:s20], [sflag:$0x2] =	stream.linear.gather @!p0 [hbm4b:s4+s18], $0x80, $0x38;
	[tilespmem:$0xCD00] =	vst v63  }
0x167: {  	s4 =	sadd.s32 @!p0 s6, s0;
	s20 =	simm.s32 @!p0 $0x180  }
0x168: {  	[tilespmem:s20], [sflag:$0x2] =	stream.linear.gather @!p0 [hbm4b:s4+s18], $0x80, $0x38;
	[tilespmem:$0xCD00] =	vst v63  }
0x169: {  	s0 =	sadd.s32 @!p0 s7, s0;
	s4 =	simm.s32 @!p0 $0x280  }
0x16a: {  	[tilespmem:s4], [sflag:$0x2] =	stream.linear.gather @!p0 [hbm4b:s0+s18], $0x80, $0x38;
	[tilespmem:$0xCD00] =	vst v63  }
0x16b: {  	p0 =	por p0, !p1  }
0x16c: {  	_ =	swait.ge @p0 [sflag:s16], $0x2000  }
0x16d: {  	[sflag:s16] =	ssyncset.done @p0 $0x0  }
0x16e: {  	[sflag:s16] =	ssyncadd.s32 @p0 $0xFFFFE000  }
0x16f: {  	_ =	swait.ge @p0 [sflag:s16], $0x2000  }
0x170: {  	[sflag:s16] =	ssyncset.done @p0 $0x0  }
0x171: {  	s26 =	simm.s32 $0x1500;
	s20 =	simm.s32 $0x380;
	[sflag:s16] =	ssyncadd.s32 @p0 $0xFFFFE000  }
0x172: {  	[tilespmem:s26], [sflag:$0x4] =	stream.indirect.gather [hbm4b:s8+s22], $0x20, s20, s22, $0xb8;
	[tilespmem:$0xCD00] =	vst v63  }
0x173: {  	s4 =	simm.s32 $0x480  }
0x174: {  	[tilespmem:s21], [sflag:$0x4] =	stream.indirect.gather [hbm4b:s9+s22], $0x20, s4, s22, $0xb8;
	[tilespmem:$0xCD00] =	vst v63  }
0x175: {  	_ =	swait.ge [sflag:s23], $0x1000  }
0x176: {  	[sflag:s23] =	ssyncset.done $0x0  }
0x177: {  	[sflag:s23] =	ssyncadd.s32 $0xFFFFF000  }
0x178: {  	_ =	swait.ge [sflag:s23], $0x1000  }
0x179: {  	s18 =	simm.s32 $0x2;
	[sflag:s23] =	ssyncset.done $0x0  }
0x17a: {  	v4 =	vmov s18;
	s26 =	simm.s32 $0x540;
	[sflag:s23] =	ssyncadd.s32 $0xFFFFF000  }
0x17b: {  	v4 =	vand.u32 $0x7E, v4;
	s20 =	simm.s32 $0x0;
	v5 =	vld [tilespmem:s26+$0x0]  }
0x17c: {  	v6 =	vadd.s32 v0, v4;
	v8 =	vmov s20  }
0x17d: {  	v7 =	vadd.s32 v1, v4;
	v8 =	vand.u32 $0x7C, v8;
	v9 =	vld [tilespmem:s26+$0xFFFFFFC0]  }
0x17e: {  	v10 =	vadd.s32 v0, v8  }
0x17f: {  	v12 =	vadd.s32 v1, v8  }
0x180: {  	v11 =	vshll.u32 v5, $0x10  }
0x181: {  	v5 =	vand.u32 $0xFFFF0000, v5;
	[tilespmem:v6+s24+$0x0] =	vst.idx.msk $0xffff, v11  }
0x182: {  	s18 =	simm.s32 $0x2540;
	v11 =	vshll.u32 v9, $0x10;
	[tilespmem:v7+s24+$0x0] =	vst.idx.msk $0xffff, v5  }
0x183: {  	v9 =	vand.u32 $0xFFFF0000, v9;
	[tilespmem:v10+s24+$0x0] =	vst.idx.msk $0xffff, v11;
	v5 =	vld [tilespmem:s18+$0x0]  }
0x184: {  	[tilespmem:v12+s24+$0x0] =	vst.idx.msk $0xffff, v9  }
0x185: {  	v9 =	vld [tilespmem:s18+$0xFFFFFFC0];
	_ =	sdelay $0x2  }
0x186: {  	v11 =	vshll.u32 v5, $0x10  }
0x187: {  	v5 =	vand.u32 $0xFFFF0000, v5;
	[tilespmem:v6+s10+$0x0] =	vst.idx.msk $0xffff, v11  }
0x188: {  	v6 =	vshll.u32 v9, $0x10;
	[tilespmem:v7+s10+$0x0] =	vst.idx.msk $0xffff, v5  }
0x189: {  	v9 =	vand.u32 $0xFFFF0000, v9;
	[tilespmem:v10+s10+$0x0] =	vst.idx.msk $0xffff, v6;
	v5 =	vld [tilespmem:s26+$0x10]  }
0x18a: {  	v7 =	vadd.s32 v2, v4;
	[tilespmem:v12+s10+$0x0] =	vst.idx.msk $0xffff, v9  }
0x18b: {  	v4 =	vadd.s32 v3, v4;
	v6 =	vld [tilespmem:s26+$0xFFFFFFD0]  }
0x18c: {  	v9 =	vadd.s32 v2, v8  }
0x18d: {  	v14 =	vadd.s32 v3, v8  }
0x18e: {  	v10 =	vshll.u32 v5, $0x10  }
0x18f: {  	v5 =	vand.u32 $0xFFFF0000, v5;
	[tilespmem:v7+s24+$0x0] =	vst.idx.msk $0xffff, v10  }
0x190: {  	v8 =	vshll.u32 v6, $0x10;
	[tilespmem:v4+s24+$0x0] =	vst.idx.msk $0xffff, v5  }
0x191: {  	v6 =	vand.u32 $0xFFFF0000, v6;
	[tilespmem:v9+s24+$0x0] =	vst.idx.msk $0xffff, v8;
	v5 =	vld [tilespmem:s18+$0x10]  }
0x192: {  	[tilespmem:v14+s24+$0x0] =	vst.idx.msk $0xffff, v6  }
0x193: {  	v10 =	vld [tilespmem:s18+$0xFFFFFFD0];
	_ =	sdelay $0x1  }
0x194: {  	s4 =	simm.s32 $0x6  }
0x195: {  	s28 =	simm.s32 $0x5C0;
	v8 =	vmov s4;
	v6 =	vshll.u32 v5, $0x10  }
0x196: {  	s20 =	simm.s32 $0x3;
	v17 =	vld [tilespmem:s28+$0x0];
	v8 =	vand.u32 $0x7E, v8;
	v5 =	vand.u32 $0xFFFF0000, v5;
	[tilespmem:v7+s10+$0x0] =	vst.idx.msk $0xffff, v6  }
0x197: {  	v18 =	vld [tilespmem:s28+$0xFFFFFFC0];
	v12 =	vadd.s32 v0, v8;
	v7 =	vshll.u32 v10, $0x10;
	[tilespmem:v4+s10+$0x0] =	vst.idx.msk $0xffff, v5;
	v4 =	vmov s20  }
0x198: {  	s30 =	simm.s32 $0x4;
	v13 =	vadd.s32 v1, v8;
	v10 =	vand.u32 $0xFFFF0000, v10;
	[tilespmem:v9+s10+$0x0] =	vst.idx.msk $0xffff, v7;
	v21 =	vld [tilespmem:s26+$0x20];
	v5 =	vand.u32 $0x7F, v4  }
0x199: {  	v4 =	vmov s30;
	[tilespmem:v14+s10+$0x0] =	vst.idx.msk $0xffff, v10;
	v6 =	vadd.s32 v0, v5  }
0x19a: {  	s4 =	simm.s32 $0x1;
	v11 =	vand.u32 $0x7C, v4;
	v7 =	vadd.s32 v1, v5;
	v14 =	vld [tilespmem:s26+$0xFFFFFFE0]  }
0x19b: {  	v15 =	vmov s4;
	v9 =	vshll.u32 v17, $0x10;
	v16 =	vadd.s32 v0, v11  }
0x19c: {  	v10 =	vand.u32 $0xFFFF0000, v17;
	[tilespmem:v12+s24+$0x0] =	vst.idx.msk $0xffff, v9;
	v4 =	vand.u32 $0x7D, v15;
	v15 =	vadd.s32 v1, v11  }
0x19d: {  	s29 =	simm.s32 $0x25C0;
	v19 =	vshll.u32 v18, $0x10;
	s20 =	sand.u32 $0x2, s17;
	[tilespmem:v13+s24+$0x0] =	vst.idx.msk $0xffff, v10;
	v9 =	vadd.s32 v0, v4;
	v22 =	vshll.u32 v21, $0x10  }
0x19e: {  	s0 =	simm.s32 $0x8;
	v18 =	vand.u32 $0xFFFF0000, v18;
	s17 =	sor.u32 s13, s20;
	v20 =	vld [tilespmem:s29+$0x0];
	v10 =	vadd.s32 v1, v4;
	v17 =	vand.u32 $0xFFFF0000, v21;
	[tilespmem:v6+s24+$0x0] =	vst.idx.msk $0xffff, v22  }
.LBB2_12:
0x19f: {  	p0 =	slt.u32 s0, $0x7C;
	v21 =	vshll.u32 v14, $0x10;
	v14 =	vand.u32 $0xFFFF0000, v14;
	[tilespmem:v7+s24+$0x0] =	vst.idx.msk $0xffff, v17  }
0x1a0: {  	[tilespmem:v16+s24+$0x0] =	vst.idx.msk $0xffff, v19;
	v17 =	vld [tilespmem:s18+$0x20]  }
0x1a1: {  	[tilespmem:v15+s24+$0x0] =	vst.idx.msk $0xffff, v18  }
0x1a2: {  	v18 =	vld [tilespmem:s29+$0xFFFFFFC0];
	[tilespmem:v9+s24+$0x0] =	vst.idx.msk $0xffff, v21  }
0x1a3: {  	v19 =	vshll.u32 v20, $0x10;
	[tilespmem:v10+s24+$0x0] =	vst.idx.msk $0xffff, v14  }
0x1a4: {  	v14 =	vand.u32 $0xFFFF0000, v20;
	[tilespmem:v12+s10+$0x0] =	vst.idx.msk $0xffff, v19;
	v12 =	vld [tilespmem:s18+$0xFFFFFFE0]  }
0x1a5: {  	[tilespmem:v13+s10+$0x0] =	vst.idx.msk $0xffff, v14;
	v13 =	vshll.u32 v17, $0x10  }
0x1a6: {  	v17 =	vand.u32 $0xFFFF0000, v17;
	v14 =	vld [tilespmem:s28+$0x10];
	[tilespmem:v6+s10+$0x0] =	vst.idx.msk $0xffff, v13  }
0x1a7: {  	v6 =	vshll.u32 v18, $0x10;
	v13 =	vand.u32 $0xFFFF0000, v18;
	v18 =	vadd.s32 v2, v8;
	[tilespmem:v7+s10+$0x0] =	vst.idx.msk $0xffff, v17  }
0x1a8: {  	[tilespmem:v16+s10+$0x0] =	vst.idx.msk $0xffff, v6;
	v6 =	vadd.s32 v3, v8;
	v7 =	vld [tilespmem:s26+$0x30]  }
0x1a9: {  	[tilespmem:v15+s10+$0x0] =	vst.idx.msk $0xffff, v13;
	v8 =	vshll.u32 v12, $0x10;
	v12 =	vand.u32 $0xFFFF0000, v12;
	v13 =	vadd.s32 v2, v5  }
0x1aa: {  	v5 =	vadd.s32 v3, v5;
	v15 =	vld [tilespmem:s28+$0xFFFFFFD0];
	[tilespmem:v9+s10+$0x0] =	vst.idx.msk $0xffff, v8  }
0x1ab: {  	v9 =	vadd.s32 v2, v11;
	v8 =	vshll.u32 v14, $0x10;
	[tilespmem:v10+s10+$0x0] =	vst.idx.msk $0xffff, v12  }
0x1ac: {  	v10 =	vadd.s32 v3, v11;
	v11 =	vand.u32 $0xFFFF0000, v14;
	[tilespmem:v18+s24+$0x0] =	vst.idx.msk $0xffff, v8;
	v8 =	vld [tilespmem:s26+$0xFFFFFFF0];
	s26 =	smov.u32 s28  }
0x1ad: {  	v16 =	vadd.s32 v2, v4;
	[tilespmem:v6+s24+$0x0] =	vst.idx.msk $0xffff, v11;
	v11 =	vshll.u32 v7, $0x10  }
0x1ae: {  	v17 =	vadd.s32 v3, v4;
	v4 =	vand.u32 $0xFFFF0000, v7;
	v12 =	vld [tilespmem:s29+$0x10];
	[tilespmem:v13+s24+$0x0] =	vst.idx.msk $0xffff, v11  }
0x1af: {  	v7 =	vshll.u32 v15, $0x10;
	v11 =	vand.u32 $0xFFFF0000, v15;
	[tilespmem:v5+s24+$0x0] =	vst.idx.msk $0xffff, v4  }
0x1b0: {  	[tilespmem:v9+s24+$0x0] =	vst.idx.msk $0xffff, v7;
	v4 =	vld [tilespmem:s18+$0x30]  }
0x1b1: {  	[tilespmem:v10+s24+$0x0] =	vst.idx.msk $0xffff, v11;
	v7 =	vshll.u32 v8, $0x10;
	v8 =	vand.u32 $0xFFFF0000, v8  }
0x1b2: {  	v11 =	vld [tilespmem:s29+$0xFFFFFFD0];
	[tilespmem:v16+s24+$0x0] =	vst.idx.msk $0xffff, v7  }
0x1b3: {  	v7 =	vshll.u32 v12, $0x10;
	[tilespmem:v17+s24+$0x0] =	vst.idx.msk $0xffff, v8  }
0x1b4: {  	s4 =	sadd.s32 $0x2, s0;
	v8 =	vand.u32 $0xFFFF0000, v12;
	[tilespmem:v18+s10+$0x0] =	vst.idx.msk $0xffff, v7;
	v7 =	vld [tilespmem:s18+$0xFFFFFFF0];
	s18 =	smov.u32 s29  }
0x1b5: {  	v14 =	vmov s0;
	s28 =	sadd.s32 $0x80, s28;
	v12 =	vmov s4;
	s4 =	sadd.s32 $0x1, s30;
	[tilespmem:v6+s10+$0x0] =	vst.idx.msk $0xffff, v8;
	v6 =	vshll.u32 v4, $0x10  }
0x1b6: {  	v15 =	vmov s4;
	s4 =	sadd.s32 $0x3, s30;
	s30 =	smov.u32 s0;
	v8 =	vand.u32 $0x7E, v12;
	v4 =	vand.u32 $0xFFFF0000, v4;
	v20 =	vld [tilespmem:s28+$0x0];
	[tilespmem:v13+s10+$0x0] =	vst.idx.msk $0xffff, v6  }
0x1b7: {  	v19 =	vmov s4;
	v12 =	vadd.s32 v0, v8;
	v18 =	vld [tilespmem:s28+$0xFFFFFFC0];
	v6 =	vshll.u32 v11, $0x10;
	[tilespmem:v5+s10+$0x0] =	vst.idx.msk $0xffff, v4  }
0x1b8: {  	v13 =	vadd.s32 v1, v8;
	v4 =	vand.u32 $0xFFFF0000, v11;
	v5 =	vand.u32 $0x7F, v19;
	[tilespmem:v9+s10+$0x0] =	vst.idx.msk $0xffff, v6;
	v21 =	vld [tilespmem:s26+$0x20]  }
0x1b9: {  	v6 =	vadd.s32 v0, v5;
	[tilespmem:v10+s10+$0x0] =	vst.idx.msk $0xffff, v4;
	v9 =	vshll.u32 v7, $0x10;
	v10 =	vand.u32 $0xFFFF0000, v7  }
.Ltmp5:
0x1ba: {  	v11 =	vand.u32 $0x7C, v14;
	v4 =	vand.u32 $0x7D, v15;
	v7 =	vadd.s32 v1, v5;
	v14 =	vld [tilespmem:s26+$0xFFFFFFE0];
	[tilespmem:v16+s10+$0x0] =	vst.idx.msk $0xffff, v9;
	(pc) =	sbr.rel @p0 .LBB2_12-.Ltmp5, $4  }
0x1bb: {  	v15 =	vadd.s32 v1, v11;
	v16 =	vadd.s32 v0, v11;
	v9 =	vshll.u32 v20, $0x10;
	[tilespmem:v17+s10+$0x0] =	vst.idx.msk $0xffff, v10  }
0x1bc: {  	v10 =	vand.u32 $0xFFFF0000, v20;
	v19 =	vshll.u32 v18, $0x10;
	v18 =	vand.u32 $0xFFFF0000, v18;
	[tilespmem:v12+s24+$0x0] =	vst.idx.msk $0xffff, v9  }
0x1bd: {  	s29 =	sadd.s32 $0x80, s29;
	v9 =	vadd.s32 v0, v4;
	[tilespmem:v13+s24+$0x0] =	vst.idx.msk $0xffff, v10;
	v22 =	vshll.u32 v21, $0x10  }
0x1be: {  	s0 =	sadd.s32 $0x4, s0;
	v10 =	vadd.s32 v1, v4;
	v17 =	vand.u32 $0xFFFF0000, v21;
	v20 =	vld [tilespmem:s29+$0x0];
	[tilespmem:v6+s24+$0x0] =	vst.idx.msk $0xffff, v22  }
0x1bf: {  	_ =	sdelay $0x3  }
0x1c0: {  	[tilespmem:v16+s24+$0x0] =	vst.idx.msk $0xffff, v19  }
0x1c1: {  	[tilespmem:v15+s24+$0x0] =	vst.idx.msk $0xffff, v18  }
0x1c2: {  	v18 =	vld [tilespmem:s29+$0xFFFFFFC0];
	_ =	sdelay $0x2  }
0x1c3: {  	v56 =	vshll.u32 v20, $0x10  }
0x1c4: {  	v57 =	vand.u32 $0xFFFF0000, v20;
	[tilespmem:v12+s10+$0x0] =	vst.idx.msk $0xffff, v56  }
0x1c5: {  	[tilespmem:v13+s10+$0x0] =	vst.idx.msk $0xffff, v57;
	v58 =	vshll.u32 v18, $0x10  }
0x1c6: {  	v13 =	vld [tilespmem:s28+$0x10];
	v18 =	vand.u32 $0xFFFF0000, v18;
	[tilespmem:v16+s10+$0x0] =	vst.idx.msk $0xffff, v58  }
0x1c7: {  	v59 =	vadd.s32 v2, v8;
	[tilespmem:v15+s10+$0x0] =	vst.idx.msk $0xffff, v18  }
0x1c8: {  	v60 =	vadd.s32 v3, v8;
	v15 =	vld [tilespmem:s28+$0xFFFFFFD0]  }
0x1c9: {  	v61 =	vadd.s32 v2, v11  }
0x1ca: {  	v62 =	vadd.s32 v3, v11  }
0x1cb: {  	v63 =	vshll.u32 v13, $0x10  }
0x1cc: {  	v13 =	vand.u32 $0xFFFF0000, v13;
	[tilespmem:v59+s24+$0x0] =	vst.idx.msk $0xffff, v63  }
0x1cd: {  	[tilespmem:v60+s24+$0x0] =	vst.idx.msk $0xffff, v13;
	v21 =	vshll.u32 v15, $0x10  }
0x1ce: {  	v18 =	vld [tilespmem:s29+$0x10];
	v15 =	vand.u32 $0xFFFF0000, v15;
	[tilespmem:v61+s24+$0x0] =	vst.idx.msk $0xffff, v21  }
0x1cf: {  	[tilespmem:v62+s24+$0x0] =	vst.idx.msk $0xffff, v15  }
0x1d0: {  	v13 =	vld [tilespmem:s29+$0xFFFFFFD0];
	_ =	sdelay $0x2  }
0x1d1: {  	v22 =	vshll.u32 v18, $0x10  }
0x1d2: {  	s0 =	sadd.s32 $0x3, s30;
	v18 =	vand.u32 $0xFFFF0000, v18;
	[tilespmem:v59+s10+$0x0] =	vst.idx.msk $0xffff, v22  }
0x1d3: {  	v23 =	vmov s0;
	[tilespmem:v60+s10+$0x0] =	vst.idx.msk $0xffff, v18;
	v24 =	vshll.u32 v13, $0x10  }
0x1d4: {  	s20 =	sadd.s32 $0x1, s30;
	v12 =	vand.u32 $0x7F, v23;
	v13 =	vand.u32 $0xFFFF0000, v13;
	v25 =	vld [tilespmem:s28+$0x20];
	[tilespmem:v61+s10+$0x0] =	vst.idx.msk $0xffff, v24  }
0x1d5: {  	v26 =	vmov s20;
	v27 =	vadd.s32 v0, v12;
	[tilespmem:v62+s10+$0x0] =	vst.idx.msk $0xffff, v13  }
0x1d6: {  	v28 =	vadd.s32 v1, v12;
	v15 =	vand.u32 $0x7D, v26;
	v13 =	vld [tilespmem:s28+$0xFFFFFFE0]  }
0x1d7: {  	v29 =	vshll.u32 v14, $0x10;
	[tilespmem:v7+s24+$0x0] =	vst.idx.msk $0xffff, v17;
	v30 =	vadd.s32 v0, v15  }
0x1d8: {  	v31 =	vand.u32 $0xFFFF0000, v14;
	v32 =	vld [tilespmem:s18+$0x20];
	[tilespmem:v9+s24+$0x0] =	vst.idx.msk $0xffff, v29;
	v33 =	vadd.s32 v1, v15  }
0x1d9: {  	[tilespmem:v10+s24+$0x0] =	vst.idx.msk $0xffff, v31;
	v34 =	vshll.u32 v25, $0x10  }
0x1da: {  	v35 =	vld [tilespmem:s18+$0xFFFFFFE0];
	v8 =	vand.u32 $0xFFFF0000, v25;
	[tilespmem:v27+s24+$0x0] =	vst.idx.msk $0xffff, v34  }
0x1db: {  	[tilespmem:v28+s24+$0x0] =	vst.idx.msk $0xffff, v8;
	v36 =	vshll.u32 v13, $0x10  }
0x1dc: {  	v37 =	vand.u32 $0xFFFF0000, v13;
	v38 =	vld [tilespmem:s29+$0x20];
	[tilespmem:v30+s24+$0x0] =	vst.idx.msk $0xffff, v36  }
0x1dd: {  	v39 =	vshll.u32 v32, $0x10;
	[tilespmem:v33+s24+$0x0] =	vst.idx.msk $0xffff, v37  }
0x1de: {  	v40 =	vand.u32 $0xFFFF0000, v32;
	[tilespmem:v6+s10+$0x0] =	vst.idx.msk $0xffff, v39;
	v41 =	vld [tilespmem:s29+$0xFFFFFFE0]  }
0x1df: {  	[tilespmem:v7+s10+$0x0] =	vst.idx.msk $0xffff, v40;
	v42 =	vshll.u32 v35, $0x10  }
0x1e0: {  	v43 =	vand.u32 $0xFFFF0000, v35;
	[tilespmem:v9+s10+$0x0] =	vst.idx.msk $0xffff, v42;
	v8 =	vld [tilespmem:s26+$0x30]  }
0x1e1: {  	v44 =	vadd.s32 v2, v5;
	[tilespmem:v10+s10+$0x0] =	vst.idx.msk $0xffff, v43;
	v45 =	vshll.u32 v38, $0x10  }
0x1e2: {  	v5 =	vadd.s32 v3, v5;
	v10 =	vld [tilespmem:s26+$0xFFFFFFF0];
	v13 =	vand.u32 $0xFFFF0000, v38;
	[tilespmem:v27+s10+$0x0] =	vst.idx.msk $0xffff, v45  }
0x1e3: {  	v46 =	vadd.s32 v2, v4;
	[tilespmem:v28+s10+$0x0] =	vst.idx.msk $0xffff, v13;
	v47 =	vshll.u32 v41, $0x10  }
0x1e4: {  	v4 =	vadd.s32 v3, v4;
	v13 =	vld [tilespmem:s28+$0x30];
	v6 =	vand.u32 $0xFFFF0000, v41;
	[tilespmem:v30+s10+$0x0] =	vst.idx.msk $0xffff, v47  }
0x1e5: {  	v49 =	vadd.s32 v2, v12;
	v48 =	vshll.u32 v8, $0x10;
	[tilespmem:v33+s10+$0x0] =	vst.idx.msk $0xffff, v6  }
0x1e6: {  	v51 =	vadd.s32 v3, v12;
	v50 =	vand.u32 $0xFFFF0000, v8;
	[tilespmem:v44+s24+$0x0] =	vst.idx.msk $0xffff, v48;
	v52 =	vld [tilespmem:s28+$0xFFFFFFF0]  }
0x1e7: {  	v53 =	vshll.u32 v10, $0x10;
	v54 =	vadd.s32 v2, v15;
	[tilespmem:v5+s24+$0x0] =	vst.idx.msk $0xffff, v50  }
0x1e8: {  	v10 =	vand.u32 $0xFFFF0000, v10;
	[tilespmem:v46+s24+$0x0] =	vst.idx.msk $0xffff, v53;
	v56 =	vadd.s32 v3, v15;
	v55 =	vld [tilespmem:s18+$0x30]  }
0x1e9: {  	[tilespmem:v4+s24+$0x0] =	vst.idx.msk $0xffff, v10;
	v57 =	vshll.u32 v13, $0x10  }
0x1ea: {  	v58 =	vld [tilespmem:s18+$0xFFFFFFF0];
	v13 =	vand.u32 $0xFFFF0000, v13;
	[tilespmem:v49+s24+$0x0] =	vst.idx.msk $0xffff, v57  }
0x1eb: {  	[tilespmem:v51+s24+$0x0] =	vst.idx.msk $0xffff, v13;
	v59 =	vshll.u32 v52, $0x10  }
0x1ec: {  	v13 =	vld [tilespmem:s29+$0x30];
	v11 =	vand.u32 $0xFFFF0000, v52;
	[tilespmem:v54+s24+$0x0] =	vst.idx.msk $0xffff, v59  }
0x1ed: {  	v60 =	vshll.u32 v55, $0x10;
	[tilespmem:v56+s24+$0x0] =	vst.idx.msk $0xffff, v11  }
0x1ee: {  	v61 =	vand.u32 $0xFFFF0000, v55;
	[tilespmem:v44+s10+$0x0] =	vst.idx.msk $0xffff, v60;
	v62 =	vld [tilespmem:s29+$0xFFFFFFF0]  }
0x1ef: {  	[tilespmem:v5+s10+$0x0] =	vst.idx.msk $0xffff, v61;
	v5 =	vshll.u32 v58, $0x10  }
0x1f0: {  	v63 =	vand.u32 $0xFFFF0000, v58;
	[tilespmem:v46+s10+$0x0] =	vst.idx.msk $0xffff, v5  }
0x1f1: {  	[tilespmem:v4+s10+$0x0] =	vst.idx.msk $0xffff, v63;
	v4 =	vshll.u32 v13, $0x10  }
0x1f2: {  	s26 =	sshll.u32 s19, $0x10;
	v5 =	vand.u32 $0xFFFF0000, v13;
	[tilespmem:v49+s10+$0x0] =	vst.idx.msk $0xffff, v4  }
0x1f3: {  	s4 =	sshll.u32 s17, $0x7;
	s0 =	sand.u32 $0x7E0000, s26;
	[tilespmem:v51+s10+$0x0] =	vst.idx.msk $0xffff, v5;
	v4 =	vshll.u32 v62, $0x10  }
0x1f4: {  	s0 =	sor.u32 s0, s4;
	v5 =	vand.u32 $0xFFFF0000, v62;
	[tilespmem:v54+s10+$0x0] =	vst.idx.msk $0xffff, v4  }
0x1f5: {  	s30 =	simm.s32 $0x4500;
	s4 =	sadd.s32 s1, s0;
	[tilespmem:v56+s10+$0x0] =	vst.idx.msk $0xffff, v5  }
0x1f6: {  	[hbm4b:s4+s3] =	stream.linear.scatter [tilespmem:s30], [sflag:$0x5], $0x80, $0x38;
	[tilespmem:$0xCD00] =	vst v63  }
0x1f7: {  	s20 =	sadd.s32 $0x10, s4;
	s18 =	simm.s32 $0x4588  }
0x1f8: {  	[hbm4b:s20+s3] =	stream.linear.scatter [tilespmem:s18], [sflag:$0x5], $0x80, $0x38;
	[tilespmem:$0xCD00] =	vst v63  }
0x1f9: {  	s26 =	simm.s32 $0x4610;
	s30 =	sadd.s32 $0x20, s4  }
0x1fa: {  	[hbm4b:s30+s3] =	stream.linear.scatter [tilespmem:s26], [sflag:$0x5], $0x80, $0x38;
	[tilespmem:$0xCD00] =	vst v63  }
0x1fb: {  	s18 =	simm.s32 $0x4698;
	s20 =	sadd.s32 $0x30, s4  }
0x1fc: {  	[hbm4b:s20+s3] =	stream.linear.scatter [tilespmem:s18], [sflag:$0x5], $0x80, $0x38;
	[tilespmem:$0xCD00] =	vst v63  }
0x1fd: {  	s26 =	simm.s32 $0x4720;
	s30 =	sadd.s32 $0x40, s4  }
0x1fe: {  	[hbm4b:s30+s3] =	stream.linear.scatter [tilespmem:s26], [sflag:$0x5], $0x80, $0x38;
	[tilespmem:$0xCD00] =	vst v63  }
0x1ff: {  	s17 =	simm.s32 $0x440;
	s18 =	simm.s32 $0x47A8;
	s20 =	sadd.s32 $0x50, s4  }
0x200: {  	[hbm4b:s20+s3] =	stream.linear.scatter [tilespmem:s18], [sflag:$0x5], $0x80, $0x38;
	[tilespmem:$0xCD00] =	vst v63  }
0x201: {  	s28 =	simm.s32 $0x48B8;
	s26 =	simm.s32 $0x4830;
	s30 =	sadd.s32 $0x60, s4  }
0x202: {  	[hbm4b:s30+s3] =	stream.linear.scatter [tilespmem:s26], [sflag:$0x5], $0x80, $0x38;
	[tilespmem:$0xCD00] =	vst v63  }
0x203: {  	s29 =	sadd.s32 $0x70, s4;
	s18 =	sadd.s32 $0x4000, s4;
	s26 =	simm.s32 $0x2200  }
.LBB2_14:
0x204: {  	[hbm4b:s29+s3] =	stream.linear.scatter [tilespmem:s28], [sflag:$0x5], $0x80, $0x38;
	[tilespmem:$0xCD00] =	vst v63  }
0x205: {  	s4 =	smov.u32 s17;
	s17 =	smov.u32 s26  }
0x206: {  	s20 =	sadd.s32 $0x1100, s26;
	s17 =	sshra.s32 s17, $0x2;
	s28 =	sadd.s32 $0x4500, s4  }
0x207: {  	[hbm4b:s18+s3] =	stream.linear.scatter [tilespmem:s28], [sflag:$0x5], $0x80, $0x38;
	[tilespmem:$0xCD00] =	vst v63  }
0x208: {  	p0 =	sne.s32 s26, $0x7700;
	s26 =	sadd.s32 $0x4588, s4;
	s28 =	sadd.s32 $0x10, s18  }
0x209: {  	[hbm4b:s28+s3] =	stream.linear.scatter [tilespmem:s26], [sflag:$0x5], $0x80, $0x38;
	[tilespmem:$0xCD00] =	vst v63  }
0x20a: {  	s26 =	sadd.s32 $0x4610, s4;
	s28 =	sadd.s32 $0x20, s18  }
0x20b: {  	[hbm4b:s28+s3] =	stream.linear.scatter [tilespmem:s26], [sflag:$0x5], $0x80, $0x38;
	[tilespmem:$0xCD00] =	vst v63  }
0x20c: {  	s26 =	sadd.s32 $0x4698, s4;
	s28 =	sadd.s32 $0x30, s18  }
0x20d: {  	[hbm4b:s28+s3] =	stream.linear.scatter [tilespmem:s26], [sflag:$0x5], $0x80, $0x38;
	[tilespmem:$0xCD00] =	vst v63  }
0x20e: {  	s26 =	sadd.s32 $0x4720, s4;
	s28 =	sadd.s32 $0x40, s18  }
0x20f: {  	[hbm4b:s28+s3] =	stream.linear.scatter [tilespmem:s26], [sflag:$0x5], $0x80, $0x38;
	[tilespmem:$0xCD00] =	vst v63  }
.Ltmp6:
0x210: {  	s26 =	sadd.s32 $0x47A8, s4;
	s28 =	sadd.s32 $0x50, s18;
	(pc) =	sbr.rel @p0 .LBB2_14-.Ltmp6, $4  }
0x211: {  	[hbm4b:s28+s3] =	stream.linear.scatter [tilespmem:s26], [sflag:$0x5], $0x80, $0x38;
	[tilespmem:$0xCD00] =	vst v63  }
0x212: {  	s29 =	sadd.s32 $0x70, s18;
	s26 =	sadd.s32 $0x4830, s4;
	s28 =	sadd.s32 $0x60, s18  }
0x213: {  	[hbm4b:s28+s3] =	stream.linear.scatter [tilespmem:s26], [sflag:$0x5], $0x80, $0x38;
	[tilespmem:$0xCD00] =	vst v63  }
0x214: {  	s18 =	sadd.s32 $0x4000, s18;
	s28 =	sadd.s32 $0x48B8, s4;
	s26 =	smov.u32 s20  }
0x215: {  	[hbm4b:s29+s3] =	stream.linear.scatter [tilespmem:s28], [sflag:$0x5], $0x80, $0x38;
	[tilespmem:$0xCD00] =	vst v63  }
0x216: {  	s4 =	sadd.s32 $0x4500, s17  }
0x217: {  	[hbm4b:s18+s3] =	stream.linear.scatter [tilespmem:s4], [sflag:$0x5], $0x80, $0x38;
	[tilespmem:$0xCD00] =	vst v63  }
0x218: {  	s26 =	sadd.s32 $0x4588, s17;
	s20 =	sadd.s32 $0x10, s18  }
0x219: {  	[hbm4b:s20+s3] =	stream.linear.scatter [tilespmem:s26], [sflag:$0x5], $0x80, $0x38;
	[tilespmem:$0xCD00] =	vst v63  }
0x21a: {  	s29 =	sadd.s32 $0x4610, s17;
	s30 =	sadd.s32 $0x20, s18  }
0x21b: {  	[hbm4b:s30+s3] =	stream.linear.scatter [tilespmem:s29], [sflag:$0x5], $0x80, $0x38;
	[tilespmem:$0xCD00] =	vst v63  }
0x21c: {  	s20 =	sadd.s32 $0x4698, s17;
	s26 =	sadd.s32 $0x30, s18  }
0x21d: {  	[hbm4b:s26+s3] =	stream.linear.scatter [tilespmem:s20], [sflag:$0x5], $0x80, $0x38;
	[tilespmem:$0xCD00] =	vst v63  }
0x21e: {  	s29 =	sadd.s32 $0x4720, s17;
	s30 =	sadd.s32 $0x40, s18  }
0x21f: {  	[hbm4b:s30+s3] =	stream.linear.scatter [tilespmem:s29], [sflag:$0x5], $0x80, $0x38;
	[tilespmem:$0xCD00] =	vst v63  }
0x220: {  	s20 =	sadd.s32 $0x47A8, s17;
	s26 =	sadd.s32 $0x50, s18  }
0x221: {  	[hbm4b:s26+s3] =	stream.linear.scatter [tilespmem:s20], [sflag:$0x5], $0x80, $0x38;
	[tilespmem:$0xCD00] =	vst v63  }
0x222: {  	s29 =	sadd.s32 $0x4830, s17;
	s30 =	sadd.s32 $0x60, s18  }
0x223: {  	[hbm4b:s30+s3] =	stream.linear.scatter [tilespmem:s29], [sflag:$0x5], $0x80, $0x38;
	[tilespmem:$0xCD00] =	vst v63  }
0x224: {  	s26 =	sadd.s32 $0x48B8, s17;
	s29 =	sadd.s32 $0x70, s18  }
0x225: {  	[hbm4b:s29+s3] =	stream.linear.scatter [tilespmem:s26], [sflag:$0x5], $0x80, $0x38;
	[tilespmem:$0xCD00] =	vst v63  }
0x226: {  	s4 =	sadd.s32 s2, s0;
	s30 =	simm.s32 $0x8900  }
0x227: {  	[hbm4b:s4+s3] =	stream.linear.scatter [tilespmem:s30], [sflag:$0x5], $0x80, $0x38;
	[tilespmem:$0xCD00] =	vst v63  }
0x228: {  	s17 =	simm.s32 $0x8988;
	s18 =	sadd.s32 $0x10, s4  }
0x229: {  	[hbm4b:s18+s3] =	stream.linear.scatter [tilespmem:s17], [sflag:$0x5], $0x80, $0x38;
	[tilespmem:$0xCD00] =	vst v63  }
0x22a: {  	s0 =	simm.s32 $0x440;
	s20 =	simm.s32 $0x8A10;
	s26 =	sadd.s32 $0x20, s4  }
0x22b: {  	[hbm4b:s26+s3] =	stream.linear.scatter [tilespmem:s20], [sflag:$0x5], $0x80, $0x38;
	[tilespmem:$0xCD00] =	vst v63  }
0x22c: {  	s28 =	sadd.s32 $0x70, s4;
	s29 =	simm.s32 $0x8A98;
	s30 =	sadd.s32 $0x30, s4  }
0x22d: {  	[hbm4b:s30+s3] =	stream.linear.scatter [tilespmem:s29], [sflag:$0x5], $0x80, $0x38;
	[tilespmem:$0xCD00] =	vst v63  }
0x22e: {  	s17 =	simm.s32 $0x8B20;
	s18 =	sadd.s32 $0x40, s4;
	s20 =	simm.s32 $0x8BA8  }
0x22f: {  	[hbm4b:s18+s3] =	stream.linear.scatter [tilespmem:s17], [sflag:$0x5], $0x80, $0x38;
	[tilespmem:$0xCD00] =	vst v63  }
0x230: {  	s26 =	sadd.s32 $0x50, s4;
	s29 =	simm.s32 $0x8C30;
	s30 =	sadd.s32 $0x60, s4  }
0x231: {  	[hbm4b:s26+s3] =	stream.linear.scatter [tilespmem:s20], [sflag:$0x5], $0x80, $0x38;
	[tilespmem:$0xCD00] =	vst v63  }
0x232: {  	s18 =	simm.s32 $0x2200;
	s17 =	sadd.s32 $0x4000, s4;
	s26 =	simm.s32 $0x8CB8  }
0x233: {  	[hbm4b:s30+s3] =	stream.linear.scatter [tilespmem:s29], [sflag:$0x5], $0x80, $0x38;
	[tilespmem:$0xCD00] =	vst v63  }
.LBB2_16:
0x234: {  	[hbm4b:s28+s3] =	stream.linear.scatter [tilespmem:s26], [sflag:$0x5], $0x80, $0x38;
	[tilespmem:$0xCD00] =	vst v63  }
0x235: {  	s4 =	smov.u32 s0;
	s0 =	smov.u32 s18  }
0x236: {  	s20 =	sadd.s32 $0x1100, s18;
	s0 =	sshra.s32 s0, $0x2;
	s26 =	sadd.s32 $0x8900, s4  }
0x237: {  	[hbm4b:s17+s3] =	stream.linear.scatter [tilespmem:s26], [sflag:$0x5], $0x80, $0x38;
	[tilespmem:$0xCD00] =	vst v63  }
0x238: {  	p0 =	sne.s32 s18, $0x7700;
	s18 =	sadd.s32 $0x8988, s4;
	s26 =	sadd.s32 $0x10, s17  }
0x239: {  	[hbm4b:s26+s3] =	stream.linear.scatter [tilespmem:s18], [sflag:$0x5], $0x80, $0x38;
	[tilespmem:$0xCD00] =	vst v63  }
0x23a: {  	s18 =	sadd.s32 $0x8A10, s4;
	s26 =	sadd.s32 $0x20, s17  }
0x23b: {  	[hbm4b:s26+s3] =	stream.linear.scatter [tilespmem:s18], [sflag:$0x5], $0x80, $0x38;
	[tilespmem:$0xCD00] =	vst v63  }
0x23c: {  	s18 =	sadd.s32 $0x8A98, s4;
	s26 =	sadd.s32 $0x30, s17  }
0x23d: {  	[hbm4b:s26+s3] =	stream.linear.scatter [tilespmem:s18], [sflag:$0x5], $0x80, $0x38;
	[tilespmem:$0xCD00] =	vst v63  }
0x23e: {  	s18 =	sadd.s32 $0x8B20, s4;
	s26 =	sadd.s32 $0x40, s17  }
0x23f: {  	[hbm4b:s26+s3] =	stream.linear.scatter [tilespmem:s18], [sflag:$0x5], $0x80, $0x38;
	[tilespmem:$0xCD00] =	vst v63  }
.Ltmp7:
0x240: {  	s18 =	sadd.s32 $0x8BA8, s4;
	s26 =	sadd.s32 $0x50, s17;
	(pc) =	sbr.rel @p0 .LBB2_16-.Ltmp7, $4  }
0x241: {  	[hbm4b:s26+s3] =	stream.linear.scatter [tilespmem:s18], [sflag:$0x5], $0x80, $0x38;
	[tilespmem:$0xCD00] =	vst v63  }
0x242: {  	s28 =	sadd.s32 $0x70, s17;
	s18 =	sadd.s32 $0x8C30, s4;
	s26 =	sadd.s32 $0x60, s17  }
0x243: {  	[hbm4b:s26+s3] =	stream.linear.scatter [tilespmem:s18], [sflag:$0x5], $0x80, $0x38;
	[tilespmem:$0xCD00] =	vst v63  }
0x244: {  	s17 =	sadd.s32 $0x4000, s17;
	s26 =	sadd.s32 $0x8CB8, s4;
	s18 =	smov.u32 s20  }
0x245: {  	[hbm4b:s28+s3] =	stream.linear.scatter [tilespmem:s26], [sflag:$0x5], $0x80, $0x38;
	[tilespmem:$0xCD00] =	vst v63  }
0x246: {  	s4 =	sadd.s32 $0x8900, s0  }
0x247: {  	[hbm4b:s17+s3] =	stream.linear.scatter [tilespmem:s4], [sflag:$0x5], $0x80, $0x38;
	[tilespmem:$0xCD00] =	vst v63  }
0x248: {  	s30 =	sadd.s32 $0x8988, s0;
	s18 =	sadd.s32 $0x10, s17  }
0x249: {  	[hbm4b:s18+s3] =	stream.linear.scatter [tilespmem:s30], [sflag:$0x5], $0x80, $0x38;
	[tilespmem:$0xCD00] =	vst v63  }
0x24a: {  	s20 =	sadd.s32 $0x20, s17;
	s18 =	sadd.s32 $0x8A10, s0  }
0x24b: {  	[hbm4b:s20+s3] =	stream.linear.scatter [tilespmem:s18], [sflag:$0x5], $0x80, $0x38;
	[tilespmem:$0xCD00] =	vst v63  }
0x24c: {  	s26 =	sadd.s32 $0x8A98, s0;
	s28 =	sadd.s32 $0x30, s17  }
0x24d: {  	[hbm4b:s28+s3] =	stream.linear.scatter [tilespmem:s26], [sflag:$0x5], $0x80, $0x38;
	[tilespmem:$0xCD00] =	vst v63  }
0x24e: {  	s29 =	sadd.s32 $0x8B20, s0;
	s19 =	sadd.s32 $0x1, s19;
	s30 =	sadd.s32 $0x40, s17  }
0x24f: {  	[hbm4b:s30+s3] =	stream.linear.scatter [tilespmem:s29], [sflag:$0x5], $0x80, $0x38;
	[tilespmem:$0xCD00] =	vst v63  }
0x250: {  	p0 =	sne.s32 s19, $0x64;
	s18 =	sadd.s32 $0x8BA8, s0;
	s20 =	sadd.s32 $0x50, s17  }
0x251: {  	[hbm4b:s20+s3] =	stream.linear.scatter [tilespmem:s18], [sflag:$0x5], $0x80, $0x38;
	[tilespmem:$0xCD00] =	vst v63  }
.Ltmp8:
0x252: {  	_ = 	snop;
	(pc) =	sbr.rel @p0 .LBB2_2-.Ltmp8, $4  }
0x253: {  	s26 =	sadd.s32 $0x8C30, s0;
	s28 =	sadd.s32 $0x60, s17  }
0x254: {  	[hbm4b:s28+s3] =	stream.linear.scatter [tilespmem:s26], [sflag:$0x5], $0x80, $0x38;
	[tilespmem:$0xCD00] =	vst v63  }
0x255: {  	s29 =	sadd.s32 $0x8CB8, s0;
	s30 =	sadd.s32 $0x70, s17  }
0x256: {  	[hbm4b:s30+s3] =	stream.linear.scatter [tilespmem:s29], [sflag:$0x5], $0x80, $0x38;
	[tilespmem:$0xCD00] =	vst v63  }
0x257: {  	_ =	swait.ge [sflag:s11], $0x1000  }
0x258: {  	[sflag:s11] =	ssyncset.done $0x0  }
0x259: {  	[sflag:s11] =	ssyncadd.s32 $0xFFFFF000  }
0x25a: {  	_ =	swait.ge [sflag:s11], $0x1000  }
0x25b: {  	s0 =	simm.s32 $0x2;
	[sflag:s11] =	ssyncset.done $0x0  }
0x25c: {  	s18 =	simm.s32 $0x1570;
	v4 =	vmov s0;
	[sflag:s11] =	ssyncadd.s32 $0xFFFFF000  }
0x25d: {  	s20 =	simm.s32 $0x0;
	v4 =	vand.u32 $0x7E, v4;
	v5 =	vld [tilespmem:s18+$0xFFFFFFD0]  }
0x25e: {  	v8 =	vmov s20;
	v6 =	vadd.s32 v0, v4  }
0x25f: {  	v8 =	vand.u32 $0x7C, v8;
	v7 =	vadd.s32 v1, v4;
	v9 =	vld [tilespmem:s18+$0xFFFFFF90]  }
0x260: {  	v10 =	vadd.s32 v0, v8  }
0x261: {  	v12 =	vadd.s32 v1, v8  }
0x262: {  	v11 =	vshll.u32 v5, $0x10  }
0x263: {  	v5 =	vand.u32 $0xFFFF0000, v5;
	[tilespmem:v6+s12+$0x0] =	vst.idx.msk $0xffff, v11  }
0x264: {  	s17 =	simm.s32 $0x3570;
	v11 =	vshll.u32 v9, $0x10;
	[tilespmem:v7+s12+$0x0] =	vst.idx.msk $0xffff, v5  }
0x265: {  	v9 =	vand.u32 $0xFFFF0000, v9;
	[tilespmem:v10+s12+$0x0] =	vst.idx.msk $0xffff, v11;
	v5 =	vld [tilespmem:s17+$0xFFFFFFD0]  }
0x266: {  	[tilespmem:v12+s12+$0x0] =	vst.idx.msk $0xffff, v9  }
0x267: {  	v9 =	vld [tilespmem:s17+$0xFFFFFF90];
	_ =	sdelay $0x2  }
0x268: {  	v11 =	vshll.u32 v5, $0x10  }
0x269: {  	v5 =	vand.u32 $0xFFFF0000, v5;
	[tilespmem:v6+s14+$0x0] =	vst.idx.msk $0xffff, v11  }
0x26a: {  	v6 =	vshll.u32 v9, $0x10;
	[tilespmem:v7+s14+$0x0] =	vst.idx.msk $0xffff, v5  }
0x26b: {  	v9 =	vand.u32 $0xFFFF0000, v9;
	[tilespmem:v10+s14+$0x0] =	vst.idx.msk $0xffff, v6;
	v5 =	vld [tilespmem:s18+$0xFFFFFFE0]  }
0x26c: {  	v7 =	vadd.s32 v2, v4;
	[tilespmem:v12+s14+$0x0] =	vst.idx.msk $0xffff, v9  }
0x26d: {  	v4 =	vadd.s32 v3, v4;
	v6 =	vld [tilespmem:s18+$0xFFFFFFA0]  }
0x26e: {  	v9 =	vadd.s32 v2, v8  }
0x26f: {  	v14 =	vadd.s32 v3, v8  }
0x270: {  	v10 =	vshll.u32 v5, $0x10  }
0x271: {  	v5 =	vand.u32 $0xFFFF0000, v5;
	[tilespmem:v7+s12+$0x0] =	vst.idx.msk $0xffff, v10  }
0x272: {  	v8 =	vshll.u32 v6, $0x10;
	[tilespmem:v4+s12+$0x0] =	vst.idx.msk $0xffff, v5  }
0x273: {  	v6 =	vand.u32 $0xFFFF0000, v6;
	[tilespmem:v9+s12+$0x0] =	vst.idx.msk $0xffff, v8;
	v5 =	vld [tilespmem:s17+$0xFFFFFFE0]  }
0x274: {  	[tilespmem:v14+s12+$0x0] =	vst.idx.msk $0xffff, v6  }
0x275: {  	v10 =	vld [tilespmem:s17+$0xFFFFFFA0];
	_ =	sdelay $0x1  }
0x276: {  	s26 =	simm.s32 $0x6  }
0x277: {  	s19 =	simm.s32 $0x15F0;
	v8 =	vmov s26;
	v6 =	vshll.u32 v5, $0x10  }
0x278: {  	s29 =	simm.s32 $0x3;
	v17 =	vld [tilespmem:s19+$0xFFFFFFD0];
	v8 =	vand.u32 $0x7E, v8;
	v5 =	vand.u32 $0xFFFF0000, v5;
	[tilespmem:v7+s14+$0x0] =	vst.idx.msk $0xffff, v6  }
0x279: {  	v18 =	vld [tilespmem:s19+$0xFFFFFF90];
	v12 =	vadd.s32 v0, v8;
	v7 =	vshll.u32 v10, $0x10;
	[tilespmem:v4+s14+$0x0] =	vst.idx.msk $0xffff, v5;
	v4 =	vmov s29  }
0x27a: {  	s28 =	simm.s32 $0x4;
	v13 =	vadd.s32 v1, v8;
	v10 =	vand.u32 $0xFFFF0000, v10;
	[tilespmem:v9+s14+$0x0] =	vst.idx.msk $0xffff, v7;
	v21 =	vld [tilespmem:s18+$0xFFFFFFF0];
	v5 =	vand.u32 $0x7F, v4  }
0x27b: {  	v4 =	vmov s28;
	[tilespmem:v14+s14+$0x0] =	vst.idx.msk $0xffff, v10;
	v6 =	vadd.s32 v0, v5  }
0x27c: {  	s30 =	simm.s32 $0x1;
	v11 =	vand.u32 $0x7C, v4;
	v7 =	vadd.s32 v1, v5;
	v14 =	vld [tilespmem:s18+$0xFFFFFFB0]  }
0x27d: {  	v15 =	vmov s30;
	v9 =	vshll.u32 v17, $0x10;
	v16 =	vadd.s32 v0, v11  }
0x27e: {  	v10 =	vand.u32 $0xFFFF0000, v17;
	[tilespmem:v12+s12+$0x0] =	vst.idx.msk $0xffff, v9;
	v4 =	vand.u32 $0x7D, v15;
	v15 =	vadd.s32 v1, v11  }
0x27f: {  	v19 =	vshll.u32 v18, $0x10;
	s26 =	simm.s32 $0x35F0;
	[tilespmem:v13+s12+$0x0] =	vst.idx.msk $0xffff, v10;
	v9 =	vadd.s32 v0, v4;
	v22 =	vshll.u32 v21, $0x10  }
0x280: {  	s0 =	simm.s32 $0x8;
	v18 =	vand.u32 $0xFFFF0000, v18;
	v20 =	vld [tilespmem:s26+$0xFFFFFFD0];
	v10 =	vadd.s32 v1, v4;
	v17 =	vand.u32 $0xFFFF0000, v21;
	[tilespmem:v6+s12+$0x0] =	vst.idx.msk $0xffff, v22  }
.LBB2_19:
0x281: {  	p0 =	slt.u32 s0, $0x7C;
	v21 =	vshll.u32 v14, $0x10;
	v14 =	vand.u32 $0xFFFF0000, v14;
	[tilespmem:v7+s12+$0x0] =	vst.idx.msk $0xffff, v17  }
0x282: {  	[tilespmem:v16+s12+$0x0] =	vst.idx.msk $0xffff, v19;
	v17 =	vld [tilespmem:s17+$0xFFFFFFF0]  }
0x283: {  	[tilespmem:v15+s12+$0x0] =	vst.idx.msk $0xffff, v18  }
0x284: {  	v18 =	vld [tilespmem:s26+$0xFFFFFF90];
	[tilespmem:v9+s12+$0x0] =	vst.idx.msk $0xffff, v21  }
0x285: {  	v19 =	vshll.u32 v20, $0x10;
	[tilespmem:v10+s12+$0x0] =	vst.idx.msk $0xffff, v14  }
0x286: {  	v14 =	vand.u32 $0xFFFF0000, v20;
	[tilespmem:v12+s14+$0x0] =	vst.idx.msk $0xffff, v19;
	v12 =	vld [tilespmem:s17+$0xFFFFFFB0]  }
0x287: {  	[tilespmem:v13+s14+$0x0] =	vst.idx.msk $0xffff, v14;
	v13 =	vshll.u32 v17, $0x10  }
0x288: {  	v17 =	vand.u32 $0xFFFF0000, v17;
	v14 =	vld [tilespmem:s19+$0xFFFFFFE0];
	[tilespmem:v6+s14+$0x0] =	vst.idx.msk $0xffff, v13  }
0x289: {  	v6 =	vshll.u32 v18, $0x10;
	v13 =	vand.u32 $0xFFFF0000, v18;
	v18 =	vadd.s32 v2, v8;
	[tilespmem:v7+s14+$0x0] =	vst.idx.msk $0xffff, v17  }
0x28a: {  	[tilespmem:v16+s14+$0x0] =	vst.idx.msk $0xffff, v6;
	v6 =	vadd.s32 v3, v8;
	v7 =	vld [tilespmem:s18+$0x0]  }
0x28b: {  	[tilespmem:v15+s14+$0x0] =	vst.idx.msk $0xffff, v13;
	v8 =	vshll.u32 v12, $0x10;
	v12 =	vand.u32 $0xFFFF0000, v12;
	v13 =	vadd.s32 v2, v5  }
0x28c: {  	v5 =	vadd.s32 v3, v5;
	v15 =	vld [tilespmem:s19+$0xFFFFFFA0];
	[tilespmem:v9+s14+$0x0] =	vst.idx.msk $0xffff, v8  }
0x28d: {  	v9 =	vadd.s32 v2, v11;
	v8 =	vshll.u32 v14, $0x10;
	[tilespmem:v10+s14+$0x0] =	vst.idx.msk $0xffff, v12  }
0x28e: {  	v10 =	vadd.s32 v3, v11;
	v11 =	vand.u32 $0xFFFF0000, v14;
	[tilespmem:v18+s12+$0x0] =	vst.idx.msk $0xffff, v8;
	v8 =	vld [tilespmem:s18+$0xFFFFFFC0];
	s18 =	smov.u32 s19  }
0x28f: {  	v16 =	vadd.s32 v2, v4;
	[tilespmem:v6+s12+$0x0] =	vst.idx.msk $0xffff, v11;
	v11 =	vshll.u32 v7, $0x10  }
0x290: {  	v17 =	vadd.s32 v3, v4;
	v4 =	vand.u32 $0xFFFF0000, v7;
	v12 =	vld [tilespmem:s26+$0xFFFFFFE0];
	[tilespmem:v13+s12+$0x0] =	vst.idx.msk $0xffff, v11  }
0x291: {  	v7 =	vshll.u32 v15, $0x10;
	v11 =	vand.u32 $0xFFFF0000, v15;
	[tilespmem:v5+s12+$0x0] =	vst.idx.msk $0xffff, v4  }
0x292: {  	[tilespmem:v9+s12+$0x0] =	vst.idx.msk $0xffff, v7;
	v4 =	vld [tilespmem:s17+$0x0]  }
0x293: {  	[tilespmem:v10+s12+$0x0] =	vst.idx.msk $0xffff, v11;
	v7 =	vshll.u32 v8, $0x10;
	v8 =	vand.u32 $0xFFFF0000, v8  }
0x294: {  	v11 =	vld [tilespmem:s26+$0xFFFFFFA0];
	[tilespmem:v16+s12+$0x0] =	vst.idx.msk $0xffff, v7  }
0x295: {  	v7 =	vshll.u32 v12, $0x10;
	[tilespmem:v17+s12+$0x0] =	vst.idx.msk $0xffff, v8  }
0x296: {  	s4 =	sadd.s32 $0x2, s0;
	v8 =	vand.u32 $0xFFFF0000, v12;
	[tilespmem:v18+s14+$0x0] =	vst.idx.msk $0xffff, v7;
	v7 =	vld [tilespmem:s17+$0xFFFFFFC0];
	s17 =	smov.u32 s26  }
0x297: {  	v14 =	vmov s0;
	s19 =	sadd.s32 $0x80, s19;
	v12 =	vmov s4;
	s4 =	sadd.s32 $0x1, s28;
	[tilespmem:v6+s14+$0x0] =	vst.idx.msk $0xffff, v8;
	v6 =	vshll.u32 v4, $0x10  }
0x298: {  	v15 =	vmov s4;
	s4 =	sadd.s32 $0x3, s28;
	s28 =	smov.u32 s0;
	v8 =	vand.u32 $0x7E, v12;
	v4 =	vand.u32 $0xFFFF0000, v4;
	v20 =	vld [tilespmem:s19+$0xFFFFFFD0];
	[tilespmem:v13+s14+$0x0] =	vst.idx.msk $0xffff, v6  }
0x299: {  	v19 =	vmov s4;
	v12 =	vadd.s32 v0, v8;
	v18 =	vld [tilespmem:s19+$0xFFFFFF90];
	v6 =	vshll.u32 v11, $0x10;
	[tilespmem:v5+s14+$0x0] =	vst.idx.msk $0xffff, v4  }
0x29a: {  	v13 =	vadd.s32 v1, v8;
	v4 =	vand.u32 $0xFFFF0000, v11;
	v5 =	vand.u32 $0x7F, v19;
	[tilespmem:v9+s14+$0x0] =	vst.idx.msk $0xffff, v6;
	v21 =	vld [tilespmem:s18+$0xFFFFFFF0]  }
0x29b: {  	v6 =	vadd.s32 v0, v5;
	[tilespmem:v10+s14+$0x0] =	vst.idx.msk $0xffff, v4;
	v9 =	vshll.u32 v7, $0x10;
	v10 =	vand.u32 $0xFFFF0000, v7  }
.Ltmp9:
0x29c: {  	v11 =	vand.u32 $0x7C, v14;
	v4 =	vand.u32 $0x7D, v15;
	v7 =	vadd.s32 v1, v5;
	v14 =	vld [tilespmem:s18+$0xFFFFFFB0];
	[tilespmem:v16+s14+$0x0] =	vst.idx.msk $0xffff, v9;
	(pc) =	sbr.rel @p0 .LBB2_19-.Ltmp9, $4  }
0x29d: {  	v15 =	vadd.s32 v1, v11;
	v16 =	vadd.s32 v0, v11;
	v9 =	vshll.u32 v20, $0x10;
	[tilespmem:v17+s14+$0x0] =	vst.idx.msk $0xffff, v10  }
0x29e: {  	v10 =	vand.u32 $0xFFFF0000, v20;
	v19 =	vshll.u32 v18, $0x10;
	v18 =	vand.u32 $0xFFFF0000, v18;
	[tilespmem:v12+s12+$0x0] =	vst.idx.msk $0xffff, v9  }
0x29f: {  	s26 =	sadd.s32 $0x80, s26;
	v9 =	vadd.s32 v0, v4;
	[tilespmem:v13+s12+$0x0] =	vst.idx.msk $0xffff, v10;
	v22 =	vshll.u32 v21, $0x10  }
0x2a0: {  	s0 =	sadd.s32 $0x4, s0;
	v10 =	vadd.s32 v1, v4;
	v17 =	vand.u32 $0xFFFF0000, v21;
	v20 =	vld [tilespmem:s26+$0xFFFFFFD0];
	[tilespmem:v6+s12+$0x0] =	vst.idx.msk $0xffff, v22  }
0x2a1: {  	_ =	sdelay $0x3  }
0x2a2: {  	[tilespmem:v16+s12+$0x0] =	vst.idx.msk $0xffff, v19  }
0x2a3: {  	[tilespmem:v15+s12+$0x0] =	vst.idx.msk $0xffff, v18  }
0x2a4: {  	v18 =	vld [tilespmem:s26+$0xFFFFFF90];
	_ =	sdelay $0x2  }
0x2a5: {  	v56 =	vshll.u32 v20, $0x10  }
0x2a6: {  	v57 =	vand.u32 $0xFFFF0000, v20;
	[tilespmem:v12+s14+$0x0] =	vst.idx.msk $0xffff, v56  }
0x2a7: {  	[tilespmem:v13+s14+$0x0] =	vst.idx.msk $0xffff, v57;
	v58 =	vshll.u32 v18, $0x10  }
0x2a8: {  	v13 =	vld [tilespmem:s19+$0xFFFFFFE0];
	v18 =	vand.u32 $0xFFFF0000, v18;
	[tilespmem:v16+s14+$0x0] =	vst.idx.msk $0xffff, v58  }
0x2a9: {  	v59 =	vadd.s32 v2, v8;
	[tilespmem:v15+s14+$0x0] =	vst.idx.msk $0xffff, v18  }
0x2aa: {  	v60 =	vadd.s32 v3, v8;
	v15 =	vld [tilespmem:s19+$0xFFFFFFA0]  }
0x2ab: {  	v61 =	vadd.s32 v2, v11  }
0x2ac: {  	v62 =	vadd.s32 v3, v11  }
0x2ad: {  	v63 =	vshll.u32 v13, $0x10  }
0x2ae: {  	v13 =	vand.u32 $0xFFFF0000, v13;
	[tilespmem:v59+s12+$0x0] =	vst.idx.msk $0xffff, v63  }
0x2af: {  	[tilespmem:v60+s12+$0x0] =	vst.idx.msk $0xffff, v13;
	v21 =	vshll.u32 v15, $0x10  }
0x2b0: {  	v18 =	vld [tilespmem:s26+$0xFFFFFFE0];
	v15 =	vand.u32 $0xFFFF0000, v15;
	[tilespmem:v61+s12+$0x0] =	vst.idx.msk $0xffff, v21  }
0x2b1: {  	[tilespmem:v62+s12+$0x0] =	vst.idx.msk $0xffff, v15  }
0x2b2: {  	v13 =	vld [tilespmem:s26+$0xFFFFFFA0];
	_ =	sdelay $0x2  }
0x2b3: {  	v22 =	vshll.u32 v18, $0x10  }
0x2b4: {  	s0 =	sadd.s32 $0x3, s28;
	v18 =	vand.u32 $0xFFFF0000, v18;
	[tilespmem:v59+s14+$0x0] =	vst.idx.msk $0xffff, v22  }
0x2b5: {  	v23 =	vmov s0;
	[tilespmem:v60+s14+$0x0] =	vst.idx.msk $0xffff, v18;
	v24 =	vshll.u32 v13, $0x10  }
0x2b6: {  	s20 =	sadd.s32 $0x1, s28;
	v12 =	vand.u32 $0x7F, v23;
	v13 =	vand.u32 $0xFFFF0000, v13;
	v25 =	vld [tilespmem:s19+$0xFFFFFFF0];
	[tilespmem:v61+s14+$0x0] =	vst.idx.msk $0xffff, v24  }
0x2b7: {  	v26 =	vmov s20;
	v27 =	vadd.s32 v0, v12;
	[tilespmem:v62+s14+$0x0] =	vst.idx.msk $0xffff, v13  }
0x2b8: {  	v28 =	vadd.s32 v1, v12;
	v15 =	vand.u32 $0x7D, v26;
	v13 =	vld [tilespmem:s19+$0xFFFFFFB0]  }
0x2b9: {  	v29 =	vshll.u32 v14, $0x10;
	[tilespmem:v7+s12+$0x0] =	vst.idx.msk $0xffff, v17;
	v30 =	vadd.s32 v0, v15  }
0x2ba: {  	v31 =	vand.u32 $0xFFFF0000, v14;
	v32 =	vld [tilespmem:s17+$0xFFFFFFF0];
	[tilespmem:v9+s12+$0x0] =	vst.idx.msk $0xffff, v29;
	v33 =	vadd.s32 v1, v15  }
0x2bb: {  	[tilespmem:v10+s12+$0x0] =	vst.idx.msk $0xffff, v31;
	v34 =	vshll.u32 v25, $0x10  }
0x2bc: {  	v35 =	vld [tilespmem:s17+$0xFFFFFFB0];
	v8 =	vand.u32 $0xFFFF0000, v25;
	[tilespmem:v27+s12+$0x0] =	vst.idx.msk $0xffff, v34  }
0x2bd: {  	[tilespmem:v28+s12+$0x0] =	vst.idx.msk $0xffff, v8;
	v36 =	vshll.u32 v13, $0x10  }
0x2be: {  	v37 =	vand.u32 $0xFFFF0000, v13;
	v38 =	vld [tilespmem:s26+$0xFFFFFFF0];
	[tilespmem:v30+s12+$0x0] =	vst.idx.msk $0xffff, v36  }
0x2bf: {  	v39 =	vshll.u32 v32, $0x10;
	[tilespmem:v33+s12+$0x0] =	vst.idx.msk $0xffff, v37  }
0x2c0: {  	v40 =	vand.u32 $0xFFFF0000, v32;
	[tilespmem:v6+s14+$0x0] =	vst.idx.msk $0xffff, v39;
	v41 =	vld [tilespmem:s26+$0xFFFFFFB0]  }
0x2c1: {  	[tilespmem:v7+s14+$0x0] =	vst.idx.msk $0xffff, v40;
	v42 =	vshll.u32 v35, $0x10  }
0x2c2: {  	v43 =	vand.u32 $0xFFFF0000, v35;
	[tilespmem:v9+s14+$0x0] =	vst.idx.msk $0xffff, v42;
	v8 =	vld [tilespmem:s18+$0x0]  }
0x2c3: {  	v44 =	vadd.s32 v2, v5;
	[tilespmem:v10+s14+$0x0] =	vst.idx.msk $0xffff, v43;
	v45 =	vshll.u32 v38, $0x10  }
0x2c4: {  	v5 =	vadd.s32 v3, v5;
	v10 =	vld [tilespmem:s18+$0xFFFFFFC0];
	v13 =	vand.u32 $0xFFFF0000, v38;
	[tilespmem:v27+s14+$0x0] =	vst.idx.msk $0xffff, v45  }
0x2c5: {  	v46 =	vadd.s32 v2, v4;
	[tilespmem:v28+s14+$0x0] =	vst.idx.msk $0xffff, v13;
	v47 =	vshll.u32 v41, $0x10  }
0x2c6: {  	v4 =	vadd.s32 v3, v4;
	v13 =	vld [tilespmem:s19+$0x0];
	v6 =	vand.u32 $0xFFFF0000, v41;
	[tilespmem:v30+s14+$0x0] =	vst.idx.msk $0xffff, v47  }
0x2c7: {  	v49 =	vadd.s32 v2, v12;
	v48 =	vshll.u32 v8, $0x10;
	[tilespmem:v33+s14+$0x0] =	vst.idx.msk $0xffff, v6  }
0x2c8: {  	v51 =	vadd.s32 v3, v12;
	v50 =	vand.u32 $0xFFFF0000, v8;
	[tilespmem:v44+s12+$0x0] =	vst.idx.msk $0xffff, v48;
	v52 =	vld [tilespmem:s19+$0xFFFFFFC0]  }
0x2c9: {  	v53 =	vshll.u32 v10, $0x10;
	v54 =	vadd.s32 v2, v15;
	[tilespmem:v5+s12+$0x0] =	vst.idx.msk $0xffff, v50  }
0x2ca: {  	v10 =	vand.u32 $0xFFFF0000, v10;
	[tilespmem:v46+s12+$0x0] =	vst.idx.msk $0xffff, v53;
	v56 =	vadd.s32 v3, v15;
	v55 =	vld [tilespmem:s17+$0x0]  }
0x2cb: {  	[tilespmem:v4+s12+$0x0] =	vst.idx.msk $0xffff, v10;
	v57 =	vshll.u32 v13, $0x10  }
0x2cc: {  	v58 =	vld [tilespmem:s17+$0xFFFFFFC0];
	v13 =	vand.u32 $0xFFFF0000, v13;
	[tilespmem:v49+s12+$0x0] =	vst.idx.msk $0xffff, v57  }
0x2cd: {  	[tilespmem:v51+s12+$0x0] =	vst.idx.msk $0xffff, v13;
	v59 =	vshll.u32 v52, $0x10  }
0x2ce: {  	v13 =	vld [tilespmem:s26+$0x0];
	v11 =	vand.u32 $0xFFFF0000, v52;
	[tilespmem:v54+s12+$0x0] =	vst.idx.msk $0xffff, v59  }
0x2cf: {  	v60 =	vshll.u32 v55, $0x10;
	[tilespmem:v56+s12+$0x0] =	vst.idx.msk $0xffff, v11  }
0x2d0: {  	v61 =	vand.u32 $0xFFFF0000, v55;
	[tilespmem:v44+s14+$0x0] =	vst.idx.msk $0xffff, v60;
	v62 =	vld [tilespmem:s26+$0xFFFFFFC0]  }
0x2d1: {  	[tilespmem:v5+s14+$0x0] =	vst.idx.msk $0xffff, v61;
	v5 =	vshll.u32 v58, $0x10  }
0x2d2: {  	v63 =	vand.u32 $0xFFFF0000, v58;
	[tilespmem:v46+s14+$0x0] =	vst.idx.msk $0xffff, v5  }
0x2d3: {  	[tilespmem:v4+s14+$0x0] =	vst.idx.msk $0xffff, v63;
	v4 =	vshll.u32 v13, $0x10  }
0x2d4: {  	v5 =	vand.u32 $0xFFFF0000, v13;
	[tilespmem:v49+s14+$0x0] =	vst.idx.msk $0xffff, v4  }
0x2d5: {  	[tilespmem:v51+s14+$0x0] =	vst.idx.msk $0xffff, v5;
	v4 =	vshll.u32 v62, $0x10  }
0x2d6: {  	v5 =	vand.u32 $0xFFFF0000, v62;
	[tilespmem:v54+s14+$0x0] =	vst.idx.msk $0xffff, v4  }
0x2d7: {  	[tilespmem:v56+s14+$0x0] =	vst.idx.msk $0xffff, v5  }
0x2d8: {  	s26 =	simm.s32 $0x6700;
	s17 =	rddreg [dreg:$0xa]  }
0x2d9: {  	[hbm4b:s17+s3] =	stream.linear.scatter [tilespmem:s26], [sflag:$0x6], $0x80, $0x38;
	[tilespmem:$0xCD00] =	vst v63  }
0x2da: {  	s28 =	simm.s32 $0x6788;
	s4 =	sadd.s32 $0x10, s17  }
0x2db: {  	[hbm4b:s4+s3] =	stream.linear.scatter [tilespmem:s28], [sflag:$0x6], $0x80, $0x38;
	[tilespmem:$0xCD00] =	vst v63  }
0x2dc: {  	s29 =	simm.s32 $0x6810;
	s0 =	simm.s32 $0x440;
	s30 =	sadd.s32 $0x20, s17  }
0x2dd: {  	[hbm4b:s30+s3] =	stream.linear.scatter [tilespmem:s29], [sflag:$0x6], $0x80, $0x38;
	[tilespmem:$0xCD00] =	vst v63  }
0x2de: {  	s19 =	simm.s32 $0x6920;
	s18 =	sadd.s32 $0x30, s17;
	s4 =	simm.s32 $0x6898  }
0x2df: {  	[hbm4b:s18+s3] =	stream.linear.scatter [tilespmem:s4], [sflag:$0x6], $0x80, $0x38;
	[tilespmem:$0xCD00] =	vst v63  }
0x2e0: {  	s20 =	sadd.s32 $0x40, s17;
	s26 =	simm.s32 $0x69A8;
	s28 =	sadd.s32 $0x50, s17  }
0x2e1: {  	[hbm4b:s20+s3] =	stream.linear.scatter [tilespmem:s19], [sflag:$0x6], $0x80, $0x38;
	[tilespmem:$0xCD00] =	vst v63  }
0x2e2: {  	s29 =	simm.s32 $0x6A30;
	s30 =	sadd.s32 $0x60, s17;
	s18 =	simm.s32 $0x2200  }
0x2e3: {  	[hbm4b:s28+s3] =	stream.linear.scatter [tilespmem:s26], [sflag:$0x6], $0x80, $0x38;
	[tilespmem:$0xCD00] =	vst v63  }
0x2e4: {  	s19 =	simm.s32 $0x6AB8;
	s26 =	sadd.s32 $0x70, s17;
	s17 =	sadd.s32 $0x4000, s17  }
0x2e5: {  	[hbm4b:s30+s3] =	stream.linear.scatter [tilespmem:s29], [sflag:$0x6], $0x80, $0x38;
	[tilespmem:$0xCD00] =	vst v63  }
.LBB2_21:
0x2e6: {  	[hbm4b:s26+s3] =	stream.linear.scatter [tilespmem:s19], [sflag:$0x6], $0x80, $0x38;
	[tilespmem:$0xCD00] =	vst v63  }
0x2e7: {  	s4 =	smov.u32 s0;
	s0 =	smov.u32 s18  }
0x2e8: {  	s20 =	sadd.s32 $0x1100, s18;
	s0 =	sshra.s32 s0, $0x2;
	s19 =	sadd.s32 $0x6700, s4  }
0x2e9: {  	[hbm4b:s17+s3] =	stream.linear.scatter [tilespmem:s19], [sflag:$0x6], $0x80, $0x38;
	[tilespmem:$0xCD00] =	vst v63  }
0x2ea: {  	p0 =	sne.s32 s18, $0x7700;
	s18 =	sadd.s32 $0x6788, s4;
	s19 =	sadd.s32 $0x10, s17  }
0x2eb: {  	[hbm4b:s19+s3] =	stream.linear.scatter [tilespmem:s18], [sflag:$0x6], $0x80, $0x38;
	[tilespmem:$0xCD00] =	vst v63  }
0x2ec: {  	s18 =	sadd.s32 $0x6810, s4;
	s19 =	sadd.s32 $0x20, s17  }
0x2ed: {  	[hbm4b:s19+s3] =	stream.linear.scatter [tilespmem:s18], [sflag:$0x6], $0x80, $0x38;
	[tilespmem:$0xCD00] =	vst v63  }
0x2ee: {  	s18 =	sadd.s32 $0x6898, s4;
	s19 =	sadd.s32 $0x30, s17  }
0x2ef: {  	[hbm4b:s19+s3] =	stream.linear.scatter [tilespmem:s18], [sflag:$0x6], $0x80, $0x38;
	[tilespmem:$0xCD00] =	vst v63  }
0x2f0: {  	s18 =	sadd.s32 $0x6920, s4;
	s19 =	sadd.s32 $0x40, s17  }
0x2f1: {  	[hbm4b:s19+s3] =	stream.linear.scatter [tilespmem:s18], [sflag:$0x6], $0x80, $0x38;
	[tilespmem:$0xCD00] =	vst v63  }
.Ltmp10:
0x2f2: {  	s18 =	sadd.s32 $0x69A8, s4;
	s19 =	sadd.s32 $0x50, s17;
	(pc) =	sbr.rel @p0 .LBB2_21-.Ltmp10, $4  }
0x2f3: {  	[hbm4b:s19+s3] =	stream.linear.scatter [tilespmem:s18], [sflag:$0x6], $0x80, $0x38;
	[tilespmem:$0xCD00] =	vst v63  }
0x2f4: {  	s26 =	sadd.s32 $0x70, s17;
	s18 =	sadd.s32 $0x6A30, s4;
	s19 =	sadd.s32 $0x60, s17  }
0x2f5: {  	[hbm4b:s19+s3] =	stream.linear.scatter [tilespmem:s18], [sflag:$0x6], $0x80, $0x38;
	[tilespmem:$0xCD00] =	vst v63  }
0x2f6: {  	s17 =	sadd.s32 $0x4000, s17;
	s19 =	sadd.s32 $0x6AB8, s4;
	s18 =	smov.u32 s20  }
0x2f7: {  	[hbm4b:s26+s3] =	stream.linear.scatter [tilespmem:s19], [sflag:$0x6], $0x80, $0x38;
	[tilespmem:$0xCD00] =	vst v63  }
0x2f8: {  	s4 =	sadd.s32 $0x6700, s0  }
0x2f9: {  	[hbm4b:s17+s3] =	stream.linear.scatter [tilespmem:s4], [sflag:$0x6], $0x80, $0x38;
	[tilespmem:$0xCD00] =	vst v63  }
0x2fa: {  	s20 =	sadd.s32 $0x6788, s0;
	s18 =	sadd.s32 $0x10, s17  }
0x2fb: {  	[hbm4b:s18+s3] =	stream.linear.scatter [tilespmem:s20], [sflag:$0x6], $0x80, $0x38;
	[tilespmem:$0xCD00] =	vst v63  }
0x2fc: {  	s26 =	sadd.s32 $0x6810, s0;
	s28 =	sadd.s32 $0x20, s17  }
0x2fd: {  	[hbm4b:s28+s3] =	stream.linear.scatter [tilespmem:s26], [sflag:$0x6], $0x80, $0x38;
	[tilespmem:$0xCD00] =	vst v63  }
0x2fe: {  	s29 =	sadd.s32 $0x6898, s0;
	s30 =	sadd.s32 $0x30, s17  }
0x2ff: {  	[hbm4b:s30+s3] =	stream.linear.scatter [tilespmem:s29], [sflag:$0x6], $0x80, $0x38;
	[tilespmem:$0xCD00] =	vst v63  }
0x300: {  	s19 =	sadd.s32 $0x6920, s0;
	s20 =	sadd.s32 $0x40, s17  }
0x301: {  	[hbm4b:s20+s3] =	stream.linear.scatter [tilespmem:s19], [sflag:$0x6], $0x80, $0x38;
	[tilespmem:$0xCD00] =	vst v63  }
0x302: {  	s26 =	sadd.s32 $0x69A8, s0;
	s28 =	sadd.s32 $0x50, s17  }
0x303: {  	[hbm4b:s28+s3] =	stream.linear.scatter [tilespmem:s26], [sflag:$0x6], $0x80, $0x38;
	[tilespmem:$0xCD00] =	vst v63  }
0x304: {  	s29 =	sadd.s32 $0x6A30, s0;
	s30 =	sadd.s32 $0x60, s17  }
0x305: {  	[hbm4b:s30+s3] =	stream.linear.scatter [tilespmem:s29], [sflag:$0x6], $0x80, $0x38;
	[tilespmem:$0xCD00] =	vst v63  }
0x306: {  	s18 =	sadd.s32 $0x6AB8, s0;
	s19 =	sadd.s32 $0x70, s17  }
0x307: {  	[hbm4b:s19+s3] =	stream.linear.scatter [tilespmem:s18], [sflag:$0x6], $0x80, $0x38;
	[tilespmem:$0xCD00] =	vst v63  }
0x308: {  	s20 =	simm.s32 $0xAB00;
	s17 =	rddreg [dreg:$0xb]  }
0x309: {  	[hbm4b:s17+s3] =	stream.linear.scatter [tilespmem:s20], [sflag:$0x6], $0x80, $0x38;
	[tilespmem:$0xCD00] =	vst v63  }
0x30a: {  	s26 =	simm.s32 $0xAB88;
	s28 =	sadd.s32 $0x10, s17  }
0x30b: {  	[hbm4b:s28+s3] =	stream.linear.scatter [tilespmem:s26], [sflag:$0x6], $0x80, $0x38;
	[tilespmem:$0xCD00] =	vst v63  }
0x30c: {  	s4 =	simm.s32 $0xAC98;
	s29 =	simm.s32 $0xAC10;
	s30 =	sadd.s32 $0x20, s17  }
0x30d: {  	[hbm4b:s30+s3] =	stream.linear.scatter [tilespmem:s29], [sflag:$0x6], $0x80, $0x38;
	[tilespmem:$0xCD00] =	vst v63  }
0x30e: {  	s0 =	simm.s32 $0x440;
	s18 =	sadd.s32 $0x30, s17;
	s19 =	simm.s32 $0xAD20  }
0x30f: {  	[hbm4b:s18+s3] =	stream.linear.scatter [tilespmem:s4], [sflag:$0x6], $0x80, $0x38;
	[tilespmem:$0xCD00] =	vst v63  }
0x310: {  	s20 =	sadd.s32 $0x40, s17;
	s26 =	simm.s32 $0xADA8;
	s28 =	sadd.s32 $0x50, s17  }
0x311: {  	[hbm4b:s20+s3] =	stream.linear.scatter [tilespmem:s19], [sflag:$0x6], $0x80, $0x38;
	[tilespmem:$0xCD00] =	vst v63  }
0x312: {  	s29 =	simm.s32 $0xAE30;
	s30 =	sadd.s32 $0x60, s17;
	s18 =	simm.s32 $0x2200  }
0x313: {  	[hbm4b:s28+s3] =	stream.linear.scatter [tilespmem:s26], [sflag:$0x6], $0x80, $0x38;
	[tilespmem:$0xCD00] =	vst v63  }
0x314: {  	s19 =	simm.s32 $0xAEB8;
	s26 =	sadd.s32 $0x70, s17;
	s17 =	sadd.s32 $0x4000, s17  }
0x315: {  	[hbm4b:s30+s3] =	stream.linear.scatter [tilespmem:s29], [sflag:$0x6], $0x80, $0x38;
	[tilespmem:$0xCD00] =	vst v63  }
.LBB2_23:
0x316: {  	[hbm4b:s26+s3] =	stream.linear.scatter [tilespmem:s19], [sflag:$0x6], $0x80, $0x38;
	[tilespmem:$0xCD00] =	vst v63  }
0x317: {  	s4 =	smov.u32 s0;
	s0 =	smov.u32 s18  }
0x318: {  	s20 =	sadd.s32 $0x1100, s18;
	s0 =	sshra.s32 s0, $0x2;
	s19 =	sadd.s32 $0xAB00, s4  }
0x319: {  	[hbm4b:s17+s3] =	stream.linear.scatter [tilespmem:s19], [sflag:$0x6], $0x80, $0x38;
	[tilespmem:$0xCD00] =	vst v63  }
0x31a: {  	p0 =	sne.s32 s18, $0x7700;
	s18 =	sadd.s32 $0xAB88, s4;
	s19 =	sadd.s32 $0x10, s17  }
0x31b: {  	[hbm4b:s19+s3] =	stream.linear.scatter [tilespmem:s18], [sflag:$0x6], $0x80, $0x38;
	[tilespmem:$0xCD00] =	vst v63  }
0x31c: {  	s18 =	sadd.s32 $0xAC10, s4;
	s19 =	sadd.s32 $0x20, s17  }
0x31d: {  	[hbm4b:s19+s3] =	stream.linear.scatter [tilespmem:s18], [sflag:$0x6], $0x80, $0x38;
	[tilespmem:$0xCD00] =	vst v63  }
0x31e: {  	s18 =	sadd.s32 $0xAC98, s4;
	s19 =	sadd.s32 $0x30, s17  }
0x31f: {  	[hbm4b:s19+s3] =	stream.linear.scatter [tilespmem:s18], [sflag:$0x6], $0x80, $0x38;
	[tilespmem:$0xCD00] =	vst v63  }
0x320: {  	s18 =	sadd.s32 $0xAD20, s4;
	s19 =	sadd.s32 $0x40, s17  }
0x321: {  	[hbm4b:s19+s3] =	stream.linear.scatter [tilespmem:s18], [sflag:$0x6], $0x80, $0x38;
	[tilespmem:$0xCD00] =	vst v63  }
.Ltmp11:
0x322: {  	s18 =	sadd.s32 $0xADA8, s4;
	s19 =	sadd.s32 $0x50, s17;
	(pc) =	sbr.rel @p0 .LBB2_23-.Ltmp11, $4  }
0x323: {  	[hbm4b:s19+s3] =	stream.linear.scatter [tilespmem:s18], [sflag:$0x6], $0x80, $0x38;
	[tilespmem:$0xCD00] =	vst v63  }
0x324: {  	s26 =	sadd.s32 $0x70, s17;
	s18 =	sadd.s32 $0xAE30, s4;
	s19 =	sadd.s32 $0x60, s17  }
0x325: {  	[hbm4b:s19+s3] =	stream.linear.scatter [tilespmem:s18], [sflag:$0x6], $0x80, $0x38;
	[tilespmem:$0xCD00] =	vst v63  }
0x326: {  	s17 =	sadd.s32 $0x4000, s17;
	s19 =	sadd.s32 $0xAEB8, s4;
	s18 =	smov.u32 s20  }
0x327: {  	[hbm4b:s26+s3] =	stream.linear.scatter [tilespmem:s19], [sflag:$0x6], $0x80, $0x38;
	[tilespmem:$0xCD00] =	vst v63  }
0x328: {  	s4 =	sadd.s32 $0xAB00, s0  }
0x329: {  	[hbm4b:s17+s3] =	stream.linear.scatter [tilespmem:s4], [sflag:$0x6], $0x80, $0x38;
	[tilespmem:$0xCD00] =	vst v63  }
0x32a: {  	s28 =	sadd.s32 $0xAB88, s0;
	s18 =	sadd.s32 $0x10, s17  }
0x32b: {  	[hbm4b:s18+s3] =	stream.linear.scatter [tilespmem:s28], [sflag:$0x6], $0x80, $0x38;
	[tilespmem:$0xCD00] =	vst v63  }
0x32c: {  	s29 =	sadd.s32 $0xAC10, s0;
	s30 =	sadd.s32 $0x20, s17  }
0x32d: {  	[hbm4b:s30+s3] =	stream.linear.scatter [tilespmem:s29], [sflag:$0x6], $0x80, $0x38;
	[tilespmem:$0xCD00] =	vst v63  }
0x32e: {  	s19 =	sadd.s32 $0xAC98, s0;
	s20 =	sadd.s32 $0x30, s17  }
0x32f: {  	[hbm4b:s20+s3] =	stream.linear.scatter [tilespmem:s19], [sflag:$0x6], $0x80, $0x38;
	[tilespmem:$0xCD00] =	vst v63  }
0x330: {  	s26 =	sadd.s32 $0xAD20, s0;
	s28 =	sadd.s32 $0x40, s17  }
0x331: {  	[hbm4b:s28+s3] =	stream.linear.scatter [tilespmem:s26], [sflag:$0x6], $0x80, $0x38;
	[tilespmem:$0xCD00] =	vst v63  }
0x332: {  	s29 =	sadd.s32 $0xADA8, s0;
	s30 =	sadd.s32 $0x50, s17  }
0x333: {  	[hbm4b:s30+s3] =	stream.linear.scatter [tilespmem:s29], [sflag:$0x6], $0x80, $0x38;
	[tilespmem:$0xCD00] =	vst v63  }
0x334: {  	s19 =	sadd.s32 $0xAE30, s0;
	s20 =	sadd.s32 $0x60, s17  }
0x335: {  	[hbm4b:s20+s3] =	stream.linear.scatter [tilespmem:s19], [sflag:$0x6], $0x80, $0x38;
	[tilespmem:$0xCD00] =	vst v63  }
0x336: {  	s26 =	sadd.s32 $0xAEB8, s0;
	s28 =	sadd.s32 $0x70, s17  }
0x337: {  	[hbm4b:s28+s3] =	stream.linear.scatter [tilespmem:s26], [sflag:$0x6], $0x80, $0x38;
	[tilespmem:$0xCD00] =	vst v63  }
0x338: {  	_ =	swait.ge [sflag:s15], $0x2000  }
0x339: {  	[sflag:s15] =	ssyncset.done $0x0  }
0x33a: {  	[sflag:s15] =	ssyncadd.s32 $0xFFFFE000  }
0x33b: {  	_ =	swait.ge [sflag:s15], $0x2000  }
0x33c: {  	[sflag:s15] =	ssyncset.done $0x0  }
0x33d: {  	[sflag:s15] =	ssyncadd.s32 $0xFFFFE000  }
0x33e: {  	_ =	swait.ge [sflag:s16], $0x2000  }
0x33f: {  	[sflag:s16] =	ssyncset.done $0x0  }
0x340: {  	[sflag:s16] =	ssyncadd.s32 $0xFFFFE000  }
0x341: {  	_ =	swait.ge [sflag:s16], $0x2000  }
0x342: {  	s29 =	rddreg [dreg:$0xd]  }
0x343: {  	s30 =	rddreg [dreg:$0xc];
	s4 =	sadd.s32 $0x1, s29  }
0x344: {  	p0 =	sne.s32 s4, s30  }
.Ltmp12:
0x345: {  	_ = 	snop;
	(pc) =	sbr.rel @p0 .LBB2_1-.Ltmp12, $3  }
0x346: {  	_ =	sdelay $0x1  }
0x347: {  	[sflag:s16] =	ssyncset.done $0x0  }
0x348: {  	[sflag:s16] =	ssyncadd.s32 $0xFFFFE000  }
0x349: {  	_ =	sfence.sel $0x180000  }
0x34a: {  	[bflag:$0x0] =	sbarrier.arrive $0xFFFF  }
0x34b: {  	_ =	strace $0x9000004A  }
0x34c: {  	s0 =	stileid.u32;
	[bflag:$0x2] =	sbarrier.arrive $0xFFFF  }
0x34d: {  	p0 =	sne.s32 s0, $0x0;
	s0 =	rddreg [dreg:$0x3]  }
0x34e: {  	s0 =	sadd.s32 @!p0 $0x100000, s0  }
0x34f: {  	[sflag:s0] =	ssyncadd.tile.s32 @!p0 $0x1;
	_ =	shalt  }
.Lfunc_end2:
_tile_overlayer_lowered:
.L_overlay_start_2:
0x350: {  	(tag) =	ssettag $0x2  }
0x351: {  	s0 =	rddreg [dreg:$0x0];
	s2 =	stileid.u32  }
0x352: {  	s1 =	rddreg [dreg:$0x1];
	p0 =	sne.s32 s2, $0x0  }
0x353: {  	s3 =	rddreg [dreg:$0x2];
	[bflag:$0x3] =	sbarrier.arrive $0xFFFF;
	s2 =	simm.s32 @!p0 $0x1C07  }
0x354: {  	[timem:s3], [sflag:s2] =	dma.local @!p0 [hbm:s0], s1  }
0x355: {  	s0 =	simm.s32 @!p0 $0x7  }
0x356: {  	_ =	swait.ge @!p0 [sflag:s0], s1  }
0x357: {  	s1 =	ssub.s32 @!p0 $0x0, s1;
	[sflag:s0] =	ssyncset.done @!p0 $0x0  }
0x358: {  	[sflag:s0] =	ssyncadd.s32 @!p0 s1  }
0x359: {  	[bflag:$0x3] =	sbarrier.arrive $0xFFFF  }
0x35a: {  	_ =	shalt  }

</sc_bundles>
